<compile_context>
chip_gen: v7x
topology: tpu7x:2x2x1
jax: 0.10.2.dev20260603
libtpu: 0.0.44.dev20260713+nightly
codegen_flags: <defaults>
</compile_context>

<pallas_src>
import functools

import jax
import jax.numpy as jnp
from jax import lax
from jax.experimental import pallas as pl
from jax.experimental.pallas import tpu as pltpu
from jax.experimental.pallas import tpu_sc as plsc

NC = 2
NS = 16
NW = NC * NS
B = 24576
BPW = B // NW


def _make_gather_grouped(Dp: int, R: int):
    nchunks = BPW // R
    ngroups = R // 6
    mesh = plsc.VectorSubcoreMesh(core_axis_name="c", subcore_axis_name="s")

    @functools.partial(
        pl.kernel,
        out_type=jax.ShapeDtypeStruct((4096 * 8, Dp), jnp.float32),
        mesh=mesh,
        scratch_types=[
            pltpu.VMEM((R,), jnp.int32),
            pltpu.VMEM((R, Dp), jnp.float32),
            pltpu.SemaphoreType.DMA,
        ],
        compiler_params=pltpu.CompilerParams(use_tc_tiling_on_sc=False),
    )
    def k(idx_hbm, table_hbm, out_hbm, idx_c, rows_v, sem):
        wid = lax.axis_index("s") * NC + lax.axis_index("c")
        base = wid * BPW

        def body(c, carry):
            off = base + pl.multiple_of(c * R, 24)
            pltpu.sync_copy(idx_hbm.at[pl.ds(off, R)], idx_c)
            pltpu.async_copy(table_hbm.at[idx_c], rows_v, sem).wait()
            g0 = off // 6
            for k_ in range(ngroups):
                pltpu.sync_copy(
                    rows_v.at[pl.ds(6 * k_, 6)],
                    out_hbm.at[pl.ds(8 * (g0 + k_), 6)],
                )
            return carry

        lax.fori_loop(0, nchunks, body, 0)

    return k


def _make_gather_staged(Dp: int, R: int, V: int = 2048):
    nchunks = BPW // R
    ngroups = R // 6
    rows_per_tile = V // NS
    mesh = plsc.VectorSubcoreMesh(core_axis_name="c", subcore_axis_name="s")

    @functools.partial(
        pl.kernel,
        out_type=jax.ShapeDtypeStruct((4096 * 8, Dp), jnp.float32),
        mesh=mesh,
        scratch_types=[
            pltpu.VMEM((R,), jnp.int32),
            pltpu.VMEM((R, Dp), jnp.float32),
            pltpu.SemaphoreType.DMA,
            pltpu.VMEM_SHARED((V, Dp), jnp.float32),
        ],
        compiler_params=pltpu.CompilerParams(use_tc_tiling_on_sc=False),
    )
    def k(idx_hbm, table_hbm, out_hbm, idx_c, rows_v, sem, stage):
        sid = lax.axis_index("s")
        wid = sid * NC + lax.axis_index("c")
        base = wid * BPW
        srow = sid * rows_per_tile
        pltpu.sync_copy(
            table_hbm.at[pl.ds(srow, rows_per_tile)],
            stage.at[pl.ds(srow, rows_per_tile)],
        )
        plsc.subcore_barrier()

        def body(c, carry):
            off = base + pl.multiple_of(c * R, 24)
            pltpu.sync_copy(idx_hbm.at[pl.ds(off, R)], idx_c)
            pltpu.async_copy(stage.at[idx_c], rows_v, sem).wait()
            g0 = off // 6
            for k_ in range(ngroups):
                pltpu.sync_copy(
                    rows_v.at[pl.ds(6 * k_, 6)],
                    out_hbm.at[pl.ds(8 * (g0 + k_), 6)],
                )
            return carry

        lax.fori_loop(0, nchunks, body, 0)

    return k


def _make_gather_flat(Dp: int, R: int):
    nchunks = BPW // R
    mesh = plsc.VectorSubcoreMesh(core_axis_name="c", subcore_axis_name="s")

    @functools.partial(
        pl.kernel,
        out_type=jax.ShapeDtypeStruct((B, Dp), jnp.float32),
        mesh=mesh,
        scratch_types=[
            pltpu.VMEM((R,), jnp.int32),
            pltpu.VMEM((R, Dp), jnp.float32),
            pltpu.SemaphoreType.DMA,
        ],
        compiler_params=pltpu.CompilerParams(use_tc_tiling_on_sc=False),
    )
    def k(idx_hbm, table_hbm, out_hbm, idx_c, rows_v, sem):
        wid = lax.axis_index("s") * NC + lax.axis_index("c")
        base = wid * BPW

        def body(c, carry):
            off = base + pl.multiple_of(c * R, 8)
            pltpu.sync_copy(idx_hbm.at[pl.ds(off, R)], idx_c)
            pltpu.async_copy(table_hbm.at[idx_c], rows_v, sem).wait()
            pltpu.sync_copy(rows_v, out_hbm.at[pl.ds(off, R)])
            return carry

        lax.fori_loop(0, nchunks, body, 0)

    return k


def _pad8(d: int) -> int:
    return (d + 7) // 8 * 8


_KERNELS = {
    2047: _make_gather_grouped(2048, 48),
    1023: _make_gather_grouped(1024, 96),
    511: _make_gather_staged(512, 96),
}
_TERA = _make_gather_flat(_pad8(19), 128)


def kernel(x, species, abilities, items, movesets, teratypes):
    idx = x.reshape(-1).astype(jnp.int32)
    outs = []
    for table in (species, abilities, items, movesets):
        D = table.shape[1]
        Dp = _pad8(D)
        tp = table if Dp == D else jnp.pad(table, ((0, 0), (0, Dp - D)))
        out = _KERNELS[D](idx, tp).reshape(4096, 8, Dp)
        outs.append(lax.slice(out, (0, 0, 0), (4096, 6, D)))
    tp = jnp.pad(teratypes, ((0, 0), (0, _pad8(19) - 19)))
    out = _TERA(idx, tp)
    outs.append(out[:, :19].reshape(x.shape[0], x.shape[1], 19))
    return (outs[0], outs[1], outs[2], outs[3], outs[4])

# --- scband reference (transcript-rebuilt; emitter-appended) ---
"""Pipeline reference for scband-random-battles-embedding-30975304139107 (READ-ONLY COPY).

The authoritative reference and input builder live on the scoring server;
editing this copy changes nothing except your own understanding.
"""

import jax, jax.numpy as jnp
import numpy as np

V = 2048   # pokedex size (num species tokens)
A = 512    # ability vocab
M = 1024   # move vocab
I = 512    # item vocab
T = 19     # BattleTypeChart length


def setup_inputs(seed: int = 0) -> dict:
    key = jax.random.key(seed)
    ks = jax.random.split(key, 6)
    x = jax.random.randint(ks[0], (4096, 6), 0, V, dtype=jnp.int64 if jax.config.jax_enable_x64 else jnp.int32)
    # Pretrained / precomputed multi-hot tables (dense float, as in the torch module)
    species = jax.random.normal(ks[1], (V, V - 1), dtype=jnp.float32)
    abilities = jax.random.normal(ks[2], (V, A - 1), dtype=jnp.float32)
    items = jax.random.normal(ks[3], (V, I - 1), dtype=jnp.float32)
    movesets = jax.random.normal(ks[4], (V, M - 1), dtype=jnp.float32)
    teratypes = jax.random.normal(ks[5], (V, T), dtype=jnp.float32)
    return {"x": x, "species": species, "abilities": abilities, "items": items,
            "movesets": movesets, "teratypes": teratypes}


def reference(x, species, abilities, items, movesets, teratypes):
    # RandBatsOutput(species=..., abilities=..., items=..., moves=..., teratypes=...)
    out_species = jnp.take(species, x, axis=0)
    out_abilities = jnp.take(abilities, x, axis=0)
    out_items = jnp.take(items, x, axis=0)
    out_moves = jnp.take(movesets, x, axis=0)
    out_teratypes = jnp.take(teratypes, x, axis=0)  # gen == 9
    return (out_species, out_abilities, out_items, out_moves, out_teratypes)

if __name__ == "__main__":
    import jax
    _d = setup_inputs()
    print(jax.jit(kernel)(*tuple(_d.values())))

</pallas_src>

<mosaic_0001>
#map = affine_map<(d0, d1) -> (0)>
#map1 = affine_map<(d0, d1) -> (0, 0)>
module attributes {stable_mosaic.version = 14 : i64} {
  func.func @k(%arg0: i32, %arg1: i32, %arg2: memref<24576xi32, #tpu.memory_space<hbm>>, %arg3: memref<2048x512xf32, #tpu.memory_space<hbm>>, %arg4: memref<32768x512xf32, #tpu.memory_space<hbm>>, %arg5: memref<96xi32, #tpu.memory_space<vmem>>, %arg6: memref<96x512xf32, #tpu.memory_space<vmem>>, %arg7: memref<!tpu.dma_semaphore, #tpu.memory_space<semaphore_mem>>, %arg8: memref<2048x512xf32, #tpu.memory_space<vmem_shared>>) attributes {dimension_semantics = [#tpu.dimension_semantics<core_parallel>, #tpu.dimension_semantics<subcore_parallel>], iteration_bounds = array<i64: 2, 16>, scalar_prefetch = 0 : i64, scratch_operands = 4 : i64, tpu.core_type = #tpu.core_type<sc_vector_subcore>, window_params = [{transform_indices = #map}, {transform_indices = #map1}, {transform_indices = #map1}]} {
    %mul3A = arith.constant 2 : i32
    %mul3A_0 = arith.muli %arg1, %mul3A : i32
    %add3A = arith.addi %mul3A_0, %arg0 : i32
    %mul3A_1 = arith.constant 768 : i32
    %mul3A_2 = arith.muli %add3A, %mul3A_1 : i32
    %mul3A_3 = arith.constant 128 : i32
    %mul3A_4 = arith.muli %arg1, %mul3A_3 : i32
    "tpu.region"() ({
      %run_scoped3A = tpu.sem_alloc : memref<!tpu.dma_semaphore, #tpu.memory_space<semaphore_mem>>
      %dma_start3A = arith.constant 0 : i32
      %dma_start3A_10 = tpu.memref_slice %arg8[%mul3A_4, %dma_start3A] : memref<2048x512xf32, #tpu.memory_space<vmem_shared>> -> memref<128x512xf32, #tpu.memory_space<vmem_shared>>
      %dma_start3A_11 = arith.constant 0 : i32
      %dma_start3A_12 = tpu.memref_slice %arg3[%mul3A_4, %dma_start3A_11] : memref<2048x512xf32, #tpu.memory_space<hbm>> -> memref<128x512xf32, #tpu.memory_space<hbm>>
      tpu.enqueue_dma source(%dma_start3A_12 : memref<128x512xf32, #tpu.memory_space<hbm>>) target(%dma_start3A_10 : memref<128x512xf32, #tpu.memory_space<vmem_shared>>) target_semaphore(%run_scoped3A : memref<!tpu.dma_semaphore, #tpu.memory_space<semaphore_mem>>)
      %dma_wait3A = arith.constant 0 : i32
      %dma_wait3A_13 = tpu.memref_slice %arg8[%mul3A_4, %dma_wait3A] : memref<2048x512xf32, #tpu.memory_space<vmem_shared>> -> memref<128x512xf32, #tpu.memory_space<vmem_shared>>
      %dma_wait3A_14 = arith.constant 0 : i32
      %dma_wait3A_15 = tpu.memref_slice %arg3[%mul3A_4, %dma_wait3A_14] : memref<2048x512xf32, #tpu.memory_space<hbm>> -> memref<128x512xf32, #tpu.memory_space<hbm>>
      tpu.wait_dma2 semaphore(%run_scoped3A : memref<!tpu.dma_semaphore, #tpu.memory_space<semaphore_mem>>) src(%dma_wait3A_15 : memref<128x512xf32, #tpu.memory_space<hbm>>) dst(%dma_wait3A_13 : memref<128x512xf32, #tpu.memory_space<vmem_shared>>)
      tpu.yield
    }) : () -> ()
    %barrier3A = arith.constant 0 : index
    tpu.barrier barrier_id(%barrier3A)
    %scan3A = arith.constant 0 : i32
    %scan3A_5 = arith.constant 0 : i32
    %scan3A_6 = arith.constant 8 : i32
    %scan3A_7 = arith.addi %scan3A_5, %scan3A_6 : i32
    %scan3A_8 = arith.constant 1 : i32
    scf.for %scan3A_10 = %scan3A_5 to %scan3A_7 step %scan3A_8  : i32 {
      %mul3A_11 = arith.constant 96 : i32
      %mul3A_12 = arith.muli %scan3A_10, %mul3A_11 : i32
      %multiple_of3A = tpu.assume_multiple %mul3A_12, 24 : i32
      %add3A_13 = arith.addi %mul3A_2, %multiple_of3A : i32
      "tpu.region"() ({
        %run_scoped3A = tpu.sem_alloc : memref<!tpu.dma_semaphore, #tpu.memory_space<semaphore_mem>>
        %dma_start3A_98 = tpu.memref_slice %arg2[%add3A_13] : memref<24576xi32, #tpu.memory_space<hbm>> -> memref<96xi32, #tpu.memory_space<hbm>>
        %dma_start3A_99 = tpu.memref_slice %arg2[%add3A_13] : memref<24576xi32, #tpu.memory_space<hbm>> -> memref<96xi32, #tpu.memory_space<hbm>>
        tpu.enqueue_dma source(%dma_start3A_99 : memref<96xi32, #tpu.memory_space<hbm>>) target(%arg5 : memref<96xi32, #tpu.memory_space<vmem>>) target_semaphore(%run_scoped3A : memref<!tpu.dma_semaphore, #tpu.memory_space<semaphore_mem>>)
        %dma_wait3A_100 = tpu.memref_slice %arg2[%add3A_13] : memref<24576xi32, #tpu.memory_space<hbm>> -> memref<96xi32, #tpu.memory_space<hbm>>
        %dma_wait3A_101 = tpu.memref_slice %arg2[%add3A_13] : memref<24576xi32, #tpu.memory_space<hbm>> -> memref<96xi32, #tpu.memory_space<hbm>>
        tpu.wait_dma2 semaphore(%run_scoped3A : memref<!tpu.dma_semaphore, #tpu.memory_space<semaphore_mem>>) src(%dma_wait3A_101 : memref<96xi32, #tpu.memory_space<hbm>>) dst(%arg5 : memref<96xi32, #tpu.memory_space<vmem>>)
        tpu.yield
      }) : () -> ()
      %dma_start3A = arith.constant 0 : i32
      %dma_start3A_14 = arith.constant 0 : i32
      %dma_start3A_15 = tpu.memref_slice %arg8[%dma_start3A, %dma_start3A_14] : memref<2048x512xf32, #tpu.memory_space<vmem_shared>> -> memref<2048x512xf32, #tpu.memory_space<vmem_shared>>
      tpu.enqueue_indirect_dma source(%dma_start3A_15 : memref<2048x512xf32, #tpu.memory_space<vmem_shared>>) target(%arg6 : memref<96x512xf32, #tpu.memory_space<vmem>>) offsets(%arg5 : memref<96xi32, #tpu.memory_space<vmem>>) semaphore(%arg7 : memref<!tpu.dma_semaphore, #tpu.memory_space<semaphore_mem>>)
      %dma_wait3A = arith.constant 0 : i32
      %dma_wait3A_16 = arith.constant 0 : i32
      %dma_wait3A_17 = tpu.memref_slice %arg8[%dma_wait3A, %dma_wait3A_16] : memref<2048x512xf32, #tpu.memory_space<vmem_shared>> -> memref<2048x512xf32, #tpu.memory_space<vmem_shared>>
      tpu.wait_indirect_dma semaphore(%arg7 : memref<!tpu.dma_semaphore, #tpu.memory_space<semaphore_mem>>) src(%dma_wait3A_17 : memref<2048x512xf32, #tpu.memory_space<vmem_shared>>) dst(%arg6 : memref<96x512xf32, #tpu.memory_space<vmem>>)
      %jit3A = arith.constant 6 : i32
      %div3A = arith.divsi %add3A_13, %jit3A : i32
      %sign3A = arith.constant 0 : i32
      %sign3A_18 = arith.cmpi sgt, %add3A_13, %sign3A : i32
      %sign3A_19 = arith.extui %sign3A_18 : i1 to i32
      %sign3A_20 = arith.constant 0 : i32
      %sign3A_21 = arith.cmpi slt, %add3A_13, %sign3A_20 : i32
      %sign3A_22 = arith.extui %sign3A_21 : i1 to i32
      %sign3A_23 = arith.subi %sign3A_19, %sign3A_22 : i32
      %sign3A_24 = arith.constant 0 : i32
      %sign3A_25 = arith.cmpi sgt, %jit3A, %sign3A_24 : i32
      %sign3A_26 = arith.extui %sign3A_25 : i1 to i32
      %sign3A_27 = arith.constant 0 : i32
      %sign3A_28 = arith.cmpi slt, %jit3A, %sign3A_27 : i32
      %sign3A_29 = arith.extui %sign3A_28 : i1 to i32
      %sign3A_30 = arith.subi %sign3A_26, %sign3A_29 : i32
      %ne3A = arith.cmpi ne, %sign3A_23, %sign3A_30 : i32
      %rem3A = arith.remsi %add3A_13, %jit3A : i32
      %ne3A_31 = arith.constant 0 : i32
      %ne3A_32 = arith.cmpi ne, %rem3A, %ne3A_31 : i32
      %and3A = arith.andi %ne3A, %ne3A_32 : i1
      %sub3A = arith.constant 1 : i32
      %sub3A_33 = arith.subi %div3A, %sub3A : i32
      %select_n3A = arith.select %and3A, %sub3A_33, %div3A : i32
      %add3A_34 = arith.constant 0 : i32
      %add3A_35 = arith.addi %select_n3A, %add3A_34 : i32
      %mul3A_36 = arith.constant 8 : i32
      %mul3A_37 = arith.muli %mul3A_36, %add3A_35 : i32
      "tpu.region"() ({
        %run_scoped3A = tpu.sem_alloc : memref<!tpu.dma_semaphore, #tpu.memory_space<semaphore_mem>>
        %dma_start3A_98 = arith.constant 0 : i32
        %dma_start3A_99 = arith.constant 0 : i32
        %dma_start3A_100 = tpu.memref_slice %arg6[%dma_start3A_98, %dma_start3A_99] : memref<96x512xf32, #tpu.memory_space<vmem>> -> memref<6x512xf32, #tpu.memory_space<vmem>>
        %dma_start3A_101 = arith.constant 0 : i32
        %dma_start3A_102 = tpu.memref_slice %arg4[%mul3A_37, %dma_start3A_101] : memref<32768x512xf32, #tpu.memory_space<hbm>> -> memref<6x512xf32, #tpu.memory_space<hbm>>
        %dma_start3A_103 = arith.constant 0 : i32
        %dma_start3A_104 = tpu.memref_slice %arg4[%mul3A_37, %dma_start3A_103] : memref<32768x512xf32, #tpu.memory_space<hbm>> -> memref<6x512xf32, #tpu.memory_space<hbm>>
        %dma_start3A_105 = arith.constant 0 : i32
        %dma_start3A_106 = arith.constant 0 : i32
        %dma_start3A_107 = tpu.memref_slice %arg6[%dma_start3A_105, %dma_start3A_106] : memref<96x512xf32, #tpu.memory_space<vmem>> -> memref<6x512xf32, #tpu.memory_space<vmem>>
        tpu.enqueue_dma source(%dma_start3A_107 : memref<6x512xf32, #tpu.memory_space<vmem>>) target(%dma_start3A_104 : memref<6x512xf32, #tpu.memory_space<hbm>>) target_semaphore(%run_scoped3A : memref<!tpu.dma_semaphore, #tpu.memory_space<semaphore_mem>>)
        %dma_wait3A_108 = arith.constant 0 : i32
        %dma_wait3A_109 = arith.constant 0 : i32
        %dma_wait3A_110 = tpu.memref_slice %arg6[%dma_wait3A_108, %dma_wait3A_109] : memref<96x512xf32, #tpu.memory_space<vmem>> -> memref<6x512xf32, #tpu.memory_space<vmem>>
        %dma_wait3A_111 = arith.constant 0 : i32
        %dma_wait3A_112 = tpu.memref_slice %arg4[%mul3A_37, %dma_wait3A_111] : memref<32768x512xf32, #tpu.memory_space<hbm>> -> memref<6x512xf32, #tpu.memory_space<hbm>>
        %dma_wait3A_113 = arith.constant 0 : i32
        %dma_wait3A_114 = tpu.memref_slice %arg4[%mul3A_37, %dma_wait3A_113] : memref<32768x512xf32, #tpu.memory_space<hbm>> -> memref<6x512xf32, #tpu.memory_space<hbm>>
        %dma_wait3A_115 = arith.constant 0 : i32
        %dma_wait3A_116 = arith.constant 0 : i32
        %dma_wait3A_117 = tpu.memref_slice %arg6[%dma_wait3A_115, %dma_wait3A_116] : memref<96x512xf32, #tpu.memory_space<vmem>> -> memref<6x512xf32, #tpu.memory_space<vmem>>
        tpu.wait_dma2 semaphore(%run_scoped3A : memref<!tpu.dma_semaphore, #tpu.memory_space<semaphore_mem>>) src(%dma_wait3A_117 : memref<6x512xf32, #tpu.memory_space<vmem>>) dst(%dma_wait3A_114 : memref<6x512xf32, #tpu.memory_space<hbm>>)
        tpu.yield
      }) : () -> ()
      %add3A_38 = arith.constant 1 : i32
      %add3A_39 = arith.addi %select_n3A, %add3A_38 : i32
      %mul3A_40 = arith.constant 8 : i32
      %mul3A_41 = arith.muli %mul3A_40, %add3A_39 : i32
      "tpu.region"() ({
        %run_scoped3A = tpu.sem_alloc : memref<!tpu.dma_semaphore, #tpu.memory_space<semaphore_mem>>
        %dma_start3A_98 = arith.constant 6 : i32
        %dma_start3A_99 = arith.constant 0 : i32
        %dma_start3A_100 = tpu.memref_slice %arg6[%dma_start3A_98, %dma_start3A_99] : memref<96x512xf32, #tpu.memory_space<vmem>> -> memref<6x512xf32, #tpu.memory_space<vmem>>
        %dma_start3A_101 = arith.constant 0 : i32
        %dma_start3A_102 = tpu.memref_slice %arg4[%mul3A_41, %dma_start3A_101] : memref<32768x512xf32, #tpu.memory_space<hbm>> -> memref<6x512xf32, #tpu.memory_space<hbm>>
        %dma_start3A_103 = arith.constant 0 : i32
        %dma_start3A_104 = tpu.memref_slice %arg4[%mul3A_41, %dma_start3A_103] : memref<32768x512xf32, #tpu.memory_space<hbm>> -> memref<6x512xf32, #tpu.memory_space<hbm>>
        %dma_start3A_105 = arith.constant 6 : i32
        %dma_start3A_106 = arith.constant 0 : i32
        %dma_start3A_107 = tpu.memref_slice %arg6[%dma_start3A_105, %dma_start3A_106] : memref<96x512xf32, #tpu.memory_space<vmem>> -> memref<6x512xf32, #tpu.memory_space<vmem>>
        tpu.enqueue_dma source(%dma_start3A_107 : memref<6x512xf32, #tpu.memory_space<vmem>>) target(%dma_start3A_104 : memref<6x512xf32, #tpu.memory_space<hbm>>) target_semaphore(%run_scoped3A : memref<!tpu.dma_semaphore, #tpu.memory_space<semaphore_mem>>)
        %dma_wait3A_108 = arith.constant 6 : i32
        %dma_wait3A_109 = arith.constant 0 : i32
        %dma_wait3A_110 = tpu.memref_slice %arg6[%dma_wait3A_108, %dma_wait3A_109] : memref<96x512xf32, #tpu.memory_space<vmem>> -> memref<6x512xf32, #tpu.memory_space<vmem>>
        %dma_wait3A_111 = arith.constant 0 : i32
        %dma_wait3A_112 = tpu.memref_slice %arg4[%mul3A_41, %dma_wait3A_111] : memref<32768x512xf32, #tpu.memory_space<hbm>> -> memref<6x512xf32, #tpu.memory_space<hbm>>
        %dma_wait3A_113 = arith.constant 0 : i32
        %dma_wait3A_114 = tpu.memref_slice %arg4[%mul3A_41, %dma_wait3A_113] : memref<32768x512xf32, #tpu.memory_space<hbm>> -> memref<6x512xf32, #tpu.memory_space<hbm>>
        %dma_wait3A_115 = arith.constant 6 : i32
        %dma_wait3A_116 = arith.constant 0 : i32
        %dma_wait3A_117 = tpu.memref_slice %arg6[%dma_wait3A_115, %dma_wait3A_116] : memref<96x512xf32, #tpu.memory_space<vmem>> -> memref<6x512xf32, #tpu.memory_space<vmem>>
        tpu.wait_dma2 semaphore(%run_scoped3A : memref<!tpu.dma_semaphore, #tpu.memory_space<semaphore_mem>>) src(%dma_wait3A_117 : memref<6x512xf32, #tpu.memory_space<vmem>>) dst(%dma_wait3A_114 : memref<6x512xf32, #tpu.memory_space<hbm>>)
        tpu.yield
      }) : () -> ()
      %add3A_42 = arith.constant 2 : i32
      %add3A_43 = arith.addi %select_n3A, %add3A_42 : i32
      %mul3A_44 = arith.constant 8 : i32
      %mul3A_45 = arith.muli %mul3A_44, %add3A_43 : i32
      "tpu.region"() ({
        %run_scoped3A = tpu.sem_alloc : memref<!tpu.dma_semaphore, #tpu.memory_space<semaphore_mem>>
        %dma_start3A_98 = arith.constant 12 : i32
        %dma_start3A_99 = arith.constant 0 : i32
        %dma_start3A_100 = tpu.memref_slice %arg6[%dma_start3A_98, %dma_start3A_99] : memref<96x512xf32, #tpu.memory_space<vmem>> -> memref<6x512xf32, #tpu.memory_space<vmem>>
        %dma_start3A_101 = arith.constant 0 : i32
        %dma_start3A_102 = tpu.memref_slice %arg4[%mul3A_45, %dma_start3A_101] : memref<32768x512xf32, #tpu.memory_space<hbm>> -> memref<6x512xf32, #tpu.memory_space<hbm>>
        %dma_start3A_103 = arith.constant 0 : i32
        %dma_start3A_104 = tpu.memref_slice %arg4[%mul3A_45, %dma_start3A_103] : memref<32768x512xf32, #tpu.memory_space<hbm>> -> memref<6x512xf32, #tpu.memory_space<hbm>>
        %dma_start3A_105 = arith.constant 12 : i32
        %dma_start3A_106 = arith.constant 0 : i32
        %dma_start3A_107 = tpu.memref_slice %arg6[%dma_start3A_105, %dma_start3A_106] : memref<96x512xf32, #tpu.memory_space<vmem>> -> memref<6x512xf32, #tpu.memory_space<vmem>>
        tpu.enqueue_dma source(%dma_start3A_107 : memref<6x512xf32, #tpu.memory_space<vmem>>) target(%dma_start3A_104 : memref<6x512xf32, #tpu.memory_space<hbm>>) target_semaphore(%run_scoped3A : memref<!tpu.dma_semaphore, #tpu.memory_space<semaphore_mem>>)
        %dma_wait3A_108 = arith.constant 12 : i32
        %dma_wait3A_109 = arith.constant 0 : i32
        %dma_wait3A_110 = tpu.memref_slice %arg6[%dma_wait3A_108, %dma_wait3A_109] : memref<96x512xf32, #tpu.memory_space<vmem>> -> memref<6x512xf32, #tpu.memory_space<vmem>>
        %dma_wait3A_111 = arith.constant 0 : i32
        %dma_wait3A_112 = tpu.memref_slice %arg4[%mul3A_45, %dma_wait3A_111] : memref<32768x512xf32, #tpu.memory_space<hbm>> -> memref<6x512xf32, #tpu.memory_space<hbm>>
        %dma_wait3A_113 = arith.constant 0 : i32
        %dma_wait3A_114 = tpu.memref_slice %arg4[%mul3A_45, %dma_wait3A_113] : memref<32768x512xf32, #tpu.memory_space<hbm>> -> memref<6x512xf32, #tpu.memory_space<hbm>>
        %dma_wait3A_115 = arith.constant 12 : i32
        %dma_wait3A_116 = arith.constant 0 : i32
        %dma_wait3A_117 = tpu.memref_slice %arg6[%dma_wait3A_115, %dma_wait3A_116] : memref<96x512xf32, #tpu.memory_space<vmem>> -> memref<6x512xf32, #tpu.memory_space<vmem>>
        tpu.wait_dma2 semaphore(%run_scoped3A : memref<!tpu.dma_semaphore, #tpu.memory_space<semaphore_mem>>) src(%dma_wait3A_117 : memref<6x512xf32, #tpu.memory_space<vmem>>) dst(%dma_wait3A_114 : memref<6x512xf32, #tpu.memory_space<hbm>>)
        tpu.yield
      }) : () -> ()
      %add3A_46 = arith.constant 3 : i32
      %add3A_47 = arith.addi %select_n3A, %add3A_46 : i32
      %mul3A_48 = arith.constant 8 : i32
      %mul3A_49 = arith.muli %mul3A_48, %add3A_47 : i32
      "tpu.region"() ({
        %run_scoped3A = tpu.sem_alloc : memref<!tpu.dma_semaphore, #tpu.memory_space<semaphore_mem>>
        %dma_start3A_98 = arith.constant 18 : i32
        %dma_start3A_99 = arith.constant 0 : i32
        %dma_start3A_100 = tpu.memref_slice %arg6[%dma_start3A_98, %dma_start3A_99] : memref<96x512xf32, #tpu.memory_space<vmem>> -> memref<6x512xf32, #tpu.memory_space<vmem>>
        %dma_start3A_101 = arith.constant 0 : i32
        %dma_start3A_102 = tpu.memref_slice %arg4[%mul3A_49, %dma_start3A_101] : memref<32768x512xf32, #tpu.memory_space<hbm>> -> memref<6x512xf32, #tpu.memory_space<hbm>>
        %dma_start3A_103 = arith.constant 0 : i32
        %dma_start3A_104 = tpu.memref_slice %arg4[%mul3A_49, %dma_start3A_103] : memref<32768x512xf32, #tpu.memory_space<hbm>> -> memref<6x512xf32, #tpu.memory_space<hbm>>
        %dma_start3A_105 = arith.constant 18 : i32
        %dma_start3A_106 = arith.constant 0 : i32
        %dma_start3A_107 = tpu.memref_slice %arg6[%dma_start3A_105, %dma_start3A_106] : memref<96x512xf32, #tpu.memory_space<vmem>> -> memref<6x512xf32, #tpu.memory_space<vmem>>
        tpu.enqueue_dma source(%dma_start3A_107 : memref<6x512xf32, #tpu.memory_space<vmem>>) target(%dma_start3A_104 : memref<6x512xf32, #tpu.memory_space<hbm>>) target_semaphore(%run_scoped3A : memref<!tpu.dma_semaphore, #tpu.memory_space<semaphore_mem>>)
        %dma_wait3A_108 = arith.constant 18 : i32
        %dma_wait3A_109 = arith.constant 0 : i32
        %dma_wait3A_110 = tpu.memref_slice %arg6[%dma_wait3A_108, %dma_wait3A_109] : memref<96x512xf32, #tpu.memory_space<vmem>> -> memref<6x512xf32, #tpu.memory_space<vmem>>
        %dma_wait3A_111 = arith.constant 0 : i32
        %dma_wait3A_112 = tpu.memref_slice %arg4[%mul3A_49, %dma_wait3A_111] : memref<32768x512xf32, #tpu.memory_space<hbm>> -> memref<6x512xf32, #tpu.memory_space<hbm>>
        %dma_wait3A_113 = arith.constant 0 : i32
        %dma_wait3A_114 = tpu.memref_slice %arg4[%mul3A_49, %dma_wait3A_113] : memref<32768x512xf32, #tpu.memory_space<hbm>> -> memref<6x512xf32, #tpu.memory_space<hbm>>
        %dma_wait3A_115 = arith.constant 18 : i32
        %dma_wait3A_116 = arith.constant 0 : i32
        %dma_wait3A_117 = tpu.memref_slice %arg6[%dma_wait3A_115, %dma_wait3A_116] : memref<96x512xf32, #tpu.memory_space<vmem>> -> memref<6x512xf32, #tpu.memory_space<vmem>>
        tpu.wait_dma2 semaphore(%run_scoped3A : memref<!tpu.dma_semaphore, #tpu.memory_space<semaphore_mem>>) src(%dma_wait3A_117 : memref<6x512xf32, #tpu.memory_space<vmem>>) dst(%dma_wait3A_114 : memref<6x512xf32, #tpu.memory_space<hbm>>)
        tpu.yield
      }) : () -> ()
      %add3A_50 = arith.constant 4 : i32
      %add3A_51 = arith.addi %select_n3A, %add3A_50 : i32
      %mul3A_52 = arith.constant 8 : i32
      %mul3A_53 = arith.muli %mul3A_52, %add3A_51 : i32
      "tpu.region"() ({
        %run_scoped3A = tpu.sem_alloc : memref<!tpu.dma_semaphore, #tpu.memory_space<semaphore_mem>>
        %dma_start3A_98 = arith.constant 24 : i32
        %dma_start3A_99 = arith.constant 0 : i32
        %dma_start3A_100 = tpu.memref_slice %arg6[%dma_start3A_98, %dma_start3A_99] : memref<96x512xf32, #tpu.memory_space<vmem>> -> memref<6x512xf32, #tpu.memory_space<vmem>>
        %dma_start3A_101 = arith.constant 0 : i32
        %dma_start3A_102 = tpu.memref_slice %arg4[%mul3A_53, %dma_start3A_101] : memref<32768x512xf32, #tpu.memory_space<hbm>> -> memref<6x512xf32, #tpu.memory_space<hbm>>
        %dma_start3A_103 = arith.constant 0 : i32
        %dma_start3A_104 = tpu.memref_slice %arg4[%mul3A_53, %dma_start3A_103] : memref<32768x512xf32, #tpu.memory_space<hbm>> -> memref<6x512xf32, #tpu.memory_space<hbm>>
        %dma_start3A_105 = arith.constant 24 : i32
        %dma_start3A_106 = arith.constant 0 : i32
        %dma_start3A_107 = tpu.memref_slice %arg6[%dma_start3A_105, %dma_start3A_106] : memref<96x512xf32, #tpu.memory_space<vmem>> -> memref<6x512xf32, #tpu.memory_space<vmem>>
        tpu.enqueue_dma source(%dma_start3A_107 : memref<6x512xf32, #tpu.memory_space<vmem>>) target(%dma_start3A_104 : memref<6x512xf32, #tpu.memory_space<hbm>>) target_semaphore(%run_scoped3A : memref<!tpu.dma_semaphore, #tpu.memory_space<semaphore_mem>>)
        %dma_wait3A_108 = arith.constant 24 : i32
        %dma_wait3A_109 = arith.constant 0 : i32
        %dma_wait3A_110 = tpu.memref_slice %arg6[%dma_wait3A_108, %dma_wait3A_109] : memref<96x512xf32, #tpu.memory_space<vmem>> -> memref<6x512xf32, #tpu.memory_space<vmem>>
        %dma_wait3A_111 = arith.constant 0 : i32
        %dma_wait3A_112 = tpu.memref_slice %arg4[%mul3A_53, %dma_wait3A_111] : memref<32768x512xf32, #tpu.memory_space<hbm>> -> memref<6x512xf32, #tpu.memory_space<hbm>>
        %dma_wait3A_113 = arith.constant 0 : i32
        %dma_wait3A_114 = tpu.memref_slice %arg4[%mul3A_53, %dma_wait3A_113] : memref<32768x512xf32, #tpu.memory_space<hbm>> -> memref<6x512xf32, #tpu.memory_space<hbm>>
        %dma_wait3A_115 = arith.constant 24 : i32
        %dma_wait3A_116 = arith.constant 0 : i32
        %dma_wait3A_117 = tpu.memref_slice %arg6[%dma_wait3A_115, %dma_wait3A_116] : memref<96x512xf32, #tpu.memory_space<vmem>> -> memref<6x512xf32, #tpu.memory_space<vmem>>
        tpu.wait_dma2 semaphore(%run_scoped3A : memref<!tpu.dma_semaphore, #tpu.memory_space<semaphore_mem>>) src(%dma_wait3A_117 : memref<6x512xf32, #tpu.memory_space<vmem>>) dst(%dma_wait3A_114 : memref<6x512xf32, #tpu.memory_space<hbm>>)
        tpu.yield
      }) : () -> ()
      %add3A_54 = arith.constant 5 : i32
      %add3A_55 = arith.addi %select_n3A, %add3A_54 : i32
      %mul3A_56 = arith.constant 8 : i32
      %mul3A_57 = arith.muli %mul3A_56, %add3A_55 : i32
      "tpu.region"() ({
        %run_scoped3A = tpu.sem_alloc : memref<!tpu.dma_semaphore, #tpu.memory_space<semaphore_mem>>
        %dma_start3A_98 = arith.constant 30 : i32
        %dma_start3A_99 = arith.constant 0 : i32
        %dma_start3A_100 = tpu.memref_slice %arg6[%dma_start3A_98, %dma_start3A_99] : memref<96x512xf32, #tpu.memory_space<vmem>> -> memref<6x512xf32, #tpu.memory_space<vmem>>
        %dma_start3A_101 = arith.constant 0 : i32
        %dma_start3A_102 = tpu.memref_slice %arg4[%mul3A_57, %dma_start3A_101] : memref<32768x512xf32, #tpu.memory_space<hbm>> -> memref<6x512xf32, #tpu.memory_space<hbm>>
        %dma_start3A_103 = arith.constant 0 : i32
        %dma_start3A_104 = tpu.memref_slice %arg4[%mul3A_57, %dma_start3A_103] : memref<32768x512xf32, #tpu.memory_space<hbm>> -> memref<6x512xf32, #tpu.memory_space<hbm>>
        %dma_start3A_105 = arith.constant 30 : i32
        %dma_start3A_106 = arith.constant 0 : i32
        %dma_start3A_107 = tpu.memref_slice %arg6[%dma_start3A_105, %dma_start3A_106] : memref<96x512xf32, #tpu.memory_space<vmem>> -> memref<6x512xf32, #tpu.memory_space<vmem>>
        tpu.enqueue_dma source(%dma_start3A_107 : memref<6x512xf32, #tpu.memory_space<vmem>>) target(%dma_start3A_104 : memref<6x512xf32, #tpu.memory_space<hbm>>) target_semaphore(%run_scoped3A : memref<!tpu.dma_semaphore, #tpu.memory_space<semaphore_mem>>)
        %dma_wait3A_108 = arith.constant 30 : i32
        %dma_wait3A_109 = arith.constant 0 : i32
        %dma_wait3A_110 = tpu.memref_slice %arg6[%dma_wait3A_108, %dma_wait3A_109] : memref<96x512xf32, #tpu.memory_space<vmem>> -> memref<6x512xf32, #tpu.memory_space<vmem>>
        %dma_wait3A_111 = arith.constant 0 : i32
        %dma_wait3A_112 = tpu.memref_slice %arg4[%mul3A_57, %dma_wait3A_111] : memref<32768x512xf32, #tpu.memory_space<hbm>> -> memref<6x512xf32, #tpu.memory_space<hbm>>
        %dma_wait3A_113 = arith.constant 0 : i32
        %dma_wait3A_114 = tpu.memref_slice %arg4[%mul3A_57, %dma_wait3A_113] : memref<32768x512xf32, #tpu.memory_space<hbm>> -> memref<6x512xf32, #tpu.memory_space<hbm>>
        %dma_wait3A_115 = arith.constant 30 : i32
        %dma_wait3A_116 = arith.constant 0 : i32
        %dma_wait3A_117 = tpu.memref_slice %arg6[%dma_wait3A_115, %dma_wait3A_116] : memref<96x512xf32, #tpu.memory_space<vmem>> -> memref<6x512xf32, #tpu.memory_space<vmem>>
        tpu.wait_dma2 semaphore(%run_scoped3A : memref<!tpu.dma_semaphore, #tpu.memory_space<semaphore_mem>>) src(%dma_wait3A_117 : memref<6x512xf32, #tpu.memory_space<vmem>>) dst(%dma_wait3A_114 : memref<6x512xf32, #tpu.memory_space<hbm>>)
        tpu.yield
      }) : () -> ()
      %add3A_58 = arith.constant 6 : i32
      %add3A_59 = arith.addi %select_n3A, %add3A_58 : i32
      %mul3A_60 = arith.constant 8 : i32
      %mul3A_61 = arith.muli %mul3A_60, %add3A_59 : i32
      "tpu.region"() ({
        %run_scoped3A = tpu.sem_alloc : memref<!tpu.dma_semaphore, #tpu.memory_space<semaphore_mem>>
        %dma_start3A_98 = arith.constant 36 : i32
        %dma_start3A_99 = arith.constant 0 : i32
        %dma_start3A_100 = tpu.memref_slice %arg6[%dma_start3A_98, %dma_start3A_99] : memref<96x512xf32, #tpu.memory_space<vmem>> -> memref<6x512xf32, #tpu.memory_space<vmem>>
        %dma_start3A_101 = arith.constant 0 : i32
        %dma_start3A_102 = tpu.memref_slice %arg4[%mul3A_61, %dma_start3A_101] : memref<32768x512xf32, #tpu.memory_space<hbm>> -> memref<6x512xf32, #tpu.memory_space<hbm>>
        %dma_start3A_103 = arith.constant 0 : i32
        %dma_start3A_104 = tpu.memref_slice %arg4[%mul3A_61, %dma_start3A_103] : memref<32768x512xf32, #tpu.memory_space<hbm>> -> memref<6x512xf32, #tpu.memory_space<hbm>>
        %dma_start3A_105 = arith.constant 36 : i32
        %dma_start3A_106 = arith.constant 0 : i32
        %dma_start3A_107 = tpu.memref_slice %arg6[%dma_start3A_105, %dma_start3A_106] : memref<96x512xf32, #tpu.memory_space<vmem>> -> memref<6x512xf32, #tpu.memory_space<vmem>>
        tpu.enqueue_dma source(%dma_start3A_107 : memref<6x512xf32, #tpu.memory_space<vmem>>) target(%dma_start3A_104 : memref<6x512xf32, #tpu.memory_space<hbm>>) target_semaphore(%run_scoped3A : memref<!tpu.dma_semaphore, #tpu.memory_space<semaphore_mem>>)
        %dma_wait3A_108 = arith.constant 36 : i32
        %dma_wait3A_109 = arith.constant 0 : i32
        %dma_wait3A_110 = tpu.memref_slice %arg6[%dma_wait3A_108, %dma_wait3A_109] : memref<96x512xf32, #tpu.memory_space<vmem>> -> memref<6x512xf32, #tpu.memory_space<vmem>>
        %dma_wait3A_111 = arith.constant 0 : i32
        %dma_wait3A_112 = tpu.memref_slice %arg4[%mul3A_61, %dma_wait3A_111] : memref<32768x512xf32, #tpu.memory_space<hbm>> -> memref<6x512xf32, #tpu.memory_space<hbm>>
        %dma_wait3A_113 = arith.constant 0 : i32
        %dma_wait3A_114 = tpu.memref_slice %arg4[%mul3A_61, %dma_wait3A_113] : memref<32768x512xf32, #tpu.memory_space<hbm>> -> memref<6x512xf32, #tpu.memory_space<hbm>>
        %dma_wait3A_115 = arith.constant 36 : i32
        %dma_wait3A_116 = arith.constant 0 : i32
        %dma_wait3A_117 = tpu.memref_slice %arg6[%dma_wait3A_115, %dma_wait3A_116] : memref<96x512xf32, #tpu.memory_space<vmem>> -> memref<6x512xf32, #tpu.memory_space<vmem>>
        tpu.wait_dma2 semaphore(%run_scoped3A : memref<!tpu.dma_semaphore, #tpu.memory_space<semaphore_mem>>) src(%dma_wait3A_117 : memref<6x512xf32, #tpu.memory_space<vmem>>) dst(%dma_wait3A_114 : memref<6x512xf32, #tpu.memory_space<hbm>>)
        tpu.yield
      }) : () -> ()
      %add3A_62 = arith.constant 7 : i32
      %add3A_63 = arith.addi %select_n3A, %add3A_62 : i32
      %mul3A_64 = arith.constant 8 : i32
      %mul3A_65 = arith.muli %mul3A_64, %add3A_63 : i32
      "tpu.region"() ({
        %run_scoped3A = tpu.sem_alloc : memref<!tpu.dma_semaphore, #tpu.memory_space<semaphore_mem>>
        %dma_start3A_98 = arith.constant 42 : i32
        %dma_start3A_99 = arith.constant 0 : i32
        %dma_start3A_100 = tpu.memref_slice %arg6[%dma_start3A_98, %dma_start3A_99] : memref<96x512xf32, #tpu.memory_space<vmem>> -> memref<6x512xf32, #tpu.memory_space<vmem>>
        %dma_start3A_101 = arith.constant 0 : i32
        %dma_start3A_102 = tpu.memref_slice %arg4[%mul3A_65, %dma_start3A_101] : memref<32768x512xf32, #tpu.memory_space<hbm>> -> memref<6x512xf32, #tpu.memory_space<hbm>>
        %dma_start3A_103 = arith.constant 0 : i32
        %dma_start3A_104 = tpu.memref_slice %arg4[%mul3A_65, %dma_start3A_103] : memref<32768x512xf32, #tpu.memory_space<hbm>> -> memref<6x512xf32, #tpu.memory_space<hbm>>
        %dma_start3A_105 = arith.constant 42 : i32
        %dma_start3A_106 = arith.constant 0 : i32
        %dma_start3A_107 = tpu.memref_slice %arg6[%dma_start3A_105, %dma_start3A_106] : memref<96x512xf32, #tpu.memory_space<vmem>> -> memref<6x512xf32, #tpu.memory_space<vmem>>
        tpu.enqueue_dma source(%dma_start3A_107 : memref<6x512xf32, #tpu.memory_space<vmem>>) target(%dma_start3A_104 : memref<6x512xf32, #tpu.memory_space<hbm>>) target_semaphore(%run_scoped3A : memref<!tpu.dma_semaphore, #tpu.memory_space<semaphore_mem>>)
        %dma_wait3A_108 = arith.constant 42 : i32
        %dma_wait3A_109 = arith.constant 0 : i32
        %dma_wait3A_110 = tpu.memref_slice %arg6[%dma_wait3A_108, %dma_wait3A_109] : memref<96x512xf32, #tpu.memory_space<vmem>> -> memref<6x512xf32, #tpu.memory_space<vmem>>
        %dma_wait3A_111 = arith.constant 0 : i32
        %dma_wait3A_112 = tpu.memref_slice %arg4[%mul3A_65, %dma_wait3A_111] : memref<32768x512xf32, #tpu.memory_space<hbm>> -> memref<6x512xf32, #tpu.memory_space<hbm>>
        %dma_wait3A_113 = arith.constant 0 : i32
        %dma_wait3A_114 = tpu.memref_slice %arg4[%mul3A_65, %dma_wait3A_113] : memref<32768x512xf32, #tpu.memory_space<hbm>> -> memref<6x512xf32, #tpu.memory_space<hbm>>
        %dma_wait3A_115 = arith.constant 42 : i32
        %dma_wait3A_116 = arith.constant 0 : i32
        %dma_wait3A_117 = tpu.memref_slice %arg6[%dma_wait3A_115, %dma_wait3A_116] : memref<96x512xf32, #tpu.memory_space<vmem>> -> memref<6x512xf32, #tpu.memory_space<vmem>>
        tpu.wait_dma2 semaphore(%run_scoped3A : memref<!tpu.dma_semaphore, #tpu.memory_space<semaphore_mem>>) src(%dma_wait3A_117 : memref<6x512xf32, #tpu.memory_space<vmem>>) dst(%dma_wait3A_114 : memref<6x512xf32, #tpu.memory_space<hbm>>)
        tpu.yield
      }) : () -> ()
      %add3A_66 = arith.constant 8 : i32
      %add3A_67 = arith.addi %select_n3A, %add3A_66 : i32
      %mul3A_68 = arith.constant 8 : i32
      %mul3A_69 = arith.muli %mul3A_68, %add3A_67 : i32
      "tpu.region"() ({
        %run_scoped3A = tpu.sem_alloc : memref<!tpu.dma_semaphore, #tpu.memory_space<semaphore_mem>>
        %dma_start3A_98 = arith.constant 48 : i32
        %dma_start3A_99 = arith.constant 0 : i32
        %dma_start3A_100 = tpu.memref_slice %arg6[%dma_start3A_98, %dma_start3A_99] : memref<96x512xf32, #tpu.memory_space<vmem>> -> memref<6x512xf32, #tpu.memory_space<vmem>>
        %dma_start3A_101 = arith.constant 0 : i32
        %dma_start3A_102 = tpu.memref_slice %arg4[%mul3A_69, %dma_start3A_101] : memref<32768x512xf32, #tpu.memory_space<hbm>> -> memref<6x512xf32, #tpu.memory_space<hbm>>
        %dma_start3A_103 = arith.constant 0 : i32
        %dma_start3A_104 = tpu.memref_slice %arg4[%mul3A_69, %dma_start3A_103] : memref<32768x512xf32, #tpu.memory_space<hbm>> -> memref<6x512xf32, #tpu.memory_space<hbm>>
        %dma_start3A_105 = arith.constant 48 : i32
        %dma_start3A_106 = arith.constant 0 : i32
        %dma_start3A_107 = tpu.memref_slice %arg6[%dma_start3A_105, %dma_start3A_106] : memref<96x512xf32, #tpu.memory_space<vmem>> -> memref<6x512xf32, #tpu.memory_space<vmem>>
        tpu.enqueue_dma source(%dma_start3A_107 : memref<6x512xf32, #tpu.memory_space<vmem>>) target(%dma_start3A_104 : memref<6x512xf32, #tpu.memory_space<hbm>>) target_semaphore(%run_scoped3A : memref<!tpu.dma_semaphore, #tpu.memory_space<semaphore_mem>>)
        %dma_wait3A_108 = arith.constant 48 : i32
        %dma_wait3A_109 = arith.constant 0 : i32
        %dma_wait3A_110 = tpu.memref_slice %arg6[%dma_wait3A_108, %dma_wait3A_109] : memref<96x512xf32, #tpu.memory_space<vmem>> -> memref<6x512xf32, #tpu.memory_space<vmem>>
        %dma_wait3A_111 = arith.constant 0 : i32
        %dma_wait3A_112 = tpu.memref_slice %arg4[%mul3A_69, %dma_wait3A_111] : memref<32768x512xf32, #tpu.memory_space<hbm>> -> memref<6x512xf32, #tpu.memory_space<hbm>>
        %dma_wait3A_113 = arith.constant 0 : i32
        %dma_wait3A_114 = tpu.memref_slice %arg4[%mul3A_69, %dma_wait3A_113] : memref<32768x512xf32, #tpu.memory_space<hbm>> -> memref<6x512xf32, #tpu.memory_space<hbm>>
        %dma_wait3A_115 = arith.constant 48 : i32
        %dma_wait3A_116 = arith.constant 0 : i32
        %dma_wait3A_117 = tpu.memref_slice %arg6[%dma_wait3A_115, %dma_wait3A_116] : memref<96x512xf32, #tpu.memory_space<vmem>> -> memref<6x512xf32, #tpu.memory_space<vmem>>
        tpu.wait_dma2 semaphore(%run_scoped3A : memref<!tpu.dma_semaphore, #tpu.memory_space<semaphore_mem>>) src(%dma_wait3A_117 : memref<6x512xf32, #tpu.memory_space<vmem>>) dst(%dma_wait3A_114 : memref<6x512xf32, #tpu.memory_space<hbm>>)
        tpu.yield
      }) : () -> ()
      %add3A_70 = arith.constant 9 : i32
      %add3A_71 = arith.addi %select_n3A, %add3A_70 : i32
      %mul3A_72 = arith.constant 8 : i32
      %mul3A_73 = arith.muli %mul3A_72, %add3A_71 : i32
      "tpu.region"() ({
        %run_scoped3A = tpu.sem_alloc : memref<!tpu.dma_semaphore, #tpu.memory_space<semaphore_mem>>
        %dma_start3A_98 = arith.constant 54 : i32
        %dma_start3A_99 = arith.constant 0 : i32
        %dma_start3A_100 = tpu.memref_slice %arg6[%dma_start3A_98, %dma_start3A_99] : memref<96x512xf32, #tpu.memory_space<vmem>> -> memref<6x512xf32, #tpu.memory_space<vmem>>
        %dma_start3A_101 = arith.constant 0 : i32
        %dma_start3A_102 = tpu.memref_slice %arg4[%mul3A_73, %dma_start3A_101] : memref<32768x512xf32, #tpu.memory_space<hbm>> -> memref<6x512xf32, #tpu.memory_space<hbm>>
        %dma_start3A_103 = arith.constant 0 : i32
        %dma_start3A_104 = tpu.memref_slice %arg4[%mul3A_73, %dma_start3A_103] : memref<32768x512xf32, #tpu.memory_space<hbm>> -> memref<6x512xf32, #tpu.memory_space<hbm>>
        %dma_start3A_105 = arith.constant 54 : i32
        %dma_start3A_106 = arith.constant 0 : i32
        %dma_start3A_107 = tpu.memref_slice %arg6[%dma_start3A_105, %dma_start3A_106] : memref<96x512xf32, #tpu.memory_space<vmem>> -> memref<6x512xf32, #tpu.memory_space<vmem>>
        tpu.enqueue_dma source(%dma_start3A_107 : memref<6x512xf32, #tpu.memory_space<vmem>>) target(%dma_start3A_104 : memref<6x512xf32, #tpu.memory_space<hbm>>) target_semaphore(%run_scoped3A : memref<!tpu.dma_semaphore, #tpu.memory_space<semaphore_mem>>)
        %dma_wait3A_108 = arith.constant 54 : i32
        %dma_wait3A_109 = arith.constant 0 : i32
        %dma_wait3A_110 = tpu.memref_slice %arg6[%dma_wait3A_108, %dma_wait3A_109] : memref<96x512xf32, #tpu.memory_space<vmem>> -> memref<6x512xf32, #tpu.memory_space<vmem>>
        %dma_wait3A_111 = arith.constant 0 : i32
        %dma_wait3A_112 = tpu.memref_slice %arg4[%mul3A_73, %dma_wait3A_111] : memref<32768x512xf32, #tpu.memory_space<hbm>> -> memref<6x512xf32, #tpu.memory_space<hbm>>
        %dma_wait3A_113 = arith.constant 0 : i32
        %dma_wait3A_114 = tpu.memref_slice %arg4[%mul3A_73, %dma_wait3A_113] : memref<32768x512xf32, #tpu.memory_space<hbm>> -> memref<6x512xf32, #tpu.memory_space<hbm>>
        %dma_wait3A_115 = arith.constant 54 : i32
        %dma_wait3A_116 = arith.constant 0 : i32
        %dma_wait3A_117 = tpu.memref_slice %arg6[%dma_wait3A_115, %dma_wait3A_116] : memref<96x512xf32, #tpu.memory_space<vmem>> -> memref<6x512xf32, #tpu.memory_space<vmem>>
        tpu.wait_dma2 semaphore(%run_scoped3A : memref<!tpu.dma_semaphore, #tpu.memory_space<semaphore_mem>>) src(%dma_wait3A_117 : memref<6x512xf32, #tpu.memory_space<vmem>>) dst(%dma_wait3A_114 : memref<6x512xf32, #tpu.memory_space<hbm>>)
        tpu.yield
      }) : () -> ()
      %add3A_74 = arith.constant 10 : i32
      %add3A_75 = arith.addi %select_n3A, %add3A_74 : i32
      %mul3A_76 = arith.constant 8 : i32
      %mul3A_77 = arith.muli %mul3A_76, %add3A_75 : i32
      "tpu.region"() ({
        %run_scoped3A = tpu.sem_alloc : memref<!tpu.dma_semaphore, #tpu.memory_space<semaphore_mem>>
        %dma_start3A_98 = arith.constant 60 : i32
        %dma_start3A_99 = arith.constant 0 : i32
        %dma_start3A_100 = tpu.memref_slice %arg6[%dma_start3A_98, %dma_start3A_99] : memref<96x512xf32, #tpu.memory_space<vmem>> -> memref<6x512xf32, #tpu.memory_space<vmem>>
        %dma_start3A_101 = arith.constant 0 : i32
        %dma_start3A_102 = tpu.memref_slice %arg4[%mul3A_77, %dma_start3A_101] : memref<32768x512xf32, #tpu.memory_space<hbm>> -> memref<6x512xf32, #tpu.memory_space<hbm>>
        %dma_start3A_103 = arith.constant 0 : i32
        %dma_start3A_104 = tpu.memref_slice %arg4[%mul3A_77, %dma_start3A_103] : memref<32768x512xf32, #tpu.memory_space<hbm>> -> memref<6x512xf32, #tpu.memory_space<hbm>>
        %dma_start3A_105 = arith.constant 60 : i32
        %dma_start3A_106 = arith.constant 0 : i32
        %dma_start3A_107 = tpu.memref_slice %arg6[%dma_start3A_105, %dma_start3A_106] : memref<96x512xf32, #tpu.memory_space<vmem>> -> memref<6x512xf32, #tpu.memory_space<vmem>>
        tpu.enqueue_dma source(%dma_start3A_107 : memref<6x512xf32, #tpu.memory_space<vmem>>) target(%dma_start3A_104 : memref<6x512xf32, #tpu.memory_space<hbm>>) target_semaphore(%run_scoped3A : memref<!tpu.dma_semaphore, #tpu.memory_space<semaphore_mem>>)
        %dma_wait3A_108 = arith.constant 60 : i32
        %dma_wait3A_109 = arith.constant 0 : i32
        %dma_wait3A_110 = tpu.memref_slice %arg6[%dma_wait3A_108, %dma_wait3A_109] : memref<96x512xf32, #tpu.memory_space<vmem>> -> memref<6x512xf32, #tpu.memory_space<vmem>>
        %dma_wait3A_111 = arith.constant 0 : i32
        %dma_wait3A_112 = tpu.memref_slice %arg4[%mul3A_77, %dma_wait3A_111] : memref<32768x512xf32, #tpu.memory_space<hbm>> -> memref<6x512xf32, #tpu.memory_space<hbm>>
        %dma_wait3A_113 = arith.constant 0 : i32
        %dma_wait3A_114 = tpu.memref_slice %arg4[%mul3A_77, %dma_wait3A_113] : memref<32768x512xf32, #tpu.memory_space<hbm>> -> memref<6x512xf32, #tpu.memory_space<hbm>>
        %dma_wait3A_115 = arith.constant 60 : i32
        %dma_wait3A_116 = arith.constant 0 : i32
        %dma_wait3A_117 = tpu.memref_slice %arg6[%dma_wait3A_115, %dma_wait3A_116] : memref<96x512xf32, #tpu.memory_space<vmem>> -> memref<6x512xf32, #tpu.memory_space<vmem>>
        tpu.wait_dma2 semaphore(%run_scoped3A : memref<!tpu.dma_semaphore, #tpu.memory_space<semaphore_mem>>) src(%dma_wait3A_117 : memref<6x512xf32, #tpu.memory_space<vmem>>) dst(%dma_wait3A_114 : memref<6x512xf32, #tpu.memory_space<hbm>>)
        tpu.yield
      }) : () -> ()
      %add3A_78 = arith.constant 11 : i32
      %add3A_79 = arith.addi %select_n3A, %add3A_78 : i32
      %mul3A_80 = arith.constant 8 : i32
      %mul3A_81 = arith.muli %mul3A_80, %add3A_79 : i32
      "tpu.region"() ({
        %run_scoped3A = tpu.sem_alloc : memref<!tpu.dma_semaphore, #tpu.memory_space<semaphore_mem>>
        %dma_start3A_98 = arith.constant 66 : i32
        %dma_start3A_99 = arith.constant 0 : i32
        %dma_start3A_100 = tpu.memref_slice %arg6[%dma_start3A_98, %dma_start3A_99] : memref<96x512xf32, #tpu.memory_space<vmem>> -> memref<6x512xf32, #tpu.memory_space<vmem>>
        %dma_start3A_101 = arith.constant 0 : i32
        %dma_start3A_102 = tpu.memref_slice %arg4[%mul3A_81, %dma_start3A_101] : memref<32768x512xf32, #tpu.memory_space<hbm>> -> memref<6x512xf32, #tpu.memory_space<hbm>>
        %dma_start3A_103 = arith.constant 0 : i32
        %dma_start3A_104 = tpu.memref_slice %arg4[%mul3A_81, %dma_start3A_103] : memref<32768x512xf32, #tpu.memory_space<hbm>> -> memref<6x512xf32, #tpu.memory_space<hbm>>
        %dma_start3A_105 = arith.constant 66 : i32
        %dma_start3A_106 = arith.constant 0 : i32
        %dma_start3A_107 = tpu.memref_slice %arg6[%dma_start3A_105, %dma_start3A_106] : memref<96x512xf32, #tpu.memory_space<vmem>> -> memref<6x512xf32, #tpu.memory_space<vmem>>
        tpu.enqueue_dma source(%dma_start3A_107 : memref<6x512xf32, #tpu.memory_space<vmem>>) target(%dma_start3A_104 : memref<6x512xf32, #tpu.memory_space<hbm>>) target_semaphore(%run_scoped3A : memref<!tpu.dma_semaphore, #tpu.memory_space<semaphore_mem>>)
        %dma_wait3A_108 = arith.constant 66 : i32
        %dma_wait3A_109 = arith.constant 0 : i32
        %dma_wait3A_110 = tpu.memref_slice %arg6[%dma_wait3A_108, %dma_wait3A_109] : memref<96x512xf32, #tpu.memory_space<vmem>> -> memref<6x512xf32, #tpu.memory_space<vmem>>
        %dma_wait3A_111 = arith.constant 0 : i32
        %dma_wait3A_112 = tpu.memref_slice %arg4[%mul3A_81, %dma_wait3A_111] : memref<32768x512xf32, #tpu.memory_space<hbm>> -> memref<6x512xf32, #tpu.memory_space<hbm>>
        %dma_wait3A_113 = arith.constant 0 : i32
        %dma_wait3A_114 = tpu.memref_slice %arg4[%mul3A_81, %dma_wait3A_113] : memref<32768x512xf32, #tpu.memory_space<hbm>> -> memref<6x512xf32, #tpu.memory_space<hbm>>
        %dma_wait3A_115 = arith.constant 66 : i32
        %dma_wait3A_116 = arith.constant 0 : i32
        %dma_wait3A_117 = tpu.memref_slice %arg6[%dma_wait3A_115, %dma_wait3A_116] : memref<96x512xf32, #tpu.memory_space<vmem>> -> memref<6x512xf32, #tpu.memory_space<vmem>>
        tpu.wait_dma2 semaphore(%run_scoped3A : memref<!tpu.dma_semaphore, #tpu.memory_space<semaphore_mem>>) src(%dma_wait3A_117 : memref<6x512xf32, #tpu.memory_space<vmem>>) dst(%dma_wait3A_114 : memref<6x512xf32, #tpu.memory_space<hbm>>)
        tpu.yield
      }) : () -> ()
      %add3A_82 = arith.constant 12 : i32
      %add3A_83 = arith.addi %select_n3A, %add3A_82 : i32
      %mul3A_84 = arith.constant 8 : i32
      %mul3A_85 = arith.muli %mul3A_84, %add3A_83 : i32
      "tpu.region"() ({
        %run_scoped3A = tpu.sem_alloc : memref<!tpu.dma_semaphore, #tpu.memory_space<semaphore_mem>>
        %dma_start3A_98 = arith.constant 72 : i32
        %dma_start3A_99 = arith.constant 0 : i32
        %dma_start3A_100 = tpu.memref_slice %arg6[%dma_start3A_98, %dma_start3A_99] : memref<96x512xf32, #tpu.memory_space<vmem>> -> memref<6x512xf32, #tpu.memory_space<vmem>>
        %dma_start3A_101 = arith.constant 0 : i32
        %dma_start3A_102 = tpu.memref_slice %arg4[%mul3A_85, %dma_start3A_101] : memref<32768x512xf32, #tpu.memory_space<hbm>> -> memref<6x512xf32, #tpu.memory_space<hbm>>
        %dma_start3A_103 = arith.constant 0 : i32
        %dma_start3A_104 = tpu.memref_slice %arg4[%mul3A_85, %dma_start3A_103] : memref<32768x512xf32, #tpu.memory_space<hbm>> -> memref<6x512xf32, #tpu.memory_space<hbm>>
        %dma_start3A_105 = arith.constant 72 : i32
        %dma_start3A_106 = arith.constant 0 : i32
        %dma_start3A_107 = tpu.memref_slice %arg6[%dma_start3A_105, %dma_start3A_106] : memref<96x512xf32, #tpu.memory_space<vmem>> -> memref<6x512xf32, #tpu.memory_space<vmem>>
        tpu.enqueue_dma source(%dma_start3A_107 : memref<6x512xf32, #tpu.memory_space<vmem>>) target(%dma_start3A_104 : memref<6x512xf32, #tpu.memory_space<hbm>>) target_semaphore(%run_scoped3A : memref<!tpu.dma_semaphore, #tpu.memory_space<semaphore_mem>>)
        %dma_wait3A_108 = arith.constant 72 : i32
        %dma_wait3A_109 = arith.constant 0 : i32
        %dma_wait3A_110 = tpu.memref_slice %arg6[%dma_wait3A_108, %dma_wait3A_109] : memref<96x512xf32, #tpu.memory_space<vmem>> -> memref<6x512xf32, #tpu.memory_space<vmem>>
        %dma_wait3A_111 = arith.constant 0 : i32
        %dma_wait3A_112 = tpu.memref_slice %arg4[%mul3A_85, %dma_wait3A_111] : memref<32768x512xf32, #tpu.memory_space<hbm>> -> memref<6x512xf32, #tpu.memory_space<hbm>>
        %dma_wait3A_113 = arith.constant 0 : i32
        %dma_wait3A_114 = tpu.memref_slice %arg4[%mul3A_85, %dma_wait3A_113] : memref<32768x512xf32, #tpu.memory_space<hbm>> -> memref<6x512xf32, #tpu.memory_space<hbm>>
        %dma_wait3A_115 = arith.constant 72 : i32
        %dma_wait3A_116 = arith.constant 0 : i32
        %dma_wait3A_117 = tpu.memref_slice %arg6[%dma_wait3A_115, %dma_wait3A_116] : memref<96x512xf32, #tpu.memory_space<vmem>> -> memref<6x512xf32, #tpu.memory_space<vmem>>
        tpu.wait_dma2 semaphore(%run_scoped3A : memref<!tpu.dma_semaphore, #tpu.memory_space<semaphore_mem>>) src(%dma_wait3A_117 : memref<6x512xf32, #tpu.memory_space<vmem>>) dst(%dma_wait3A_114 : memref<6x512xf32, #tpu.memory_space<hbm>>)
        tpu.yield
      }) : () -> ()
      %add3A_86 = arith.constant 13 : i32
      %add3A_87 = arith.addi %select_n3A, %add3A_86 : i32
      %mul3A_88 = arith.constant 8 : i32
      %mul3A_89 = arith.muli %mul3A_88, %add3A_87 : i32
      "tpu.region"() ({
        %run_scoped3A = tpu.sem_alloc : memref<!tpu.dma_semaphore, #tpu.memory_space<semaphore_mem>>
        %dma_start3A_98 = arith.constant 78 : i32
        %dma_start3A_99 = arith.constant 0 : i32
        %dma_start3A_100 = tpu.memref_slice %arg6[%dma_start3A_98, %dma_start3A_99] : memref<96x512xf32, #tpu.memory_space<vmem>> -> memref<6x512xf32, #tpu.memory_space<vmem>>
        %dma_start3A_101 = arith.constant 0 : i32
        %dma_start3A_102 = tpu.memref_slice %arg4[%mul3A_89, %dma_start3A_101] : memref<32768x512xf32, #tpu.memory_space<hbm>> -> memref<6x512xf32, #tpu.memory_space<hbm>>
        %dma_start3A_103 = arith.constant 0 : i32
        %dma_start3A_104 = tpu.memref_slice %arg4[%mul3A_89, %dma_start3A_103] : memref<32768x512xf32, #tpu.memory_space<hbm>> -> memref<6x512xf32, #tpu.memory_space<hbm>>
        %dma_start3A_105 = arith.constant 78 : i32
        %dma_start3A_106 = arith.constant 0 : i32
        %dma_start3A_107 = tpu.memref_slice %arg6[%dma_start3A_105, %dma_start3A_106] : memref<96x512xf32, #tpu.memory_space<vmem>> -> memref<6x512xf32, #tpu.memory_space<vmem>>
        tpu.enqueue_dma source(%dma_start3A_107 : memref<6x512xf32, #tpu.memory_space<vmem>>) target(%dma_start3A_104 : memref<6x512xf32, #tpu.memory_space<hbm>>) target_semaphore(%run_scoped3A : memref<!tpu.dma_semaphore, #tpu.memory_space<semaphore_mem>>)
        %dma_wait3A_108 = arith.constant 78 : i32
        %dma_wait3A_109 = arith.constant 0 : i32
        %dma_wait3A_110 = tpu.memref_slice %arg6[%dma_wait3A_108, %dma_wait3A_109] : memref<96x512xf32, #tpu.memory_space<vmem>> -> memref<6x512xf32, #tpu.memory_space<vmem>>
        %dma_wait3A_111 = arith.constant 0 : i32
        %dma_wait3A_112 = tpu.memref_slice %arg4[%mul3A_89, %dma_wait3A_111] : memref<32768x512xf32, #tpu.memory_space<hbm>> -> memref<6x512xf32, #tpu.memory_space<hbm>>
        %dma_wait3A_113 = arith.constant 0 : i32
        %dma_wait3A_114 = tpu.memref_slice %arg4[%mul3A_89, %dma_wait3A_113] : memref<32768x512xf32, #tpu.memory_space<hbm>> -> memref<6x512xf32, #tpu.memory_space<hbm>>
        %dma_wait3A_115 = arith.constant 78 : i32
        %dma_wait3A_116 = arith.constant 0 : i32
        %dma_wait3A_117 = tpu.memref_slice %arg6[%dma_wait3A_115, %dma_wait3A_116] : memref<96x512xf32, #tpu.memory_space<vmem>> -> memref<6x512xf32, #tpu.memory_space<vmem>>
        tpu.wait_dma2 semaphore(%run_scoped3A : memref<!tpu.dma_semaphore, #tpu.memory_space<semaphore_mem>>) src(%dma_wait3A_117 : memref<6x512xf32, #tpu.memory_space<vmem>>) dst(%dma_wait3A_114 : memref<6x512xf32, #tpu.memory_space<hbm>>)
        tpu.yield
      }) : () -> ()
      %add3A_90 = arith.constant 14 : i32
      %add3A_91 = arith.addi %select_n3A, %add3A_90 : i32
      %mul3A_92 = arith.constant 8 : i32
      %mul3A_93 = arith.muli %mul3A_92, %add3A_91 : i32
      "tpu.region"() ({
        %run_scoped3A = tpu.sem_alloc : memref<!tpu.dma_semaphore, #tpu.memory_space<semaphore_mem>>
        %dma_start3A_98 = arith.constant 84 : i32
        %dma_start3A_99 = arith.constant 0 : i32
        %dma_start3A_100 = tpu.memref_slice %arg6[%dma_start3A_98, %dma_start3A_99] : memref<96x512xf32, #tpu.memory_space<vmem>> -> memref<6x512xf32, #tpu.memory_space<vmem>>
        %dma_start3A_101 = arith.constant 0 : i32
        %dma_start3A_102 = tpu.memref_slice %arg4[%mul3A_93, %dma_start3A_101] : memref<32768x512xf32, #tpu.memory_space<hbm>> -> memref<6x512xf32, #tpu.memory_space<hbm>>
        %dma_start3A_103 = arith.constant 0 : i32
        %dma_start3A_104 = tpu.memref_slice %arg4[%mul3A_93, %dma_start3A_103] : memref<32768x512xf32, #tpu.memory_space<hbm>> -> memref<6x512xf32, #tpu.memory_space<hbm>>
        %dma_start3A_105 = arith.constant 84 : i32
        %dma_start3A_106 = arith.constant 0 : i32
        %dma_start3A_107 = tpu.memref_slice %arg6[%dma_start3A_105, %dma_start3A_106] : memref<96x512xf32, #tpu.memory_space<vmem>> -> memref<6x512xf32, #tpu.memory_space<vmem>>
        tpu.enqueue_dma source(%dma_start3A_107 : memref<6x512xf32, #tpu.memory_space<vmem>>) target(%dma_start3A_104 : memref<6x512xf32, #tpu.memory_space<hbm>>) target_semaphore(%run_scoped3A : memref<!tpu.dma_semaphore, #tpu.memory_space<semaphore_mem>>)
        %dma_wait3A_108 = arith.constant 84 : i32
        %dma_wait3A_109 = arith.constant 0 : i32
        %dma_wait3A_110 = tpu.memref_slice %arg6[%dma_wait3A_108, %dma_wait3A_109] : memref<96x512xf32, #tpu.memory_space<vmem>> -> memref<6x512xf32, #tpu.memory_space<vmem>>
        %dma_wait3A_111 = arith.constant 0 : i32
        %dma_wait3A_112 = tpu.memref_slice %arg4[%mul3A_93, %dma_wait3A_111] : memref<32768x512xf32, #tpu.memory_space<hbm>> -> memref<6x512xf32, #tpu.memory_space<hbm>>
        %dma_wait3A_113 = arith.constant 0 : i32
        %dma_wait3A_114 = tpu.memref_slice %arg4[%mul3A_93, %dma_wait3A_113] : memref<32768x512xf32, #tpu.memory_space<hbm>> -> memref<6x512xf32, #tpu.memory_space<hbm>>
        %dma_wait3A_115 = arith.constant 84 : i32
        %dma_wait3A_116 = arith.constant 0 : i32
        %dma_wait3A_117 = tpu.memref_slice %arg6[%dma_wait3A_115, %dma_wait3A_116] : memref<96x512xf32, #tpu.memory_space<vmem>> -> memref<6x512xf32, #tpu.memory_space<vmem>>
        tpu.wait_dma2 semaphore(%run_scoped3A : memref<!tpu.dma_semaphore, #tpu.memory_space<semaphore_mem>>) src(%dma_wait3A_117 : memref<6x512xf32, #tpu.memory_space<vmem>>) dst(%dma_wait3A_114 : memref<6x512xf32, #tpu.memory_space<hbm>>)
        tpu.yield
      }) : () -> ()
      %add3A_94 = arith.constant 15 : i32
      %add3A_95 = arith.addi %select_n3A, %add3A_94 : i32
      %mul3A_96 = arith.constant 8 : i32
      %mul3A_97 = arith.muli %mul3A_96, %add3A_95 : i32
      "tpu.region"() ({
        %run_scoped3A = tpu.sem_alloc : memref<!tpu.dma_semaphore, #tpu.memory_space<semaphore_mem>>
        %dma_start3A_98 = arith.constant 90 : i32
        %dma_start3A_99 = arith.constant 0 : i32
        %dma_start3A_100 = tpu.memref_slice %arg6[%dma_start3A_98, %dma_start3A_99] : memref<96x512xf32, #tpu.memory_space<vmem>> -> memref<6x512xf32, #tpu.memory_space<vmem>>
        %dma_start3A_101 = arith.constant 0 : i32
        %dma_start3A_102 = tpu.memref_slice %arg4[%mul3A_97, %dma_start3A_101] : memref<32768x512xf32, #tpu.memory_space<hbm>> -> memref<6x512xf32, #tpu.memory_space<hbm>>
        %dma_start3A_103 = arith.constant 0 : i32
        %dma_start3A_104 = tpu.memref_slice %arg4[%mul3A_97, %dma_start3A_103] : memref<32768x512xf32, #tpu.memory_space<hbm>> -> memref<6x512xf32, #tpu.memory_space<hbm>>
        %dma_start3A_105 = arith.constant 90 : i32
        %dma_start3A_106 = arith.constant 0 : i32
        %dma_start3A_107 = tpu.memref_slice %arg6[%dma_start3A_105, %dma_start3A_106] : memref<96x512xf32, #tpu.memory_space<vmem>> -> memref<6x512xf32, #tpu.memory_space<vmem>>
        tpu.enqueue_dma source(%dma_start3A_107 : memref<6x512xf32, #tpu.memory_space<vmem>>) target(%dma_start3A_104 : memref<6x512xf32, #tpu.memory_space<hbm>>) target_semaphore(%run_scoped3A : memref<!tpu.dma_semaphore, #tpu.memory_space<semaphore_mem>>)
        %dma_wait3A_108 = arith.constant 90 : i32
        %dma_wait3A_109 = arith.constant 0 : i32
        %dma_wait3A_110 = tpu.memref_slice %arg6[%dma_wait3A_108, %dma_wait3A_109] : memref<96x512xf32, #tpu.memory_space<vmem>> -> memref<6x512xf32, #tpu.memory_space<vmem>>
        %dma_wait3A_111 = arith.constant 0 : i32
        %dma_wait3A_112 = tpu.memref_slice %arg4[%mul3A_97, %dma_wait3A_111] : memref<32768x512xf32, #tpu.memory_space<hbm>> -> memref<6x512xf32, #tpu.memory_space<hbm>>
        %dma_wait3A_113 = arith.constant 0 : i32
        %dma_wait3A_114 = tpu.memref_slice %arg4[%mul3A_97, %dma_wait3A_113] : memref<32768x512xf32, #tpu.memory_space<hbm>> -> memref<6x512xf32, #tpu.memory_space<hbm>>
        %dma_wait3A_115 = arith.constant 90 : i32
        %dma_wait3A_116 = arith.constant 0 : i32
        %dma_wait3A_117 = tpu.memref_slice %arg6[%dma_wait3A_115, %dma_wait3A_116] : memref<96x512xf32, #tpu.memory_space<vmem>> -> memref<6x512xf32, #tpu.memory_space<vmem>>
        tpu.wait_dma2 semaphore(%run_scoped3A : memref<!tpu.dma_semaphore, #tpu.memory_space<semaphore_mem>>) src(%dma_wait3A_117 : memref<6x512xf32, #tpu.memory_space<vmem>>) dst(%dma_wait3A_114 : memref<6x512xf32, #tpu.memory_space<hbm>>)
        tpu.yield
      }) : () -> ()
    }
    %scan3A_9 = arith.constant 8 : i32
    return
  }
}

#map = affine_map<(d0, d1) -> (0)>
#map1 = affine_map<(d0, d1) -> (0, 0)>
module attributes {stable_mosaic.version = 14 : i64} {
  func.func @k(%arg0: i32, %arg1: i32, %arg2: memref<24576xi32, #tpu.memory_space<hbm>>, %arg3: memref<2048x512xf32, #tpu.memory_space<hbm>>, %arg4: memref<32768x512xf32, #tpu.memory_space<hbm>>, %arg5: memref<96xi32, #tpu.memory_space<vmem>>, %arg6: memref<96x512xf32, #tpu.memory_space<vmem>>, %arg7: memref<!tpu.dma_semaphore, #tpu.memory_space<semaphore_mem>>, %arg8: memref<2048x512xf32, #tpu.memory_space<vmem_shared>>) attributes {dimension_semantics = [#tpu.dimension_semantics<core_parallel>, #tpu.dimension_semantics<subcore_parallel>], iteration_bounds = array<i64: 2, 16>, scalar_prefetch = 0 : i64, scratch_operands = 4 : i64, tpu.core_type = #tpu.core_type<sc_vector_subcore>, window_params = [{transform_indices = #map}, {transform_indices = #map1}, {transform_indices = #map1}]} {
    %mul3A = arith.constant 2 : i32
    %mul3A_0 = arith.muli %arg1, %mul3A : i32
    %add3A = arith.addi %mul3A_0, %arg0 : i32
    %mul3A_1 = arith.constant 768 : i32
    %mul3A_2 = arith.muli %add3A, %mul3A_1 : i32
    %mul3A_3 = arith.constant 128 : i32
    %mul3A_4 = arith.muli %arg1, %mul3A_3 : i32
    "tpu.region"() ({
      %run_scoped3A = tpu.sem_alloc : memref<!tpu.dma_semaphore, #tpu.memory_space<semaphore_mem>>
      %dma_start3A = arith.constant 0 : i32
      %dma_start3A_10 = tpu.memref_slice %arg8[%mul3A_4, %dma_start3A] : memref<2048x512xf32, #tpu.memory_space<vmem_shared>> -> memref<128x512xf32, #tpu.memory_space<vmem_shared>>
      %dma_start3A_11 = arith.constant 0 : i32
      %dma_start3A_12 = tpu.memref_slice %arg3[%mul3A_4, %dma_start3A_11] : memref<2048x512xf32, #tpu.memory_space<hbm>> -> memref<128x512xf32, #tpu.memory_space<hbm>>
      tpu.enqueue_dma source(%dma_start3A_12 : memref<128x512xf32, #tpu.memory_space<hbm>>) target(%dma_start3A_10 : memref<128x512xf32, #tpu.memory_space<vmem_shared>>) target_semaphore(%run_scoped3A : memref<!tpu.dma_semaphore, #tpu.memory_space<semaphore_mem>>)
      %dma_wait3A = arith.constant 0 : i32
      %dma_wait3A_13 = tpu.memref_slice %arg8[%mul3A_4, %dma_wait3A] : memref<2048x512xf32, #tpu.memory_space<vmem_shared>> -> memref<128x512xf32, #tpu.memory_space<vmem_shared>>
      %dma_wait3A_14 = arith.constant 0 : i32
      %dma_wait3A_15 = tpu.memref_slice %arg3[%mul3A_4, %dma_wait3A_14] : memref<2048x512xf32, #tpu.memory_space<hbm>> -> memref<128x512xf32, #tpu.memory_space<hbm>>
      tpu.wait_dma2 semaphore(%run_scoped3A : memref<!tpu.dma_semaphore, #tpu.memory_space<semaphore_mem>>) src(%dma_wait3A_15 : memref<128x512xf32, #tpu.memory_space<hbm>>) dst(%dma_wait3A_13 : memref<128x512xf32, #tpu.memory_space<vmem_shared>>)
      tpu.yield
    }) : () -> ()
    %barrier3A = arith.constant 0 : index
    tpu.barrier barrier_id(%barrier3A)
    %scan3A = arith.constant 0 : i32
    %scan3A_5 = arith.constant 0 : i32
    %scan3A_6 = arith.constant 8 : i32
    %scan3A_7 = arith.addi %scan3A_5, %scan3A_6 : i32
    %scan3A_8 = arith.constant 1 : i32
    scf.for %scan3A_10 = %scan3A_5 to %scan3A_7 step %scan3A_8  : i32 {
      %mul3A_11 = arith.constant 96 : i32
      %mul3A_12 = arith.muli %scan3A_10, %mul3A_11 : i32
      %multiple_of3A = tpu.assume_multiple %mul3A_12, 24 : i32
      %add3A_13 = arith.addi %mul3A_2, %multiple_of3A : i32
      "tpu.region"() ({
        %run_scoped3A = tpu.sem_alloc : memref<!tpu.dma_semaphore, #tpu.memory_space<semaphore_mem>>
        %dma_start3A_98 = tpu.memref_slice %arg2[%add3A_13] : memref<24576xi32, #tpu.memory_space<hbm>> -> memref<96xi32, #tpu.memory_space<hbm>>
        %dma_start3A_99 = tpu.memref_slice %arg2[%add3A_13] : memref<24576xi32, #tpu.memory_space<hbm>> -> memref<96xi32, #tpu.memory_space<hbm>>
        tpu.enqueue_dma source(%dma_start3A_99 : memref<96xi32, #tpu.memory_space<hbm>>) target(%arg5 : memref<96xi32, #tpu.memory_space<vmem>>) target_semaphore(%run_scoped3A : memref<!tpu.dma_semaphore, #tpu.memory_space<semaphore_mem>>)
        %dma_wait3A_100 = tpu.memref_slice %arg2[%add3A_13] : memref<24576xi32, #tpu.memory_space<hbm>> -> memref<96xi32, #tpu.memory_space<hbm>>
        %dma_wait3A_101 = tpu.memref_slice %arg2[%add3A_13] : memref<24576xi32, #tpu.memory_space<hbm>> -> memref<96xi32, #tpu.memory_space<hbm>>
        tpu.wait_dma2 semaphore(%run_scoped3A : memref<!tpu.dma_semaphore, #tpu.memory_space<semaphore_mem>>) src(%dma_wait3A_101 : memref<96xi32, #tpu.memory_space<hbm>>) dst(%arg5 : memref<96xi32, #tpu.memory_space<vmem>>)
        tpu.yield
      }) : () -> ()
      %dma_start3A = arith.constant 0 : i32
      %dma_start3A_14 = arith.constant 0 : i32
      %dma_start3A_15 = tpu.memref_slice %arg8[%dma_start3A, %dma_start3A_14] : memref<2048x512xf32, #tpu.memory_space<vmem_shared>> -> memref<2048x512xf32, #tpu.memory_space<vmem_shared>>
      tpu.enqueue_indirect_dma source(%dma_start3A_15 : memref<2048x512xf32, #tpu.memory_space<vmem_shared>>) target(%arg6 : memref<96x512xf32, #tpu.memory_space<vmem>>) offsets(%arg5 : memref<96xi32, #tpu.memory_space<vmem>>) semaphore(%arg7 : memref<!tpu.dma_semaphore, #tpu.memory_space<semaphore_mem>>)
      %dma_wait3A = arith.constant 0 : i32
      %dma_wait3A_16 = arith.constant 0 : i32
      %dma_wait3A_17 = tpu.memref_slice %arg8[%dma_wait3A, %dma_wait3A_16] : memref<2048x512xf32, #tpu.memory_space<vmem_shared>> -> memref<2048x512xf32, #tpu.memory_space<vmem_shared>>
      tpu.wait_indirect_dma semaphore(%arg7 : memref<!tpu.dma_semaphore, #tpu.memory_space<semaphore_mem>>) src(%dma_wait3A_17 : memref<2048x512xf32, #tpu.memory_space<vmem_shared>>) dst(%arg6 : memref<96x512xf32, #tpu.memory_space<vmem>>)
      %jit3A = arith.constant 6 : i32
      %div3A = arith.divsi %add3A_13, %jit3A : i32
      %sign3A = arith.constant 0 : i32
      %sign3A_18 = arith.cmpi sgt, %add3A_13, %sign3A : i32
      %sign3A_19 = arith.extui %sign3A_18 : i1 to i32
      %sign3A_20 = arith.constant 0 : i32
      %sign3A_21 = arith.cmpi slt, %add3A_13, %sign3A_20 : i32
      %sign3A_22 = arith.extui %sign3A_21 : i1 to i32
      %sign3A_23 = arith.subi %sign3A_19, %sign3A_22 : i32
      %sign3A_24 = arith.constant 0 : i32
      %sign3A_25 = arith.cmpi sgt, %jit3A, %sign3A_24 : i32
      %sign3A_26 = arith.extui %sign3A_25 : i1 to i32
      %sign3A_27 = arith.constant 0 : i32
      %sign3A_28 = arith.cmpi slt, %jit3A, %sign3A_27 : i32
      %sign3A_29 = arith.extui %sign3A_28 : i1 to i32
      %sign3A_30 = arith.subi %sign3A_26, %sign3A_29 : i32
      %ne3A = arith.cmpi ne, %sign3A_23, %sign3A_30 : i32
      %rem3A = arith.remsi %add3A_13, %jit3A : i32
      %ne3A_31 = arith.constant 0 : i32
      %ne3A_32 = arith.cmpi ne, %rem3A, %ne3A_31 : i32
      %and3A = arith.andi %ne3A, %ne3A_32 : i1
      %sub3A = arith.constant 1 : i32
      %sub3A_33 = arith.subi %div3A, %sub3A : i32
      %select_n3A = arith.select %and3A, %sub3A_33, %div3A : i32
      %add3A_34 = arith.constant 0 : i32
      %add3A_35 = arith.addi %select_n3A, %add3A_34 : i32
      %mul3A_36 = arith.constant 8 : i32
      %mul3A_37 = arith.muli %mul3A_36, %add3A_35 : i32
      "tpu.region"() ({
        %run_scoped3A = tpu.sem_alloc : memref<!tpu.dma_semaphore, #tpu.memory_space<semaphore_mem>>
        %dma_start3A_98 = arith.constant 0 : i32
        %dma_start3A_99 = arith.constant 0 : i32
        %dma_start3A_100 = tpu.memref_slice %arg6[%dma_start3A_98, %dma_start3A_99] : memref<96x512xf32, #tpu.memory_space<vmem>> -> memref<6x512xf32, #tpu.memory_space<vmem>>
        %dma_start3A_101 = arith.constant 0 : i32
        %dma_start3A_102 = tpu.memref_slice %arg4[%mul3A_37, %dma_start3A_101] : memref<32768x512xf32, #tpu.memory_space<hbm>> -> memref<6x512xf32, #tpu.memory_space<hbm>>
        %dma_start3A_103 = arith.constant 0 : i32
        %dma_start3A_104 = tpu.memref_slice %arg4[%mul3A_37, %dma_start3A_103] : memref<32768x512xf32, #tpu.memory_space<hbm>> -> memref<6x512xf32, #tpu.memory_space<hbm>>
        %dma_start3A_105 = arith.constant 0 : i32
        %dma_start3A_106 = arith.constant 0 : i32
        %dma_start3A_107 = tpu.memref_slice %arg6[%dma_start3A_105, %dma_start3A_106] : memref<96x512xf32, #tpu.memory_space<vmem>> -> memref<6x512xf32, #tpu.memory_space<vmem>>
        tpu.enqueue_dma source(%dma_start3A_107 : memref<6x512xf32, #tpu.memory_space<vmem>>) target(%dma_start3A_104 : memref<6x512xf32, #tpu.memory_space<hbm>>) target_semaphore(%run_scoped3A : memref<!tpu.dma_semaphore, #tpu.memory_space<semaphore_mem>>)
        %dma_wait3A_108 = arith.constant 0 : i32
        %dma_wait3A_109 = arith.constant 0 : i32
        %dma_wait3A_110 = tpu.memref_slice %arg6[%dma_wait3A_108, %dma_wait3A_109] : memref<96x512xf32, #tpu.memory_space<vmem>> -> memref<6x512xf32, #tpu.memory_space<vmem>>
        %dma_wait3A_111 = arith.constant 0 : i32
        %dma_wait3A_112 = tpu.memref_slice %arg4[%mul3A_37, %dma_wait3A_111] : memref<32768x512xf32, #tpu.memory_space<hbm>> -> memref<6x512xf32, #tpu.memory_space<hbm>>
        %dma_wait3A_113 = arith.constant 0 : i32
        %dma_wait3A_114 = tpu.memref_slice %arg4[%mul3A_37, %dma_wait3A_113] : memref<32768x512xf32, #tpu.memory_space<hbm>> -> memref<6x512xf32, #tpu.memory_space<hbm>>
        %dma_wait3A_115 = arith.constant 0 : i32
        %dma_wait3A_116 = arith.constant 0 : i32
        %dma_wait3A_117 = tpu.memref_slice %arg6[%dma_wait3A_115, %dma_wait3A_116] : memref<96x512xf32, #tpu.memory_space<vmem>> -> memref<6x512xf32, #tpu.memory_space<vmem>>
        tpu.wait_dma2 semaphore(%run_scoped3A : memref<!tpu.dma_semaphore, #tpu.memory_space<semaphore_mem>>) src(%dma_wait3A_117 : memref<6x512xf32, #tpu.memory_space<vmem>>) dst(%dma_wait3A_114 : memref<6x512xf32, #tpu.memory_space<hbm>>)
        tpu.yield
      }) : () -> ()
      %add3A_38 = arith.constant 1 : i32
      %add3A_39 = arith.addi %select_n3A, %add3A_38 : i32
      %mul3A_40 = arith.constant 8 : i32
      %mul3A_41 = arith.muli %mul3A_40, %add3A_39 : i32
      "tpu.region"() ({
        %run_scoped3A = tpu.sem_alloc : memref<!tpu.dma_semaphore, #tpu.memory_space<semaphore_mem>>
        %dma_start3A_98 = arith.constant 6 : i32
        %dma_start3A_99 = arith.constant 0 : i32
        %dma_start3A_100 = tpu.memref_slice %arg6[%dma_start3A_98, %dma_start3A_99] : memref<96x512xf32, #tpu.memory_space<vmem>> -> memref<6x512xf32, #tpu.memory_space<vmem>>
        %dma_start3A_101 = arith.constant 0 : i32
        %dma_start3A_102 = tpu.memref_slice %arg4[%mul3A_41, %dma_start3A_101] : memref<32768x512xf32, #tpu.memory_space<hbm>> -> memref<6x512xf32, #tpu.memory_space<hbm>>
        %dma_start3A_103 = arith.constant 0 : i32
        %dma_start3A_104 = tpu.memref_slice %arg4[%mul3A_41, %dma_start3A_103] : memref<32768x512xf32, #tpu.memory_space<hbm>> -> memref<6x512xf32, #tpu.memory_space<hbm>>
        %dma_start3A_105 = arith.constant 6 : i32
        %dma_start3A_106 = arith.constant 0 : i32
        %dma_start3A_107 = tpu.memref_slice %arg6[%dma_start3A_105, %dma_start3A_106] : memref<96x512xf32, #tpu.memory_space<vmem>> -> memref<6x512xf32, #tpu.memory_space<vmem>>
        tpu.enqueue_dma source(%dma_start3A_107 : memref<6x512xf32, #tpu.memory_space<vmem>>) target(%dma_start3A_104 : memref<6x512xf32, #tpu.memory_space<hbm>>) target_semaphore(%run_scoped3A : memref<!tpu.dma_semaphore, #tpu.memory_space<semaphore_mem>>)
        %dma_wait3A_108 = arith.constant 6 : i32
        %dma_wait3A_109 = arith.constant 0 : i32
        %dma_wait3A_110 = tpu.memref_slice %arg6[%dma_wait3A_108, %dma_wait3A_109] : memref<96x512xf32, #tpu.memory_space<vmem>> -> memref<6x512xf32, #tpu.memory_space<vmem>>
        %dma_wait3A_111 = arith.constant 0 : i32
        %dma_wait3A_112 = tpu.memref_slice %arg4[%mul3A_41, %dma_wait3A_111] : memref<32768x512xf32, #tpu.memory_space<hbm>> -> memref<6x512xf32, #tpu.memory_space<hbm>>
        %dma_wait3A_113 = arith.constant 0 : i32
        %dma_wait3A_114 = tpu.memref_slice %arg4[%mul3A_41, %dma_wait3A_113] : memref<32768x512xf32, #tpu.memory_space<hbm>> -> memref<6x512xf32, #tpu.memory_space<hbm>>
        %dma_wait3A_115 = arith.constant 6 : i32
        %dma_wait3A_116 = arith.constant 0 : i32
        %dma_wait3A_117 = tpu.memref_slice %arg6[%dma_wait3A_115, %dma_wait3A_116] : memref<96x512xf32, #tpu.memory_space<vmem>> -> memref<6x512xf32, #tpu.memory_space<vmem>>
        tpu.wait_dma2 semaphore(%run_scoped3A : memref<!tpu.dma_semaphore, #tpu.memory_space<semaphore_mem>>) src(%dma_wait3A_117 : memref<6x512xf32, #tpu.memory_space<vmem>>) dst(%dma_wait3A_114 : memref<6x512xf32, #tpu.memory_space<hbm>>)
        tpu.yield
      }) : () -> ()
      %add3A_42 = arith.constant 2 : i32
      %add3A_43 = arith.addi %select_n3A, %add3A_42 : i32
      %mul3A_44 = arith.constant 8 : i32
      %mul3A_45 = arith.muli %mul3A_44, %add3A_43 : i32
      "tpu.region"() ({
        %run_scoped3A = tpu.sem_alloc : memref<!tpu.dma_semaphore, #tpu.memory_space<semaphore_mem>>
        %dma_start3A_98 = arith.constant 12 : i32
        %dma_start3A_99 = arith.constant 0 : i32
        %dma_start3A_100 = tpu.memref_slice %arg6[%dma_start3A_98, %dma_start3A_99] : memref<96x512xf32, #tpu.memory_space<vmem>> -> memref<6x512xf32, #tpu.memory_space<vmem>>
        %dma_start3A_101 = arith.constant 0 : i32
        %dma_start3A_102 = tpu.memref_slice %arg4[%mul3A_45, %dma_start3A_101] : memref<32768x512xf32, #tpu.memory_space<hbm>> -> memref<6x512xf32, #tpu.memory_space<hbm>>
        %dma_start3A_103 = arith.constant 0 : i32
        %dma_start3A_104 = tpu.memref_slice %arg4[%mul3A_45, %dma_start3A_103] : memref<32768x512xf32, #tpu.memory_space<hbm>> -> memref<6x512xf32, #tpu.memory_space<hbm>>
        %dma_start3A_105 = arith.constant 12 : i32
        %dma_start3A_106 = arith.constant 0 : i32
        %dma_start3A_107 = tpu.memref_slice %arg6[%dma_start3A_105, %dma_start3A_106] : memref<96x512xf32, #tpu.memory_space<vmem>> -> memref<6x512xf32, #tpu.memory_space<vmem>>
        tpu.enqueue_dma source(%dma_start3A_107 : memref<6x512xf32, #tpu.memory_space<vmem>>) target(%dma_start3A_104 : memref<6x512xf32, #tpu.memory_space<hbm>>) target_semaphore(%run_scoped3A : memref<!tpu.dma_semaphore, #tpu.memory_space<semaphore_mem>>)
        %dma_wait3A_108 = arith.constant 12 : i32
        %dma_wait3A_109 = arith.constant 0 : i32
        %dma_wait3A_110 = tpu.memref_slice %arg6[%dma_wait3A_108, %dma_wait3A_109] : memref<96x512xf32, #tpu.memory_space<vmem>> -> memref<6x512xf32, #tpu.memory_space<vmem>>
        %dma_wait3A_111 = arith.constant 0 : i32
        %dma_wait3A_112 = tpu.memref_slice %arg4[%mul3A_45, %dma_wait3A_111] : memref<32768x512xf32, #tpu.memory_space<hbm>> -> memref<6x512xf32, #tpu.memory_space<hbm>>
        %dma_wait3A_113 = arith.constant 0 : i32
        %dma_wait3A_114 = tpu.memref_slice %arg4[%mul3A_45, %dma_wait3A_113] : memref<32768x512xf32, #tpu.memory_space<hbm>> -> memref<6x512xf32, #tpu.memory_space<hbm>>
        %dma_wait3A_115 = arith.constant 12 : i32
        %dma_wait3A_116 = arith.constant 0 : i32
        %dma_wait3A_117 = tpu.memref_slice %arg6[%dma_wait3A_115, %dma_wait3A_116] : memref<96x512xf32, #tpu.memory_space<vmem>> -> memref<6x512xf32, #tpu.memory_space<vmem>>
        tpu.wait_dma2 semaphore(%run_scoped3A : memref<!tpu.dma_semaphore, #tpu.memory_space<semaphore_mem>>) src(%dma_wait3A_117 : memref<6x512xf32, #tpu.memory_space<vmem>>) dst(%dma_wait3A_114 : memref<6x512xf32, #tpu.memory_space<hbm>>)
        tpu.yield
      }) : () -> ()
      %add3A_46 = arith.constant 3 : i32
      %add3A_47 = arith.addi %select_n3A, %add3A_46 : i32
      %mul3A_48 = arith.constant 8 : i32
      %mul3A_49 = arith.muli %mul3A_48, %add3A_47 : i32
      "tpu.region"() ({
        %run_scoped3A = tpu.sem_alloc : memref<!tpu.dma_semaphore, #tpu.memory_space<semaphore_mem>>
        %dma_start3A_98 = arith.constant 18 : i32
        %dma_start3A_99 = arith.constant 0 : i32
        %dma_start3A_100 = tpu.memref_slice %arg6[%dma_start3A_98, %dma_start3A_99] : memref<96x512xf32, #tpu.memory_space<vmem>> -> memref<6x512xf32, #tpu.memory_space<vmem>>
        %dma_start3A_101 = arith.constant 0 : i32
        %dma_start3A_102 = tpu.memref_slice %arg4[%mul3A_49, %dma_start3A_101] : memref<32768x512xf32, #tpu.memory_space<hbm>> -> memref<6x512xf32, #tpu.memory_space<hbm>>
        %dma_start3A_103 = arith.constant 0 : i32
        %dma_start3A_104 = tpu.memref_slice %arg4[%mul3A_49, %dma_start3A_103] : memref<32768x512xf32, #tpu.memory_space<hbm>> -> memref<6x512xf32, #tpu.memory_space<hbm>>
        %dma_start3A_105 = arith.constant 18 : i32
        %dma_start3A_106 = arith.constant 0 : i32
        %dma_start3A_107 = tpu.memref_slice %arg6[%dma_start3A_105, %dma_start3A_106] : memref<96x512xf32, #tpu.memory_space<vmem>> -> memref<6x512xf32, #tpu.memory_space<vmem>>
        tpu.enqueue_dma source(%dma_start3A_107 : memref<6x512xf32, #tpu.memory_space<vmem>>) target(%dma_start3A_104 : memref<6x512xf32, #tpu.memory_space<hbm>>) target_semaphore(%run_scoped3A : memref<!tpu.dma_semaphore, #tpu.memory_space<semaphore_mem>>)
        %dma_wait3A_108 = arith.constant 18 : i32
        %dma_wait3A_109 = arith.constant 0 : i32
        %dma_wait3A_110 = tpu.memref_slice %arg6[%dma_wait3A_108, %dma_wait3A_109] : memref<96x512xf32, #tpu.memory_space<vmem>> -> memref<6x512xf32, #tpu.memory_space<vmem>>
        %dma_wait3A_111 = arith.constant 0 : i32
        %dma_wait3A_112 = tpu.memref_slice %arg4[%mul3A_49, %dma_wait3A_111] : memref<32768x512xf32, #tpu.memory_space<hbm>> -> memref<6x512xf32, #tpu.memory_space<hbm>>
        %dma_wait3A_113 = arith.constant 0 : i32
        %dma_wait3A_114 = tpu.memref_slice %arg4[%mul3A_49, %dma_wait3A_113] : memref<32768x512xf32, #tpu.memory_space<hbm>> -> memref<6x512xf32, #tpu.memory_space<hbm>>
        %dma_wait3A_115 = arith.constant 18 : i32
        %dma_wait3A_116 = arith.constant 0 : i32
        %dma_wait3A_117 = tpu.memref_slice %arg6[%dma_wait3A_115, %dma_wait3A_116] : memref<96x512xf32, #tpu.memory_space<vmem>> -> memref<6x512xf32, #tpu.memory_space<vmem>>
        tpu.wait_dma2 semaphore(%run_scoped3A : memref<!tpu.dma_semaphore, #tpu.memory_space<semaphore_mem>>) src(%dma_wait3A_117 : memref<6x512xf32, #tpu.memory_space<vmem>>) dst(%dma_wait3A_114 : memref<6x512xf32, #tpu.memory_space<hbm>>)
        tpu.yield
      }) : () -> ()
      %add3A_50 = arith.constant 4 : i32
      %add3A_51 = arith.addi %select_n3A, %add3A_50 : i32
      %mul3A_52 = arith.constant 8 : i32
      %mul3A_53 = arith.muli %mul3A_52, %add3A_51 : i32
      "tpu.region"() ({
        %run_scoped3A = tpu.sem_alloc : memref<!tpu.dma_semaphore, #tpu.memory_space<semaphore_mem>>
        %dma_start3A_98 = arith.constant 24 : i32
        %dma_start3A_99 = arith.constant 0 : i32
        %dma_start3A_100 = tpu.memref_slice %arg6[%dma_start3A_98, %dma_start3A_99] : memref<96x512xf32, #tpu.memory_space<vmem>> -> memref<6x512xf32, #tpu.memory_space<vmem>>
        %dma_start3A_101 = arith.constant 0 : i32
        %dma_start3A_102 = tpu.memref_slice %arg4[%mul3A_53, %dma_start3A_101] : memref<32768x512xf32, #tpu.memory_space<hbm>> -> memref<6x512xf32, #tpu.memory_space<hbm>>
        %dma_start3A_103 = arith.constant 0 : i32
        %dma_start3A_104 = tpu.memref_slice %arg4[%mul3A_53, %dma_start3A_103] : memref<32768x512xf32, #tpu.memory_space<hbm>> -> memref<6x512xf32, #tpu.memory_space<hbm>>
        %dma_start3A_105 = arith.constant 24 : i32
        %dma_start3A_106 = arith.constant 0 : i32
        %dma_start3A_107 = tpu.memref_slice %arg6[%dma_start3A_105, %dma_start3A_106] : memref<96x512xf32, #tpu.memory_space<vmem>> -> memref<6x512xf32, #tpu.memory_space<vmem>>
        tpu.enqueue_dma source(%dma_start3A_107 : memref<6x512xf32, #tpu.memory_space<vmem>>) target(%dma_start3A_104 : memref<6x512xf32, #tpu.memory_space<hbm>>) target_semaphore(%run_scoped3A : memref<!tpu.dma_semaphore, #tpu.memory_space<semaphore_mem>>)
        %dma_wait3A_108 = arith.constant 24 : i32
        %dma_wait3A_109 = arith.constant 0 : i32
        %dma_wait3A_110 = tpu.memref_slice %arg6[%dma_wait3A_108, %dma_wait3A_109] : memref<96x512xf32, #tpu.memory_space<vmem>> -> memref<6x512xf32, #tpu.memory_space<vmem>>
        %dma_wait3A_111 = arith.constant 0 : i32
        %dma_wait3A_112 = tpu.memref_slice %arg4[%mul3A_53, %dma_wait3A_111] : memref<32768x512xf32, #tpu.memory_space<hbm>> -> memref<6x512xf32, #tpu.memory_space<hbm>>
        %dma_wait3A_113 = arith.constant 0 : i32
        %dma_wait3A_114 = tpu.memref_slice %arg4[%mul3A_53, %dma_wait3A_113] : memref<32768x512xf32, #tpu.memory_space<hbm>> -> memref<6x512xf32, #tpu.memory_space<hbm>>
        %dma_wait3A_115 = arith.constant 24 : i32
        %dma_wait3A_116 = arith.constant 0 : i32
        %dma_wait3A_117 = tpu.memref_slice %arg6[%dma_wait3A_115, %dma_wait3A_116] : memref<96x512xf32, #tpu.memory_space<vmem>> -> memref<6x512xf32, #tpu.memory_space<vmem>>
        tpu.wait_dma2 semaphore(%run_scoped3A : memref<!tpu.dma_semaphore, #tpu.memory_space<semaphore_mem>>) src(%dma_wait3A_117 : memref<6x512xf32, #tpu.memory_space<vmem>>) dst(%dma_wait3A_114 : memref<6x512xf32, #tpu.memory_space<hbm>>)
        tpu.yield
      }) : () -> ()
      %add3A_54 = arith.constant 5 : i32
      %add3A_55 = arith.addi %select_n3A, %add3A_54 : i32
      %mul3A_56 = arith.constant 8 : i32
      %mul3A_57 = arith.muli %mul3A_56, %add3A_55 : i32
      "tpu.region"() ({
        %run_scoped3A = tpu.sem_alloc : memref<!tpu.dma_semaphore, #tpu.memory_space<semaphore_mem>>
        %dma_start3A_98 = arith.constant 30 : i32
        %dma_start3A_99 = arith.constant 0 : i32
        %dma_start3A_100 = tpu.memref_slice %arg6[%dma_start3A_98, %dma_start3A_99] : memref<96x512xf32, #tpu.memory_space<vmem>> -> memref<6x512xf32, #tpu.memory_space<vmem>>
        %dma_start3A_101 = arith.constant 0 : i32
        %dma_start3A_102 = tpu.memref_slice %arg4[%mul3A_57, %dma_start3A_101] : memref<32768x512xf32, #tpu.memory_space<hbm>> -> memref<6x512xf32, #tpu.memory_space<hbm>>
        %dma_start3A_103 = arith.constant 0 : i32
        %dma_start3A_104 = tpu.memref_slice %arg4[%mul3A_57, %dma_start3A_103] : memref<32768x512xf32, #tpu.memory_space<hbm>> -> memref<6x512xf32, #tpu.memory_space<hbm>>
        %dma_start3A_105 = arith.constant 30 : i32
        %dma_start3A_106 = arith.constant 0 : i32
        %dma_start3A_107 = tpu.memref_slice %arg6[%dma_start3A_105, %dma_start3A_106] : memref<96x512xf32, #tpu.memory_space<vmem>> -> memref<6x512xf32, #tpu.memory_space<vmem>>
        tpu.enqueue_dma source(%dma_start3A_107 : memref<6x512xf32, #tpu.memory_space<vmem>>) target(%dma_start3A_104 : memref<6x512xf32, #tpu.memory_space<hbm>>) target_semaphore(%run_scoped3A : memref<!tpu.dma_semaphore, #tpu.memory_space<semaphore_mem>>)
        %dma_wait3A_108 = arith.constant 30 : i32
        %dma_wait3A_109 = arith.constant 0 : i32
        %dma_wait3A_110 = tpu.memref_slice %arg6[%dma_wait3A_108, %dma_wait3A_109] : memref<96x512xf32, #tpu.memory_space<vmem>> -> memref<6x512xf32, #tpu.memory_space<vmem>>
        %dma_wait3A_111 = arith.constant 0 : i32
        %dma_wait3A_112 = tpu.memref_slice %arg4[%mul3A_57, %dma_wait3A_111] : memref<32768x512xf32, #tpu.memory_space<hbm>> -> memref<6x512xf32, #tpu.memory_space<hbm>>
        %dma_wait3A_113 = arith.constant 0 : i32
        %dma_wait3A_114 = tpu.memref_slice %arg4[%mul3A_57, %dma_wait3A_113] : memref<32768x512xf32, #tpu.memory_space<hbm>> -> memref<6x512xf32, #tpu.memory_space<hbm>>
        %dma_wait3A_115 = arith.constant 30 : i32
        %dma_wait3A_116 = arith.constant 0 : i32
        %dma_wait3A_117 = tpu.memref_slice %arg6[%dma_wait3A_115, %dma_wait3A_116] : memref<96x512xf32, #tpu.memory_space<vmem>> -> memref<6x512xf32, #tpu.memory_space<vmem>>
        tpu.wait_dma2 semaphore(%run_scoped3A : memref<!tpu.dma_semaphore, #tpu.memory_space<semaphore_mem>>) src(%dma_wait3A_117 : memref<6x512xf32, #tpu.memory_space<vmem>>) dst(%dma_wait3A_114 : memref<6x512xf32, #tpu.memory_space<hbm>>)
        tpu.yield
      }) : () -> ()
      %add3A_58 = arith.constant 6 : i32
      %add3A_59 = arith.addi %select_n3A, %add3A_58 : i32
      %mul3A_60 = arith.constant 8 : i32
      %mul3A_61 = arith.muli %mul3A_60, %add3A_59 : i32
      "tpu.region"() ({
        %run_scoped3A = tpu.sem_alloc : memref<!tpu.dma_semaphore, #tpu.memory_space<semaphore_mem>>
        %dma_start3A_98 = arith.constant 36 : i32
        %dma_start3A_99 = arith.constant 0 : i32
        %dma_start3A_100 = tpu.memref_slice %arg6[%dma_start3A_98, %dma_start3A_99] : memref<96x512xf32, #tpu.memory_space<vmem>> -> memref<6x512xf32, #tpu.memory_space<vmem>>
        %dma_start3A_101 = arith.constant 0 : i32
        %dma_start3A_102 = tpu.memref_slice %arg4[%mul3A_61, %dma_start3A_101] : memref<32768x512xf32, #tpu.memory_space<hbm>> -> memref<6x512xf32, #tpu.memory_space<hbm>>
        %dma_start3A_103 = arith.constant 0 : i32
        %dma_start3A_104 = tpu.memref_slice %arg4[%mul3A_61, %dma_start3A_103] : memref<32768x512xf32, #tpu.memory_space<hbm>> -> memref<6x512xf32, #tpu.memory_space<hbm>>
        %dma_start3A_105 = arith.constant 36 : i32
        %dma_start3A_106 = arith.constant 0 : i32
        %dma_start3A_107 = tpu.memref_slice %arg6[%dma_start3A_105, %dma_start3A_106] : memref<96x512xf32, #tpu.memory_space<vmem>> -> memref<6x512xf32, #tpu.memory_space<vmem>>
        tpu.enqueue_dma source(%dma_start3A_107 : memref<6x512xf32, #tpu.memory_space<vmem>>) target(%dma_start3A_104 : memref<6x512xf32, #tpu.memory_space<hbm>>) target_semaphore(%run_scoped3A : memref<!tpu.dma_semaphore, #tpu.memory_space<semaphore_mem>>)
        %dma_wait3A_108 = arith.constant 36 : i32
        %dma_wait3A_109 = arith.constant 0 : i32
        %dma_wait3A_110 = tpu.memref_slice %arg6[%dma_wait3A_108, %dma_wait3A_109] : memref<96x512xf32, #tpu.memory_space<vmem>> -> memref<6x512xf32, #tpu.memory_space<vmem>>
        %dma_wait3A_111 = arith.constant 0 : i32
        %dma_wait3A_112 = tpu.memref_slice %arg4[%mul3A_61, %dma_wait3A_111] : memref<32768x512xf32, #tpu.memory_space<hbm>> -> memref<6x512xf32, #tpu.memory_space<hbm>>
        %dma_wait3A_113 = arith.constant 0 : i32
        %dma_wait3A_114 = tpu.memref_slice %arg4[%mul3A_61, %dma_wait3A_113] : memref<32768x512xf32, #tpu.memory_space<hbm>> -> memref<6x512xf32, #tpu.memory_space<hbm>>
        %dma_wait3A_115 = arith.constant 36 : i32
        %dma_wait3A_116 = arith.constant 0 : i32
        %dma_wait3A_117 = tpu.memref_slice %arg6[%dma_wait3A_115, %dma_wait3A_116] : memref<96x512xf32, #tpu.memory_space<vmem>> -> memref<6x512xf32, #tpu.memory_space<vmem>>
        tpu.wait_dma2 semaphore(%run_scoped3A : memref<!tpu.dma_semaphore, #tpu.memory_space<semaphore_mem>>) src(%dma_wait3A_117 : memref<6x512xf32, #tpu.memory_space<vmem>>) dst(%dma_wait3A_114 : memref<6x512xf32, #tpu.memory_space<hbm>>)
        tpu.yield
      }) : () -> ()
      %add3A_62 = arith.constant 7 : i32
      %add3A_63 = arith.addi %select_n3A, %add3A_62 : i32
      %mul3A_64 = arith.constant 8 : i32
      %mul3A_65 = arith.muli %mul3A_64, %add3A_63 : i32
      "tpu.region"() ({
        %run_scoped3A = tpu.sem_alloc : memref<!tpu.dma_semaphore, #tpu.memory_space<semaphore_mem>>
        %dma_start3A_98 = arith.constant 42 : i32
        %dma_start3A_99 = arith.constant 0 : i32
        %dma_start3A_100 = tpu.memref_slice %arg6[%dma_start3A_98, %dma_start3A_99] : memref<96x512xf32, #tpu.memory_space<vmem>> -> memref<6x512xf32, #tpu.memory_space<vmem>>
        %dma_start3A_101 = arith.constant 0 : i32
        %dma_start3A_102 = tpu.memref_slice %arg4[%mul3A_65, %dma_start3A_101] : memref<32768x512xf32, #tpu.memory_space<hbm>> -> memref<6x512xf32, #tpu.memory_space<hbm>>
        %dma_start3A_103 = arith.constant 0 : i32
        %dma_start3A_104 = tpu.memref_slice %arg4[%mul3A_65, %dma_start3A_103] : memref<32768x512xf32, #tpu.memory_space<hbm>> -> memref<6x512xf32, #tpu.memory_space<hbm>>
        %dma_start3A_105 = arith.constant 42 : i32
        %dma_start3A_106 = arith.constant 0 : i32
        %dma_start3A_107 = tpu.memref_slice %arg6[%dma_start3A_105, %dma_start3A_106] : memref<96x512xf32, #tpu.memory_space<vmem>> -> memref<6x512xf32, #tpu.memory_space<vmem>>
        tpu.enqueue_dma source(%dma_start3A_107 : memref<6x512xf32, #tpu.memory_space<vmem>>) target(%dma_start3A_104 : memref<6x512xf32, #tpu.memory_space<hbm>>) target_semaphore(%run_scoped3A : memref<!tpu.dma_semaphore, #tpu.memory_space<semaphore_mem>>)
        %dma_wait3A_108 = arith.constant 42 : i32
        %dma_wait3A_109 = arith.constant 0 : i32
        %dma_wait3A_110 = tpu.memref_slice %arg6[%dma_wait3A_108, %dma_wait3A_109] : memref<96x512xf32, #tpu.memory_space<vmem>> -> memref<6x512xf32, #tpu.memory_space<vmem>>
        %dma_wait3A_111 = arith.constant 0 : i32
        %dma_wait3A_112 = tpu.memref_slice %arg4[%mul3A_65, %dma_wait3A_111] : memref<32768x512xf32, #tpu.memory_space<hbm>> -> memref<6x512xf32, #tpu.memory_space<hbm>>
        %dma_wait3A_113 = arith.constant 0 : i32
        %dma_wait3A_114 = tpu.memref_slice %arg4[%mul3A_65, %dma_wait3A_113] : memref<32768x512xf32, #tpu.memory_space<hbm>> -> memref<6x512xf32, #tpu.memory_space<hbm>>
        %dma_wait3A_115 = arith.constant 42 : i32
        %dma_wait3A_116 = arith.constant 0 : i32
        %dma_wait3A_117 = tpu.memref_slice %arg6[%dma_wait3A_115, %dma_wait3A_116] : memref<96x512xf32, #tpu.memory_space<vmem>> -> memref<6x512xf32, #tpu.memory_space<vmem>>
        tpu.wait_dma2 semaphore(%run_scoped3A : memref<!tpu.dma_semaphore, #tpu.memory_space<semaphore_mem>>) src(%dma_wait3A_117 : memref<6x512xf32, #tpu.memory_space<vmem>>) dst(%dma_wait3A_114 : memref<6x512xf32, #tpu.memory_space<hbm>>)
        tpu.yield
      }) : () -> ()
      %add3A_66 = arith.constant 8 : i32
      %add3A_67 = arith.addi %select_n3A, %add3A_66 : i32
      %mul3A_68 = arith.constant 8 : i32
      %mul3A_69 = arith.muli %mul3A_68, %add3A_67 : i32
      "tpu.region"() ({
        %run_scoped3A = tpu.sem_alloc : memref<!tpu.dma_semaphore, #tpu.memory_space<semaphore_mem>>
        %dma_start3A_98 = arith.constant 48 : i32
        %dma_start3A_99 = arith.constant 0 : i32
        %dma_start3A_100 = tpu.memref_slice %arg6[%dma_start3A_98, %dma_start3A_99] : memref<96x512xf32, #tpu.memory_space<vmem>> -> memref<6x512xf32, #tpu.memory_space<vmem>>
        %dma_start3A_101 = arith.constant 0 : i32
        %dma_start3A_102 = tpu.memref_slice %arg4[%mul3A_69, %dma_start3A_101] : memref<32768x512xf32, #tpu.memory_space<hbm>> -> memref<6x512xf32, #tpu.memory_space<hbm>>
        %dma_start3A_103 = arith.constant 0 : i32
        %dma_start3A_104 = tpu.memref_slice %arg4[%mul3A_69, %dma_start3A_103] : memref<32768x512xf32, #tpu.memory_space<hbm>> -> memref<6x512xf32, #tpu.memory_space<hbm>>
        %dma_start3A_105 = arith.constant 48 : i32
        %dma_start3A_106 = arith.constant 0 : i32
        %dma_start3A_107 = tpu.memref_slice %arg6[%dma_start3A_105, %dma_start3A_106] : memref<96x512xf32, #tpu.memory_space<vmem>> -> memref<6x512xf32, #tpu.memory_space<vmem>>
        tpu.enqueue_dma source(%dma_start3A_107 : memref<6x512xf32, #tpu.memory_space<vmem>>) target(%dma_start3A_104 : memref<6x512xf32, #tpu.memory_space<hbm>>) target_semaphore(%run_scoped3A : memref<!tpu.dma_semaphore, #tpu.memory_space<semaphore_mem>>)
        %dma_wait3A_108 = arith.constant 48 : i32
        %dma_wait3A_109 = arith.constant 0 : i32
        %dma_wait3A_110 = tpu.memref_slice %arg6[%dma_wait3A_108, %dma_wait3A_109] : memref<96x512xf32, #tpu.memory_space<vmem>> -> memref<6x512xf32, #tpu.memory_space<vmem>>
        %dma_wait3A_111 = arith.constant 0 : i32
        %dma_wait3A_112 = tpu.memref_slice %arg4[%mul3A_69, %dma_wait3A_111] : memref<32768x512xf32, #tpu.memory_space<hbm>> -> memref<6x512xf32, #tpu.memory_space<hbm>>
        %dma_wait3A_113 = arith.constant 0 : i32
        %dma_wait3A_114 = tpu.memref_slice %arg4[%mul3A_69, %dma_wait3A_113] : memref<32768x512xf32, #tpu.memory_space<hbm>> -> memref<6x512xf32, #tpu.memory_space<hbm>>
        %dma_wait3A_115 = arith.constant 48 : i32
        %dma_wait3A_116 = arith.constant 0 : i32
        %dma_wait3A_117 = tpu.memref_slice %arg6[%dma_wait3A_115, %dma_wait3A_116] : memref<96x512xf32, #tpu.memory_space<vmem>> -> memref<6x512xf32, #tpu.memory_space<vmem>>
        tpu.wait_dma2 semaphore(%run_scoped3A : memref<!tpu.dma_semaphore, #tpu.memory_space<semaphore_mem>>) src(%dma_wait3A_117 : memref<6x512xf32, #tpu.memory_space<vmem>>) dst(%dma_wait3A_114 : memref<6x512xf32, #tpu.memory_space<hbm>>)
        tpu.yield
      }) : () -> ()
      %add3A_70 = arith.constant 9 : i32
      %add3A_71 = arith.addi %select_n3A, %add3A_70 : i32
      %mul3A_72 = arith.constant 8 : i32
      %mul3A_73 = arith.muli %mul3A_72, %add3A_71 : i32
      "tpu.region"() ({
        %run_scoped3A = tpu.sem_alloc : memref<!tpu.dma_semaphore, #tpu.memory_space<semaphore_mem>>
        %dma_start3A_98 = arith.constant 54 : i32
        %dma_start3A_99 = arith.constant 0 : i32
        %dma_start3A_100 = tpu.memref_slice %arg6[%dma_start3A_98, %dma_start3A_99] : memref<96x512xf32, #tpu.memory_space<vmem>> -> memref<6x512xf32, #tpu.memory_space<vmem>>
        %dma_start3A_101 = arith.constant 0 : i32
        %dma_start3A_102 = tpu.memref_slice %arg4[%mul3A_73, %dma_start3A_101] : memref<32768x512xf32, #tpu.memory_space<hbm>> -> memref<6x512xf32, #tpu.memory_space<hbm>>
        %dma_start3A_103 = arith.constant 0 : i32
        %dma_start3A_104 = tpu.memref_slice %arg4[%mul3A_73, %dma_start3A_103] : memref<32768x512xf32, #tpu.memory_space<hbm>> -> memref<6x512xf32, #tpu.memory_space<hbm>>
        %dma_start3A_105 = arith.constant 54 : i32
        %dma_start3A_106 = arith.constant 0 : i32
        %dma_start3A_107 = tpu.memref_slice %arg6[%dma_start3A_105, %dma_start3A_106] : memref<96x512xf32, #tpu.memory_space<vmem>> -> memref<6x512xf32, #tpu.memory_space<vmem>>
        tpu.enqueue_dma source(%dma_start3A_107 : memref<6x512xf32, #tpu.memory_space<vmem>>) target(%dma_start3A_104 : memref<6x512xf32, #tpu.memory_space<hbm>>) target_semaphore(%run_scoped3A : memref<!tpu.dma_semaphore, #tpu.memory_space<semaphore_mem>>)
        %dma_wait3A_108 = arith.constant 54 : i32
        %dma_wait3A_109 = arith.constant 0 : i32
        %dma_wait3A_110 = tpu.memref_slice %arg6[%dma_wait3A_108, %dma_wait3A_109] : memref<96x512xf32, #tpu.memory_space<vmem>> -> memref<6x512xf32, #tpu.memory_space<vmem>>
        %dma_wait3A_111 = arith.constant 0 : i32
        %dma_wait3A_112 = tpu.memref_slice %arg4[%mul3A_73, %dma_wait3A_111] : memref<32768x512xf32, #tpu.memory_space<hbm>> -> memref<6x512xf32, #tpu.memory_space<hbm>>
        %dma_wait3A_113 = arith.constant 0 : i32
        %dma_wait3A_114 = tpu.memref_slice %arg4[%mul3A_73, %dma_wait3A_113] : memref<32768x512xf32, #tpu.memory_space<hbm>> -> memref<6x512xf32, #tpu.memory_space<hbm>>
        %dma_wait3A_115 = arith.constant 54 : i32
        %dma_wait3A_116 = arith.constant 0 : i32
        %dma_wait3A_117 = tpu.memref_slice %arg6[%dma_wait3A_115, %dma_wait3A_116] : memref<96x512xf32, #tpu.memory_space<vmem>> -> memref<6x512xf32, #tpu.memory_space<vmem>>
        tpu.wait_dma2 semaphore(%run_scoped3A : memref<!tpu.dma_semaphore, #tpu.memory_space<semaphore_mem>>) src(%dma_wait3A_117 : memref<6x512xf32, #tpu.memory_space<vmem>>) dst(%dma_wait3A_114 : memref<6x512xf32, #tpu.memory_space<hbm>>)
        tpu.yield
      }) : () -> ()
      %add3A_74 = arith.constant 10 : i32
      %add3A_75 = arith.addi %select_n3A, %add3A_74 : i32
      %mul3A_76 = arith.constant 8 : i32
      %mul3A_77 = arith.muli %mul3A_76, %add3A_75 : i32
      "tpu.region"() ({
        %run_scoped3A = tpu.sem_alloc : memref<!tpu.dma_semaphore, #tpu.memory_space<semaphore_mem>>
        %dma_start3A_98 = arith.constant 60 : i32
        %dma_start3A_99 = arith.constant 0 : i32
        %dma_start3A_100 = tpu.memref_slice %arg6[%dma_start3A_98, %dma_start3A_99] : memref<96x512xf32, #tpu.memory_space<vmem>> -> memref<6x512xf32, #tpu.memory_space<vmem>>
        %dma_start3A_101 = arith.constant 0 : i32
        %dma_start3A_102 = tpu.memref_slice %arg4[%mul3A_77, %dma_start3A_101] : memref<32768x512xf32, #tpu.memory_space<hbm>> -> memref<6x512xf32, #tpu.memory_space<hbm>>
        %dma_start3A_103 = arith.constant 0 : i32
        %dma_start3A_104 = tpu.memref_slice %arg4[%mul3A_77, %dma_start3A_103] : memref<32768x512xf32, #tpu.memory_space<hbm>> -> memref<6x512xf32, #tpu.memory_space<hbm>>
        %dma_start3A_105 = arith.constant 60 : i32
        %dma_start3A_106 = arith.constant 0 : i32
        %dma_start3A_107 = tpu.memref_slice %arg6[%dma_start3A_105, %dma_start3A_106] : memref<96x512xf32, #tpu.memory_space<vmem>> -> memref<6x512xf32, #tpu.memory_space<vmem>>
        tpu.enqueue_dma source(%dma_start3A_107 : memref<6x512xf32, #tpu.memory_space<vmem>>) target(%dma_start3A_104 : memref<6x512xf32, #tpu.memory_space<hbm>>) target_semaphore(%run_scoped3A : memref<!tpu.dma_semaphore, #tpu.memory_space<semaphore_mem>>)
        %dma_wait3A_108 = arith.constant 60 : i32
        %dma_wait3A_109 = arith.constant 0 : i32
        %dma_wait3A_110 = tpu.memref_slice %arg6[%dma_wait3A_108, %dma_wait3A_109] : memref<96x512xf32, #tpu.memory_space<vmem>> -> memref<6x512xf32, #tpu.memory_space<vmem>>
        %dma_wait3A_111 = arith.constant 0 : i32
        %dma_wait3A_112 = tpu.memref_slice %arg4[%mul3A_77, %dma_wait3A_111] : memref<32768x512xf32, #tpu.memory_space<hbm>> -> memref<6x512xf32, #tpu.memory_space<hbm>>
        %dma_wait3A_113 = arith.constant 0 : i32
        %dma_wait3A_114 = tpu.memref_slice %arg4[%mul3A_77, %dma_wait3A_113] : memref<32768x512xf32, #tpu.memory_space<hbm>> -> memref<6x512xf32, #tpu.memory_space<hbm>>
        %dma_wait3A_115 = arith.constant 60 : i32
        %dma_wait3A_116 = arith.constant 0 : i32
        %dma_wait3A_117 = tpu.memref_slice %arg6[%dma_wait3A_115, %dma_wait3A_116] : memref<96x512xf32, #tpu.memory_space<vmem>> -> memref<6x512xf32, #tpu.memory_space<vmem>>
        tpu.wait_dma2 semaphore(%run_scoped3A : memref<!tpu.dma_semaphore, #tpu.memory_space<semaphore_mem>>) src(%dma_wait3A_117 : memref<6x512xf32, #tpu.memory_space<vmem>>) dst(%dma_wait3A_114 : memref<6x512xf32, #tpu.memory_space<hbm>>)
        tpu.yield
      }) : () -> ()
      %add3A_78 = arith.constant 11 : i32
      %add3A_79 = arith.addi %select_n3A, %add3A_78 : i32
      %mul3A_80 = arith.constant 8 : i32
      %mul3A_81 = arith.muli %mul3A_80, %add3A_79 : i32
      "tpu.region"() ({
        %run_scoped3A = tpu.sem_alloc : memref<!tpu.dma_semaphore, #tpu.memory_space<semaphore_mem>>
        %dma_start3A_98 = arith.constant 66 : i32
        %dma_start3A_99 = arith.constant 0 : i32
        %dma_start3A_100 = tpu.memref_slice %arg6[%dma_start3A_98, %dma_start3A_99] : memref<96x512xf32, #tpu.memory_space<vmem>> -> memref<6x512xf32, #tpu.memory_space<vmem>>
        %dma_start3A_101 = arith.constant 0 : i32
        %dma_start3A_102 = tpu.memref_slice %arg4[%mul3A_81, %dma_start3A_101] : memref<32768x512xf32, #tpu.memory_space<hbm>> -> memref<6x512xf32, #tpu.memory_space<hbm>>
        %dma_start3A_103 = arith.constant 0 : i32
        %dma_start3A_104 = tpu.memref_slice %arg4[%mul3A_81, %dma_start3A_103] : memref<32768x512xf32, #tpu.memory_space<hbm>> -> memref<6x512xf32, #tpu.memory_space<hbm>>
        %dma_start3A_105 = arith.constant 66 : i32
        %dma_start3A_106 = arith.constant 0 : i32
        %dma_start3A_107 = tpu.memref_slice %arg6[%dma_start3A_105, %dma_start3A_106] : memref<96x512xf32, #tpu.memory_space<vmem>> -> memref<6x512xf32, #tpu.memory_space<vmem>>
        tpu.enqueue_dma source(%dma_start3A_107 : memref<6x512xf32, #tpu.memory_space<vmem>>) target(%dma_start3A_104 : memref<6x512xf32, #tpu.memory_space<hbm>>) target_semaphore(%run_scoped3A : memref<!tpu.dma_semaphore, #tpu.memory_space<semaphore_mem>>)
        %dma_wait3A_108 = arith.constant 66 : i32
        %dma_wait3A_109 = arith.constant 0 : i32
        %dma_wait3A_110 = tpu.memref_slice %arg6[%dma_wait3A_108, %dma_wait3A_109] : memref<96x512xf32, #tpu.memory_space<vmem>> -> memref<6x512xf32, #tpu.memory_space<vmem>>
        %dma_wait3A_111 = arith.constant 0 : i32
        %dma_wait3A_112 = tpu.memref_slice %arg4[%mul3A_81, %dma_wait3A_111] : memref<32768x512xf32, #tpu.memory_space<hbm>> -> memref<6x512xf32, #tpu.memory_space<hbm>>
        %dma_wait3A_113 = arith.constant 0 : i32
        %dma_wait3A_114 = tpu.memref_slice %arg4[%mul3A_81, %dma_wait3A_113] : memref<32768x512xf32, #tpu.memory_space<hbm>> -> memref<6x512xf32, #tpu.memory_space<hbm>>
        %dma_wait3A_115 = arith.constant 66 : i32
        %dma_wait3A_116 = arith.constant 0 : i32
        %dma_wait3A_117 = tpu.memref_slice %arg6[%dma_wait3A_115, %dma_wait3A_116] : memref<96x512xf32, #tpu.memory_space<vmem>> -> memref<6x512xf32, #tpu.memory_space<vmem>>
        tpu.wait_dma2 semaphore(%run_scoped3A : memref<!tpu.dma_semaphore, #tpu.memory_space<semaphore_mem>>) src(%dma_wait3A_117 : memref<6x512xf32, #tpu.memory_space<vmem>>) dst(%dma_wait3A_114 : memref<6x512xf32, #tpu.memory_space<hbm>>)
        tpu.yield
      }) : () -> ()
      %add3A_82 = arith.constant 12 : i32
      %add3A_83 = arith.addi %select_n3A, %add3A_82 : i32
      %mul3A_84 = arith.constant 8 : i32
      %mul3A_85 = arith.muli %mul3A_84, %add3A_83 : i32
      "tpu.region"() ({
        %run_scoped3A = tpu.sem_alloc : memref<!tpu.dma_semaphore, #tpu.memory_space<semaphore_mem>>
        %dma_start3A_98 = arith.constant 72 : i32
        %dma_start3A_99 = arith.constant 0 : i32
        %dma_start3A_100 = tpu.memref_slice %arg6[%dma_start3A_98, %dma_start3A_99] : memref<96x512xf32, #tpu.memory_space<vmem>> -> memref<6x512xf32, #tpu.memory_space<vmem>>
        %dma_start3A_101 = arith.constant 0 : i32
        %dma_start3A_102 = tpu.memref_slice %arg4[%mul3A_85, %dma_start3A_101] : memref<32768x512xf32, #tpu.memory_space<hbm>> -> memref<6x512xf32, #tpu.memory_space<hbm>>
        %dma_start3A_103 = arith.constant 0 : i32
        %dma_start3A_104 = tpu.memref_slice %arg4[%mul3A_85, %dma_start3A_103] : memref<32768x512xf32, #tpu.memory_space<hbm>> -> memref<6x512xf32, #tpu.memory_space<hbm>>
        %dma_start3A_105 = arith.constant 72 : i32
        %dma_start3A_106 = arith.constant 0 : i32
        %dma_start3A_107 = tpu.memref_slice %arg6[%dma_start3A_105, %dma_start3A_106] : memref<96x512xf32, #tpu.memory_space<vmem>> -> memref<6x512xf32, #tpu.memory_space<vmem>>
        tpu.enqueue_dma source(%dma_start3A_107 : memref<6x512xf32, #tpu.memory_space<vmem>>) target(%dma_start3A_104 : memref<6x512xf32, #tpu.memory_space<hbm>>) target_semaphore(%run_scoped3A : memref<!tpu.dma_semaphore, #tpu.memory_space<semaphore_mem>>)
        %dma_wait3A_108 = arith.constant 72 : i32
        %dma_wait3A_109 = arith.constant 0 : i32
        %dma_wait3A_110 = tpu.memref_slice %arg6[%dma_wait3A_108, %dma_wait3A_109] : memref<96x512xf32, #tpu.memory_space<vmem>> -> memref<6x512xf32, #tpu.memory_space<vmem>>
        %dma_wait3A_111 = arith.constant 0 : i32
        %dma_wait3A_112 = tpu.memref_slice %arg4[%mul3A_85, %dma_wait3A_111] : memref<32768x512xf32, #tpu.memory_space<hbm>> -> memref<6x512xf32, #tpu.memory_space<hbm>>
        %dma_wait3A_113 = arith.constant 0 : i32
        %dma_wait3A_114 = tpu.memref_slice %arg4[%mul3A_85, %dma_wait3A_113] : memref<32768x512xf32, #tpu.memory_space<hbm>> -> memref<6x512xf32, #tpu.memory_space<hbm>>
        %dma_wait3A_115 = arith.constant 72 : i32
        %dma_wait3A_116 = arith.constant 0 : i32
        %dma_wait3A_117 = tpu.memref_slice %arg6[%dma_wait3A_115, %dma_wait3A_116] : memref<96x512xf32, #tpu.memory_space<vmem>> -> memref<6x512xf32, #tpu.memory_space<vmem>>
        tpu.wait_dma2 semaphore(%run_scoped3A : memref<!tpu.dma_semaphore, #tpu.memory_space<semaphore_mem>>) src(%dma_wait3A_117 : memref<6x512xf32, #tpu.memory_space<vmem>>) dst(%dma_wait3A_114 : memref<6x512xf32, #tpu.memory_space<hbm>>)
        tpu.yield
      }) : () -> ()
      %add3A_86 = arith.constant 13 : i32
      %add3A_87 = arith.addi %select_n3A, %add3A_86 : i32
      %mul3A_88 = arith.constant 8 : i32
      %mul3A_89 = arith.muli %mul3A_88, %add3A_87 : i32
      "tpu.region"() ({
        %run_scoped3A = tpu.sem_alloc : memref<!tpu.dma_semaphore, #tpu.memory_space<semaphore_mem>>
        %dma_start3A_98 = arith.constant 78 : i32
        %dma_start3A_99 = arith.constant 0 : i32
        %dma_start3A_100 = tpu.memref_slice %arg6[%dma_start3A_98, %dma_start3A_99] : memref<96x512xf32, #tpu.memory_space<vmem>> -> memref<6x512xf32, #tpu.memory_space<vmem>>
        %dma_start3A_101 = arith.constant 0 : i32
        %dma_start3A_102 = tpu.memref_slice %arg4[%mul3A_89, %dma_start3A_101] : memref<32768x512xf32, #tpu.memory_space<hbm>> -> memref<6x512xf32, #tpu.memory_space<hbm>>
        %dma_start3A_103 = arith.constant 0 : i32
        %dma_start3A_104 = tpu.memref_slice %arg4[%mul3A_89, %dma_start3A_103] : memref<32768x512xf32, #tpu.memory_space<hbm>> -> memref<6x512xf32, #tpu.memory_space<hbm>>
        %dma_start3A_105 = arith.constant 78 : i32
        %dma_start3A_106 = arith.constant 0 : i32
        %dma_start3A_107 = tpu.memref_slice %arg6[%dma_start3A_105, %dma_start3A_106] : memref<96x512xf32, #tpu.memory_space<vmem>> -> memref<6x512xf32, #tpu.memory_space<vmem>>
        tpu.enqueue_dma source(%dma_start3A_107 : memref<6x512xf32, #tpu.memory_space<vmem>>) target(%dma_start3A_104 : memref<6x512xf32, #tpu.memory_space<hbm>>) target_semaphore(%run_scoped3A : memref<!tpu.dma_semaphore, #tpu.memory_space<semaphore_mem>>)
        %dma_wait3A_108 = arith.constant 78 : i32
        %dma_wait3A_109 = arith.constant 0 : i32
        %dma_wait3A_110 = tpu.memref_slice %arg6[%dma_wait3A_108, %dma_wait3A_109] : memref<96x512xf32, #tpu.memory_space<vmem>> -> memref<6x512xf32, #tpu.memory_space<vmem>>
        %dma_wait3A_111 = arith.constant 0 : i32
        %dma_wait3A_112 = tpu.memref_slice %arg4[%mul3A_89, %dma_wait3A_111] : memref<32768x512xf32, #tpu.memory_space<hbm>> -> memref<6x512xf32, #tpu.memory_space<hbm>>
        %dma_wait3A_113 = arith.constant 0 : i32
        %dma_wait3A_114 = tpu.memref_slice %arg4[%mul3A_89, %dma_wait3A_113] : memref<32768x512xf32, #tpu.memory_space<hbm>> -> memref<6x512xf32, #tpu.memory_space<hbm>>
        %dma_wait3A_115 = arith.constant 78 : i32
        %dma_wait3A_116 = arith.constant 0 : i32
        %dma_wait3A_117 = tpu.memref_slice %arg6[%dma_wait3A_115, %dma_wait3A_116] : memref<96x512xf32, #tpu.memory_space<vmem>> -> memref<6x512xf32, #tpu.memory_space<vmem>>
        tpu.wait_dma2 semaphore(%run_scoped3A : memref<!tpu.dma_semaphore, #tpu.memory_space<semaphore_mem>>) src(%dma_wait3A_117 : memref<6x512xf32, #tpu.memory_space<vmem>>) dst(%dma_wait3A_114 : memref<6x512xf32, #tpu.memory_space<hbm>>)
        tpu.yield
      }) : () -> ()
      %add3A_90 = arith.constant 14 : i32
      %add3A_91 = arith.addi %select_n3A, %add3A_90 : i32
      %mul3A_92 = arith.constant 8 : i32
      %mul3A_93 = arith.muli %mul3A_92, %add3A_91 : i32
      "tpu.region"() ({
        %run_scoped3A = tpu.sem_alloc : memref<!tpu.dma_semaphore, #tpu.memory_space<semaphore_mem>>
        %dma_start3A_98 = arith.constant 84 : i32
        %dma_start3A_99 = arith.constant 0 : i32
        %dma_start3A_100 = tpu.memref_slice %arg6[%dma_start3A_98, %dma_start3A_99] : memref<96x512xf32, #tpu.memory_space<vmem>> -> memref<6x512xf32, #tpu.memory_space<vmem>>
        %dma_start3A_101 = arith.constant 0 : i32
        %dma_start3A_102 = tpu.memref_slice %arg4[%mul3A_93, %dma_start3A_101] : memref<32768x512xf32, #tpu.memory_space<hbm>> -> memref<6x512xf32, #tpu.memory_space<hbm>>
        %dma_start3A_103 = arith.constant 0 : i32
        %dma_start3A_104 = tpu.memref_slice %arg4[%mul3A_93, %dma_start3A_103] : memref<32768x512xf32, #tpu.memory_space<hbm>> -> memref<6x512xf32, #tpu.memory_space<hbm>>
        %dma_start3A_105 = arith.constant 84 : i32
        %dma_start3A_106 = arith.constant 0 : i32
        %dma_start3A_107 = tpu.memref_slice %arg6[%dma_start3A_105, %dma_start3A_106] : memref<96x512xf32, #tpu.memory_space<vmem>> -> memref<6x512xf32, #tpu.memory_space<vmem>>
        tpu.enqueue_dma source(%dma_start3A_107 : memref<6x512xf32, #tpu.memory_space<vmem>>) target(%dma_start3A_104 : memref<6x512xf32, #tpu.memory_space<hbm>>) target_semaphore(%run_scoped3A : memref<!tpu.dma_semaphore, #tpu.memory_space<semaphore_mem>>)
        %dma_wait3A_108 = arith.constant 84 : i32
        %dma_wait3A_109 = arith.constant 0 : i32
        %dma_wait3A_110 = tpu.memref_slice %arg6[%dma_wait3A_108, %dma_wait3A_109] : memref<96x512xf32, #tpu.memory_space<vmem>> -> memref<6x512xf32, #tpu.memory_space<vmem>>
        %dma_wait3A_111 = arith.constant 0 : i32
        %dma_wait3A_112 = tpu.memref_slice %arg4[%mul3A_93, %dma_wait3A_111] : memref<32768x512xf32, #tpu.memory_space<hbm>> -> memref<6x512xf32, #tpu.memory_space<hbm>>
        %dma_wait3A_113 = arith.constant 0 : i32
        %dma_wait3A_114 = tpu.memref_slice %arg4[%mul3A_93, %dma_wait3A_113] : memref<32768x512xf32, #tpu.memory_space<hbm>> -> memref<6x512xf32, #tpu.memory_space<hbm>>
        %dma_wait3A_115 = arith.constant 84 : i32
        %dma_wait3A_116 = arith.constant 0 : i32
        %dma_wait3A_117 = tpu.memref_slice %arg6[%dma_wait3A_115, %dma_wait3A_116] : memref<96x512xf32, #tpu.memory_space<vmem>> -> memref<6x512xf32, #tpu.memory_space<vmem>>
        tpu.wait_dma2 semaphore(%run_scoped3A : memref<!tpu.dma_semaphore, #tpu.memory_space<semaphore_mem>>) src(%dma_wait3A_117 : memref<6x512xf32, #tpu.memory_space<vmem>>) dst(%dma_wait3A_114 : memref<6x512xf32, #tpu.memory_space<hbm>>)
        tpu.yield
      }) : () -> ()
      %add3A_94 = arith.constant 15 : i32
      %add3A_95 = arith.addi %select_n3A, %add3A_94 : i32
      %mul3A_96 = arith.constant 8 : i32
      %mul3A_97 = arith.muli %mul3A_96, %add3A_95 : i32
      "tpu.region"() ({
        %run_scoped3A = tpu.sem_alloc : memref<!tpu.dma_semaphore, #tpu.memory_space<semaphore_mem>>
        %dma_start3A_98 = arith.constant 90 : i32
        %dma_start3A_99 = arith.constant 0 : i32
        %dma_start3A_100 = tpu.memref_slice %arg6[%dma_start3A_98, %dma_start3A_99] : memref<96x512xf32, #tpu.memory_space<vmem>> -> memref<6x512xf32, #tpu.memory_space<vmem>>
        %dma_start3A_101 = arith.constant 0 : i32
        %dma_start3A_102 = tpu.memref_slice %arg4[%mul3A_97, %dma_start3A_101] : memref<32768x512xf32, #tpu.memory_space<hbm>> -> memref<6x512xf32, #tpu.memory_space<hbm>>
        %dma_start3A_103 = arith.constant 0 : i32
        %dma_start3A_104 = tpu.memref_slice %arg4[%mul3A_97, %dma_start3A_103] : memref<32768x512xf32, #tpu.memory_space<hbm>> -> memref<6x512xf32, #tpu.memory_space<hbm>>
        %dma_start3A_105 = arith.constant 90 : i32
        %dma_start3A_106 = arith.constant 0 : i32
        %dma_start3A_107 = tpu.memref_slice %arg6[%dma_start3A_105, %dma_start3A_106] : memref<96x512xf32, #tpu.memory_space<vmem>> -> memref<6x512xf32, #tpu.memory_space<vmem>>
        tpu.enqueue_dma source(%dma_start3A_107 : memref<6x512xf32, #tpu.memory_space<vmem>>) target(%dma_start3A_104 : memref<6x512xf32, #tpu.memory_space<hbm>>) target_semaphore(%run_scoped3A : memref<!tpu.dma_semaphore, #tpu.memory_space<semaphore_mem>>)
        %dma_wait3A_108 = arith.constant 90 : i32
        %dma_wait3A_109 = arith.constant 0 : i32
        %dma_wait3A_110 = tpu.memref_slice %arg6[%dma_wait3A_108, %dma_wait3A_109] : memref<96x512xf32, #tpu.memory_space<vmem>> -> memref<6x512xf32, #tpu.memory_space<vmem>>
        %dma_wait3A_111 = arith.constant 0 : i32
        %dma_wait3A_112 = tpu.memref_slice %arg4[%mul3A_97, %dma_wait3A_111] : memref<32768x512xf32, #tpu.memory_space<hbm>> -> memref<6x512xf32, #tpu.memory_space<hbm>>
        %dma_wait3A_113 = arith.constant 0 : i32
        %dma_wait3A_114 = tpu.memref_slice %arg4[%mul3A_97, %dma_wait3A_113] : memref<32768x512xf32, #tpu.memory_space<hbm>> -> memref<6x512xf32, #tpu.memory_space<hbm>>
        %dma_wait3A_115 = arith.constant 90 : i32
        %dma_wait3A_116 = arith.constant 0 : i32
        %dma_wait3A_117 = tpu.memref_slice %arg6[%dma_wait3A_115, %dma_wait3A_116] : memref<96x512xf32, #tpu.memory_space<vmem>> -> memref<6x512xf32, #tpu.memory_space<vmem>>
        tpu.wait_dma2 semaphore(%run_scoped3A : memref<!tpu.dma_semaphore, #tpu.memory_space<semaphore_mem>>) src(%dma_wait3A_117 : memref<6x512xf32, #tpu.memory_space<vmem>>) dst(%dma_wait3A_114 : memref<6x512xf32, #tpu.memory_space<hbm>>)
        tpu.yield
      }) : () -> ()
    }
    %scan3A_9 = arith.constant 8 : i32
    return
  }
}

#map = affine_map<(d0, d1) -> (0)>
#map1 = affine_map<(d0, d1) -> (0, 0)>
module attributes {stable_mosaic.version = 14 : i64} {
  func.func @k(%arg0: i32, %arg1: i32, %arg2: memref<24576xi32, #tpu.memory_space<hbm>>, %arg3: memref<2048x2048xf32, #tpu.memory_space<hbm>>, %arg4: memref<32768x2048xf32, #tpu.memory_space<hbm>>, %arg5: memref<48xi32, #tpu.memory_space<vmem>>, %arg6: memref<48x2048xf32, #tpu.memory_space<vmem>>, %arg7: memref<!tpu.dma_semaphore, #tpu.memory_space<semaphore_mem>>) attributes {dimension_semantics = [#tpu.dimension_semantics<core_parallel>, #tpu.dimension_semantics<subcore_parallel>], iteration_bounds = array<i64: 2, 16>, scalar_prefetch = 0 : i64, scratch_operands = 3 : i64, tpu.core_type = #tpu.core_type<sc_vector_subcore>, window_params = [{transform_indices = #map}, {transform_indices = #map1}, {transform_indices = #map1}]} {
    %mul3A = arith.constant 2 : i32
    %mul3A_0 = arith.muli %arg1, %mul3A : i32
    %add3A = arith.addi %mul3A_0, %arg0 : i32
    %mul3A_1 = arith.constant 768 : i32
    %mul3A_2 = arith.muli %add3A, %mul3A_1 : i32
    %scan3A = arith.constant 0 : i32
    %scan3A_3 = arith.constant 0 : i32
    %scan3A_4 = arith.constant 16 : i32
    %scan3A_5 = arith.addi %scan3A_3, %scan3A_4 : i32
    %scan3A_6 = arith.constant 1 : i32
    scf.for %scan3A_8 = %scan3A_3 to %scan3A_5 step %scan3A_6  : i32 {
      %mul3A_9 = arith.constant 48 : i32
      %mul3A_10 = arith.muli %scan3A_8, %mul3A_9 : i32
      %multiple_of3A = tpu.assume_multiple %mul3A_10, 24 : i32
      %add3A_11 = arith.addi %mul3A_2, %multiple_of3A : i32
      "tpu.region"() ({
        %run_scoped3A = tpu.sem_alloc : memref<!tpu.dma_semaphore, #tpu.memory_space<semaphore_mem>>
        %dma_start3A_64 = tpu.memref_slice %arg2[%add3A_11] : memref<24576xi32, #tpu.memory_space<hbm>> -> memref<48xi32, #tpu.memory_space<hbm>>
        %dma_start3A_65 = tpu.memref_slice %arg2[%add3A_11] : memref<24576xi32, #tpu.memory_space<hbm>> -> memref<48xi32, #tpu.memory_space<hbm>>
        tpu.enqueue_dma source(%dma_start3A_65 : memref<48xi32, #tpu.memory_space<hbm>>) target(%arg5 : memref<48xi32, #tpu.memory_space<vmem>>) target_semaphore(%run_scoped3A : memref<!tpu.dma_semaphore, #tpu.memory_space<semaphore_mem>>)
        %dma_wait3A_66 = tpu.memref_slice %arg2[%add3A_11] : memref<24576xi32, #tpu.memory_space<hbm>> -> memref<48xi32, #tpu.memory_space<hbm>>
        %dma_wait3A_67 = tpu.memref_slice %arg2[%add3A_11] : memref<24576xi32, #tpu.memory_space<hbm>> -> memref<48xi32, #tpu.memory_space<hbm>>
        tpu.wait_dma2 semaphore(%run_scoped3A : memref<!tpu.dma_semaphore, #tpu.memory_space<semaphore_mem>>) src(%dma_wait3A_67 : memref<48xi32, #tpu.memory_space<hbm>>) dst(%arg5 : memref<48xi32, #tpu.memory_space<vmem>>)
        tpu.yield
      }) : () -> ()
      %dma_start3A = arith.constant 0 : i32
      %dma_start3A_12 = arith.constant 0 : i32
      %dma_start3A_13 = tpu.memref_slice %arg3[%dma_start3A, %dma_start3A_12] : memref<2048x2048xf32, #tpu.memory_space<hbm>> -> memref<2048x2048xf32, #tpu.memory_space<hbm>>
      tpu.enqueue_indirect_dma source(%dma_start3A_13 : memref<2048x2048xf32, #tpu.memory_space<hbm>>) target(%arg6 : memref<48x2048xf32, #tpu.memory_space<vmem>>) offsets(%arg5 : memref<48xi32, #tpu.memory_space<vmem>>) semaphore(%arg7 : memref<!tpu.dma_semaphore, #tpu.memory_space<semaphore_mem>>)
      %dma_wait3A = arith.constant 0 : i32
      %dma_wait3A_14 = arith.constant 0 : i32
      %dma_wait3A_15 = tpu.memref_slice %arg3[%dma_wait3A, %dma_wait3A_14] : memref<2048x2048xf32, #tpu.memory_space<hbm>> -> memref<2048x2048xf32, #tpu.memory_space<hbm>>
      tpu.wait_indirect_dma semaphore(%arg7 : memref<!tpu.dma_semaphore, #tpu.memory_space<semaphore_mem>>) src(%dma_wait3A_15 : memref<2048x2048xf32, #tpu.memory_space<hbm>>) dst(%arg6 : memref<48x2048xf32, #tpu.memory_space<vmem>>)
      %jit3A = arith.constant 6 : i32
      %div3A = arith.divsi %add3A_11, %jit3A : i32
      %sign3A = arith.constant 0 : i32
      %sign3A_16 = arith.cmpi sgt, %add3A_11, %sign3A : i32
      %sign3A_17 = arith.extui %sign3A_16 : i1 to i32
      %sign3A_18 = arith.constant 0 : i32
      %sign3A_19 = arith.cmpi slt, %add3A_11, %sign3A_18 : i32
      %sign3A_20 = arith.extui %sign3A_19 : i1 to i32
      %sign3A_21 = arith.subi %sign3A_17, %sign3A_20 : i32
      %sign3A_22 = arith.constant 0 : i32
      %sign3A_23 = arith.cmpi sgt, %jit3A, %sign3A_22 : i32
      %sign3A_24 = arith.extui %sign3A_23 : i1 to i32
      %sign3A_25 = arith.constant 0 : i32
      %sign3A_26 = arith.cmpi slt, %jit3A, %sign3A_25 : i32
      %sign3A_27 = arith.extui %sign3A_26 : i1 to i32
      %sign3A_28 = arith.subi %sign3A_24, %sign3A_27 : i32
      %ne3A = arith.cmpi ne, %sign3A_21, %sign3A_28 : i32
      %rem3A = arith.remsi %add3A_11, %jit3A : i32
      %ne3A_29 = arith.constant 0 : i32
      %ne3A_30 = arith.cmpi ne, %rem3A, %ne3A_29 : i32
      %and3A = arith.andi %ne3A, %ne3A_30 : i1
      %sub3A = arith.constant 1 : i32
      %sub3A_31 = arith.subi %div3A, %sub3A : i32
      %select_n3A = arith.select %and3A, %sub3A_31, %div3A : i32
      %add3A_32 = arith.constant 0 : i32
      %add3A_33 = arith.addi %select_n3A, %add3A_32 : i32
      %mul3A_34 = arith.constant 8 : i32
      %mul3A_35 = arith.muli %mul3A_34, %add3A_33 : i32
      "tpu.region"() ({
        %run_scoped3A = tpu.sem_alloc : memref<!tpu.dma_semaphore, #tpu.memory_space<semaphore_mem>>
        %dma_start3A_64 = arith.constant 0 : i32
        %dma_start3A_65 = arith.constant 0 : i32
        %dma_start3A_66 = tpu.memref_slice %arg6[%dma_start3A_64, %dma_start3A_65] : memref<48x2048xf32, #tpu.memory_space<vmem>> -> memref<6x2048xf32, #tpu.memory_space<vmem>>
        %dma_start3A_67 = arith.constant 0 : i32
        %dma_start3A_68 = tpu.memref_slice %arg4[%mul3A_35, %dma_start3A_67] : memref<32768x2048xf32, #tpu.memory_space<hbm>> -> memref<6x2048xf32, #tpu.memory_space<hbm>>
        %dma_start3A_69 = arith.constant 0 : i32
        %dma_start3A_70 = tpu.memref_slice %arg4[%mul3A_35, %dma_start3A_69] : memref<32768x2048xf32, #tpu.memory_space<hbm>> -> memref<6x2048xf32, #tpu.memory_space<hbm>>
        %dma_start3A_71 = arith.constant 0 : i32
        %dma_start3A_72 = arith.constant 0 : i32
        %dma_start3A_73 = tpu.memref_slice %arg6[%dma_start3A_71, %dma_start3A_72] : memref<48x2048xf32, #tpu.memory_space<vmem>> -> memref<6x2048xf32, #tpu.memory_space<vmem>>
        tpu.enqueue_dma source(%dma_start3A_73 : memref<6x2048xf32, #tpu.memory_space<vmem>>) target(%dma_start3A_70 : memref<6x2048xf32, #tpu.memory_space<hbm>>) target_semaphore(%run_scoped3A : memref<!tpu.dma_semaphore, #tpu.memory_space<semaphore_mem>>)
        %dma_wait3A_74 = arith.constant 0 : i32
        %dma_wait3A_75 = arith.constant 0 : i32
        %dma_wait3A_76 = tpu.memref_slice %arg6[%dma_wait3A_74, %dma_wait3A_75] : memref<48x2048xf32, #tpu.memory_space<vmem>> -> memref<6x2048xf32, #tpu.memory_space<vmem>>
        %dma_wait3A_77 = arith.constant 0 : i32
        %dma_wait3A_78 = tpu.memref_slice %arg4[%mul3A_35, %dma_wait3A_77] : memref<32768x2048xf32, #tpu.memory_space<hbm>> -> memref<6x2048xf32, #tpu.memory_space<hbm>>
        %dma_wait3A_79 = arith.constant 0 : i32
        %dma_wait3A_80 = tpu.memref_slice %arg4[%mul3A_35, %dma_wait3A_79] : memref<32768x2048xf32, #tpu.memory_space<hbm>> -> memref<6x2048xf32, #tpu.memory_space<hbm>>
        %dma_wait3A_81 = arith.constant 0 : i32
        %dma_wait3A_82 = arith.constant 0 : i32
        %dma_wait3A_83 = tpu.memref_slice %arg6[%dma_wait3A_81, %dma_wait3A_82] : memref<48x2048xf32, #tpu.memory_space<vmem>> -> memref<6x2048xf32, #tpu.memory_space<vmem>>
        tpu.wait_dma2 semaphore(%run_scoped3A : memref<!tpu.dma_semaphore, #tpu.memory_space<semaphore_mem>>) src(%dma_wait3A_83 : memref<6x2048xf32, #tpu.memory_space<vmem>>) dst(%dma_wait3A_80 : memref<6x2048xf32, #tpu.memory_space<hbm>>)
        tpu.yield
      }) : () -> ()
      %add3A_36 = arith.constant 1 : i32
      %add3A_37 = arith.addi %select_n3A, %add3A_36 : i32
      %mul3A_38 = arith.constant 8 : i32
      %mul3A_39 = arith.muli %mul3A_38, %add3A_37 : i32
      "tpu.region"() ({
        %run_scoped3A = tpu.sem_alloc : memref<!tpu.dma_semaphore, #tpu.memory_space<semaphore_mem>>
        %dma_start3A_64 = arith.constant 6 : i32
        %dma_start3A_65 = arith.constant 0 : i32
        %dma_start3A_66 = tpu.memref_slice %arg6[%dma_start3A_64, %dma_start3A_65] : memref<48x2048xf32, #tpu.memory_space<vmem>> -> memref<6x2048xf32, #tpu.memory_space<vmem>>
        %dma_start3A_67 = arith.constant 0 : i32
        %dma_start3A_68 = tpu.memref_slice %arg4[%mul3A_39, %dma_start3A_67] : memref<32768x2048xf32, #tpu.memory_space<hbm>> -> memref<6x2048xf32, #tpu.memory_space<hbm>>
        %dma_start3A_69 = arith.constant 0 : i32
        %dma_start3A_70 = tpu.memref_slice %arg4[%mul3A_39, %dma_start3A_69] : memref<32768x2048xf32, #tpu.memory_space<hbm>> -> memref<6x2048xf32, #tpu.memory_space<hbm>>
        %dma_start3A_71 = arith.constant 6 : i32
        %dma_start3A_72 = arith.constant 0 : i32
        %dma_start3A_73 = tpu.memref_slice %arg6[%dma_start3A_71, %dma_start3A_72] : memref<48x2048xf32, #tpu.memory_space<vmem>> -> memref<6x2048xf32, #tpu.memory_space<vmem>>
        tpu.enqueue_dma source(%dma_start3A_73 : memref<6x2048xf32, #tpu.memory_space<vmem>>) target(%dma_start3A_70 : memref<6x2048xf32, #tpu.memory_space<hbm>>) target_semaphore(%run_scoped3A : memref<!tpu.dma_semaphore, #tpu.memory_space<semaphore_mem>>)
        %dma_wait3A_74 = arith.constant 6 : i32
        %dma_wait3A_75 = arith.constant 0 : i32
        %dma_wait3A_76 = tpu.memref_slice %arg6[%dma_wait3A_74, %dma_wait3A_75] : memref<48x2048xf32, #tpu.memory_space<vmem>> -> memref<6x2048xf32, #tpu.memory_space<vmem>>
        %dma_wait3A_77 = arith.constant 0 : i32
        %dma_wait3A_78 = tpu.memref_slice %arg4[%mul3A_39, %dma_wait3A_77] : memref<32768x2048xf32, #tpu.memory_space<hbm>> -> memref<6x2048xf32, #tpu.memory_space<hbm>>
        %dma_wait3A_79 = arith.constant 0 : i32
        %dma_wait3A_80 = tpu.memref_slice %arg4[%mul3A_39, %dma_wait3A_79] : memref<32768x2048xf32, #tpu.memory_space<hbm>> -> memref<6x2048xf32, #tpu.memory_space<hbm>>
        %dma_wait3A_81 = arith.constant 6 : i32
        %dma_wait3A_82 = arith.constant 0 : i32
        %dma_wait3A_83 = tpu.memref_slice %arg6[%dma_wait3A_81, %dma_wait3A_82] : memref<48x2048xf32, #tpu.memory_space<vmem>> -> memref<6x2048xf32, #tpu.memory_space<vmem>>
        tpu.wait_dma2 semaphore(%run_scoped3A : memref<!tpu.dma_semaphore, #tpu.memory_space<semaphore_mem>>) src(%dma_wait3A_83 : memref<6x2048xf32, #tpu.memory_space<vmem>>) dst(%dma_wait3A_80 : memref<6x2048xf32, #tpu.memory_space<hbm>>)
        tpu.yield
      }) : () -> ()
      %add3A_40 = arith.constant 2 : i32
      %add3A_41 = arith.addi %select_n3A, %add3A_40 : i32
      %mul3A_42 = arith.constant 8 : i32
      %mul3A_43 = arith.muli %mul3A_42, %add3A_41 : i32
      "tpu.region"() ({
        %run_scoped3A = tpu.sem_alloc : memref<!tpu.dma_semaphore, #tpu.memory_space<semaphore_mem>>
        %dma_start3A_64 = arith.constant 12 : i32
        %dma_start3A_65 = arith.constant 0 : i32
        %dma_start3A_66 = tpu.memref_slice %arg6[%dma_start3A_64, %dma_start3A_65] : memref<48x2048xf32, #tpu.memory_space<vmem>> -> memref<6x2048xf32, #tpu.memory_space<vmem>>
        %dma_start3A_67 = arith.constant 0 : i32
        %dma_start3A_68 = tpu.memref_slice %arg4[%mul3A_43, %dma_start3A_67] : memref<32768x2048xf32, #tpu.memory_space<hbm>> -> memref<6x2048xf32, #tpu.memory_space<hbm>>
        %dma_start3A_69 = arith.constant 0 : i32
        %dma_start3A_70 = tpu.memref_slice %arg4[%mul3A_43, %dma_start3A_69] : memref<32768x2048xf32, #tpu.memory_space<hbm>> -> memref<6x2048xf32, #tpu.memory_space<hbm>>
        %dma_start3A_71 = arith.constant 12 : i32
        %dma_start3A_72 = arith.constant 0 : i32
        %dma_start3A_73 = tpu.memref_slice %arg6[%dma_start3A_71, %dma_start3A_72] : memref<48x2048xf32, #tpu.memory_space<vmem>> -> memref<6x2048xf32, #tpu.memory_space<vmem>>
        tpu.enqueue_dma source(%dma_start3A_73 : memref<6x2048xf32, #tpu.memory_space<vmem>>) target(%dma_start3A_70 : memref<6x2048xf32, #tpu.memory_space<hbm>>) target_semaphore(%run_scoped3A : memref<!tpu.dma_semaphore, #tpu.memory_space<semaphore_mem>>)
        %dma_wait3A_74 = arith.constant 12 : i32
        %dma_wait3A_75 = arith.constant 0 : i32
        %dma_wait3A_76 = tpu.memref_slice %arg6[%dma_wait3A_74, %dma_wait3A_75] : memref<48x2048xf32, #tpu.memory_space<vmem>> -> memref<6x2048xf32, #tpu.memory_space<vmem>>
        %dma_wait3A_77 = arith.constant 0 : i32
        %dma_wait3A_78 = tpu.memref_slice %arg4[%mul3A_43, %dma_wait3A_77] : memref<32768x2048xf32, #tpu.memory_space<hbm>> -> memref<6x2048xf32, #tpu.memory_space<hbm>>
        %dma_wait3A_79 = arith.constant 0 : i32
        %dma_wait3A_80 = tpu.memref_slice %arg4[%mul3A_43, %dma_wait3A_79] : memref<32768x2048xf32, #tpu.memory_space<hbm>> -> memref<6x2048xf32, #tpu.memory_space<hbm>>
        %dma_wait3A_81 = arith.constant 12 : i32
        %dma_wait3A_82 = arith.constant 0 : i32
        %dma_wait3A_83 = tpu.memref_slice %arg6[%dma_wait3A_81, %dma_wait3A_82] : memref<48x2048xf32, #tpu.memory_space<vmem>> -> memref<6x2048xf32, #tpu.memory_space<vmem>>
        tpu.wait_dma2 semaphore(%run_scoped3A : memref<!tpu.dma_semaphore, #tpu.memory_space<semaphore_mem>>) src(%dma_wait3A_83 : memref<6x2048xf32, #tpu.memory_space<vmem>>) dst(%dma_wait3A_80 : memref<6x2048xf32, #tpu.memory_space<hbm>>)
        tpu.yield
      }) : () -> ()
      %add3A_44 = arith.constant 3 : i32
      %add3A_45 = arith.addi %select_n3A, %add3A_44 : i32
      %mul3A_46 = arith.constant 8 : i32
      %mul3A_47 = arith.muli %mul3A_46, %add3A_45 : i32
      "tpu.region"() ({
        %run_scoped3A = tpu.sem_alloc : memref<!tpu.dma_semaphore, #tpu.memory_space<semaphore_mem>>
        %dma_start3A_64 = arith.constant 18 : i32
        %dma_start3A_65 = arith.constant 0 : i32
        %dma_start3A_66 = tpu.memref_slice %arg6[%dma_start3A_64, %dma_start3A_65] : memref<48x2048xf32, #tpu.memory_space<vmem>> -> memref<6x2048xf32, #tpu.memory_space<vmem>>
        %dma_start3A_67 = arith.constant 0 : i32
        %dma_start3A_68 = tpu.memref_slice %arg4[%mul3A_47, %dma_start3A_67] : memref<32768x2048xf32, #tpu.memory_space<hbm>> -> memref<6x2048xf32, #tpu.memory_space<hbm>>
        %dma_start3A_69 = arith.constant 0 : i32
        %dma_start3A_70 = tpu.memref_slice %arg4[%mul3A_47, %dma_start3A_69] : memref<32768x2048xf32, #tpu.memory_space<hbm>> -> memref<6x2048xf32, #tpu.memory_space<hbm>>
        %dma_start3A_71 = arith.constant 18 : i32
        %dma_start3A_72 = arith.constant 0 : i32
        %dma_start3A_73 = tpu.memref_slice %arg6[%dma_start3A_71, %dma_start3A_72] : memref<48x2048xf32, #tpu.memory_space<vmem>> -> memref<6x2048xf32, #tpu.memory_space<vmem>>
        tpu.enqueue_dma source(%dma_start3A_73 : memref<6x2048xf32, #tpu.memory_space<vmem>>) target(%dma_start3A_70 : memref<6x2048xf32, #tpu.memory_space<hbm>>) target_semaphore(%run_scoped3A : memref<!tpu.dma_semaphore, #tpu.memory_space<semaphore_mem>>)
        %dma_wait3A_74 = arith.constant 18 : i32
        %dma_wait3A_75 = arith.constant 0 : i32
        %dma_wait3A_76 = tpu.memref_slice %arg6[%dma_wait3A_74, %dma_wait3A_75] : memref<48x2048xf32, #tpu.memory_space<vmem>> -> memref<6x2048xf32, #tpu.memory_space<vmem>>
        %dma_wait3A_77 = arith.constant 0 : i32
        %dma_wait3A_78 = tpu.memref_slice %arg4[%mul3A_47, %dma_wait3A_77] : memref<32768x2048xf32, #tpu.memory_space<hbm>> -> memref<6x2048xf32, #tpu.memory_space<hbm>>
        %dma_wait3A_79 = arith.constant 0 : i32
        %dma_wait3A_80 = tpu.memref_slice %arg4[%mul3A_47, %dma_wait3A_79] : memref<32768x2048xf32, #tpu.memory_space<hbm>> -> memref<6x2048xf32, #tpu.memory_space<hbm>>
        %dma_wait3A_81 = arith.constant 18 : i32
        %dma_wait3A_82 = arith.constant 0 : i32
        %dma_wait3A_83 = tpu.memref_slice %arg6[%dma_wait3A_81, %dma_wait3A_82] : memref<48x2048xf32, #tpu.memory_space<vmem>> -> memref<6x2048xf32, #tpu.memory_space<vmem>>
        tpu.wait_dma2 semaphore(%run_scoped3A : memref<!tpu.dma_semaphore, #tpu.memory_space<semaphore_mem>>) src(%dma_wait3A_83 : memref<6x2048xf32, #tpu.memory_space<vmem>>) dst(%dma_wait3A_80 : memref<6x2048xf32, #tpu.memory_space<hbm>>)
        tpu.yield
      }) : () -> ()
      %add3A_48 = arith.constant 4 : i32
      %add3A_49 = arith.addi %select_n3A, %add3A_48 : i32
      %mul3A_50 = arith.constant 8 : i32
      %mul3A_51 = arith.muli %mul3A_50, %add3A_49 : i32
      "tpu.region"() ({
        %run_scoped3A = tpu.sem_alloc : memref<!tpu.dma_semaphore, #tpu.memory_space<semaphore_mem>>
        %dma_start3A_64 = arith.constant 24 : i32
        %dma_start3A_65 = arith.constant 0 : i32
        %dma_start3A_66 = tpu.memref_slice %arg6[%dma_start3A_64, %dma_start3A_65] : memref<48x2048xf32, #tpu.memory_space<vmem>> -> memref<6x2048xf32, #tpu.memory_space<vmem>>
        %dma_start3A_67 = arith.constant 0 : i32
        %dma_start3A_68 = tpu.memref_slice %arg4[%mul3A_51, %dma_start3A_67] : memref<32768x2048xf32, #tpu.memory_space<hbm>> -> memref<6x2048xf32, #tpu.memory_space<hbm>>
        %dma_start3A_69 = arith.constant 0 : i32
        %dma_start3A_70 = tpu.memref_slice %arg4[%mul3A_51, %dma_start3A_69] : memref<32768x2048xf32, #tpu.memory_space<hbm>> -> memref<6x2048xf32, #tpu.memory_space<hbm>>
        %dma_start3A_71 = arith.constant 24 : i32
        %dma_start3A_72 = arith.constant 0 : i32
        %dma_start3A_73 = tpu.memref_slice %arg6[%dma_start3A_71, %dma_start3A_72] : memref<48x2048xf32, #tpu.memory_space<vmem>> -> memref<6x2048xf32, #tpu.memory_space<vmem>>
        tpu.enqueue_dma source(%dma_start3A_73 : memref<6x2048xf32, #tpu.memory_space<vmem>>) target(%dma_start3A_70 : memref<6x2048xf32, #tpu.memory_space<hbm>>) target_semaphore(%run_scoped3A : memref<!tpu.dma_semaphore, #tpu.memory_space<semaphore_mem>>)
        %dma_wait3A_74 = arith.constant 24 : i32
        %dma_wait3A_75 = arith.constant 0 : i32
        %dma_wait3A_76 = tpu.memref_slice %arg6[%dma_wait3A_74, %dma_wait3A_75] : memref<48x2048xf32, #tpu.memory_space<vmem>> -> memref<6x2048xf32, #tpu.memory_space<vmem>>
        %dma_wait3A_77 = arith.constant 0 : i32
        %dma_wait3A_78 = tpu.memref_slice %arg4[%mul3A_51, %dma_wait3A_77] : memref<32768x2048xf32, #tpu.memory_space<hbm>> -> memref<6x2048xf32, #tpu.memory_space<hbm>>
        %dma_wait3A_79 = arith.constant 0 : i32
        %dma_wait3A_80 = tpu.memref_slice %arg4[%mul3A_51, %dma_wait3A_79] : memref<32768x2048xf32, #tpu.memory_space<hbm>> -> memref<6x2048xf32, #tpu.memory_space<hbm>>
        %dma_wait3A_81 = arith.constant 24 : i32
        %dma_wait3A_82 = arith.constant 0 : i32
        %dma_wait3A_83 = tpu.memref_slice %arg6[%dma_wait3A_81, %dma_wait3A_82] : memref<48x2048xf32, #tpu.memory_space<vmem>> -> memref<6x2048xf32, #tpu.memory_space<vmem>>
        tpu.wait_dma2 semaphore(%run_scoped3A : memref<!tpu.dma_semaphore, #tpu.memory_space<semaphore_mem>>) src(%dma_wait3A_83 : memref<6x2048xf32, #tpu.memory_space<vmem>>) dst(%dma_wait3A_80 : memref<6x2048xf32, #tpu.memory_space<hbm>>)
        tpu.yield
      }) : () -> ()
      %add3A_52 = arith.constant 5 : i32
      %add3A_53 = arith.addi %select_n3A, %add3A_52 : i32
      %mul3A_54 = arith.constant 8 : i32
      %mul3A_55 = arith.muli %mul3A_54, %add3A_53 : i32
      "tpu.region"() ({
        %run_scoped3A = tpu.sem_alloc : memref<!tpu.dma_semaphore, #tpu.memory_space<semaphore_mem>>
        %dma_start3A_64 = arith.constant 30 : i32
        %dma_start3A_65 = arith.constant 0 : i32
        %dma_start3A_66 = tpu.memref_slice %arg6[%dma_start3A_64, %dma_start3A_65] : memref<48x2048xf32, #tpu.memory_space<vmem>> -> memref<6x2048xf32, #tpu.memory_space<vmem>>
        %dma_start3A_67 = arith.constant 0 : i32
        %dma_start3A_68 = tpu.memref_slice %arg4[%mul3A_55, %dma_start3A_67] : memref<32768x2048xf32, #tpu.memory_space<hbm>> -> memref<6x2048xf32, #tpu.memory_space<hbm>>
        %dma_start3A_69 = arith.constant 0 : i32
        %dma_start3A_70 = tpu.memref_slice %arg4[%mul3A_55, %dma_start3A_69] : memref<32768x2048xf32, #tpu.memory_space<hbm>> -> memref<6x2048xf32, #tpu.memory_space<hbm>>
        %dma_start3A_71 = arith.constant 30 : i32
        %dma_start3A_72 = arith.constant 0 : i32
        %dma_start3A_73 = tpu.memref_slice %arg6[%dma_start3A_71, %dma_start3A_72] : memref<48x2048xf32, #tpu.memory_space<vmem>> -> memref<6x2048xf32, #tpu.memory_space<vmem>>
        tpu.enqueue_dma source(%dma_start3A_73 : memref<6x2048xf32, #tpu.memory_space<vmem>>) target(%dma_start3A_70 : memref<6x2048xf32, #tpu.memory_space<hbm>>) target_semaphore(%run_scoped3A : memref<!tpu.dma_semaphore, #tpu.memory_space<semaphore_mem>>)
        %dma_wait3A_74 = arith.constant 30 : i32
        %dma_wait3A_75 = arith.constant 0 : i32
        %dma_wait3A_76 = tpu.memref_slice %arg6[%dma_wait3A_74, %dma_wait3A_75] : memref<48x2048xf32, #tpu.memory_space<vmem>> -> memref<6x2048xf32, #tpu.memory_space<vmem>>
        %dma_wait3A_77 = arith.constant 0 : i32
        %dma_wait3A_78 = tpu.memref_slice %arg4[%mul3A_55, %dma_wait3A_77] : memref<32768x2048xf32, #tpu.memory_space<hbm>> -> memref<6x2048xf32, #tpu.memory_space<hbm>>
        %dma_wait3A_79 = arith.constant 0 : i32
        %dma_wait3A_80 = tpu.memref_slice %arg4[%mul3A_55, %dma_wait3A_79] : memref<32768x2048xf32, #tpu.memory_space<hbm>> -> memref<6x2048xf32, #tpu.memory_space<hbm>>
        %dma_wait3A_81 = arith.constant 30 : i32
        %dma_wait3A_82 = arith.constant 0 : i32
        %dma_wait3A_83 = tpu.memref_slice %arg6[%dma_wait3A_81, %dma_wait3A_82] : memref<48x2048xf32, #tpu.memory_space<vmem>> -> memref<6x2048xf32, #tpu.memory_space<vmem>>
        tpu.wait_dma2 semaphore(%run_scoped3A : memref<!tpu.dma_semaphore, #tpu.memory_space<semaphore_mem>>) src(%dma_wait3A_83 : memref<6x2048xf32, #tpu.memory_space<vmem>>) dst(%dma_wait3A_80 : memref<6x2048xf32, #tpu.memory_space<hbm>>)
        tpu.yield
      }) : () -> ()
      %add3A_56 = arith.constant 6 : i32
      %add3A_57 = arith.addi %select_n3A, %add3A_56 : i32
      %mul3A_58 = arith.constant 8 : i32
      %mul3A_59 = arith.muli %mul3A_58, %add3A_57 : i32
      "tpu.region"() ({
        %run_scoped3A = tpu.sem_alloc : memref<!tpu.dma_semaphore, #tpu.memory_space<semaphore_mem>>
        %dma_start3A_64 = arith.constant 36 : i32
        %dma_start3A_65 = arith.constant 0 : i32
        %dma_start3A_66 = tpu.memref_slice %arg6[%dma_start3A_64, %dma_start3A_65] : memref<48x2048xf32, #tpu.memory_space<vmem>> -> memref<6x2048xf32, #tpu.memory_space<vmem>>
        %dma_start3A_67 = arith.constant 0 : i32
        %dma_start3A_68 = tpu.memref_slice %arg4[%mul3A_59, %dma_start3A_67] : memref<32768x2048xf32, #tpu.memory_space<hbm>> -> memref<6x2048xf32, #tpu.memory_space<hbm>>
        %dma_start3A_69 = arith.constant 0 : i32
        %dma_start3A_70 = tpu.memref_slice %arg4[%mul3A_59, %dma_start3A_69] : memref<32768x2048xf32, #tpu.memory_space<hbm>> -> memref<6x2048xf32, #tpu.memory_space<hbm>>
        %dma_start3A_71 = arith.constant 36 : i32
        %dma_start3A_72 = arith.constant 0 : i32
        %dma_start3A_73 = tpu.memref_slice %arg6[%dma_start3A_71, %dma_start3A_72] : memref<48x2048xf32, #tpu.memory_space<vmem>> -> memref<6x2048xf32, #tpu.memory_space<vmem>>
        tpu.enqueue_dma source(%dma_start3A_73 : memref<6x2048xf32, #tpu.memory_space<vmem>>) target(%dma_start3A_70 : memref<6x2048xf32, #tpu.memory_space<hbm>>) target_semaphore(%run_scoped3A : memref<!tpu.dma_semaphore, #tpu.memory_space<semaphore_mem>>)
        %dma_wait3A_74 = arith.constant 36 : i32
        %dma_wait3A_75 = arith.constant 0 : i32
        %dma_wait3A_76 = tpu.memref_slice %arg6[%dma_wait3A_74, %dma_wait3A_75] : memref<48x2048xf32, #tpu.memory_space<vmem>> -> memref<6x2048xf32, #tpu.memory_space<vmem>>
        %dma_wait3A_77 = arith.constant 0 : i32
        %dma_wait3A_78 = tpu.memref_slice %arg4[%mul3A_59, %dma_wait3A_77] : memref<32768x2048xf32, #tpu.memory_space<hbm>> -> memref<6x2048xf32, #tpu.memory_space<hbm>>
        %dma_wait3A_79 = arith.constant 0 : i32
        %dma_wait3A_80 = tpu.memref_slice %arg4[%mul3A_59, %dma_wait3A_79] : memref<32768x2048xf32, #tpu.memory_space<hbm>> -> memref<6x2048xf32, #tpu.memory_space<hbm>>
        %dma_wait3A_81 = arith.constant 36 : i32
        %dma_wait3A_82 = arith.constant 0 : i32
        %dma_wait3A_83 = tpu.memref_slice %arg6[%dma_wait3A_81, %dma_wait3A_82] : memref<48x2048xf32, #tpu.memory_space<vmem>> -> memref<6x2048xf32, #tpu.memory_space<vmem>>
        tpu.wait_dma2 semaphore(%run_scoped3A : memref<!tpu.dma_semaphore, #tpu.memory_space<semaphore_mem>>) src(%dma_wait3A_83 : memref<6x2048xf32, #tpu.memory_space<vmem>>) dst(%dma_wait3A_80 : memref<6x2048xf32, #tpu.memory_space<hbm>>)
        tpu.yield
      }) : () -> ()
      %add3A_60 = arith.constant 7 : i32
      %add3A_61 = arith.addi %select_n3A, %add3A_60 : i32
      %mul3A_62 = arith.constant 8 : i32
      %mul3A_63 = arith.muli %mul3A_62, %add3A_61 : i32
      "tpu.region"() ({
        %run_scoped3A = tpu.sem_alloc : memref<!tpu.dma_semaphore, #tpu.memory_space<semaphore_mem>>
        %dma_start3A_64 = arith.constant 42 : i32
        %dma_start3A_65 = arith.constant 0 : i32
        %dma_start3A_66 = tpu.memref_slice %arg6[%dma_start3A_64, %dma_start3A_65] : memref<48x2048xf32, #tpu.memory_space<vmem>> -> memref<6x2048xf32, #tpu.memory_space<vmem>>
        %dma_start3A_67 = arith.constant 0 : i32
        %dma_start3A_68 = tpu.memref_slice %arg4[%mul3A_63, %dma_start3A_67] : memref<32768x2048xf32, #tpu.memory_space<hbm>> -> memref<6x2048xf32, #tpu.memory_space<hbm>>
        %dma_start3A_69 = arith.constant 0 : i32
        %dma_start3A_70 = tpu.memref_slice %arg4[%mul3A_63, %dma_start3A_69] : memref<32768x2048xf32, #tpu.memory_space<hbm>> -> memref<6x2048xf32, #tpu.memory_space<hbm>>
        %dma_start3A_71 = arith.constant 42 : i32
        %dma_start3A_72 = arith.constant 0 : i32
        %dma_start3A_73 = tpu.memref_slice %arg6[%dma_start3A_71, %dma_start3A_72] : memref<48x2048xf32, #tpu.memory_space<vmem>> -> memref<6x2048xf32, #tpu.memory_space<vmem>>
        tpu.enqueue_dma source(%dma_start3A_73 : memref<6x2048xf32, #tpu.memory_space<vmem>>) target(%dma_start3A_70 : memref<6x2048xf32, #tpu.memory_space<hbm>>) target_semaphore(%run_scoped3A : memref<!tpu.dma_semaphore, #tpu.memory_space<semaphore_mem>>)
        %dma_wait3A_74 = arith.constant 42 : i32
        %dma_wait3A_75 = arith.constant 0 : i32
        %dma_wait3A_76 = tpu.memref_slice %arg6[%dma_wait3A_74, %dma_wait3A_75] : memref<48x2048xf32, #tpu.memory_space<vmem>> -> memref<6x2048xf32, #tpu.memory_space<vmem>>
        %dma_wait3A_77 = arith.constant 0 : i32
        %dma_wait3A_78 = tpu.memref_slice %arg4[%mul3A_63, %dma_wait3A_77] : memref<32768x2048xf32, #tpu.memory_space<hbm>> -> memref<6x2048xf32, #tpu.memory_space<hbm>>
        %dma_wait3A_79 = arith.constant 0 : i32
        %dma_wait3A_80 = tpu.memref_slice %arg4[%mul3A_63, %dma_wait3A_79] : memref<32768x2048xf32, #tpu.memory_space<hbm>> -> memref<6x2048xf32, #tpu.memory_space<hbm>>
        %dma_wait3A_81 = arith.constant 42 : i32
        %dma_wait3A_82 = arith.constant 0 : i32
        %dma_wait3A_83 = tpu.memref_slice %arg6[%dma_wait3A_81, %dma_wait3A_82] : memref<48x2048xf32, #tpu.memory_space<vmem>> -> memref<6x2048xf32, #tpu.memory_space<vmem>>
        tpu.wait_dma2 semaphore(%run_scoped3A : memref<!tpu.dma_semaphore, #tpu.memory_space<semaphore_mem>>) src(%dma_wait3A_83 : memref<6x2048xf32, #tpu.memory_space<vmem>>) dst(%dma_wait3A_80 : memref<6x2048xf32, #tpu.memory_space<hbm>>)
        tpu.yield
      }) : () -> ()
    }
    %scan3A_7 = arith.constant 16 : i32
    return
  }
}

#map = affine_map<(d0, d1) -> (0)>
#map1 = affine_map<(d0, d1) -> (0, 0)>
module attributes {stable_mosaic.version = 14 : i64} {
  func.func @k(%arg0: i32, %arg1: i32, %arg2: memref<24576xi32, #tpu.memory_space<hbm>>, %arg3: memref<2048x1024xf32, #tpu.memory_space<hbm>>, %arg4: memref<32768x1024xf32, #tpu.memory_space<hbm>>, %arg5: memref<96xi32, #tpu.memory_space<vmem>>, %arg6: memref<96x1024xf32, #tpu.memory_space<vmem>>, %arg7: memref<!tpu.dma_semaphore, #tpu.memory_space<semaphore_mem>>) attributes {dimension_semantics = [#tpu.dimension_semantics<core_parallel>, #tpu.dimension_semantics<subcore_parallel>], iteration_bounds = array<i64: 2, 16>, scalar_prefetch = 0 : i64, scratch_operands = 3 : i64, tpu.core_type = #tpu.core_type<sc_vector_subcore>, window_params = [{transform_indices = #map}, {transform_indices = #map1}, {transform_indices = #map1}]} {
    %mul3A = arith.constant 2 : i32
    %mul3A_0 = arith.muli %arg1, %mul3A : i32
    %add3A = arith.addi %mul3A_0, %arg0 : i32
    %mul3A_1 = arith.constant 768 : i32
    %mul3A_2 = arith.muli %add3A, %mul3A_1 : i32
    %scan3A = arith.constant 0 : i32
    %scan3A_3 = arith.constant 0 : i32
    %scan3A_4 = arith.constant 8 : i32
    %scan3A_5 = arith.addi %scan3A_3, %scan3A_4 : i32
    %scan3A_6 = arith.constant 1 : i32
    scf.for %scan3A_8 = %scan3A_3 to %scan3A_5 step %scan3A_6  : i32 {
      %mul3A_9 = arith.constant 96 : i32
      %mul3A_10 = arith.muli %scan3A_8, %mul3A_9 : i32
      %multiple_of3A = tpu.assume_multiple %mul3A_10, 24 : i32
      %add3A_11 = arith.addi %mul3A_2, %multiple_of3A : i32
      "tpu.region"() ({
        %run_scoped3A = tpu.sem_alloc : memref<!tpu.dma_semaphore, #tpu.memory_space<semaphore_mem>>
        %dma_start3A_96 = tpu.memref_slice %arg2[%add3A_11] : memref<24576xi32, #tpu.memory_space<hbm>> -> memref<96xi32, #tpu.memory_space<hbm>>
        %dma_start3A_97 = tpu.memref_slice %arg2[%add3A_11] : memref<24576xi32, #tpu.memory_space<hbm>> -> memref<96xi32, #tpu.memory_space<hbm>>
        tpu.enqueue_dma source(%dma_start3A_97 : memref<96xi32, #tpu.memory_space<hbm>>) target(%arg5 : memref<96xi32, #tpu.memory_space<vmem>>) target_semaphore(%run_scoped3A : memref<!tpu.dma_semaphore, #tpu.memory_space<semaphore_mem>>)
        %dma_wait3A_98 = tpu.memref_slice %arg2[%add3A_11] : memref<24576xi32, #tpu.memory_space<hbm>> -> memref<96xi32, #tpu.memory_space<hbm>>
        %dma_wait3A_99 = tpu.memref_slice %arg2[%add3A_11] : memref<24576xi32, #tpu.memory_space<hbm>> -> memref<96xi32, #tpu.memory_space<hbm>>
        tpu.wait_dma2 semaphore(%run_scoped3A : memref<!tpu.dma_semaphore, #tpu.memory_space<semaphore_mem>>) src(%dma_wait3A_99 : memref<96xi32, #tpu.memory_space<hbm>>) dst(%arg5 : memref<96xi32, #tpu.memory_space<vmem>>)
        tpu.yield
      }) : () -> ()
      %dma_start3A = arith.constant 0 : i32
      %dma_start3A_12 = arith.constant 0 : i32
      %dma_start3A_13 = tpu.memref_slice %arg3[%dma_start3A, %dma_start3A_12] : memref<2048x1024xf32, #tpu.memory_space<hbm>> -> memref<2048x1024xf32, #tpu.memory_space<hbm>>
      tpu.enqueue_indirect_dma source(%dma_start3A_13 : memref<2048x1024xf32, #tpu.memory_space<hbm>>) target(%arg6 : memref<96x1024xf32, #tpu.memory_space<vmem>>) offsets(%arg5 : memref<96xi32, #tpu.memory_space<vmem>>) semaphore(%arg7 : memref<!tpu.dma_semaphore, #tpu.memory_space<semaphore_mem>>)
      %dma_wait3A = arith.constant 0 : i32
      %dma_wait3A_14 = arith.constant 0 : i32
      %dma_wait3A_15 = tpu.memref_slice %arg3[%dma_wait3A, %dma_wait3A_14] : memref<2048x1024xf32, #tpu.memory_space<hbm>> -> memref<2048x1024xf32, #tpu.memory_space<hbm>>
      tpu.wait_indirect_dma semaphore(%arg7 : memref<!tpu.dma_semaphore, #tpu.memory_space<semaphore_mem>>) src(%dma_wait3A_15 : memref<2048x1024xf32, #tpu.memory_space<hbm>>) dst(%arg6 : memref<96x1024xf32, #tpu.memory_space<vmem>>)
      %jit3A = arith.constant 6 : i32
      %div3A = arith.divsi %add3A_11, %jit3A : i32
      %sign3A = arith.constant 0 : i32
      %sign3A_16 = arith.cmpi sgt, %add3A_11, %sign3A : i32
      %sign3A_17 = arith.extui %sign3A_16 : i1 to i32
      %sign3A_18 = arith.constant 0 : i32
      %sign3A_19 = arith.cmpi slt, %add3A_11, %sign3A_18 : i32
      %sign3A_20 = arith.extui %sign3A_19 : i1 to i32
      %sign3A_21 = arith.subi %sign3A_17, %sign3A_20 : i32
      %sign3A_22 = arith.constant 0 : i32
      %sign3A_23 = arith.cmpi sgt, %jit3A, %sign3A_22 : i32
      %sign3A_24 = arith.extui %sign3A_23 : i1 to i32
      %sign3A_25 = arith.constant 0 : i32
      %sign3A_26 = arith.cmpi slt, %jit3A, %sign3A_25 : i32
      %sign3A_27 = arith.extui %sign3A_26 : i1 to i32
      %sign3A_28 = arith.subi %sign3A_24, %sign3A_27 : i32
      %ne3A = arith.cmpi ne, %sign3A_21, %sign3A_28 : i32
      %rem3A = arith.remsi %add3A_11, %jit3A : i32
      %ne3A_29 = arith.constant 0 : i32
      %ne3A_30 = arith.cmpi ne, %rem3A, %ne3A_29 : i32
      %and3A = arith.andi %ne3A, %ne3A_30 : i1
      %sub3A = arith.constant 1 : i32
      %sub3A_31 = arith.subi %div3A, %sub3A : i32
      %select_n3A = arith.select %and3A, %sub3A_31, %div3A : i32
      %add3A_32 = arith.constant 0 : i32
      %add3A_33 = arith.addi %select_n3A, %add3A_32 : i32
      %mul3A_34 = arith.constant 8 : i32
      %mul3A_35 = arith.muli %mul3A_34, %add3A_33 : i32
      "tpu.region"() ({
        %run_scoped3A = tpu.sem_alloc : memref<!tpu.dma_semaphore, #tpu.memory_space<semaphore_mem>>
        %dma_start3A_96 = arith.constant 0 : i32
        %dma_start3A_97 = arith.constant 0 : i32
        %dma_start3A_98 = tpu.memref_slice %arg6[%dma_start3A_96, %dma_start3A_97] : memref<96x1024xf32, #tpu.memory_space<vmem>> -> memref<6x1024xf32, #tpu.memory_space<vmem>>
        %dma_start3A_99 = arith.constant 0 : i32
        %dma_start3A_100 = tpu.memref_slice %arg4[%mul3A_35, %dma_start3A_99] : memref<32768x1024xf32, #tpu.memory_space<hbm>> -> memref<6x1024xf32, #tpu.memory_space<hbm>>
        %dma_start3A_101 = arith.constant 0 : i32
        %dma_start3A_102 = tpu.memref_slice %arg4[%mul3A_35, %dma_start3A_101] : memref<32768x1024xf32, #tpu.memory_space<hbm>> -> memref<6x1024xf32, #tpu.memory_space<hbm>>
        %dma_start3A_103 = arith.constant 0 : i32
        %dma_start3A_104 = arith.constant 0 : i32
        %dma_start3A_105 = tpu.memref_slice %arg6[%dma_start3A_103, %dma_start3A_104] : memref<96x1024xf32, #tpu.memory_space<vmem>> -> memref<6x1024xf32, #tpu.memory_space<vmem>>
        tpu.enqueue_dma source(%dma_start3A_105 : memref<6x1024xf32, #tpu.memory_space<vmem>>) target(%dma_start3A_102 : memref<6x1024xf32, #tpu.memory_space<hbm>>) target_semaphore(%run_scoped3A : memref<!tpu.dma_semaphore, #tpu.memory_space<semaphore_mem>>)
        %dma_wait3A_106 = arith.constant 0 : i32
        %dma_wait3A_107 = arith.constant 0 : i32
        %dma_wait3A_108 = tpu.memref_slice %arg6[%dma_wait3A_106, %dma_wait3A_107] : memref<96x1024xf32, #tpu.memory_space<vmem>> -> memref<6x1024xf32, #tpu.memory_space<vmem>>
        %dma_wait3A_109 = arith.constant 0 : i32
        %dma_wait3A_110 = tpu.memref_slice %arg4[%mul3A_35, %dma_wait3A_109] : memref<32768x1024xf32, #tpu.memory_space<hbm>> -> memref<6x1024xf32, #tpu.memory_space<hbm>>
        %dma_wait3A_111 = arith.constant 0 : i32
        %dma_wait3A_112 = tpu.memref_slice %arg4[%mul3A_35, %dma_wait3A_111] : memref<32768x1024xf32, #tpu.memory_space<hbm>> -> memref<6x1024xf32, #tpu.memory_space<hbm>>
        %dma_wait3A_113 = arith.constant 0 : i32
        %dma_wait3A_114 = arith.constant 0 : i32
        %dma_wait3A_115 = tpu.memref_slice %arg6[%dma_wait3A_113, %dma_wait3A_114] : memref<96x1024xf32, #tpu.memory_space<vmem>> -> memref<6x1024xf32, #tpu.memory_space<vmem>>
        tpu.wait_dma2 semaphore(%run_scoped3A : memref<!tpu.dma_semaphore, #tpu.memory_space<semaphore_mem>>) src(%dma_wait3A_115 : memref<6x1024xf32, #tpu.memory_space<vmem>>) dst(%dma_wait3A_112 : memref<6x1024xf32, #tpu.memory_space<hbm>>)
        tpu.yield
      }) : () -> ()
      %add3A_36 = arith.constant 1 : i32
      %add3A_37 = arith.addi %select_n3A, %add3A_36 : i32
      %mul3A_38 = arith.constant 8 : i32
      %mul3A_39 = arith.muli %mul3A_38, %add3A_37 : i32
      "tpu.region"() ({
        %run_scoped3A = tpu.sem_alloc : memref<!tpu.dma_semaphore, #tpu.memory_space<semaphore_mem>>
        %dma_start3A_96 = arith.constant 6 : i32
        %dma_start3A_97 = arith.constant 0 : i32
        %dma_start3A_98 = tpu.memref_slice %arg6[%dma_start3A_96, %dma_start3A_97] : memref<96x1024xf32, #tpu.memory_space<vmem>> -> memref<6x1024xf32, #tpu.memory_space<vmem>>
        %dma_start3A_99 = arith.constant 0 : i32
        %dma_start3A_100 = tpu.memref_slice %arg4[%mul3A_39, %dma_start3A_99] : memref<32768x1024xf32, #tpu.memory_space<hbm>> -> memref<6x1024xf32, #tpu.memory_space<hbm>>
        %dma_start3A_101 = arith.constant 0 : i32
        %dma_start3A_102 = tpu.memref_slice %arg4[%mul3A_39, %dma_start3A_101] : memref<32768x1024xf32, #tpu.memory_space<hbm>> -> memref<6x1024xf32, #tpu.memory_space<hbm>>
        %dma_start3A_103 = arith.constant 6 : i32
        %dma_start3A_104 = arith.constant 0 : i32
        %dma_start3A_105 = tpu.memref_slice %arg6[%dma_start3A_103, %dma_start3A_104] : memref<96x1024xf32, #tpu.memory_space<vmem>> -> memref<6x1024xf32, #tpu.memory_space<vmem>>
        tpu.enqueue_dma source(%dma_start3A_105 : memref<6x1024xf32, #tpu.memory_space<vmem>>) target(%dma_start3A_102 : memref<6x1024xf32, #tpu.memory_space<hbm>>) target_semaphore(%run_scoped3A : memref<!tpu.dma_semaphore, #tpu.memory_space<semaphore_mem>>)
        %dma_wait3A_106 = arith.constant 6 : i32
        %dma_wait3A_107 = arith.constant 0 : i32
        %dma_wait3A_108 = tpu.memref_slice %arg6[%dma_wait3A_106, %dma_wait3A_107] : memref<96x1024xf32, #tpu.memory_space<vmem>> -> memref<6x1024xf32, #tpu.memory_space<vmem>>
        %dma_wait3A_109 = arith.constant 0 : i32
        %dma_wait3A_110 = tpu.memref_slice %arg4[%mul3A_39, %dma_wait3A_109] : memref<32768x1024xf32, #tpu.memory_space<hbm>> -> memref<6x1024xf32, #tpu.memory_space<hbm>>
        %dma_wait3A_111 = arith.constant 0 : i32
        %dma_wait3A_112 = tpu.memref_slice %arg4[%mul3A_39, %dma_wait3A_111] : memref<32768x1024xf32, #tpu.memory_space<hbm>> -> memref<6x1024xf32, #tpu.memory_space<hbm>>
        %dma_wait3A_113 = arith.constant 6 : i32
        %dma_wait3A_114 = arith.constant 0 : i32
        %dma_wait3A_115 = tpu.memref_slice %arg6[%dma_wait3A_113, %dma_wait3A_114] : memref<96x1024xf32, #tpu.memory_space<vmem>> -> memref<6x1024xf32, #tpu.memory_space<vmem>>
        tpu.wait_dma2 semaphore(%run_scoped3A : memref<!tpu.dma_semaphore, #tpu.memory_space<semaphore_mem>>) src(%dma_wait3A_115 : memref<6x1024xf32, #tpu.memory_space<vmem>>) dst(%dma_wait3A_112 : memref<6x1024xf32, #tpu.memory_space<hbm>>)
        tpu.yield
      }) : () -> ()
      %add3A_40 = arith.constant 2 : i32
      %add3A_41 = arith.addi %select_n3A, %add3A_40 : i32
      %mul3A_42 = arith.constant 8 : i32
      %mul3A_43 = arith.muli %mul3A_42, %add3A_41 : i32
      "tpu.region"() ({
        %run_scoped3A = tpu.sem_alloc : memref<!tpu.dma_semaphore, #tpu.memory_space<semaphore_mem>>
        %dma_start3A_96 = arith.constant 12 : i32
        %dma_start3A_97 = arith.constant 0 : i32
        %dma_start3A_98 = tpu.memref_slice %arg6[%dma_start3A_96, %dma_start3A_97] : memref<96x1024xf32, #tpu.memory_space<vmem>> -> memref<6x1024xf32, #tpu.memory_space<vmem>>
        %dma_start3A_99 = arith.constant 0 : i32
        %dma_start3A_100 = tpu.memref_slice %arg4[%mul3A_43, %dma_start3A_99] : memref<32768x1024xf32, #tpu.memory_space<hbm>> -> memref<6x1024xf32, #tpu.memory_space<hbm>>
        %dma_start3A_101 = arith.constant 0 : i32
        %dma_start3A_102 = tpu.memref_slice %arg4[%mul3A_43, %dma_start3A_101] : memref<32768x1024xf32, #tpu.memory_space<hbm>> -> memref<6x1024xf32, #tpu.memory_space<hbm>>
        %dma_start3A_103 = arith.constant 12 : i32
        %dma_start3A_104 = arith.constant 0 : i32
        %dma_start3A_105 = tpu.memref_slice %arg6[%dma_start3A_103, %dma_start3A_104] : memref<96x1024xf32, #tpu.memory_space<vmem>> -> memref<6x1024xf32, #tpu.memory_space<vmem>>
        tpu.enqueue_dma source(%dma_start3A_105 : memref<6x1024xf32, #tpu.memory_space<vmem>>) target(%dma_start3A_102 : memref<6x1024xf32, #tpu.memory_space<hbm>>) target_semaphore(%run_scoped3A : memref<!tpu.dma_semaphore, #tpu.memory_space<semaphore_mem>>)
        %dma_wait3A_106 = arith.constant 12 : i32
        %dma_wait3A_107 = arith.constant 0 : i32
        %dma_wait3A_108 = tpu.memref_slice %arg6[%dma_wait3A_106, %dma_wait3A_107] : memref<96x1024xf32, #tpu.memory_space<vmem>> -> memref<6x1024xf32, #tpu.memory_space<vmem>>
        %dma_wait3A_109 = arith.constant 0 : i32
        %dma_wait3A_110 = tpu.memref_slice %arg4[%mul3A_43, %dma_wait3A_109] : memref<32768x1024xf32, #tpu.memory_space<hbm>> -> memref<6x1024xf32, #tpu.memory_space<hbm>>
        %dma_wait3A_111 = arith.constant 0 : i32
        %dma_wait3A_112 = tpu.memref_slice %arg4[%mul3A_43, %dma_wait3A_111] : memref<32768x1024xf32, #tpu.memory_space<hbm>> -> memref<6x1024xf32, #tpu.memory_space<hbm>>
        %dma_wait3A_113 = arith.constant 12 : i32
        %dma_wait3A_114 = arith.constant 0 : i32
        %dma_wait3A_115 = tpu.memref_slice %arg6[%dma_wait3A_113, %dma_wait3A_114] : memref<96x1024xf32, #tpu.memory_space<vmem>> -> memref<6x1024xf32, #tpu.memory_space<vmem>>
        tpu.wait_dma2 semaphore(%run_scoped3A : memref<!tpu.dma_semaphore, #tpu.memory_space<semaphore_mem>>) src(%dma_wait3A_115 : memref<6x1024xf32, #tpu.memory_space<vmem>>) dst(%dma_wait3A_112 : memref<6x1024xf32, #tpu.memory_space<hbm>>)
        tpu.yield
      }) : () -> ()
      %add3A_44 = arith.constant 3 : i32
      %add3A_45 = arith.addi %select_n3A, %add3A_44 : i32
      %mul3A_46 = arith.constant 8 : i32
      %mul3A_47 = arith.muli %mul3A_46, %add3A_45 : i32
      "tpu.region"() ({
        %run_scoped3A = tpu.sem_alloc : memref<!tpu.dma_semaphore, #tpu.memory_space<semaphore_mem>>
        %dma_start3A_96 = arith.constant 18 : i32
        %dma_start3A_97 = arith.constant 0 : i32
        %dma_start3A_98 = tpu.memref_slice %arg6[%dma_start3A_96, %dma_start3A_97] : memref<96x1024xf32, #tpu.memory_space<vmem>> -> memref<6x1024xf32, #tpu.memory_space<vmem>>
        %dma_start3A_99 = arith.constant 0 : i32
        %dma_start3A_100 = tpu.memref_slice %arg4[%mul3A_47, %dma_start3A_99] : memref<32768x1024xf32, #tpu.memory_space<hbm>> -> memref<6x1024xf32, #tpu.memory_space<hbm>>
        %dma_start3A_101 = arith.constant 0 : i32
        %dma_start3A_102 = tpu.memref_slice %arg4[%mul3A_47, %dma_start3A_101] : memref<32768x1024xf32, #tpu.memory_space<hbm>> -> memref<6x1024xf32, #tpu.memory_space<hbm>>
        %dma_start3A_103 = arith.constant 18 : i32
        %dma_start3A_104 = arith.constant 0 : i32
        %dma_start3A_105 = tpu.memref_slice %arg6[%dma_start3A_103, %dma_start3A_104] : memref<96x1024xf32, #tpu.memory_space<vmem>> -> memref<6x1024xf32, #tpu.memory_space<vmem>>
        tpu.enqueue_dma source(%dma_start3A_105 : memref<6x1024xf32, #tpu.memory_space<vmem>>) target(%dma_start3A_102 : memref<6x1024xf32, #tpu.memory_space<hbm>>) target_semaphore(%run_scoped3A : memref<!tpu.dma_semaphore, #tpu.memory_space<semaphore_mem>>)
        %dma_wait3A_106 = arith.constant 18 : i32
        %dma_wait3A_107 = arith.constant 0 : i32
        %dma_wait3A_108 = tpu.memref_slice %arg6[%dma_wait3A_106, %dma_wait3A_107] : memref<96x1024xf32, #tpu.memory_space<vmem>> -> memref<6x1024xf32, #tpu.memory_space<vmem>>
        %dma_wait3A_109 = arith.constant 0 : i32
        %dma_wait3A_110 = tpu.memref_slice %arg4[%mul3A_47, %dma_wait3A_109] : memref<32768x1024xf32, #tpu.memory_space<hbm>> -> memref<6x1024xf32, #tpu.memory_space<hbm>>
        %dma_wait3A_111 = arith.constant 0 : i32
        %dma_wait3A_112 = tpu.memref_slice %arg4[%mul3A_47, %dma_wait3A_111] : memref<32768x1024xf32, #tpu.memory_space<hbm>> -> memref<6x1024xf32, #tpu.memory_space<hbm>>
        %dma_wait3A_113 = arith.constant 18 : i32
        %dma_wait3A_114 = arith.constant 0 : i32
        %dma_wait3A_115 = tpu.memref_slice %arg6[%dma_wait3A_113, %dma_wait3A_114] : memref<96x1024xf32, #tpu.memory_space<vmem>> -> memref<6x1024xf32, #tpu.memory_space<vmem>>
        tpu.wait_dma2 semaphore(%run_scoped3A : memref<!tpu.dma_semaphore, #tpu.memory_space<semaphore_mem>>) src(%dma_wait3A_115 : memref<6x1024xf32, #tpu.memory_space<vmem>>) dst(%dma_wait3A_112 : memref<6x1024xf32, #tpu.memory_space<hbm>>)
        tpu.yield
      }) : () -> ()
      %add3A_48 = arith.constant 4 : i32
      %add3A_49 = arith.addi %select_n3A, %add3A_48 : i32
      %mul3A_50 = arith.constant 8 : i32
      %mul3A_51 = arith.muli %mul3A_50, %add3A_49 : i32
      "tpu.region"() ({
        %run_scoped3A = tpu.sem_alloc : memref<!tpu.dma_semaphore, #tpu.memory_space<semaphore_mem>>
        %dma_start3A_96 = arith.constant 24 : i32
        %dma_start3A_97 = arith.constant 0 : i32
        %dma_start3A_98 = tpu.memref_slice %arg6[%dma_start3A_96, %dma_start3A_97] : memref<96x1024xf32, #tpu.memory_space<vmem>> -> memref<6x1024xf32, #tpu.memory_space<vmem>>
        %dma_start3A_99 = arith.constant 0 : i32
        %dma_start3A_100 = tpu.memref_slice %arg4[%mul3A_51, %dma_start3A_99] : memref<32768x1024xf32, #tpu.memory_space<hbm>> -> memref<6x1024xf32, #tpu.memory_space<hbm>>
        %dma_start3A_101 = arith.constant 0 : i32
        %dma_start3A_102 = tpu.memref_slice %arg4[%mul3A_51, %dma_start3A_101] : memref<32768x1024xf32, #tpu.memory_space<hbm>> -> memref<6x1024xf32, #tpu.memory_space<hbm>>
        %dma_start3A_103 = arith.constant 24 : i32
        %dma_start3A_104 = arith.constant 0 : i32
        %dma_start3A_105 = tpu.memref_slice %arg6[%dma_start3A_103, %dma_start3A_104] : memref<96x1024xf32, #tpu.memory_space<vmem>> -> memref<6x1024xf32, #tpu.memory_space<vmem>>
        tpu.enqueue_dma source(%dma_start3A_105 : memref<6x1024xf32, #tpu.memory_space<vmem>>) target(%dma_start3A_102 : memref<6x1024xf32, #tpu.memory_space<hbm>>) target_semaphore(%run_scoped3A : memref<!tpu.dma_semaphore, #tpu.memory_space<semaphore_mem>>)
        %dma_wait3A_106 = arith.constant 24 : i32
        %dma_wait3A_107 = arith.constant 0 : i32
        %dma_wait3A_108 = tpu.memref_slice %arg6[%dma_wait3A_106, %dma_wait3A_107] : memref<96x1024xf32, #tpu.memory_space<vmem>> -> memref<6x1024xf32, #tpu.memory_space<vmem>>
        %dma_wait3A_109 = arith.constant 0 : i32
        %dma_wait3A_110 = tpu.memref_slice %arg4[%mul3A_51, %dma_wait3A_109] : memref<32768x1024xf32, #tpu.memory_space<hbm>> -> memref<6x1024xf32, #tpu.memory_space<hbm>>
        %dma_wait3A_111 = arith.constant 0 : i32
        %dma_wait3A_112 = tpu.memref_slice %arg4[%mul3A_51, %dma_wait3A_111] : memref<32768x1024xf32, #tpu.memory_space<hbm>> -> memref<6x1024xf32, #tpu.memory_space<hbm>>
        %dma_wait3A_113 = arith.constant 24 : i32
        %dma_wait3A_114 = arith.constant 0 : i32
        %dma_wait3A_115 = tpu.memref_slice %arg6[%dma_wait3A_113, %dma_wait3A_114] : memref<96x1024xf32, #tpu.memory_space<vmem>> -> memref<6x1024xf32, #tpu.memory_space<vmem>>
        tpu.wait_dma2 semaphore(%run_scoped3A : memref<!tpu.dma_semaphore, #tpu.memory_space<semaphore_mem>>) src(%dma_wait3A_115 : memref<6x1024xf32, #tpu.memory_space<vmem>>) dst(%dma_wait3A_112 : memref<6x1024xf32, #tpu.memory_space<hbm>>)
        tpu.yield
      }) : () -> ()
      %add3A_52 = arith.constant 5 : i32
      %add3A_53 = arith.addi %select_n3A, %add3A_52 : i32
      %mul3A_54 = arith.constant 8 : i32
      %mul3A_55 = arith.muli %mul3A_54, %add3A_53 : i32
      "tpu.region"() ({
        %run_scoped3A = tpu.sem_alloc : memref<!tpu.dma_semaphore, #tpu.memory_space<semaphore_mem>>
        %dma_start3A_96 = arith.constant 30 : i32
        %dma_start3A_97 = arith.constant 0 : i32
        %dma_start3A_98 = tpu.memref_slice %arg6[%dma_start3A_96, %dma_start3A_97] : memref<96x1024xf32, #tpu.memory_space<vmem>> -> memref<6x1024xf32, #tpu.memory_space<vmem>>
        %dma_start3A_99 = arith.constant 0 : i32
        %dma_start3A_100 = tpu.memref_slice %arg4[%mul3A_55, %dma_start3A_99] : memref<32768x1024xf32, #tpu.memory_space<hbm>> -> memref<6x1024xf32, #tpu.memory_space<hbm>>
        %dma_start3A_101 = arith.constant 0 : i32
        %dma_start3A_102 = tpu.memref_slice %arg4[%mul3A_55, %dma_start3A_101] : memref<32768x1024xf32, #tpu.memory_space<hbm>> -> memref<6x1024xf32, #tpu.memory_space<hbm>>
        %dma_start3A_103 = arith.constant 30 : i32
        %dma_start3A_104 = arith.constant 0 : i32
        %dma_start3A_105 = tpu.memref_slice %arg6[%dma_start3A_103, %dma_start3A_104] : memref<96x1024xf32, #tpu.memory_space<vmem>> -> memref<6x1024xf32, #tpu.memory_space<vmem>>
        tpu.enqueue_dma source(%dma_start3A_105 : memref<6x1024xf32, #tpu.memory_space<vmem>>) target(%dma_start3A_102 : memref<6x1024xf32, #tpu.memory_space<hbm>>) target_semaphore(%run_scoped3A : memref<!tpu.dma_semaphore, #tpu.memory_space<semaphore_mem>>)
        %dma_wait3A_106 = arith.constant 30 : i32
        %dma_wait3A_107 = arith.constant 0 : i32
        %dma_wait3A_108 = tpu.memref_slice %arg6[%dma_wait3A_106, %dma_wait3A_107] : memref<96x1024xf32, #tpu.memory_space<vmem>> -> memref<6x1024xf32, #tpu.memory_space<vmem>>
        %dma_wait3A_109 = arith.constant 0 : i32
        %dma_wait3A_110 = tpu.memref_slice %arg4[%mul3A_55, %dma_wait3A_109] : memref<32768x1024xf32, #tpu.memory_space<hbm>> -> memref<6x1024xf32, #tpu.memory_space<hbm>>
        %dma_wait3A_111 = arith.constant 0 : i32
        %dma_wait3A_112 = tpu.memref_slice %arg4[%mul3A_55, %dma_wait3A_111] : memref<32768x1024xf32, #tpu.memory_space<hbm>> -> memref<6x1024xf32, #tpu.memory_space<hbm>>
        %dma_wait3A_113 = arith.constant 30 : i32
        %dma_wait3A_114 = arith.constant 0 : i32
        %dma_wait3A_115 = tpu.memref_slice %arg6[%dma_wait3A_113, %dma_wait3A_114] : memref<96x1024xf32, #tpu.memory_space<vmem>> -> memref<6x1024xf32, #tpu.memory_space<vmem>>
        tpu.wait_dma2 semaphore(%run_scoped3A : memref<!tpu.dma_semaphore, #tpu.memory_space<semaphore_mem>>) src(%dma_wait3A_115 : memref<6x1024xf32, #tpu.memory_space<vmem>>) dst(%dma_wait3A_112 : memref<6x1024xf32, #tpu.memory_space<hbm>>)
        tpu.yield
      }) : () -> ()
      %add3A_56 = arith.constant 6 : i32
      %add3A_57 = arith.addi %select_n3A, %add3A_56 : i32
      %mul3A_58 = arith.constant 8 : i32
      %mul3A_59 = arith.muli %mul3A_58, %add3A_57 : i32
      "tpu.region"() ({
        %run_scoped3A = tpu.sem_alloc : memref<!tpu.dma_semaphore, #tpu.memory_space<semaphore_mem>>
        %dma_start3A_96 = arith.constant 36 : i32
        %dma_start3A_97 = arith.constant 0 : i32
        %dma_start3A_98 = tpu.memref_slice %arg6[%dma_start3A_96, %dma_start3A_97] : memref<96x1024xf32, #tpu.memory_space<vmem>> -> memref<6x1024xf32, #tpu.memory_space<vmem>>
        %dma_start3A_99 = arith.constant 0 : i32
        %dma_start3A_100 = tpu.memref_slice %arg4[%mul3A_59, %dma_start3A_99] : memref<32768x1024xf32, #tpu.memory_space<hbm>> -> memref<6x1024xf32, #tpu.memory_space<hbm>>
        %dma_start3A_101 = arith.constant 0 : i32
        %dma_start3A_102 = tpu.memref_slice %arg4[%mul3A_59, %dma_start3A_101] : memref<32768x1024xf32, #tpu.memory_space<hbm>> -> memref<6x1024xf32, #tpu.memory_space<hbm>>
        %dma_start3A_103 = arith.constant 36 : i32
        %dma_start3A_104 = arith.constant 0 : i32
        %dma_start3A_105 = tpu.memref_slice %arg6[%dma_start3A_103, %dma_start3A_104] : memref<96x1024xf32, #tpu.memory_space<vmem>> -> memref<6x1024xf32, #tpu.memory_space<vmem>>
        tpu.enqueue_dma source(%dma_start3A_105 : memref<6x1024xf32, #tpu.memory_space<vmem>>) target(%dma_start3A_102 : memref<6x1024xf32, #tpu.memory_space<hbm>>) target_semaphore(%run_scoped3A : memref<!tpu.dma_semaphore, #tpu.memory_space<semaphore_mem>>)
        %dma_wait3A_106 = arith.constant 36 : i32
        %dma_wait3A_107 = arith.constant 0 : i32
        %dma_wait3A_108 = tpu.memref_slice %arg6[%dma_wait3A_106, %dma_wait3A_107] : memref<96x1024xf32, #tpu.memory_space<vmem>> -> memref<6x1024xf32, #tpu.memory_space<vmem>>
        %dma_wait3A_109 = arith.constant 0 : i32
        %dma_wait3A_110 = tpu.memref_slice %arg4[%mul3A_59, %dma_wait3A_109] : memref<32768x1024xf32, #tpu.memory_space<hbm>> -> memref<6x1024xf32, #tpu.memory_space<hbm>>
        %dma_wait3A_111 = arith.constant 0 : i32
        %dma_wait3A_112 = tpu.memref_slice %arg4[%mul3A_59, %dma_wait3A_111] : memref<32768x1024xf32, #tpu.memory_space<hbm>> -> memref<6x1024xf32, #tpu.memory_space<hbm>>
        %dma_wait3A_113 = arith.constant 36 : i32
        %dma_wait3A_114 = arith.constant 0 : i32
        %dma_wait3A_115 = tpu.memref_slice %arg6[%dma_wait3A_113, %dma_wait3A_114] : memref<96x1024xf32, #tpu.memory_space<vmem>> -> memref<6x1024xf32, #tpu.memory_space<vmem>>
        tpu.wait_dma2 semaphore(%run_scoped3A : memref<!tpu.dma_semaphore, #tpu.memory_space<semaphore_mem>>) src(%dma_wait3A_115 : memref<6x1024xf32, #tpu.memory_space<vmem>>) dst(%dma_wait3A_112 : memref<6x1024xf32, #tpu.memory_space<hbm>>)
        tpu.yield
      }) : () -> ()
      %add3A_60 = arith.constant 7 : i32
      %add3A_61 = arith.addi %select_n3A, %add3A_60 : i32
      %mul3A_62 = arith.constant 8 : i32
      %mul3A_63 = arith.muli %mul3A_62, %add3A_61 : i32
      "tpu.region"() ({
        %run_scoped3A = tpu.sem_alloc : memref<!tpu.dma_semaphore, #tpu.memory_space<semaphore_mem>>
        %dma_start3A_96 = arith.constant 42 : i32
        %dma_start3A_97 = arith.constant 0 : i32
        %dma_start3A_98 = tpu.memref_slice %arg6[%dma_start3A_96, %dma_start3A_97] : memref<96x1024xf32, #tpu.memory_space<vmem>> -> memref<6x1024xf32, #tpu.memory_space<vmem>>
        %dma_start3A_99 = arith.constant 0 : i32
        %dma_start3A_100 = tpu.memref_slice %arg4[%mul3A_63, %dma_start3A_99] : memref<32768x1024xf32, #tpu.memory_space<hbm>> -> memref<6x1024xf32, #tpu.memory_space<hbm>>
        %dma_start3A_101 = arith.constant 0 : i32
        %dma_start3A_102 = tpu.memref_slice %arg4[%mul3A_63, %dma_start3A_101] : memref<32768x1024xf32, #tpu.memory_space<hbm>> -> memref<6x1024xf32, #tpu.memory_space<hbm>>
        %dma_start3A_103 = arith.constant 42 : i32
        %dma_start3A_104 = arith.constant 0 : i32
        %dma_start3A_105 = tpu.memref_slice %arg6[%dma_start3A_103, %dma_start3A_104] : memref<96x1024xf32, #tpu.memory_space<vmem>> -> memref<6x1024xf32, #tpu.memory_space<vmem>>
        tpu.enqueue_dma source(%dma_start3A_105 : memref<6x1024xf32, #tpu.memory_space<vmem>>) target(%dma_start3A_102 : memref<6x1024xf32, #tpu.memory_space<hbm>>) target_semaphore(%run_scoped3A : memref<!tpu.dma_semaphore, #tpu.memory_space<semaphore_mem>>)
        %dma_wait3A_106 = arith.constant 42 : i32
        %dma_wait3A_107 = arith.constant 0 : i32
        %dma_wait3A_108 = tpu.memref_slice %arg6[%dma_wait3A_106, %dma_wait3A_107] : memref<96x1024xf32, #tpu.memory_space<vmem>> -> memref<6x1024xf32, #tpu.memory_space<vmem>>
        %dma_wait3A_109 = arith.constant 0 : i32
        %dma_wait3A_110 = tpu.memref_slice %arg4[%mul3A_63, %dma_wait3A_109] : memref<32768x1024xf32, #tpu.memory_space<hbm>> -> memref<6x1024xf32, #tpu.memory_space<hbm>>
        %dma_wait3A_111 = arith.constant 0 : i32
        %dma_wait3A_112 = tpu.memref_slice %arg4[%mul3A_63, %dma_wait3A_111] : memref<32768x1024xf32, #tpu.memory_space<hbm>> -> memref<6x1024xf32, #tpu.memory_space<hbm>>
        %dma_wait3A_113 = arith.constant 42 : i32
        %dma_wait3A_114 = arith.constant 0 : i32
        %dma_wait3A_115 = tpu.memref_slice %arg6[%dma_wait3A_113, %dma_wait3A_114] : memref<96x1024xf32, #tpu.memory_space<vmem>> -> memref<6x1024xf32, #tpu.memory_space<vmem>>
        tpu.wait_dma2 semaphore(%run_scoped3A : memref<!tpu.dma_semaphore, #tpu.memory_space<semaphore_mem>>) src(%dma_wait3A_115 : memref<6x1024xf32, #tpu.memory_space<vmem>>) dst(%dma_wait3A_112 : memref<6x1024xf32, #tpu.memory_space<hbm>>)
        tpu.yield
      }) : () -> ()
      %add3A_64 = arith.constant 8 : i32
      %add3A_65 = arith.addi %select_n3A, %add3A_64 : i32
      %mul3A_66 = arith.constant 8 : i32
      %mul3A_67 = arith.muli %mul3A_66, %add3A_65 : i32
      "tpu.region"() ({
        %run_scoped3A = tpu.sem_alloc : memref<!tpu.dma_semaphore, #tpu.memory_space<semaphore_mem>>
        %dma_start3A_96 = arith.constant 48 : i32
        %dma_start3A_97 = arith.constant 0 : i32
        %dma_start3A_98 = tpu.memref_slice %arg6[%dma_start3A_96, %dma_start3A_97] : memref<96x1024xf32, #tpu.memory_space<vmem>> -> memref<6x1024xf32, #tpu.memory_space<vmem>>
        %dma_start3A_99 = arith.constant 0 : i32
        %dma_start3A_100 = tpu.memref_slice %arg4[%mul3A_67, %dma_start3A_99] : memref<32768x1024xf32, #tpu.memory_space<hbm>> -> memref<6x1024xf32, #tpu.memory_space<hbm>>
        %dma_start3A_101 = arith.constant 0 : i32
        %dma_start3A_102 = tpu.memref_slice %arg4[%mul3A_67, %dma_start3A_101] : memref<32768x1024xf32, #tpu.memory_space<hbm>> -> memref<6x1024xf32, #tpu.memory_space<hbm>>
        %dma_start3A_103 = arith.constant 48 : i32
        %dma_start3A_104 = arith.constant 0 : i32
        %dma_start3A_105 = tpu.memref_slice %arg6[%dma_start3A_103, %dma_start3A_104] : memref<96x1024xf32, #tpu.memory_space<vmem>> -> memref<6x1024xf32, #tpu.memory_space<vmem>>
        tpu.enqueue_dma source(%dma_start3A_105 : memref<6x1024xf32, #tpu.memory_space<vmem>>) target(%dma_start3A_102 : memref<6x1024xf32, #tpu.memory_space<hbm>>) target_semaphore(%run_scoped3A : memref<!tpu.dma_semaphore, #tpu.memory_space<semaphore_mem>>)
        %dma_wait3A_106 = arith.constant 48 : i32
        %dma_wait3A_107 = arith.constant 0 : i32
        %dma_wait3A_108 = tpu.memref_slice %arg6[%dma_wait3A_106, %dma_wait3A_107] : memref<96x1024xf32, #tpu.memory_space<vmem>> -> memref<6x1024xf32, #tpu.memory_space<vmem>>
        %dma_wait3A_109 = arith.constant 0 : i32
        %dma_wait3A_110 = tpu.memref_slice %arg4[%mul3A_67, %dma_wait3A_109] : memref<32768x1024xf32, #tpu.memory_space<hbm>> -> memref<6x1024xf32, #tpu.memory_space<hbm>>
        %dma_wait3A_111 = arith.constant 0 : i32
        %dma_wait3A_112 = tpu.memref_slice %arg4[%mul3A_67, %dma_wait3A_111] : memref<32768x1024xf32, #tpu.memory_space<hbm>> -> memref<6x1024xf32, #tpu.memory_space<hbm>>
        %dma_wait3A_113 = arith.constant 48 : i32
        %dma_wait3A_114 = arith.constant 0 : i32
        %dma_wait3A_115 = tpu.memref_slice %arg6[%dma_wait3A_113, %dma_wait3A_114] : memref<96x1024xf32, #tpu.memory_space<vmem>> -> memref<6x1024xf32, #tpu.memory_space<vmem>>
        tpu.wait_dma2 semaphore(%run_scoped3A : memref<!tpu.dma_semaphore, #tpu.memory_space<semaphore_mem>>) src(%dma_wait3A_115 : memref<6x1024xf32, #tpu.memory_space<vmem>>) dst(%dma_wait3A_112 : memref<6x1024xf32, #tpu.memory_space<hbm>>)
        tpu.yield
      }) : () -> ()
      %add3A_68 = arith.constant 9 : i32
      %add3A_69 = arith.addi %select_n3A, %add3A_68 : i32
      %mul3A_70 = arith.constant 8 : i32
      %mul3A_71 = arith.muli %mul3A_70, %add3A_69 : i32
      "tpu.region"() ({
        %run_scoped3A = tpu.sem_alloc : memref<!tpu.dma_semaphore, #tpu.memory_space<semaphore_mem>>
        %dma_start3A_96 = arith.constant 54 : i32
        %dma_start3A_97 = arith.constant 0 : i32
        %dma_start3A_98 = tpu.memref_slice %arg6[%dma_start3A_96, %dma_start3A_97] : memref<96x1024xf32, #tpu.memory_space<vmem>> -> memref<6x1024xf32, #tpu.memory_space<vmem>>
        %dma_start3A_99 = arith.constant 0 : i32
        %dma_start3A_100 = tpu.memref_slice %arg4[%mul3A_71, %dma_start3A_99] : memref<32768x1024xf32, #tpu.memory_space<hbm>> -> memref<6x1024xf32, #tpu.memory_space<hbm>>
        %dma_start3A_101 = arith.constant 0 : i32
        %dma_start3A_102 = tpu.memref_slice %arg4[%mul3A_71, %dma_start3A_101] : memref<32768x1024xf32, #tpu.memory_space<hbm>> -> memref<6x1024xf32, #tpu.memory_space<hbm>>
        %dma_start3A_103 = arith.constant 54 : i32
        %dma_start3A_104 = arith.constant 0 : i32
        %dma_start3A_105 = tpu.memref_slice %arg6[%dma_start3A_103, %dma_start3A_104] : memref<96x1024xf32, #tpu.memory_space<vmem>> -> memref<6x1024xf32, #tpu.memory_space<vmem>>
        tpu.enqueue_dma source(%dma_start3A_105 : memref<6x1024xf32, #tpu.memory_space<vmem>>) target(%dma_start3A_102 : memref<6x1024xf32, #tpu.memory_space<hbm>>) target_semaphore(%run_scoped3A : memref<!tpu.dma_semaphore, #tpu.memory_space<semaphore_mem>>)
        %dma_wait3A_106 = arith.constant 54 : i32
        %dma_wait3A_107 = arith.constant 0 : i32
        %dma_wait3A_108 = tpu.memref_slice %arg6[%dma_wait3A_106, %dma_wait3A_107] : memref<96x1024xf32, #tpu.memory_space<vmem>> -> memref<6x1024xf32, #tpu.memory_space<vmem>>
        %dma_wait3A_109 = arith.constant 0 : i32
        %dma_wait3A_110 = tpu.memref_slice %arg4[%mul3A_71, %dma_wait3A_109] : memref<32768x1024xf32, #tpu.memory_space<hbm>> -> memref<6x1024xf32, #tpu.memory_space<hbm>>
        %dma_wait3A_111 = arith.constant 0 : i32
        %dma_wait3A_112 = tpu.memref_slice %arg4[%mul3A_71, %dma_wait3A_111] : memref<32768x1024xf32, #tpu.memory_space<hbm>> -> memref<6x1024xf32, #tpu.memory_space<hbm>>
        %dma_wait3A_113 = arith.constant 54 : i32
        %dma_wait3A_114 = arith.constant 0 : i32
        %dma_wait3A_115 = tpu.memref_slice %arg6[%dma_wait3A_113, %dma_wait3A_114] : memref<96x1024xf32, #tpu.memory_space<vmem>> -> memref<6x1024xf32, #tpu.memory_space<vmem>>
        tpu.wait_dma2 semaphore(%run_scoped3A : memref<!tpu.dma_semaphore, #tpu.memory_space<semaphore_mem>>) src(%dma_wait3A_115 : memref<6x1024xf32, #tpu.memory_space<vmem>>) dst(%dma_wait3A_112 : memref<6x1024xf32, #tpu.memory_space<hbm>>)
        tpu.yield
      }) : () -> ()
      %add3A_72 = arith.constant 10 : i32
      %add3A_73 = arith.addi %select_n3A, %add3A_72 : i32
      %mul3A_74 = arith.constant 8 : i32
      %mul3A_75 = arith.muli %mul3A_74, %add3A_73 : i32
      "tpu.region"() ({
        %run_scoped3A = tpu.sem_alloc : memref<!tpu.dma_semaphore, #tpu.memory_space<semaphore_mem>>
        %dma_start3A_96 = arith.constant 60 : i32
        %dma_start3A_97 = arith.constant 0 : i32
        %dma_start3A_98 = tpu.memref_slice %arg6[%dma_start3A_96, %dma_start3A_97] : memref<96x1024xf32, #tpu.memory_space<vmem>> -> memref<6x1024xf32, #tpu.memory_space<vmem>>
        %dma_start3A_99 = arith.constant 0 : i32
        %dma_start3A_100 = tpu.memref_slice %arg4[%mul3A_75, %dma_start3A_99] : memref<32768x1024xf32, #tpu.memory_space<hbm>> -> memref<6x1024xf32, #tpu.memory_space<hbm>>
        %dma_start3A_101 = arith.constant 0 : i32
        %dma_start3A_102 = tpu.memref_slice %arg4[%mul3A_75, %dma_start3A_101] : memref<32768x1024xf32, #tpu.memory_space<hbm>> -> memref<6x1024xf32, #tpu.memory_space<hbm>>
        %dma_start3A_103 = arith.constant 60 : i32
        %dma_start3A_104 = arith.constant 0 : i32
        %dma_start3A_105 = tpu.memref_slice %arg6[%dma_start3A_103, %dma_start3A_104] : memref<96x1024xf32, #tpu.memory_space<vmem>> -> memref<6x1024xf32, #tpu.memory_space<vmem>>
        tpu.enqueue_dma source(%dma_start3A_105 : memref<6x1024xf32, #tpu.memory_space<vmem>>) target(%dma_start3A_102 : memref<6x1024xf32, #tpu.memory_space<hbm>>) target_semaphore(%run_scoped3A : memref<!tpu.dma_semaphore, #tpu.memory_space<semaphore_mem>>)
        %dma_wait3A_106 = arith.constant 60 : i32
        %dma_wait3A_107 = arith.constant 0 : i32
        %dma_wait3A_108 = tpu.memref_slice %arg6[%dma_wait3A_106, %dma_wait3A_107] : memref<96x1024xf32, #tpu.memory_space<vmem>> -> memref<6x1024xf32, #tpu.memory_space<vmem>>
        %dma_wait3A_109 = arith.constant 0 : i32
        %dma_wait3A_110 = tpu.memref_slice %arg4[%mul3A_75, %dma_wait3A_109] : memref<32768x1024xf32, #tpu.memory_space<hbm>> -> memref<6x1024xf32, #tpu.memory_space<hbm>>
        %dma_wait3A_111 = arith.constant 0 : i32
        %dma_wait3A_112 = tpu.memref_slice %arg4[%mul3A_75, %dma_wait3A_111] : memref<32768x1024xf32, #tpu.memory_space<hbm>> -> memref<6x1024xf32, #tpu.memory_space<hbm>>
        %dma_wait3A_113 = arith.constant 60 : i32
        %dma_wait3A_114 = arith.constant 0 : i32
        %dma_wait3A_115 = tpu.memref_slice %arg6[%dma_wait3A_113, %dma_wait3A_114] : memref<96x1024xf32, #tpu.memory_space<vmem>> -> memref<6x1024xf32, #tpu.memory_space<vmem>>
        tpu.wait_dma2 semaphore(%run_scoped3A : memref<!tpu.dma_semaphore, #tpu.memory_space<semaphore_mem>>) src(%dma_wait3A_115 : memref<6x1024xf32, #tpu.memory_space<vmem>>) dst(%dma_wait3A_112 : memref<6x1024xf32, #tpu.memory_space<hbm>>)
        tpu.yield
      }) : () -> ()
      %add3A_76 = arith.constant 11 : i32
      %add3A_77 = arith.addi %select_n3A, %add3A_76 : i32
      %mul3A_78 = arith.constant 8 : i32
      %mul3A_79 = arith.muli %mul3A_78, %add3A_77 : i32
      "tpu.region"() ({
        %run_scoped3A = tpu.sem_alloc : memref<!tpu.dma_semaphore, #tpu.memory_space<semaphore_mem>>
        %dma_start3A_96 = arith.constant 66 : i32
        %dma_start3A_97 = arith.constant 0 : i32
        %dma_start3A_98 = tpu.memref_slice %arg6[%dma_start3A_96, %dma_start3A_97] : memref<96x1024xf32, #tpu.memory_space<vmem>> -> memref<6x1024xf32, #tpu.memory_space<vmem>>
        %dma_start3A_99 = arith.constant 0 : i32
        %dma_start3A_100 = tpu.memref_slice %arg4[%mul3A_79, %dma_start3A_99] : memref<32768x1024xf32, #tpu.memory_space<hbm>> -> memref<6x1024xf32, #tpu.memory_space<hbm>>
        %dma_start3A_101 = arith.constant 0 : i32
        %dma_start3A_102 = tpu.memref_slice %arg4[%mul3A_79, %dma_start3A_101] : memref<32768x1024xf32, #tpu.memory_space<hbm>> -> memref<6x1024xf32, #tpu.memory_space<hbm>>
        %dma_start3A_103 = arith.constant 66 : i32
        %dma_start3A_104 = arith.constant 0 : i32
        %dma_start3A_105 = tpu.memref_slice %arg6[%dma_start3A_103, %dma_start3A_104] : memref<96x1024xf32, #tpu.memory_space<vmem>> -> memref<6x1024xf32, #tpu.memory_space<vmem>>
        tpu.enqueue_dma source(%dma_start3A_105 : memref<6x1024xf32, #tpu.memory_space<vmem>>) target(%dma_start3A_102 : memref<6x1024xf32, #tpu.memory_space<hbm>>) target_semaphore(%run_scoped3A : memref<!tpu.dma_semaphore, #tpu.memory_space<semaphore_mem>>)
        %dma_wait3A_106 = arith.constant 66 : i32
        %dma_wait3A_107 = arith.constant 0 : i32
        %dma_wait3A_108 = tpu.memref_slice %arg6[%dma_wait3A_106, %dma_wait3A_107] : memref<96x1024xf32, #tpu.memory_space<vmem>> -> memref<6x1024xf32, #tpu.memory_space<vmem>>
        %dma_wait3A_109 = arith.constant 0 : i32
        %dma_wait3A_110 = tpu.memref_slice %arg4[%mul3A_79, %dma_wait3A_109] : memref<32768x1024xf32, #tpu.memory_space<hbm>> -> memref<6x1024xf32, #tpu.memory_space<hbm>>
        %dma_wait3A_111 = arith.constant 0 : i32
        %dma_wait3A_112 = tpu.memref_slice %arg4[%mul3A_79, %dma_wait3A_111] : memref<32768x1024xf32, #tpu.memory_space<hbm>> -> memref<6x1024xf32, #tpu.memory_space<hbm>>
        %dma_wait3A_113 = arith.constant 66 : i32
        %dma_wait3A_114 = arith.constant 0 : i32
        %dma_wait3A_115 = tpu.memref_slice %arg6[%dma_wait3A_113, %dma_wait3A_114] : memref<96x1024xf32, #tpu.memory_space<vmem>> -> memref<6x1024xf32, #tpu.memory_space<vmem>>
        tpu.wait_dma2 semaphore(%run_scoped3A : memref<!tpu.dma_semaphore, #tpu.memory_space<semaphore_mem>>) src(%dma_wait3A_115 : memref<6x1024xf32, #tpu.memory_space<vmem>>) dst(%dma_wait3A_112 : memref<6x1024xf32, #tpu.memory_space<hbm>>)
        tpu.yield
      }) : () -> ()
      %add3A_80 = arith.constant 12 : i32
      %add3A_81 = arith.addi %select_n3A, %add3A_80 : i32
      %mul3A_82 = arith.constant 8 : i32
      %mul3A_83 = arith.muli %mul3A_82, %add3A_81 : i32
      "tpu.region"() ({
        %run_scoped3A = tpu.sem_alloc : memref<!tpu.dma_semaphore, #tpu.memory_space<semaphore_mem>>
        %dma_start3A_96 = arith.constant 72 : i32
        %dma_start3A_97 = arith.constant 0 : i32
        %dma_start3A_98 = tpu.memref_slice %arg6[%dma_start3A_96, %dma_start3A_97] : memref<96x1024xf32, #tpu.memory_space<vmem>> -> memref<6x1024xf32, #tpu.memory_space<vmem>>
        %dma_start3A_99 = arith.constant 0 : i32
        %dma_start3A_100 = tpu.memref_slice %arg4[%mul3A_83, %dma_start3A_99] : memref<32768x1024xf32, #tpu.memory_space<hbm>> -> memref<6x1024xf32, #tpu.memory_space<hbm>>
        %dma_start3A_101 = arith.constant 0 : i32
        %dma_start3A_102 = tpu.memref_slice %arg4[%mul3A_83, %dma_start3A_101] : memref<32768x1024xf32, #tpu.memory_space<hbm>> -> memref<6x1024xf32, #tpu.memory_space<hbm>>
        %dma_start3A_103 = arith.constant 72 : i32
        %dma_start3A_104 = arith.constant 0 : i32
        %dma_start3A_105 = tpu.memref_slice %arg6[%dma_start3A_103, %dma_start3A_104] : memref<96x1024xf32, #tpu.memory_space<vmem>> -> memref<6x1024xf32, #tpu.memory_space<vmem>>
        tpu.enqueue_dma source(%dma_start3A_105 : memref<6x1024xf32, #tpu.memory_space<vmem>>) target(%dma_start3A_102 : memref<6x1024xf32, #tpu.memory_space<hbm>>) target_semaphore(%run_scoped3A : memref<!tpu.dma_semaphore, #tpu.memory_space<semaphore_mem>>)
        %dma_wait3A_106 = arith.constant 72 : i32
        %dma_wait3A_107 = arith.constant 0 : i32
        %dma_wait3A_108 = tpu.memref_slice %arg6[%dma_wait3A_106, %dma_wait3A_107] : memref<96x1024xf32, #tpu.memory_space<vmem>> -> memref<6x1024xf32, #tpu.memory_space<vmem>>
        %dma_wait3A_109 = arith.constant 0 : i32
        %dma_wait3A_110 = tpu.memref_slice %arg4[%mul3A_83, %dma_wait3A_109] : memref<32768x1024xf32, #tpu.memory_space<hbm>> -> memref<6x1024xf32, #tpu.memory_space<hbm>>
        %dma_wait3A_111 = arith.constant 0 : i32
        %dma_wait3A_112 = tpu.memref_slice %arg4[%mul3A_83, %dma_wait3A_111] : memref<32768x1024xf32, #tpu.memory_space<hbm>> -> memref<6x1024xf32, #tpu.memory_space<hbm>>
        %dma_wait3A_113 = arith.constant 72 : i32
        %dma_wait3A_114 = arith.constant 0 : i32
        %dma_wait3A_115 = tpu.memref_slice %arg6[%dma_wait3A_113, %dma_wait3A_114] : memref<96x1024xf32, #tpu.memory_space<vmem>> -> memref<6x1024xf32, #tpu.memory_space<vmem>>
        tpu.wait_dma2 semaphore(%run_scoped3A : memref<!tpu.dma_semaphore, #tpu.memory_space<semaphore_mem>>) src(%dma_wait3A_115 : memref<6x1024xf32, #tpu.memory_space<vmem>>) dst(%dma_wait3A_112 : memref<6x1024xf32, #tpu.memory_space<hbm>>)
        tpu.yield
      }) : () -> ()
      %add3A_84 = arith.constant 13 : i32
      %add3A_85 = arith.addi %select_n3A, %add3A_84 : i32
      %mul3A_86 = arith.constant 8 : i32
      %mul3A_87 = arith.muli %mul3A_86, %add3A_85 : i32
      "tpu.region"() ({
        %run_scoped3A = tpu.sem_alloc : memref<!tpu.dma_semaphore, #tpu.memory_space<semaphore_mem>>
        %dma_start3A_96 = arith.constant 78 : i32
        %dma_start3A_97 = arith.constant 0 : i32
        %dma_start3A_98 = tpu.memref_slice %arg6[%dma_start3A_96, %dma_start3A_97] : memref<96x1024xf32, #tpu.memory_space<vmem>> -> memref<6x1024xf32, #tpu.memory_space<vmem>>
        %dma_start3A_99 = arith.constant 0 : i32
        %dma_start3A_100 = tpu.memref_slice %arg4[%mul3A_87, %dma_start3A_99] : memref<32768x1024xf32, #tpu.memory_space<hbm>> -> memref<6x1024xf32, #tpu.memory_space<hbm>>
        %dma_start3A_101 = arith.constant 0 : i32
        %dma_start3A_102 = tpu.memref_slice %arg4[%mul3A_87, %dma_start3A_101] : memref<32768x1024xf32, #tpu.memory_space<hbm>> -> memref<6x1024xf32, #tpu.memory_space<hbm>>
        %dma_start3A_103 = arith.constant 78 : i32
        %dma_start3A_104 = arith.constant 0 : i32
        %dma_start3A_105 = tpu.memref_slice %arg6[%dma_start3A_103, %dma_start3A_104] : memref<96x1024xf32, #tpu.memory_space<vmem>> -> memref<6x1024xf32, #tpu.memory_space<vmem>>
        tpu.enqueue_dma source(%dma_start3A_105 : memref<6x1024xf32, #tpu.memory_space<vmem>>) target(%dma_start3A_102 : memref<6x1024xf32, #tpu.memory_space<hbm>>) target_semaphore(%run_scoped3A : memref<!tpu.dma_semaphore, #tpu.memory_space<semaphore_mem>>)
        %dma_wait3A_106 = arith.constant 78 : i32
        %dma_wait3A_107 = arith.constant 0 : i32
        %dma_wait3A_108 = tpu.memref_slice %arg6[%dma_wait3A_106, %dma_wait3A_107] : memref<96x1024xf32, #tpu.memory_space<vmem>> -> memref<6x1024xf32, #tpu.memory_space<vmem>>
        %dma_wait3A_109 = arith.constant 0 : i32
        %dma_wait3A_110 = tpu.memref_slice %arg4[%mul3A_87, %dma_wait3A_109] : memref<32768x1024xf32, #tpu.memory_space<hbm>> -> memref<6x1024xf32, #tpu.memory_space<hbm>>
        %dma_wait3A_111 = arith.constant 0 : i32
        %dma_wait3A_112 = tpu.memref_slice %arg4[%mul3A_87, %dma_wait3A_111] : memref<32768x1024xf32, #tpu.memory_space<hbm>> -> memref<6x1024xf32, #tpu.memory_space<hbm>>
        %dma_wait3A_113 = arith.constant 78 : i32
        %dma_wait3A_114 = arith.constant 0 : i32
        %dma_wait3A_115 = tpu.memref_slice %arg6[%dma_wait3A_113, %dma_wait3A_114] : memref<96x1024xf32, #tpu.memory_space<vmem>> -> memref<6x1024xf32, #tpu.memory_space<vmem>>
        tpu.wait_dma2 semaphore(%run_scoped3A : memref<!tpu.dma_semaphore, #tpu.memory_space<semaphore_mem>>) src(%dma_wait3A_115 : memref<6x1024xf32, #tpu.memory_space<vmem>>) dst(%dma_wait3A_112 : memref<6x1024xf32, #tpu.memory_space<hbm>>)
        tpu.yield
      }) : () -> ()
      %add3A_88 = arith.constant 14 : i32
      %add3A_89 = arith.addi %select_n3A, %add3A_88 : i32
      %mul3A_90 = arith.constant 8 : i32
      %mul3A_91 = arith.muli %mul3A_90, %add3A_89 : i32
      "tpu.region"() ({
        %run_scoped3A = tpu.sem_alloc : memref<!tpu.dma_semaphore, #tpu.memory_space<semaphore_mem>>
        %dma_start3A_96 = arith.constant 84 : i32
        %dma_start3A_97 = arith.constant 0 : i32
        %dma_start3A_98 = tpu.memref_slice %arg6[%dma_start3A_96, %dma_start3A_97] : memref<96x1024xf32, #tpu.memory_space<vmem>> -> memref<6x1024xf32, #tpu.memory_space<vmem>>
        %dma_start3A_99 = arith.constant 0 : i32
        %dma_start3A_100 = tpu.memref_slice %arg4[%mul3A_91, %dma_start3A_99] : memref<32768x1024xf32, #tpu.memory_space<hbm>> -> memref<6x1024xf32, #tpu.memory_space<hbm>>
        %dma_start3A_101 = arith.constant 0 : i32
        %dma_start3A_102 = tpu.memref_slice %arg4[%mul3A_91, %dma_start3A_101] : memref<32768x1024xf32, #tpu.memory_space<hbm>> -> memref<6x1024xf32, #tpu.memory_space<hbm>>
        %dma_start3A_103 = arith.constant 84 : i32
        %dma_start3A_104 = arith.constant 0 : i32
        %dma_start3A_105 = tpu.memref_slice %arg6[%dma_start3A_103, %dma_start3A_104] : memref<96x1024xf32, #tpu.memory_space<vmem>> -> memref<6x1024xf32, #tpu.memory_space<vmem>>
        tpu.enqueue_dma source(%dma_start3A_105 : memref<6x1024xf32, #tpu.memory_space<vmem>>) target(%dma_start3A_102 : memref<6x1024xf32, #tpu.memory_space<hbm>>) target_semaphore(%run_scoped3A : memref<!tpu.dma_semaphore, #tpu.memory_space<semaphore_mem>>)
        %dma_wait3A_106 = arith.constant 84 : i32
        %dma_wait3A_107 = arith.constant 0 : i32
        %dma_wait3A_108 = tpu.memref_slice %arg6[%dma_wait3A_106, %dma_wait3A_107] : memref<96x1024xf32, #tpu.memory_space<vmem>> -> memref<6x1024xf32, #tpu.memory_space<vmem>>
        %dma_wait3A_109 = arith.constant 0 : i32
        %dma_wait3A_110 = tpu.memref_slice %arg4[%mul3A_91, %dma_wait3A_109] : memref<32768x1024xf32, #tpu.memory_space<hbm>> -> memref<6x1024xf32, #tpu.memory_space<hbm>>
        %dma_wait3A_111 = arith.constant 0 : i32
        %dma_wait3A_112 = tpu.memref_slice %arg4[%mul3A_91, %dma_wait3A_111] : memref<32768x1024xf32, #tpu.memory_space<hbm>> -> memref<6x1024xf32, #tpu.memory_space<hbm>>
        %dma_wait3A_113 = arith.constant 84 : i32
        %dma_wait3A_114 = arith.constant 0 : i32
        %dma_wait3A_115 = tpu.memref_slice %arg6[%dma_wait3A_113, %dma_wait3A_114] : memref<96x1024xf32, #tpu.memory_space<vmem>> -> memref<6x1024xf32, #tpu.memory_space<vmem>>
        tpu.wait_dma2 semaphore(%run_scoped3A : memref<!tpu.dma_semaphore, #tpu.memory_space<semaphore_mem>>) src(%dma_wait3A_115 : memref<6x1024xf32, #tpu.memory_space<vmem>>) dst(%dma_wait3A_112 : memref<6x1024xf32, #tpu.memory_space<hbm>>)
        tpu.yield
      }) : () -> ()
      %add3A_92 = arith.constant 15 : i32
      %add3A_93 = arith.addi %select_n3A, %add3A_92 : i32
      %mul3A_94 = arith.constant 8 : i32
      %mul3A_95 = arith.muli %mul3A_94, %add3A_93 : i32
      "tpu.region"() ({
        %run_scoped3A = tpu.sem_alloc : memref<!tpu.dma_semaphore, #tpu.memory_space<semaphore_mem>>
        %dma_start3A_96 = arith.constant 90 : i32
        %dma_start3A_97 = arith.constant 0 : i32
        %dma_start3A_98 = tpu.memref_slice %arg6[%dma_start3A_96, %dma_start3A_97] : memref<96x1024xf32, #tpu.memory_space<vmem>> -> memref<6x1024xf32, #tpu.memory_space<vmem>>
        %dma_start3A_99 = arith.constant 0 : i32
        %dma_start3A_100 = tpu.memref_slice %arg4[%mul3A_95, %dma_start3A_99] : memref<32768x1024xf32, #tpu.memory_space<hbm>> -> memref<6x1024xf32, #tpu.memory_space<hbm>>
        %dma_start3A_101 = arith.constant 0 : i32
        %dma_start3A_102 = tpu.memref_slice %arg4[%mul3A_95, %dma_start3A_101] : memref<32768x1024xf32, #tpu.memory_space<hbm>> -> memref<6x1024xf32, #tpu.memory_space<hbm>>
        %dma_start3A_103 = arith.constant 90 : i32
        %dma_start3A_104 = arith.constant 0 : i32
        %dma_start3A_105 = tpu.memref_slice %arg6[%dma_start3A_103, %dma_start3A_104] : memref<96x1024xf32, #tpu.memory_space<vmem>> -> memref<6x1024xf32, #tpu.memory_space<vmem>>
        tpu.enqueue_dma source(%dma_start3A_105 : memref<6x1024xf32, #tpu.memory_space<vmem>>) target(%dma_start3A_102 : memref<6x1024xf32, #tpu.memory_space<hbm>>) target_semaphore(%run_scoped3A : memref<!tpu.dma_semaphore, #tpu.memory_space<semaphore_mem>>)
        %dma_wait3A_106 = arith.constant 90 : i32
        %dma_wait3A_107 = arith.constant 0 : i32
        %dma_wait3A_108 = tpu.memref_slice %arg6[%dma_wait3A_106, %dma_wait3A_107] : memref<96x1024xf32, #tpu.memory_space<vmem>> -> memref<6x1024xf32, #tpu.memory_space<vmem>>
        %dma_wait3A_109 = arith.constant 0 : i32
        %dma_wait3A_110 = tpu.memref_slice %arg4[%mul3A_95, %dma_wait3A_109] : memref<32768x1024xf32, #tpu.memory_space<hbm>> -> memref<6x1024xf32, #tpu.memory_space<hbm>>
        %dma_wait3A_111 = arith.constant 0 : i32
        %dma_wait3A_112 = tpu.memref_slice %arg4[%mul3A_95, %dma_wait3A_111] : memref<32768x1024xf32, #tpu.memory_space<hbm>> -> memref<6x1024xf32, #tpu.memory_space<hbm>>
        %dma_wait3A_113 = arith.constant 90 : i32
        %dma_wait3A_114 = arith.constant 0 : i32
        %dma_wait3A_115 = tpu.memref_slice %arg6[%dma_wait3A_113, %dma_wait3A_114] : memref<96x1024xf32, #tpu.memory_space<vmem>> -> memref<6x1024xf32, #tpu.memory_space<vmem>>
        tpu.wait_dma2 semaphore(%run_scoped3A : memref<!tpu.dma_semaphore, #tpu.memory_space<semaphore_mem>>) src(%dma_wait3A_115 : memref<6x1024xf32, #tpu.memory_space<vmem>>) dst(%dma_wait3A_112 : memref<6x1024xf32, #tpu.memory_space<hbm>>)
        tpu.yield
      }) : () -> ()
    }
    %scan3A_7 = arith.constant 8 : i32
    return
  }
}

#map = affine_map<(d0, d1) -> (0)>
#map1 = affine_map<(d0, d1) -> (0, 0)>
module attributes {stable_mosaic.version = 14 : i64} {
  func.func @k(%arg0: i32, %arg1: i32, %arg2: memref<24576xi32, #tpu.memory_space<hbm>>, %arg3: memref<2048x24xf32, #tpu.memory_space<hbm>>, %arg4: memref<24576x24xf32, #tpu.memory_space<hbm>>, %arg5: memref<128xi32, #tpu.memory_space<vmem>>, %arg6: memref<128x24xf32, #tpu.memory_space<vmem>>, %arg7: memref<!tpu.dma_semaphore, #tpu.memory_space<semaphore_mem>>) attributes {dimension_semantics = [#tpu.dimension_semantics<core_parallel>, #tpu.dimension_semantics<subcore_parallel>], iteration_bounds = array<i64: 2, 16>, scalar_prefetch = 0 : i64, scratch_operands = 3 : i64, tpu.core_type = #tpu.core_type<sc_vector_subcore>, window_params = [{transform_indices = #map}, {transform_indices = #map1}, {transform_indices = #map1}]} {
    %mul3A = arith.constant 2 : i32
    %mul3A_0 = arith.muli %arg1, %mul3A : i32
    %add3A = arith.addi %mul3A_0, %arg0 : i32
    %mul3A_1 = arith.constant 768 : i32
    %mul3A_2 = arith.muli %add3A, %mul3A_1 : i32
    %scan3A = arith.constant 0 : i32
    %scan3A_3 = arith.constant 0 : i32
    %scan3A_4 = arith.constant 6 : i32
    %scan3A_5 = arith.addi %scan3A_3, %scan3A_4 : i32
    %scan3A_6 = arith.constant 1 : i32
    scf.for %scan3A_8 = %scan3A_3 to %scan3A_5 step %scan3A_6  : i32 {
      %mul3A_9 = arith.constant 128 : i32
      %mul3A_10 = arith.muli %scan3A_8, %mul3A_9 : i32
      %multiple_of3A = tpu.assume_multiple %mul3A_10, 8 : i32
      %add3A_11 = arith.addi %mul3A_2, %multiple_of3A : i32
      "tpu.region"() ({
        %run_scoped3A = tpu.sem_alloc : memref<!tpu.dma_semaphore, #tpu.memory_space<semaphore_mem>>
        %dma_start3A_16 = tpu.memref_slice %arg2[%add3A_11] : memref<24576xi32, #tpu.memory_space<hbm>> -> memref<128xi32, #tpu.memory_space<hbm>>
        %dma_start3A_17 = tpu.memref_slice %arg2[%add3A_11] : memref<24576xi32, #tpu.memory_space<hbm>> -> memref<128xi32, #tpu.memory_space<hbm>>
        tpu.enqueue_dma source(%dma_start3A_17 : memref<128xi32, #tpu.memory_space<hbm>>) target(%arg5 : memref<128xi32, #tpu.memory_space<vmem>>) target_semaphore(%run_scoped3A : memref<!tpu.dma_semaphore, #tpu.memory_space<semaphore_mem>>)
        %dma_wait3A_18 = tpu.memref_slice %arg2[%add3A_11] : memref<24576xi32, #tpu.memory_space<hbm>> -> memref<128xi32, #tpu.memory_space<hbm>>
        %dma_wait3A_19 = tpu.memref_slice %arg2[%add3A_11] : memref<24576xi32, #tpu.memory_space<hbm>> -> memref<128xi32, #tpu.memory_space<hbm>>
        tpu.wait_dma2 semaphore(%run_scoped3A : memref<!tpu.dma_semaphore, #tpu.memory_space<semaphore_mem>>) src(%dma_wait3A_19 : memref<128xi32, #tpu.memory_space<hbm>>) dst(%arg5 : memref<128xi32, #tpu.memory_space<vmem>>)
        tpu.yield
      }) : () -> ()
      %dma_start3A = arith.constant 0 : i32
      %dma_start3A_12 = arith.constant 0 : i32
      %dma_start3A_13 = tpu.memref_slice %arg3[%dma_start3A, %dma_start3A_12] : memref<2048x24xf32, #tpu.memory_space<hbm>> -> memref<2048x24xf32, #tpu.memory_space<hbm>>
      tpu.enqueue_indirect_dma source(%dma_start3A_13 : memref<2048x24xf32, #tpu.memory_space<hbm>>) target(%arg6 : memref<128x24xf32, #tpu.memory_space<vmem>>) offsets(%arg5 : memref<128xi32, #tpu.memory_space<vmem>>) semaphore(%arg7 : memref<!tpu.dma_semaphore, #tpu.memory_space<semaphore_mem>>)
      %dma_wait3A = arith.constant 0 : i32
      %dma_wait3A_14 = arith.constant 0 : i32
      %dma_wait3A_15 = tpu.memref_slice %arg3[%dma_wait3A, %dma_wait3A_14] : memref<2048x24xf32, #tpu.memory_space<hbm>> -> memref<2048x24xf32, #tpu.memory_space<hbm>>
      tpu.wait_indirect_dma semaphore(%arg7 : memref<!tpu.dma_semaphore, #tpu.memory_space<semaphore_mem>>) src(%dma_wait3A_15 : memref<2048x24xf32, #tpu.memory_space<hbm>>) dst(%arg6 : memref<128x24xf32, #tpu.memory_space<vmem>>)
      "tpu.region"() ({
        %run_scoped3A = tpu.sem_alloc : memref<!tpu.dma_semaphore, #tpu.memory_space<semaphore_mem>>
        %dma_start3A_16 = arith.constant 0 : i32
        %dma_start3A_17 = tpu.memref_slice %arg4[%add3A_11, %dma_start3A_16] : memref<24576x24xf32, #tpu.memory_space<hbm>> -> memref<128x24xf32, #tpu.memory_space<hbm>>
        %dma_start3A_18 = arith.constant 0 : i32
        %dma_start3A_19 = tpu.memref_slice %arg4[%add3A_11, %dma_start3A_18] : memref<24576x24xf32, #tpu.memory_space<hbm>> -> memref<128x24xf32, #tpu.memory_space<hbm>>
        tpu.enqueue_dma source(%arg6 : memref<128x24xf32, #tpu.memory_space<vmem>>) target(%dma_start3A_19 : memref<128x24xf32, #tpu.memory_space<hbm>>) target_semaphore(%run_scoped3A : memref<!tpu.dma_semaphore, #tpu.memory_space<semaphore_mem>>)
        %dma_wait3A_20 = arith.constant 0 : i32
        %dma_wait3A_21 = tpu.memref_slice %arg4[%add3A_11, %dma_wait3A_20] : memref<24576x24xf32, #tpu.memory_space<hbm>> -> memref<128x24xf32, #tpu.memory_space<hbm>>
        %dma_wait3A_22 = arith.constant 0 : i32
        %dma_wait3A_23 = tpu.memref_slice %arg4[%add3A_11, %dma_wait3A_22] : memref<24576x24xf32, #tpu.memory_space<hbm>> -> memref<128x24xf32, #tpu.memory_space<hbm>>
        tpu.wait_dma2 semaphore(%run_scoped3A : memref<!tpu.dma_semaphore, #tpu.memory_space<semaphore_mem>>) src(%arg6 : memref<128x24xf32, #tpu.memory_space<vmem>>) dst(%dma_wait3A_23 : memref<128x24xf32, #tpu.memory_space<hbm>>)
        tpu.yield
      }) : () -> ()
    }
    %scan3A_7 = arith.constant 6 : i32
    return
  }
}

</mosaic_0001>

<sc_bundles>
// kernel: kernel.10.cloned.1.call-start
scs
__scs_entry_jumppad:
0x0: {  	(pc) =	sbr.rel $0x88, $3  }
0x1: {  	(tag) =	ssettag $0x0;
	lr =	simm.s32 $0x1  }
0x2: {  	[smem:$0x3F9B] =	sst lr;
	_ =	strace $0xD0000000  }
0x3: {  	_ = 	snop  }
0x4: {  	_ = 	snop  }
0x5: {  	_ = 	snop  }
0x6: {  	_ = 	snop  }
0x7: {  	_ = 	snop  }
__scs_overlays_trampoline_lowered:
0x8: {  	[smem:$0x3FAA] =	sst s0  }
0x9: {  	[smem:$0x3FAB] =	sst s1  }
0xa: {  	[smem:$0x3FAC] =	sst s2  }
0xb: {  	[smem:$0x3FAD] =	sst s3  }
0xc: {  	[smem:$0x3FAE] =	sst s4  }
0xd: {  	[smem:$0x3FAF] =	sst s5  }
0xe: {  	[smem:$0x3FB0] =	sst s6  }
0xf: {  	[smem:$0x3FB1] =	sst s7  }
0x10: {  	[smem:$0x3FB2] =	sst s8  }
0x11: {  	[smem:$0x3FB3] =	sst s9;
	s0 =	simm.s32 @!p0 $0x0  }
0x12: {  	s1 =	sld [smem:$0x3F99];
	s0 =	simm.s32 @p0 $0x1  }
0x13: {  	[smem:$0x3FB4] =	sst s0;
	s0 =	simm.s32 @!p1 $0x0  }
0x14: {  	s2 =	sld [smem:$0x3F98];
	s0 =	simm.s32 @p1 $0x1  }
0x15: {  	[smem:$0x3FB5] =	sst s0;
	s0 =	simm.s32 @!p2 $0x0  }
0x16: {  	s3 =	sld [smem:$0x3FDB];
	s0 =	simm.s32 @p2 $0x1  }
0x17: {  	s4 =	simm.s32 $0x1BF5;
	[smem:$0x3FB7] =	sst s0  }
0x18: {  	s0 =	sld [smem:$0x3F9A];
	_ =	swait.ge [sflag:s4], $0x0  }
0x19: {  	s7 =	sld [smem:$0x3F9B]  }
0x1a: {  	s8 =	sadd.s32 $0xFFFFE003, lr  }
0x1b: {  	s9 =	sadd.s32 $0xFFFFFEF7, lr;
	s5 =	simm.s32 $0xFFFFFFFF;
	p2 =	slt.u32 s8, $0xFFFFF086  }
0x1c: {  	p1 =	slt.u32 s9, $0xF7A;
	s5 =	simm.s32 @!p2 $0x0  }
0x1d: {  	s5 =	simm.s32 @p1 $0x1;
	p0 =	seq.s32 s7, s2  }
0x1e: {  	s7 =	smul.u32 @!p0 $0xF7A, s2;
	p2 =	seq.s32 @!p0 s5, $0x0  }
0x1f: {  	s9 =	smul.u32 $0xF7A, s1;
	s8 =	simm.s32 @!p0 $0x1BF5;
	p2 =	por !p2, p0  }
0x20: {  	[sflag:s8] =	ssyncset.s32 @!p0 $0xFFFFF086;
	s6 =	sadd.s32 @!p0 s3, s7;
	s7 =	simm.s32 @!p0 $0x108  }
0x21: {  	s3 =	sadd.s32 s3, s9;
	s6 =	sadd.s32 @!p0 $0x88, s6;
	s7 =	simm.s32 @p2 $0x1082  }
0x22: {  	[simem:s7], [sflag:s8] =	dma.local @!p0 [hbm:s6], $0xF7A  }
0x23: {  	s9 =	sor.u32 $0xD0000000, s2;
	s6 =	simm.s32 $0x108;
	_ =	swait.ge @!p0 [sflag:s8], $0x0  }
0x24: {  	s3 =	sadd.s32 $0x88, s3;
	s6 =	simm.s32 @!p1 $0x1082;
	[sflag:s4] =	ssyncset.s32 $0xFFFFF086  }
0x25: {  	[simem:s6], [sflag:s4] =	dma.local [hbm:s3], $0xF7A  }
0x26: {  	[smem:$0x3F9B] =	sst s1;
	(tag) =	ssettag s2;
	_ =	strace s9  }
0x27: {  	s1 =	sld [smem:$0x3FAB]  }
0x28: {  	s2 =	sld [smem:$0x3FAC]  }
0x29: {  	s4 =	sld [smem:$0x3FAE]  }
0x2a: {  	p0 =	seq.s32 s5, $0x0;
	s5 =	sld [smem:$0x3FAF]  }
0x2b: {  	s6 =	sld [smem:$0x3FB0]  }
0x2c: {  	s7 =	sld [smem:$0x3FB1]  }
0x2d: {  	s3 =	simm.s32 $0x108;
	s8 =	sld [smem:$0x3FB2]  }
0x2e: {  	s3 =	simm.s32 @!p0 $0x1082;
	s9 =	sld [smem:$0x3FB3]  }
0x2f: {  	lr =	sadd.s32 s0, s3;
	s0 =	sld [smem:$0x3FAA]  }
0x30: {  	s3 =	sld [smem:$0x3FAD]  }
0x31: {  	[smem:$0x3FB6] =	sst s10  }
0x32: {  	s10 =	sld [smem:$0x3FB4];
	_ =	sdelay $0x3  }
0x33: {  	p0 =	seq.s32 s10, $0x1;
	s10 =	sld [smem:$0x3FB6];
	_ =	sdelay $0x3  }
0x34: {  	[smem:$0x3FB6] =	sst s10  }
0x35: {  	s10 =	sld [smem:$0x3FB5];
	_ =	sdelay $0x3  }
0x36: {  	p1 =	seq.s32 s10, $0x1;
	s10 =	sld [smem:$0x3FB6];
	_ =	sdelay $0x3  }
0x37: {  	[smem:$0x3FB6] =	sst s10  }
0x38: {  	s10 =	sld [smem:$0x3FB7]  }
0x39: {  	_ = 	snop;
	(pc) =	sbr.ind lr, $3  }
0x3a: {  	_ = 	snop  }
0x3b: {  	_ = 	snop  }
0x3c: {  	p2 =	seq.s32 s10, $0x1;
	s10 =	sld [smem:$0x3FB6]  }
0x3d: {  	_ =	shalt  }
0x3e: {  	_ =	shalt  }
0x3f: {  	_ =	shalt  }
0x40: {  	_ =	shalt  }
0x41: {  	_ =	shalt  }
0x42: {  	_ =	shalt  }
0x43: {  	_ =	shalt  }
0x44: {  	_ =	shalt  }
0x45: {  	_ =	shalt  }
0x46: {  	_ =	shalt  }
0x47: {  	_ =	shalt  }
0x48: {  	_ =	shalt  }
0x49: {  	_ =	shalt  }
0x4a: {  	_ =	shalt  }
0x4b: {  	_ =	shalt  }
0x4c: {  	_ =	shalt  }
0x4d: {  	_ =	shalt  }
0x4e: {  	_ =	shalt  }
0x4f: {  	_ =	shalt  }
0x50: {  	_ =	shalt  }
0x51: {  	_ =	shalt  }
0x52: {  	_ =	shalt  }
0x53: {  	_ =	shalt  }
0x54: {  	_ =	shalt  }
0x55: {  	_ =	shalt  }
0x56: {  	_ =	shalt  }
0x57: {  	_ =	shalt  }
0x58: {  	_ =	shalt  }
0x59: {  	_ =	shalt  }
0x5a: {  	_ =	shalt  }
0x5b: {  	_ =	shalt  }
0x5c: {  	_ =	shalt  }
0x5d: {  	_ =	shalt  }
0x5e: {  	_ =	shalt  }
0x5f: {  	_ =	shalt  }
0x60: {  	_ =	shalt  }
0x61: {  	_ =	shalt  }
0x62: {  	_ =	shalt  }
0x63: {  	_ =	shalt  }
0x64: {  	_ =	shalt  }
0x65: {  	_ =	shalt  }
0x66: {  	_ =	shalt  }
0x67: {  	_ =	shalt  }
0x68: {  	_ =	shalt  }
0x69: {  	_ =	shalt  }
0x6a: {  	_ =	shalt  }
0x6b: {  	_ =	shalt  }
0x6c: {  	_ =	shalt  }
0x6d: {  	_ =	shalt  }
0x6e: {  	_ =	shalt  }
0x6f: {  	_ =	shalt  }
0x70: {  	_ =	shalt  }
0x71: {  	_ =	shalt  }
0x72: {  	_ =	shalt  }
0x73: {  	_ =	shalt  }
0x74: {  	_ =	shalt  }
0x75: {  	_ =	shalt  }
0x76: {  	_ =	shalt  }
0x77: {  	_ =	shalt  }
0x78: {  	_ =	shalt  }
0x79: {  	_ =	shalt  }
0x7a: {  	_ =	shalt  }
0x7b: {  	_ =	shalt  }
0x7c: {  	_ =	shalt  }
0x7d: {  	_ =	shalt  }
0x7e: {  	_ =	shalt  }
0x7f: {  	_ =	shalt  }
0x80: {  	_ =	shalt  }
0x81: {  	_ =	shalt  }
0x82: {  	_ =	shalt  }
0x83: {  	_ =	shalt  }
0x84: {  	_ =	shalt  }
0x85: {  	_ =	shalt  }
0x86: {  	_ =	shalt  }
0x87: {  	_ =	shalt  }
.Lfunc_end0:
.L_simem_size_0:
called_computation.5_lowered:
.L_overlay_start_0:
0x88: {  	s2 =	sld [smem:$0x3FD9]  }
0x89: {  	s3 =	sld [smem:$0x3FFE];
	_ =	sdelay $0x1  }
0x8a: {  	s1 =	srdreg.scid  }
0x8b: {  	s0 =	sand.u32 $0x1, s1  }
0x8c: {  	s15 =	sshll.u32 s0, $0xA;
	s2 =	sadd.s32 s3, s2  }
0x8d: {  	s2 =	sadd.s32 s2, s15  }
0x8e: {  	[smem:$0x3FC2] =	sst s2  }
0x8f: {  	_ = 	snop  }
0x90: {  	s2 =	sld [smem:$0x3FD0];
	_ =	sdelay $0x2  }
0x91: {  	s4 =	simm.s32 $0xE;
	s16 =	simm.s32 $0x10  }
0x92: {  	[smem:s16], [sflag:s4] =	dma.local [hbm:s2], $0x1  }
0x93: {  	_ =	swait.eq [sflag:s4], $0x1  }
0x94: {  	[sflag:s4] =	ssyncset.done $0x0  }
0x95: {  	s17 =	sld [smem:$0x11];
	[sflag:s4] =	ssyncadd.s32 $0xFFFFFFFF  }
0x96: {  	s18 =	sld [smem:$0x13];
	(tm) =	ssettm $0x1  }
0x97: {  	s19 =	sld [smem:$0x3FFB];
	_ =	sdelay $0x3  }
0x98: {  	_ =	strace s19  }
0x99: {  	s2 =	sld [smem:$0x3FFC];
	_ =	sdelay $0x3  }
0x9a: {  	_ =	strace s2  }
0x9b: {  	s2 =	sld [smem:$0x3FFD];
	_ =	sdelay $0x3  }
0x9c: {  	_ =	strace s2  }
0x9d: {  	_ =	strace $0x8FFFFFFF  }
0x9e: {  	s20 =	sld [smem:$0x3FDB];
	_ =	sdelay $0x1  }
0x9f: {  	s5 =	simm.s32 $_scs_section_size  }
0xa0: {  	s6 =	simm.s32 $_size__tile_overlayer_lowered;
	s7 =	simm.s32 $_tile_overlayer_lowered  }
0xa1: {  	s8 =	simm.s32 $0x1BFF;
	s21 =	sshll.u32 s7, $0x1;
	s5 =	sadd.s32 s5, s20  }
0xa2: {  	s22 =	simm.s32 $0x0;
	s6 =	sshll.u32 s6, $0x1;
	s7 =	sadd.s32 s21, s5  }
0xa3: {  	[timem:s22], [sflag:s8] =	dma.local [hbm:s7], s6  }
0xa4: {  	_ =	swait.ge [sflag:s8], s6  }
0xa5: {  	s6 =	ssub.s32 $0x0, s6;
	[sflag:s8] =	ssyncset.done $0x0  }
0xa6: {  	[sflag:s8] =	ssyncadd.s32 s6;
	_ =	sdelay $0x1  }
0xa7: {  	s23 =	simm.s32 $0x1B8B  }
0xa8: {  	_ =	swait.ge [sflag:s23], $0x1  }
0xa9: {  	[sflag:s23] =	ssyncset.done $0x0  }
0xaa: {  	[sflag:s23] =	ssyncadd.s32 $0xFFFFFFFF  }
0xab: {  	s6 =	sld [smem:$0x0]  }
0xac: {  	s7 =	sand.u32 $0xFFFFFFFE, s1  }
0xad: {  	p0 =	sne.s32 s1, s7  }
0xae: {  	s7 =	sshll.u32 @p0 s7, $0xE  }
0xaf: {  	s7 =	sadd.s32 @p0 $0x11B8D, s7;
	s8 =	sshll.u32 @p0 s6, $0x11  }
0xb0: {  	s7 =	sor.u32 @p0 s8, s7  }
0xb1: {  	[sflag:s7] =	ssyncadd.remote.s32 @p0 $0x1;
	_ =	sdelay $0x1  }
0xb2: {  	s7 =	simm.s32 @p0 $0x1B8D  }
0xb3: {  	_ =	swait.eq @p0 [sflag:s7], $0x1  }
0xb4: {  	[sflag:s7] =	ssyncadd.s32 @p0 $0xFFFFFFFF  }
0xb5: {  	s8 =	sshll.u32 @!p0 s1, $0xE  }
0xb6: {  	s8 =	sor.u32 @!p0 $0x4000, s8;
	s7 =	simm.s32 @!p0 $0x1B8D  }
0xb7: {  	s6 =	sshll.u32 @!p0 s6, $0x11;
	s8 =	sadd.s32 @!p0 $0x11B8D, s8;
	_ =	swait.eq @!p0 [sflag:s7], $0x1  }
0xb8: {  	s6 =	sor.u32 @!p0 s6, s8;
	[sflag:s7] =	ssyncadd.s32 @!p0 $0xFFFFFFFF  }
0xb9: {  	s25 =	simm.s32 $0x1B8E;
	s24 =	sld [smem:$0x3FFE];
	[sflag:s6] =	ssyncadd.remote.s32 @!p0 $0x1  }
0xba: {  	s26 =	simm.s32 $execute0_lowered;
	[smem:$0x3FD2] =	sst s25  }
0xbb: {  	s7 =	sshll.u32 s26, $0x1;
	_ =	strace $0x80000049;
	[dreg:$0x1] =	wrdreg $0xFFFFFFFF  }
0xbc: {  	s28 =	simm.s32 $_size_execute0_lowered;
	s5 =	sadd.s32 s5, s7;
	[dreg:$0x0] =	wrdreg $0x0  }
0xbd: {  	s7 =	sshll.u32 s28, $0x1;
	[dreg:$0x2] =	wrdreg s5  }
0xbe: {  	[dreg:$0x3] =	wrdreg s7  }
0xbf: {  	[dreg:$0x4] =	wrdreg $0xC0  }
0xc0: {  	_ =	task [dreg:s22], $0x5FFFF  }
0xc1: {  	[dreg:$0x1] =	wrdreg $0xFFFFFFFF  }
0xc2: {  	[dreg:$0x0] =	wrdreg $0x60  }
0xc3: {  	[dreg:$0x2] =	wrdreg s24  }
0xc4: {  	[dreg:$0x3] =	wrdreg s17  }
0xc5: {  	[dreg:$0x4] =	wrdreg s18  }
0xc6: {  	[dreg:$0x5] =	wrdreg $0xC0600  }
0xc7: {  	[dreg:$0x6] =	wrdreg $0xC  }
0xc8: {  	_ =	task.clear_ibuf [dreg:s22], $0x7FFFF;
	_ =	strace $0x90000049  }
0xc9: {  	s29 =	simm.s32 $0xC;
	_ =	strace $0x8000004B  }
0xca: {  	_ =	swait.ge [sflag:s29], $0x1  }
0xcb: {  	[sflag:s29] =	ssyncadd.s32 $0xFFFFFFFF  }
0xcc: {  	_ =	strace $0x9000004B  }
0xcd: {  	_ =	sfence  }
0xce: {  	s30 =	sld [smem:$0x0];
	_ =	sdelay $0x2  }
0xcf: {  	s31 =	sshll.u32 s1, $0xD;
	s1 =	sshrl.u32 s1, $0x2  }
0xd0: {  	s4 =	sand.u32 $0x4000, s31;
	s1 =	sadd.s32 s1, s30  }
0xd1: {  	s0 =	sor.u32 s4, s0;
	s1 =	sshll.u32 s1, $0x11  }
0xd2: {  	s0 =	sor.u32 s1, s0  }
0xd3: {  	s0 =	sadd.s32 $0x8F2B, s0  }
0xd4: {  	[sflag:s0] =	ssyncadd.remote.s32 $0x1  }
0xd5: {  	_ =	sfence.sel $0xFFFF  }
0xd6: {  	[dreg:$0x0] =	wrdreg $0xFFFFFFFF;
	(pc) =	sbr.abs _section_cstart, $3  }
0xd7: {  	[dreg:$0x1] =	wrdreg $0xFFFFFFFF  }
0xd8: {  	_ =	task.clear_ibuf [dreg:s22], $0x2FFFF;
	_ =	strace $0x9FFFFFFF  }
0xd9: {  	(tm) =	ssettm $0x7FFFFFFF  }
tec
execute0_lowered:
.L_overlay_start_1:
0x0: {  	(tag) =	ssettag $0x1  }
0x1: {  	s4 =	rddreg [dreg:$0x0]  }
0x2: {  	s5 =	rddreg [dreg:$0x1]  }
0x3: {  	s6 =	rddreg [dreg:$0x2];
	s1 =	srdreg.scid  }
0x4: {  	s0 =	stileid.u32;
	s2 =	rddreg [dreg:$0x3]  }
0x5: {  	s3 =	simm.s32 $0x0;
	s28 =	simm.s32 $0xC60;
	s29 =	simm.s32 $0x1860  }
0x6: {  	s30 =	simm.s32 $0x2460;
	s31 =	simm.s32 $0x3060;
	s11 =	simm.s32 $0x3C60  }
0x7: {  	s12 =	simm.s32 $0x4860;
	s13 =	simm.s32 $0x6060;
	s14 =	simm.s32 $0x6C60  }
0x8: {  	s15 =	simm.s32 $0x7860;
	s16 =	simm.s32 $0x8460;
	s17 =	simm.s32 $0x9060  }
0x9: {  	s18 =	simm.s32 $0x9C60;
	s7 =	sand.u32 $0x1, s1;
	s1 =	rddreg [dreg:$0x4]  }
0xa: {  	s19 =	simm.s32 $0xA860;
	s20 =	simm.s32 $0xB460;
	[smem:$0x7FF] =	sst s3  }
0xb: {  	s21 =	simm.s32 $0x0;
	_ =	strace $0x8000004A;
	[dreg:$0x6] =	wrdreg s28  }
0xc: {  	s8 =	smul.u32 $0x600, s0;
	s23 =	sshll.u32 s0, $0x10;
	[dreg:$0x7] =	wrdreg s29  }
0xd: {  	s25 =	sshll.u32 s0, $0xD;
	s9 =	smul.u32 $0x300, s7;
	[dreg:$0x8] =	wrdreg s30  }
0xe: {  	s26 =	sshll.u32 s0, $0x6;
	s7 =	ssub.s32 $0x2, s7;
	[dreg:$0x9] =	wrdreg s31  }
0xf: {  	s24 =	sadd.s32 s23, s2;
	[dreg:$0xa] =	wrdreg s11;
	s8 =	sadd.s32 s9, s8  }
0x10: {  	s11 =	simm.s32 $0x1;
	s9 =	sshrl.u32 s8, $0x3;
	s8 =	smulhi.u32 $0x2AAAAAAB, s8  }
0x11: {  	[dreg:$0xb] =	wrdreg s12;
	s12 =	simm.s32 $0x5460;
	s10 =	sshrl.u32 s7, $0x1  }
0x12: {  	s7 =	ssub.s32 s7, s10;
	s10 =	simm.s32 $0x60;
	s8 =	sshll.u32 s8, $0x9  }
0x13: {  	s9 =	sadd.s32 s9, s4;
	s4 =	sadd.s32 s5, s25;
	s6 =	sadd.s32 s8, s6  }
0x14: {  	s5 =	sor.u32 $0x1C02, s26;
	s8 =	sshrl.u32 s24, $0x3;
	[dreg:$0x5] =	wrdreg s6  }
0x15: {  	s6 =	smax.u32 s7, $0x1;
	s7 =	sadd.s32 $0x3200, s9;
	s9 =	simm.s32 $0x2  }
.LBB2_1:
0x16: {  	[spmem:s8], [sflag:s5] =	dma.local [hbm:s4], $0x2000  }
0x17: {  	_ =	swait.ge [sflag:s9], $0x2000  }
0x18: {  	[sflag:s9] =	ssyncset.done $0x0  }
0x19: {  	[sflag:s9] =	ssyncadd.s32 $0xFFFFE000  }
0x1a: {  	[bflag:$0x0] =	sbarrier.arrive $0xFFFF  }
0x1b: {  	[tilespmem:s3], [sflag:$0x2] =	stream.linear.gather [hbm4b:s7+s3], $0x60, $0x38;
	[tilespmem:$0x1C060] =	vst v63  }
0x1c: {  	_ =	swait.ge [sflag:s9], $0x60  }
0x1d: {  	[sflag:s9] =	ssyncset.done $0x0  }
0x1e: {  	[sflag:s9] =	ssyncadd.s32 $0xFFFFFFA0  }
0x1f: {  	[tilespmem:s10], [sflag:$0x1] =	stream.indirect.gather [spmem:s2], $0x200, s3, s10, $0xb8;
	[tilespmem:$0x1C060] =	vst v63  }
0x20: {  	_ =	swait.ge [sflag:s11], $0xC000  }
0x21: {  	s22 =	rddreg [dreg:$0x5];
	[sflag:s11] =	ssyncset.done $0x0  }
0x22: {  	[sflag:s11] =	ssyncadd.s32 $0xFFFF4000;
	s22 =	sadd.s32 $0x0, s22  }
0x23: {  	[hbm4b:s22+s3] =	stream.linear.scatter [tilespmem:s10], [sflag:$0x2], $0xC00, $0x38;
	[tilespmem:$0x1C060] =	vst v63  }
0x24: {  	_ =	swait.ge [sflag:s9], $0xC00  }
0x25: {  	[sflag:s9] =	ssyncset.done $0x0  }
0x26: {  	s24 =	sadd.s32 $0x200, s22;
	s23 =	rddreg [dreg:$0x6];
	[sflag:s9] =	ssyncadd.s32 $0xFFFFF400  }
0x27: {  	[hbm4b:s24+s3] =	stream.linear.scatter [tilespmem:s23], [sflag:$0x2], $0xC00, $0x38;
	[tilespmem:$0x1C060] =	vst v63  }
0x28: {  	_ =	swait.ge [sflag:s9], $0xC00  }
0x29: {  	[sflag:s9] =	ssyncset.done $0x0  }
0x2a: {  	s29 =	sadd.s32 $0x400, s22;
	s28 =	rddreg [dreg:$0x7];
	[sflag:s9] =	ssyncadd.s32 $0xFFFFF400  }
0x2b: {  	[hbm4b:s29+s3] =	stream.linear.scatter [tilespmem:s28], [sflag:$0x2], $0xC00, $0x38;
	[tilespmem:$0x1C060] =	vst v63  }
0x2c: {  	_ =	swait.ge [sflag:s9], $0xC00  }
0x2d: {  	[sflag:s9] =	ssyncset.done $0x0  }
0x2e: {  	s31 =	sadd.s32 $0x600, s22;
	s30 =	rddreg [dreg:$0x8];
	[sflag:s9] =	ssyncadd.s32 $0xFFFFF400  }
0x2f: {  	[hbm4b:s31+s3] =	stream.linear.scatter [tilespmem:s30], [sflag:$0x2], $0xC00, $0x38;
	[tilespmem:$0x1C060] =	vst v63  }
0x30: {  	_ =	swait.ge [sflag:s9], $0xC00  }
0x31: {  	[sflag:s9] =	ssyncset.done $0x0  }
0x32: {  	s25 =	sadd.s32 $0x800, s22;
	s24 =	rddreg [dreg:$0x9];
	[sflag:s9] =	ssyncadd.s32 $0xFFFFF400  }
0x33: {  	[hbm4b:s25+s3] =	stream.linear.scatter [tilespmem:s24], [sflag:$0x2], $0xC00, $0x38;
	[tilespmem:$0x1C060] =	vst v63  }
0x34: {  	_ =	swait.ge [sflag:s9], $0xC00  }
0x35: {  	[sflag:s9] =	ssyncset.done $0x0  }
0x36: {  	s28 =	sadd.s32 $0xA00, s22;
	s26 =	rddreg [dreg:$0xa];
	[sflag:s9] =	ssyncadd.s32 $0xFFFFF400  }
0x37: {  	[hbm4b:s28+s3] =	stream.linear.scatter [tilespmem:s26], [sflag:$0x2], $0xC00, $0x38;
	[tilespmem:$0x1C060] =	vst v63  }
0x38: {  	_ =	swait.ge [sflag:s9], $0xC00  }
0x39: {  	[sflag:s9] =	ssyncset.done $0x0  }
0x3a: {  	s30 =	sadd.s32 $0xC00, s22;
	s29 =	rddreg [dreg:$0xb];
	[sflag:s9] =	ssyncadd.s32 $0xFFFFF400  }
0x3b: {  	[hbm4b:s30+s3] =	stream.linear.scatter [tilespmem:s29], [sflag:$0x2], $0xC00, $0x38;
	[tilespmem:$0x1C060] =	vst v63  }
0x3c: {  	_ =	swait.ge [sflag:s9], $0xC00  }
0x3d: {  	[sflag:s9] =	ssyncset.done $0x0  }
0x3e: {  	s31 =	sadd.s32 $0xE00, s22;
	[sflag:s9] =	ssyncadd.s32 $0xFFFFF400  }
0x3f: {  	[hbm4b:s31+s3] =	stream.linear.scatter [tilespmem:s12], [sflag:$0x2], $0xC00, $0x38;
	[tilespmem:$0x1C060] =	vst v63  }
0x40: {  	_ =	swait.ge [sflag:s9], $0xC00  }
0x41: {  	[sflag:s9] =	ssyncset.done $0x0  }
0x42: {  	s24 =	sadd.s32 $0x1000, s22;
	[sflag:s9] =	ssyncadd.s32 $0xFFFFF400  }
0x43: {  	[hbm4b:s24+s3] =	stream.linear.scatter [tilespmem:s13], [sflag:$0x2], $0xC00, $0x38;
	[tilespmem:$0x1C060] =	vst v63  }
0x44: {  	_ =	swait.ge [sflag:s9], $0xC00  }
0x45: {  	[sflag:s9] =	ssyncset.done $0x0  }
0x46: {  	s25 =	sadd.s32 $0x1200, s22;
	[sflag:s9] =	ssyncadd.s32 $0xFFFFF400  }
0x47: {  	[hbm4b:s25+s3] =	stream.linear.scatter [tilespmem:s14], [sflag:$0x2], $0xC00, $0x38;
	[tilespmem:$0x1C060] =	vst v63  }
0x48: {  	_ =	swait.ge [sflag:s9], $0xC00  }
0x49: {  	[sflag:s9] =	ssyncset.done $0x0  }
0x4a: {  	s26 =	sadd.s32 $0x1400, s22;
	[sflag:s9] =	ssyncadd.s32 $0xFFFFF400  }
0x4b: {  	[hbm4b:s26+s3] =	stream.linear.scatter [tilespmem:s15], [sflag:$0x2], $0xC00, $0x38;
	[tilespmem:$0x1C060] =	vst v63  }
0x4c: {  	_ =	swait.ge [sflag:s9], $0xC00  }
0x4d: {  	[sflag:s9] =	ssyncset.done $0x0  }
0x4e: {  	s28 =	sadd.s32 $0x1600, s22;
	[sflag:s9] =	ssyncadd.s32 $0xFFFFF400  }
0x4f: {  	[hbm4b:s28+s3] =	stream.linear.scatter [tilespmem:s16], [sflag:$0x2], $0xC00, $0x38;
	[tilespmem:$0x1C060] =	vst v63  }
0x50: {  	_ =	swait.ge [sflag:s9], $0xC00  }
0x51: {  	[sflag:s9] =	ssyncset.done $0x0  }
0x52: {  	s29 =	sadd.s32 $0x1800, s22;
	[sflag:s9] =	ssyncadd.s32 $0xFFFFF400  }
0x53: {  	[hbm4b:s29+s3] =	stream.linear.scatter [tilespmem:s17], [sflag:$0x2], $0xC00, $0x38;
	[tilespmem:$0x1C060] =	vst v63  }
0x54: {  	_ =	swait.ge [sflag:s9], $0xC00  }
0x55: {  	[sflag:s9] =	ssyncset.done $0x0  }
0x56: {  	s30 =	sadd.s32 $0x1A00, s22;
	[sflag:s9] =	ssyncadd.s32 $0xFFFFF400  }
0x57: {  	[hbm4b:s30+s3] =	stream.linear.scatter [tilespmem:s18], [sflag:$0x2], $0xC00, $0x38;
	[tilespmem:$0x1C060] =	vst v63  }
0x58: {  	_ =	swait.ge [sflag:s9], $0xC00  }
0x59: {  	[sflag:s9] =	ssyncset.done $0x0  }
0x5a: {  	s31 =	sadd.s32 $0x1C00, s22;
	[sflag:s9] =	ssyncadd.s32 $0xFFFFF400  }
0x5b: {  	[hbm4b:s31+s3] =	stream.linear.scatter [tilespmem:s19], [sflag:$0x2], $0xC00, $0x38;
	[tilespmem:$0x1C060] =	vst v63  }
0x5c: {  	_ =	swait.ge [sflag:s9], $0xC00  }
0x5d: {  	[sflag:s9] =	ssyncset.done $0x0  }
0x5e: {  	s22 =	sadd.s32 $0x1E00, s22;
	[sflag:s9] =	ssyncadd.s32 $0xFFFFF400  }
0x5f: {  	[hbm4b:s22+s3] =	stream.linear.scatter [tilespmem:s20], [sflag:$0x2], $0xC00, $0x38;
	[tilespmem:$0x1C060] =	vst v63  }
0x60: {  	_ =	swait.ge [sflag:s9], $0xC00  }
0x61: {  	s23 =	smov.u32 s7;
	s22 =	simm.s32 $0x2000;
	[sflag:s9] =	ssyncset.done $0x0  }
.LBB2_2:
0x62: {  	[sflag:s9] =	ssyncadd.s32 $0xFFFFF400;
	s23 =	sadd.s32 $0xC, s23  }
0x63: {  	[tilespmem:s3], [sflag:$0x2] =	stream.linear.gather [hbm4b:s23+s3], $0x60, $0x38;
	[tilespmem:$0x1C060] =	vst v63  }
0x64: {  	_ =	swait.ge [sflag:s9], $0x60  }
0x65: {  	[sflag:s9] =	ssyncset.done $0x0  }
0x66: {  	[sflag:s9] =	ssyncadd.s32 $0xFFFFFFA0  }
0x67: {  	[tilespmem:s10], [sflag:$0x1] =	stream.indirect.gather [spmem:s2], $0x200, s3, s10, $0xb8;
	[tilespmem:$0x1C060] =	vst v63  }
0x68: {  	_ =	swait.ge [sflag:s11], $0xC000  }
0x69: {  	s24 =	smov.u32 s22;
	s25 =	rddreg [dreg:$0x5];
	[sflag:s11] =	ssyncset.done $0x0  }
0x6a: {  	[sflag:s11] =	ssyncadd.s32 $0xFFFF4000;
	s24 =	sadd.s32 s24, s25  }
0x6b: {  	[hbm4b:s24+s3] =	stream.linear.scatter [tilespmem:s10], [sflag:$0x2], $0xC00, $0x38;
	[tilespmem:$0x1C060] =	vst v63  }
0x6c: {  	_ =	swait.ge [sflag:s9], $0xC00  }
0x6d: {  	[sflag:s9] =	ssyncset.done $0x0  }
0x6e: {  	s26 =	sadd.s32 $0x200, s24;
	s31 =	rddreg [dreg:$0x6];
	[sflag:s9] =	ssyncadd.s32 $0xFFFFF400  }
0x6f: {  	[hbm4b:s26+s3] =	stream.linear.scatter [tilespmem:s31], [sflag:$0x2], $0xC00, $0x38;
	[tilespmem:$0x1C060] =	vst v63  }
0x70: {  	_ =	swait.ge [sflag:s9], $0xC00  }
0x71: {  	[sflag:s9] =	ssyncset.done $0x0  }
0x72: {  	s29 =	sadd.s32 $0x400, s24;
	s28 =	rddreg [dreg:$0x7];
	[sflag:s9] =	ssyncadd.s32 $0xFFFFF400  }
0x73: {  	[hbm4b:s29+s3] =	stream.linear.scatter [tilespmem:s28], [sflag:$0x2], $0xC00, $0x38;
	[tilespmem:$0x1C060] =	vst v63  }
0x74: {  	_ =	swait.ge [sflag:s9], $0xC00  }
0x75: {  	[sflag:s9] =	ssyncset.done $0x0  }
0x76: {  	s31 =	sadd.s32 $0x600, s24;
	s30 =	rddreg [dreg:$0x8];
	[sflag:s9] =	ssyncadd.s32 $0xFFFFF400  }
0x77: {  	[hbm4b:s31+s3] =	stream.linear.scatter [tilespmem:s30], [sflag:$0x2], $0xC00, $0x38;
	[tilespmem:$0x1C060] =	vst v63  }
0x78: {  	_ =	swait.ge [sflag:s9], $0xC00  }
0x79: {  	[sflag:s9] =	ssyncset.done $0x0  }
0x7a: {  	s29 =	sadd.s32 $0x800, s24;
	s28 =	rddreg [dreg:$0x9];
	[sflag:s9] =	ssyncadd.s32 $0xFFFFF400  }
0x7b: {  	[hbm4b:s29+s3] =	stream.linear.scatter [tilespmem:s28], [sflag:$0x2], $0xC00, $0x38;
	[tilespmem:$0x1C060] =	vst v63  }
0x7c: {  	_ =	swait.ge [sflag:s9], $0xC00  }
0x7d: {  	[sflag:s9] =	ssyncset.done $0x0  }
0x7e: {  	s31 =	sadd.s32 $0xA00, s24;
	s30 =	rddreg [dreg:$0xa];
	[sflag:s9] =	ssyncadd.s32 $0xFFFFF400  }
0x7f: {  	[hbm4b:s31+s3] =	stream.linear.scatter [tilespmem:s30], [sflag:$0x2], $0xC00, $0x38;
	[tilespmem:$0x1C060] =	vst v63  }
0x80: {  	_ =	swait.ge [sflag:s9], $0xC00  }
0x81: {  	[sflag:s9] =	ssyncset.done $0x0  }
0x82: {  	s28 =	sadd.s32 $0xC00, s24;
	s26 =	rddreg [dreg:$0xb];
	[sflag:s9] =	ssyncadd.s32 $0xFFFFF400  }
0x83: {  	[hbm4b:s28+s3] =	stream.linear.scatter [tilespmem:s26], [sflag:$0x2], $0xC00, $0x38;
	[tilespmem:$0x1C060] =	vst v63  }
0x84: {  	_ =	swait.ge [sflag:s9], $0xC00  }
0x85: {  	[sflag:s9] =	ssyncset.done $0x0  }
0x86: {  	s29 =	sadd.s32 $0xE00, s24;
	[sflag:s9] =	ssyncadd.s32 $0xFFFFF400  }
0x87: {  	[hbm4b:s29+s3] =	stream.linear.scatter [tilespmem:s12], [sflag:$0x2], $0xC00, $0x38;
	[tilespmem:$0x1C060] =	vst v63  }
0x88: {  	_ =	swait.ge [sflag:s9], $0xC00  }
0x89: {  	[sflag:s9] =	ssyncset.done $0x0  }
0x8a: {  	s30 =	sadd.s32 $0x1000, s24;
	[sflag:s9] =	ssyncadd.s32 $0xFFFFF400  }
0x8b: {  	[hbm4b:s30+s3] =	stream.linear.scatter [tilespmem:s13], [sflag:$0x2], $0xC00, $0x38;
	[tilespmem:$0x1C060] =	vst v63  }
0x8c: {  	_ =	swait.ge [sflag:s9], $0xC00  }
0x8d: {  	[sflag:s9] =	ssyncset.done $0x0  }
0x8e: {  	s31 =	sadd.s32 $0x1200, s24;
	[sflag:s9] =	ssyncadd.s32 $0xFFFFF400  }
0x8f: {  	[hbm4b:s31+s3] =	stream.linear.scatter [tilespmem:s14], [sflag:$0x2], $0xC00, $0x38;
	[tilespmem:$0x1C060] =	vst v63  }
0x90: {  	_ =	swait.ge [sflag:s9], $0xC00  }
0x91: {  	[sflag:s9] =	ssyncset.done $0x0  }
0x92: {  	s26 =	sadd.s32 $0x1400, s24;
	[sflag:s9] =	ssyncadd.s32 $0xFFFFF400  }
0x93: {  	[hbm4b:s26+s3] =	stream.linear.scatter [tilespmem:s15], [sflag:$0x2], $0xC00, $0x38;
	[tilespmem:$0x1C060] =	vst v63  }
0x94: {  	_ =	swait.ge [sflag:s9], $0xC00  }
0x95: {  	[sflag:s9] =	ssyncset.done $0x0  }
0x96: {  	s28 =	sadd.s32 $0x1600, s24;
	[sflag:s9] =	ssyncadd.s32 $0xFFFFF400  }
0x97: {  	[hbm4b:s28+s3] =	stream.linear.scatter [tilespmem:s16], [sflag:$0x2], $0xC00, $0x38;
	[tilespmem:$0x1C060] =	vst v63  }
0x98: {  	_ =	swait.ge [sflag:s9], $0xC00  }
0x99: {  	[sflag:s9] =	ssyncset.done $0x0  }
0x9a: {  	s29 =	sadd.s32 $0x1800, s24;
	[sflag:s9] =	ssyncadd.s32 $0xFFFFF400  }
0x9b: {  	[hbm4b:s29+s3] =	stream.linear.scatter [tilespmem:s17], [sflag:$0x2], $0xC00, $0x38;
	[tilespmem:$0x1C060] =	vst v63  }
0x9c: {  	_ =	swait.ge [sflag:s9], $0xC00  }
0x9d: {  	[sflag:s9] =	ssyncset.done $0x0  }
0x9e: {  	s30 =	sadd.s32 $0x1A00, s24;
	[sflag:s9] =	ssyncadd.s32 $0xFFFFF400  }
0x9f: {  	[hbm4b:s30+s3] =	stream.linear.scatter [tilespmem:s18], [sflag:$0x2], $0xC00, $0x38;
	[tilespmem:$0x1C060] =	vst v63  }
0xa0: {  	_ =	swait.ge [sflag:s9], $0xC00  }
0xa1: {  	[sflag:s9] =	ssyncset.done $0x0  }
0xa2: {  	s31 =	sadd.s32 $0x1C00, s24;
	[sflag:s9] =	ssyncadd.s32 $0xFFFFF400  }
0xa3: {  	[hbm4b:s31+s3] =	stream.linear.scatter [tilespmem:s19], [sflag:$0x2], $0xC00, $0x38;
	[tilespmem:$0x1C060] =	vst v63  }
0xa4: {  	p0 =	sne.s32 s22, $0xE000;
	_ =	swait.ge [sflag:s9], $0xC00  }
.Ltmp0:
0xa5: {  	[sflag:s9] =	ssyncset.done $0x0;
	(pc) =	sbr.rel @p0 .LBB2_2-.Ltmp0, $4  }
0xa6: {  	s24 =	sadd.s32 $0x1E00, s24;
	[sflag:s9] =	ssyncadd.s32 $0xFFFFF400  }
0xa7: {  	[hbm4b:s24+s3] =	stream.linear.scatter [tilespmem:s20], [sflag:$0x2], $0xC00, $0x38;
	[tilespmem:$0x1C060] =	vst v63  }
0xa8: {  	_ =	swait.ge [sflag:s9], $0xC00  }
0xa9: {  	s22 =	sadd.s32 $0x2000, s22;
	[sflag:s9] =	ssyncset.done $0x0  }
0xaa: {  	s21 =	sadd.s32 $0x1, s21  }
0xab: {  	p0 =	sne.s32 s21, s6  }
.Ltmp1:
0xac: {  	_ = 	snop;
	(pc) =	sbr.rel @p0 .LBB2_1-.Ltmp1, $2  }
0xad: {  	_ =	sdelay $0x2  }
0xae: {  	[sflag:s9] =	ssyncadd.s32 $0xFFFFF400  }
0xaf: {  	_ =	sfence.sel $0x180000  }
0xb0: {  	[bflag:$0x0] =	sbarrier.arrive $0xFFFF  }
0xb1: {  	p0 =	sne.s32 s0, $0x0;
	_ =	strace $0x9000004A  }
0xb2: {  	s0 =	sadd.s32 @!p0 $0x100000, s1;
	[bflag:$0x2] =	sbarrier.arrive $0xFFFF  }
0xb3: {  	[sflag:s0] =	ssyncadd.tile.s32 @!p0 $0x1;
	_ =	shalt  }
.Lfunc_end2:
_tile_overlayer_lowered:
.L_overlay_start_2:
0xb4: {  	(tag) =	ssettag $0x2  }
0xb5: {  	s0 =	rddreg [dreg:$0x0];
	s2 =	stileid.u32  }
0xb6: {  	s1 =	rddreg [dreg:$0x1];
	p0 =	sne.s32 s2, $0x0  }
0xb7: {  	s3 =	rddreg [dreg:$0x2];
	[bflag:$0x3] =	sbarrier.arrive $0xFFFF;
	s2 =	simm.s32 @!p0 $0x1C02  }
0xb8: {  	[timem:s3], [sflag:s2] =	dma.local @!p0 [hbm:s0], s1  }
0xb9: {  	s0 =	simm.s32 @!p0 $0x2  }
0xba: {  	_ =	swait.ge @!p0 [sflag:s0], s1  }
0xbb: {  	s1 =	ssub.s32 @!p0 $0x0, s1;
	[sflag:s0] =	ssyncset.done @!p0 $0x0  }
0xbc: {  	[sflag:s0] =	ssyncadd.s32 @!p0 s1  }
0xbd: {  	[bflag:$0x3] =	sbarrier.arrive $0xFFFF  }
0xbe: {  	_ =	shalt  }

// kernel: kernel.13.cloned.1.call-start
scs
__scs_entry_jumppad:
0x0: {  	(pc) =	sbr.rel $0x88, $3  }
0x1: {  	(tag) =	ssettag $0x0;
	lr =	simm.s32 $0x1  }
0x2: {  	[smem:$0x3F9B] =	sst lr;
	_ =	strace $0xD0000000  }
0x3: {  	_ = 	snop  }
0x4: {  	_ = 	snop  }
0x5: {  	_ = 	snop  }
0x6: {  	_ = 	snop  }
0x7: {  	_ = 	snop  }
__scs_overlays_trampoline_lowered:
0x8: {  	[smem:$0x3FAA] =	sst s0  }
0x9: {  	[smem:$0x3FAB] =	sst s1  }
0xa: {  	[smem:$0x3FAC] =	sst s2  }
0xb: {  	[smem:$0x3FAD] =	sst s3  }
0xc: {  	[smem:$0x3FAE] =	sst s4  }
0xd: {  	[smem:$0x3FAF] =	sst s5  }
0xe: {  	[smem:$0x3FB0] =	sst s6  }
0xf: {  	[smem:$0x3FB1] =	sst s7  }
0x10: {  	[smem:$0x3FB2] =	sst s8  }
0x11: {  	[smem:$0x3FB3] =	sst s9;
	s0 =	simm.s32 @!p0 $0x0  }
0x12: {  	s1 =	sld [smem:$0x3F99];
	s0 =	simm.s32 @p0 $0x1  }
0x13: {  	[smem:$0x3FB4] =	sst s0;
	s0 =	simm.s32 @!p1 $0x0  }
0x14: {  	s2 =	sld [smem:$0x3F98];
	s0 =	simm.s32 @p1 $0x1  }
0x15: {  	[smem:$0x3FB5] =	sst s0;
	s0 =	simm.s32 @!p2 $0x0  }
0x16: {  	s3 =	sld [smem:$0x3FDB];
	s0 =	simm.s32 @p2 $0x1  }
0x17: {  	s4 =	simm.s32 $0x1BF5;
	[smem:$0x3FB7] =	sst s0  }
0x18: {  	s0 =	sld [smem:$0x3F9A];
	_ =	swait.ge [sflag:s4], $0x0  }
0x19: {  	s7 =	sld [smem:$0x3F9B]  }
0x1a: {  	s8 =	sadd.s32 $0xFFFFE003, lr  }
0x1b: {  	s9 =	sadd.s32 $0xFFFFFEF7, lr;
	s5 =	simm.s32 $0xFFFFFFFF;
	p2 =	slt.u32 s8, $0xFFFFF086  }
0x1c: {  	p1 =	slt.u32 s9, $0xF7A;
	s5 =	simm.s32 @!p2 $0x0  }
0x1d: {  	s5 =	simm.s32 @p1 $0x1;
	p0 =	seq.s32 s7, s2  }
0x1e: {  	s7 =	smul.u32 @!p0 $0xF7A, s2;
	p2 =	seq.s32 @!p0 s5, $0x0  }
0x1f: {  	s9 =	smul.u32 $0xF7A, s1;
	s8 =	simm.s32 @!p0 $0x1BF5;
	p2 =	por !p2, p0  }
0x20: {  	[sflag:s8] =	ssyncset.s32 @!p0 $0xFFFFF086;
	s6 =	sadd.s32 @!p0 s3, s7;
	s7 =	simm.s32 @!p0 $0x108  }
0x21: {  	s3 =	sadd.s32 s3, s9;
	s6 =	sadd.s32 @!p0 $0x88, s6;
	s7 =	simm.s32 @p2 $0x1082  }
0x22: {  	[simem:s7], [sflag:s8] =	dma.local @!p0 [hbm:s6], $0xF7A  }
0x23: {  	s9 =	sor.u32 $0xD0000000, s2;
	s6 =	simm.s32 $0x108;
	_ =	swait.ge @!p0 [sflag:s8], $0x0  }
0x24: {  	s3 =	sadd.s32 $0x88, s3;
	s6 =	simm.s32 @!p1 $0x1082;
	[sflag:s4] =	ssyncset.s32 $0xFFFFF086  }
0x25: {  	[simem:s6], [sflag:s4] =	dma.local [hbm:s3], $0xF7A  }
0x26: {  	[smem:$0x3F9B] =	sst s1;
	(tag) =	ssettag s2;
	_ =	strace s9  }
0x27: {  	s1 =	sld [smem:$0x3FAB]  }
0x28: {  	s2 =	sld [smem:$0x3FAC]  }
0x29: {  	s4 =	sld [smem:$0x3FAE]  }
0x2a: {  	p0 =	seq.s32 s5, $0x0;
	s5 =	sld [smem:$0x3FAF]  }
0x2b: {  	s6 =	sld [smem:$0x3FB0]  }
0x2c: {  	s7 =	sld [smem:$0x3FB1]  }
0x2d: {  	s3 =	simm.s32 $0x108;
	s8 =	sld [smem:$0x3FB2]  }
0x2e: {  	s3 =	simm.s32 @!p0 $0x1082;
	s9 =	sld [smem:$0x3FB3]  }
0x2f: {  	lr =	sadd.s32 s0, s3;
	s0 =	sld [smem:$0x3FAA]  }
0x30: {  	s3 =	sld [smem:$0x3FAD]  }
0x31: {  	[smem:$0x3FB6] =	sst s10  }
0x32: {  	s10 =	sld [smem:$0x3FB4];
	_ =	sdelay $0x3  }
0x33: {  	p0 =	seq.s32 s10, $0x1;
	s10 =	sld [smem:$0x3FB6];
	_ =	sdelay $0x3  }
0x34: {  	[smem:$0x3FB6] =	sst s10  }
0x35: {  	s10 =	sld [smem:$0x3FB5];
	_ =	sdelay $0x3  }
0x36: {  	p1 =	seq.s32 s10, $0x1;
	s10 =	sld [smem:$0x3FB6];
	_ =	sdelay $0x3  }
0x37: {  	[smem:$0x3FB6] =	sst s10  }
0x38: {  	s10 =	sld [smem:$0x3FB7]  }
0x39: {  	_ = 	snop;
	(pc) =	sbr.ind lr, $3  }
0x3a: {  	_ = 	snop  }
0x3b: {  	_ = 	snop  }
0x3c: {  	p2 =	seq.s32 s10, $0x1;
	s10 =	sld [smem:$0x3FB6]  }
0x3d: {  	_ =	shalt  }
0x3e: {  	_ =	shalt  }
0x3f: {  	_ =	shalt  }
0x40: {  	_ =	shalt  }
0x41: {  	_ =	shalt  }
0x42: {  	_ =	shalt  }
0x43: {  	_ =	shalt  }
0x44: {  	_ =	shalt  }
0x45: {  	_ =	shalt  }
0x46: {  	_ =	shalt  }
0x47: {  	_ =	shalt  }
0x48: {  	_ =	shalt  }
0x49: {  	_ =	shalt  }
0x4a: {  	_ =	shalt  }
0x4b: {  	_ =	shalt  }
0x4c: {  	_ =	shalt  }
0x4d: {  	_ =	shalt  }
0x4e: {  	_ =	shalt  }
0x4f: {  	_ =	shalt  }
0x50: {  	_ =	shalt  }
0x51: {  	_ =	shalt  }
0x52: {  	_ =	shalt  }
0x53: {  	_ =	shalt  }
0x54: {  	_ =	shalt  }
0x55: {  	_ =	shalt  }
0x56: {  	_ =	shalt  }
0x57: {  	_ =	shalt  }
0x58: {  	_ =	shalt  }
0x59: {  	_ =	shalt  }
0x5a: {  	_ =	shalt  }
0x5b: {  	_ =	shalt  }
0x5c: {  	_ =	shalt  }
0x5d: {  	_ =	shalt  }
0x5e: {  	_ =	shalt  }
0x5f: {  	_ =	shalt  }
0x60: {  	_ =	shalt  }
0x61: {  	_ =	shalt  }
0x62: {  	_ =	shalt  }
0x63: {  	_ =	shalt  }
0x64: {  	_ =	shalt  }
0x65: {  	_ =	shalt  }
0x66: {  	_ =	shalt  }
0x67: {  	_ =	shalt  }
0x68: {  	_ =	shalt  }
0x69: {  	_ =	shalt  }
0x6a: {  	_ =	shalt  }
0x6b: {  	_ =	shalt  }
0x6c: {  	_ =	shalt  }
0x6d: {  	_ =	shalt  }
0x6e: {  	_ =	shalt  }
0x6f: {  	_ =	shalt  }
0x70: {  	_ =	shalt  }
0x71: {  	_ =	shalt  }
0x72: {  	_ =	shalt  }
0x73: {  	_ =	shalt  }
0x74: {  	_ =	shalt  }
0x75: {  	_ =	shalt  }
0x76: {  	_ =	shalt  }
0x77: {  	_ =	shalt  }
0x78: {  	_ =	shalt  }
0x79: {  	_ =	shalt  }
0x7a: {  	_ =	shalt  }
0x7b: {  	_ =	shalt  }
0x7c: {  	_ =	shalt  }
0x7d: {  	_ =	shalt  }
0x7e: {  	_ =	shalt  }
0x7f: {  	_ =	shalt  }
0x80: {  	_ =	shalt  }
0x81: {  	_ =	shalt  }
0x82: {  	_ =	shalt  }
0x83: {  	_ =	shalt  }
0x84: {  	_ =	shalt  }
0x85: {  	_ =	shalt  }
0x86: {  	_ =	shalt  }
0x87: {  	_ =	shalt  }
.Lfunc_end0:
.L_simem_size_0:
called_computation.6_lowered:
.L_overlay_start_0:
0x88: {  	s2 =	sld [smem:$0x3FD9]  }
0x89: {  	s3 =	sld [smem:$0x3FFE];
	_ =	sdelay $0x1  }
0x8a: {  	s1 =	srdreg.scid  }
0x8b: {  	s0 =	sand.u32 $0x1, s1  }
0x8c: {  	s14 =	sshll.u32 s0, $0xA;
	s2 =	sadd.s32 s3, s2  }
0x8d: {  	s2 =	sadd.s32 s2, s14  }
0x8e: {  	[smem:$0x3FC2] =	sst s2  }
0x8f: {  	_ = 	snop  }
0x90: {  	s2 =	sld [smem:$0x3FD0];
	_ =	sdelay $0x2  }
0x91: {  	s15 =	simm.s32 $0xE;
	s4 =	simm.s32 $0x10  }
0x92: {  	[smem:s4], [sflag:s15] =	dma.local [hbm:s2], $0x1  }
0x93: {  	_ =	swait.eq [sflag:s15], $0x1  }
0x94: {  	[sflag:s15] =	ssyncset.done $0x0  }
0x95: {  	[sflag:s15] =	ssyncadd.s32 $0xFFFFFFFF  }
0x96: {  	s16 =	sld [smem:$0x12];
	(tm) =	ssettm $0x1  }
0x97: {  	s17 =	sld [smem:$0x3FFB];
	_ =	sdelay $0x3  }
0x98: {  	_ =	strace s17  }
0x99: {  	s3 =	sld [smem:$0x3FFC];
	_ =	sdelay $0x3  }
0x9a: {  	_ =	strace s3  }
0x9b: {  	s3 =	sld [smem:$0x3FFD];
	_ =	sdelay $0x3  }
0x9c: {  	_ =	strace s3  }
0x9d: {  	_ =	strace $0x8FFFFFFF  }
0x9e: {  	s18 =	sld [smem:$0x3FDB];
	_ =	sdelay $0x1  }
0x9f: {  	s19 =	simm.s32 $_scs_section_size  }
0xa0: {  	s5 =	simm.s32 $_size__tile_overlayer_lowered;
	s6 =	simm.s32 $_tile_overlayer_lowered  }
0xa1: {  	s22 =	simm.s32 $0x1BFF;
	s21 =	sshll.u32 s6, $0x1;
	s3 =	sadd.s32 s19, s18  }
0xa2: {  	s7 =	simm.s32 $0x0;
	s20 =	sshll.u32 s5, $0x1;
	s5 =	sadd.s32 s21, s3  }
0xa3: {  	[timem:s7], [sflag:s22] =	dma.local [hbm:s5], s20  }
0xa4: {  	_ =	swait.ge [sflag:s22], s20  }
0xa5: {  	s4 =	ssub.s32 $0x0, s20;
	[sflag:s22] =	ssyncset.done $0x0  }
0xa6: {  	[sflag:s22] =	ssyncadd.s32 s4;
	_ =	sdelay $0x1  }
0xa7: {  	s23 =	simm.s32 $0x1B8B  }
0xa8: {  	_ =	swait.ge [sflag:s23], $0x1  }
0xa9: {  	[sflag:s23] =	ssyncset.done $0x0  }
0xaa: {  	s25 =	simm.s32 $0x1B8E;
	s24 =	sld [smem:$0x3FFE];
	[sflag:s23] =	ssyncadd.s32 $0xFFFFFFFF  }
0xab: {  	s26 =	simm.s32 $execute0_lowered;
	[smem:$0x3FD2] =	sst s25  }
0xac: {  	s5 =	sshll.u32 s26, $0x1;
	_ =	strace $0x80000046;
	[dreg:$0x1] =	wrdreg $0xFFFFFFFF  }
0xad: {  	s28 =	simm.s32 $_size_execute0_lowered;
	s3 =	sadd.s32 s3, s5;
	[dreg:$0x0] =	wrdreg $0x0  }
0xae: {  	s5 =	sshll.u32 s28, $0x1;
	[dreg:$0x2] =	wrdreg s3  }
0xaf: {  	[dreg:$0x3] =	wrdreg s5  }
0xb0: {  	[dreg:$0x4] =	wrdreg $0xC0  }
0xb1: {  	_ =	task [dreg:s7], $0x5FFFF  }
0xb2: {  	[dreg:$0x1] =	wrdreg $0xFFFFFFFF  }
0xb3: {  	[dreg:$0x0] =	wrdreg $0x60  }
0xb4: {  	[dreg:$0x2] =	wrdreg s24  }
0xb5: {  	[dreg:$0x3] =	wrdreg s16  }
0xb6: {  	[dreg:$0x4] =	wrdreg $0xC0600  }
0xb7: {  	[dreg:$0x5] =	wrdreg $0xA  }
0xb8: {  	_ =	task.clear_ibuf [dreg:s7], $0x6FFFF;
	_ =	strace $0x90000046  }
0xb9: {  	s29 =	simm.s32 $0xA;
	_ =	strace $0x80000048  }
0xba: {  	_ =	swait.ge [sflag:s29], $0x1  }
0xbb: {  	[sflag:s29] =	ssyncadd.s32 $0xFFFFFFFF  }
0xbc: {  	_ =	strace $0x90000048  }
0xbd: {  	_ =	sfence  }
0xbe: {  	s30 =	sld [smem:$0x0];
	_ =	sdelay $0x2  }
0xbf: {  	s31 =	sshll.u32 s1, $0xD;
	s1 =	sshrl.u32 s1, $0x2  }
0xc0: {  	s3 =	sand.u32 $0x4000, s31;
	s1 =	sadd.s32 s1, s30  }
0xc1: {  	s0 =	sor.u32 s3, s0;
	s1 =	sshll.u32 s1, $0x11  }
0xc2: {  	s0 =	sor.u32 s1, s0  }
0xc3: {  	s0 =	sadd.s32 $0x8F2B, s0  }
0xc4: {  	[sflag:s0] =	ssyncadd.remote.s32 $0x1  }
0xc5: {  	_ =	sfence.sel $0xFFFF  }
0xc6: {  	[dreg:$0x0] =	wrdreg $0xFFFFFFFF;
	(pc) =	sbr.abs _section_cstart, $3  }
0xc7: {  	[dreg:$0x1] =	wrdreg $0xFFFFFFFF  }
0xc8: {  	_ =	task.clear_ibuf [dreg:s7], $0x2FFFF;
	_ =	strace $0x9FFFFFFF  }
0xc9: {  	(tm) =	ssettm $0x7FFFFFFF  }
tec
execute0_lowered:
.L_overlay_start_1:
0x0: {  	(tag) =	ssettag $0x1  }
0x1: {  	s4 =	rddreg [dreg:$0x0]  }
0x2: {  	s1 =	srdreg.scid;
	s7 =	rddreg [dreg:$0x1]  }
0x3: {  	s0 =	stileid.u32;
	s2 =	rddreg [dreg:$0x2];
	s3 =	simm.s32 $0x0  }
0x4: {  	s28 =	simm.s32 $0xC60;
	s29 =	simm.s32 $0x1860;
	s30 =	simm.s32 $0x2460  }
0x5: {  	s31 =	simm.s32 $0x3060;
	s11 =	simm.s32 $0x3C60;
	s12 =	simm.s32 $0x4860  }
0x6: {  	s13 =	simm.s32 $0x6060;
	s14 =	simm.s32 $0x6C60;
	s15 =	simm.s32 $0x7860  }
0x7: {  	s16 =	simm.s32 $0x8460;
	s5 =	sand.u32 $0x1, s1;
	s1 =	rddreg [dreg:$0x3]  }
0x8: {  	s17 =	simm.s32 $0x9060;
	s18 =	simm.s32 $0x9C60;
	[smem:$0x7FF] =	sst s3  }
0x9: {  	s19 =	simm.s32 $0xA860;
	_ =	strace $0x80000047;
	[dreg:$0x5] =	wrdreg s28  }
0xa: {  	s20 =	simm.s32 $0xB460;
	s21 =	simm.s32 $0x0;
	[dreg:$0x6] =	wrdreg s29  }
0xb: {  	s6 =	smul.u32 $0x600, s0;
	s24 =	sshll.u32 s0, $0x10;
	[dreg:$0x7] =	wrdreg s30  }
0xc: {  	s25 =	sshll.u32 s0, $0xD;
	s8 =	smul.u32 $0x300, s5;
	[dreg:$0x8] =	wrdreg s31  }
0xd: {  	s26 =	sshll.u32 s0, $0x6;
	s5 =	ssub.s32 $0x2, s5;
	[dreg:$0x9] =	wrdreg s11  }
0xe: {  	s11 =	simm.s32 $0x1;
	[dreg:$0xa] =	wrdreg s12;
	s6 =	sadd.s32 s8, s6  }
0xf: {  	s12 =	simm.s32 $0x5460;
	s23 =	sshrl.u32 s5, $0x1;
	s8 =	smulhi.u32 $0x2AAAAAAB, s6  }
0x10: {  	s10 =	ssub.s32 s5, s23;
	s5 =	sor.u32 $0x1C02, s26;
	s6 =	sshrl.u32 s6, $0x3  }
0x11: {  	s9 =	sadd.s32 s6, s4;
	s22 =	sshll.u32 s8, $0x9;
	s8 =	sadd.s32 s24, s2  }
0x12: {  	s6 =	sadd.s32 s22, s4;
	s4 =	sadd.s32 s7, s25;
	s7 =	sadd.s32 $0x3200, s9  }
0x13: {  	s8 =	sshrl.u32 s8, $0x3;
	s9 =	simm.s32 $0x2;
	s6 =	sadd.s32 $0x3E00, s6  }
0x14: {  	[dreg:$0x4] =	wrdreg s6;
	s6 =	smax.u32 s10, $0x1;
	s10 =	simm.s32 $0x60  }
.LBB2_1:
0x15: {  	[spmem:s8], [sflag:s5] =	dma.local [hbm:s4], $0x2000  }
0x16: {  	_ =	swait.ge [sflag:s9], $0x2000  }
0x17: {  	[sflag:s9] =	ssyncset.done $0x0  }
0x18: {  	[sflag:s9] =	ssyncadd.s32 $0xFFFFE000  }
0x19: {  	[bflag:$0x0] =	sbarrier.arrive $0xFFFF  }
0x1a: {  	[tilespmem:s3], [sflag:$0x2] =	stream.linear.gather [hbm4b:s7+s3], $0x60, $0x38;
	[tilespmem:$0x1C060] =	vst v63  }
0x1b: {  	_ =	swait.ge [sflag:s9], $0x60  }
0x1c: {  	[sflag:s9] =	ssyncset.done $0x0  }
0x1d: {  	[sflag:s9] =	ssyncadd.s32 $0xFFFFFFA0  }
0x1e: {  	[tilespmem:s10], [sflag:$0x1] =	stream.indirect.gather [spmem:s2], $0x200, s3, s10, $0xb8;
	[tilespmem:$0x1C060] =	vst v63  }
0x1f: {  	_ =	swait.ge [sflag:s11], $0xC000  }
0x20: {  	s22 =	rddreg [dreg:$0x4];
	[sflag:s11] =	ssyncset.done $0x0  }
0x21: {  	[sflag:s11] =	ssyncadd.s32 $0xFFFF4000;
	s22 =	sadd.s32 $0x0, s22  }
0x22: {  	[hbm4b:s22+s3] =	stream.linear.scatter [tilespmem:s10], [sflag:$0x2], $0xC00, $0x38;
	[tilespmem:$0x1C060] =	vst v63  }
0x23: {  	_ =	swait.ge [sflag:s9], $0xC00  }
0x24: {  	[sflag:s9] =	ssyncset.done $0x0  }
0x25: {  	s24 =	sadd.s32 $0x200, s22;
	s23 =	rddreg [dreg:$0x5];
	[sflag:s9] =	ssyncadd.s32 $0xFFFFF400  }
0x26: {  	[hbm4b:s24+s3] =	stream.linear.scatter [tilespmem:s23], [sflag:$0x2], $0xC00, $0x38;
	[tilespmem:$0x1C060] =	vst v63  }
0x27: {  	_ =	swait.ge [sflag:s9], $0xC00  }
0x28: {  	[sflag:s9] =	ssyncset.done $0x0  }
0x29: {  	s29 =	sadd.s32 $0x400, s22;
	s28 =	rddreg [dreg:$0x6];
	[sflag:s9] =	ssyncadd.s32 $0xFFFFF400  }
0x2a: {  	[hbm4b:s29+s3] =	stream.linear.scatter [tilespmem:s28], [sflag:$0x2], $0xC00, $0x38;
	[tilespmem:$0x1C060] =	vst v63  }
0x2b: {  	_ =	swait.ge [sflag:s9], $0xC00  }
0x2c: {  	[sflag:s9] =	ssyncset.done $0x0  }
0x2d: {  	s31 =	sadd.s32 $0x600, s22;
	s30 =	rddreg [dreg:$0x7];
	[sflag:s9] =	ssyncadd.s32 $0xFFFFF400  }
0x2e: {  	[hbm4b:s31+s3] =	stream.linear.scatter [tilespmem:s30], [sflag:$0x2], $0xC00, $0x38;
	[tilespmem:$0x1C060] =	vst v63  }
0x2f: {  	_ =	swait.ge [sflag:s9], $0xC00  }
0x30: {  	[sflag:s9] =	ssyncset.done $0x0  }
0x31: {  	s25 =	sadd.s32 $0x800, s22;
	s24 =	rddreg [dreg:$0x8];
	[sflag:s9] =	ssyncadd.s32 $0xFFFFF400  }
0x32: {  	[hbm4b:s25+s3] =	stream.linear.scatter [tilespmem:s24], [sflag:$0x2], $0xC00, $0x38;
	[tilespmem:$0x1C060] =	vst v63  }
0x33: {  	_ =	swait.ge [sflag:s9], $0xC00  }
0x34: {  	[sflag:s9] =	ssyncset.done $0x0  }
0x35: {  	s28 =	sadd.s32 $0xA00, s22;
	s26 =	rddreg [dreg:$0x9];
	[sflag:s9] =	ssyncadd.s32 $0xFFFFF400  }
0x36: {  	[hbm4b:s28+s3] =	stream.linear.scatter [tilespmem:s26], [sflag:$0x2], $0xC00, $0x38;
	[tilespmem:$0x1C060] =	vst v63  }
0x37: {  	_ =	swait.ge [sflag:s9], $0xC00  }
0x38: {  	[sflag:s9] =	ssyncset.done $0x0  }
0x39: {  	s30 =	sadd.s32 $0xC00, s22;
	s29 =	rddreg [dreg:$0xa];
	[sflag:s9] =	ssyncadd.s32 $0xFFFFF400  }
0x3a: {  	[hbm4b:s30+s3] =	stream.linear.scatter [tilespmem:s29], [sflag:$0x2], $0xC00, $0x38;
	[tilespmem:$0x1C060] =	vst v63  }
0x3b: {  	_ =	swait.ge [sflag:s9], $0xC00  }
0x3c: {  	[sflag:s9] =	ssyncset.done $0x0  }
0x3d: {  	s31 =	sadd.s32 $0xE00, s22;
	[sflag:s9] =	ssyncadd.s32 $0xFFFFF400  }
0x3e: {  	[hbm4b:s31+s3] =	stream.linear.scatter [tilespmem:s12], [sflag:$0x2], $0xC00, $0x38;
	[tilespmem:$0x1C060] =	vst v63  }
0x3f: {  	_ =	swait.ge [sflag:s9], $0xC00  }
0x40: {  	[sflag:s9] =	ssyncset.done $0x0  }
0x41: {  	s24 =	sadd.s32 $0x1000, s22;
	[sflag:s9] =	ssyncadd.s32 $0xFFFFF400  }
0x42: {  	[hbm4b:s24+s3] =	stream.linear.scatter [tilespmem:s13], [sflag:$0x2], $0xC00, $0x38;
	[tilespmem:$0x1C060] =	vst v63  }
0x43: {  	_ =	swait.ge [sflag:s9], $0xC00  }
0x44: {  	[sflag:s9] =	ssyncset.done $0x0  }
0x45: {  	s25 =	sadd.s32 $0x1200, s22;
	[sflag:s9] =	ssyncadd.s32 $0xFFFFF400  }
0x46: {  	[hbm4b:s25+s3] =	stream.linear.scatter [tilespmem:s14], [sflag:$0x2], $0xC00, $0x38;
	[tilespmem:$0x1C060] =	vst v63  }
0x47: {  	_ =	swait.ge [sflag:s9], $0xC00  }
0x48: {  	[sflag:s9] =	ssyncset.done $0x0  }
0x49: {  	s26 =	sadd.s32 $0x1400, s22;
	[sflag:s9] =	ssyncadd.s32 $0xFFFFF400  }
0x4a: {  	[hbm4b:s26+s3] =	stream.linear.scatter [tilespmem:s15], [sflag:$0x2], $0xC00, $0x38;
	[tilespmem:$0x1C060] =	vst v63  }
0x4b: {  	_ =	swait.ge [sflag:s9], $0xC00  }
0x4c: {  	[sflag:s9] =	ssyncset.done $0x0  }
0x4d: {  	s28 =	sadd.s32 $0x1600, s22;
	[sflag:s9] =	ssyncadd.s32 $0xFFFFF400  }
0x4e: {  	[hbm4b:s28+s3] =	stream.linear.scatter [tilespmem:s16], [sflag:$0x2], $0xC00, $0x38;
	[tilespmem:$0x1C060] =	vst v63  }
0x4f: {  	_ =	swait.ge [sflag:s9], $0xC00  }
0x50: {  	[sflag:s9] =	ssyncset.done $0x0  }
0x51: {  	s29 =	sadd.s32 $0x1800, s22;
	[sflag:s9] =	ssyncadd.s32 $0xFFFFF400  }
0x52: {  	[hbm4b:s29+s3] =	stream.linear.scatter [tilespmem:s17], [sflag:$0x2], $0xC00, $0x38;
	[tilespmem:$0x1C060] =	vst v63  }
0x53: {  	_ =	swait.ge [sflag:s9], $0xC00  }
0x54: {  	[sflag:s9] =	ssyncset.done $0x0  }
0x55: {  	s30 =	sadd.s32 $0x1A00, s22;
	[sflag:s9] =	ssyncadd.s32 $0xFFFFF400  }
0x56: {  	[hbm4b:s30+s3] =	stream.linear.scatter [tilespmem:s18], [sflag:$0x2], $0xC00, $0x38;
	[tilespmem:$0x1C060] =	vst v63  }
0x57: {  	_ =	swait.ge [sflag:s9], $0xC00  }
0x58: {  	[sflag:s9] =	ssyncset.done $0x0  }
0x59: {  	s31 =	sadd.s32 $0x1C00, s22;
	[sflag:s9] =	ssyncadd.s32 $0xFFFFF400  }
0x5a: {  	[hbm4b:s31+s3] =	stream.linear.scatter [tilespmem:s19], [sflag:$0x2], $0xC00, $0x38;
	[tilespmem:$0x1C060] =	vst v63  }
0x5b: {  	_ =	swait.ge [sflag:s9], $0xC00  }
0x5c: {  	[sflag:s9] =	ssyncset.done $0x0  }
0x5d: {  	s22 =	sadd.s32 $0x1E00, s22;
	[sflag:s9] =	ssyncadd.s32 $0xFFFFF400  }
0x5e: {  	[hbm4b:s22+s3] =	stream.linear.scatter [tilespmem:s20], [sflag:$0x2], $0xC00, $0x38;
	[tilespmem:$0x1C060] =	vst v63  }
0x5f: {  	_ =	swait.ge [sflag:s9], $0xC00  }
0x60: {  	s23 =	smov.u32 s7;
	s22 =	simm.s32 $0x2000;
	[sflag:s9] =	ssyncset.done $0x0  }
.LBB2_2:
0x61: {  	[sflag:s9] =	ssyncadd.s32 $0xFFFFF400;
	s23 =	sadd.s32 $0xC, s23  }
0x62: {  	[tilespmem:s3], [sflag:$0x2] =	stream.linear.gather [hbm4b:s23+s3], $0x60, $0x38;
	[tilespmem:$0x1C060] =	vst v63  }
0x63: {  	_ =	swait.ge [sflag:s9], $0x60  }
0x64: {  	[sflag:s9] =	ssyncset.done $0x0  }
0x65: {  	[sflag:s9] =	ssyncadd.s32 $0xFFFFFFA0  }
0x66: {  	[tilespmem:s10], [sflag:$0x1] =	stream.indirect.gather [spmem:s2], $0x200, s3, s10, $0xb8;
	[tilespmem:$0x1C060] =	vst v63  }
0x67: {  	_ =	swait.ge [sflag:s11], $0xC000  }
0x68: {  	s24 =	smov.u32 s22;
	s25 =	rddreg [dreg:$0x4];
	[sflag:s11] =	ssyncset.done $0x0  }
0x69: {  	[sflag:s11] =	ssyncadd.s32 $0xFFFF4000;
	s24 =	sadd.s32 s24, s25  }
0x6a: {  	[hbm4b:s24+s3] =	stream.linear.scatter [tilespmem:s10], [sflag:$0x2], $0xC00, $0x38;
	[tilespmem:$0x1C060] =	vst v63  }
0x6b: {  	_ =	swait.ge [sflag:s9], $0xC00  }
0x6c: {  	[sflag:s9] =	ssyncset.done $0x0  }
0x6d: {  	s26 =	sadd.s32 $0x200, s24;
	s31 =	rddreg [dreg:$0x5];
	[sflag:s9] =	ssyncadd.s32 $0xFFFFF400  }
0x6e: {  	[hbm4b:s26+s3] =	stream.linear.scatter [tilespmem:s31], [sflag:$0x2], $0xC00, $0x38;
	[tilespmem:$0x1C060] =	vst v63  }
0x6f: {  	_ =	swait.ge [sflag:s9], $0xC00  }
0x70: {  	[sflag:s9] =	ssyncset.done $0x0  }
0x71: {  	s29 =	sadd.s32 $0x400, s24;
	s28 =	rddreg [dreg:$0x6];
	[sflag:s9] =	ssyncadd.s32 $0xFFFFF400  }
0x72: {  	[hbm4b:s29+s3] =	stream.linear.scatter [tilespmem:s28], [sflag:$0x2], $0xC00, $0x38;
	[tilespmem:$0x1C060] =	vst v63  }
0x73: {  	_ =	swait.ge [sflag:s9], $0xC00  }
0x74: {  	[sflag:s9] =	ssyncset.done $0x0  }
0x75: {  	s31 =	sadd.s32 $0x600, s24;
	s30 =	rddreg [dreg:$0x7];
	[sflag:s9] =	ssyncadd.s32 $0xFFFFF400  }
0x76: {  	[hbm4b:s31+s3] =	stream.linear.scatter [tilespmem:s30], [sflag:$0x2], $0xC00, $0x38;
	[tilespmem:$0x1C060] =	vst v63  }
0x77: {  	_ =	swait.ge [sflag:s9], $0xC00  }
0x78: {  	[sflag:s9] =	ssyncset.done $0x0  }
0x79: {  	s29 =	sadd.s32 $0x800, s24;
	s28 =	rddreg [dreg:$0x8];
	[sflag:s9] =	ssyncadd.s32 $0xFFFFF400  }
0x7a: {  	[hbm4b:s29+s3] =	stream.linear.scatter [tilespmem:s28], [sflag:$0x2], $0xC00, $0x38;
	[tilespmem:$0x1C060] =	vst v63  }
0x7b: {  	_ =	swait.ge [sflag:s9], $0xC00  }
0x7c: {  	[sflag:s9] =	ssyncset.done $0x0  }
0x7d: {  	s31 =	sadd.s32 $0xA00, s24;
	s30 =	rddreg [dreg:$0x9];
	[sflag:s9] =	ssyncadd.s32 $0xFFFFF400  }
0x7e: {  	[hbm4b:s31+s3] =	stream.linear.scatter [tilespmem:s30], [sflag:$0x2], $0xC00, $0x38;
	[tilespmem:$0x1C060] =	vst v63  }
0x7f: {  	_ =	swait.ge [sflag:s9], $0xC00  }
0x80: {  	[sflag:s9] =	ssyncset.done $0x0  }
0x81: {  	s28 =	sadd.s32 $0xC00, s24;
	s26 =	rddreg [dreg:$0xa];
	[sflag:s9] =	ssyncadd.s32 $0xFFFFF400  }
0x82: {  	[hbm4b:s28+s3] =	stream.linear.scatter [tilespmem:s26], [sflag:$0x2], $0xC00, $0x38;
	[tilespmem:$0x1C060] =	vst v63  }
0x83: {  	_ =	swait.ge [sflag:s9], $0xC00  }
0x84: {  	[sflag:s9] =	ssyncset.done $0x0  }
0x85: {  	s29 =	sadd.s32 $0xE00, s24;
	[sflag:s9] =	ssyncadd.s32 $0xFFFFF400  }
0x86: {  	[hbm4b:s29+s3] =	stream.linear.scatter [tilespmem:s12], [sflag:$0x2], $0xC00, $0x38;
	[tilespmem:$0x1C060] =	vst v63  }
0x87: {  	_ =	swait.ge [sflag:s9], $0xC00  }
0x88: {  	[sflag:s9] =	ssyncset.done $0x0  }
0x89: {  	s30 =	sadd.s32 $0x1000, s24;
	[sflag:s9] =	ssyncadd.s32 $0xFFFFF400  }
0x8a: {  	[hbm4b:s30+s3] =	stream.linear.scatter [tilespmem:s13], [sflag:$0x2], $0xC00, $0x38;
	[tilespmem:$0x1C060] =	vst v63  }
0x8b: {  	_ =	swait.ge [sflag:s9], $0xC00  }
0x8c: {  	[sflag:s9] =	ssyncset.done $0x0  }
0x8d: {  	s31 =	sadd.s32 $0x1200, s24;
	[sflag:s9] =	ssyncadd.s32 $0xFFFFF400  }
0x8e: {  	[hbm4b:s31+s3] =	stream.linear.scatter [tilespmem:s14], [sflag:$0x2], $0xC00, $0x38;
	[tilespmem:$0x1C060] =	vst v63  }
0x8f: {  	_ =	swait.ge [sflag:s9], $0xC00  }
0x90: {  	[sflag:s9] =	ssyncset.done $0x0  }
0x91: {  	s26 =	sadd.s32 $0x1400, s24;
	[sflag:s9] =	ssyncadd.s32 $0xFFFFF400  }
0x92: {  	[hbm4b:s26+s3] =	stream.linear.scatter [tilespmem:s15], [sflag:$0x2], $0xC00, $0x38;
	[tilespmem:$0x1C060] =	vst v63  }
0x93: {  	_ =	swait.ge [sflag:s9], $0xC00  }
0x94: {  	[sflag:s9] =	ssyncset.done $0x0  }
0x95: {  	s28 =	sadd.s32 $0x1600, s24;
	[sflag:s9] =	ssyncadd.s32 $0xFFFFF400  }
0x96: {  	[hbm4b:s28+s3] =	stream.linear.scatter [tilespmem:s16], [sflag:$0x2], $0xC00, $0x38;
	[tilespmem:$0x1C060] =	vst v63  }
0x97: {  	_ =	swait.ge [sflag:s9], $0xC00  }
0x98: {  	[sflag:s9] =	ssyncset.done $0x0  }
0x99: {  	s29 =	sadd.s32 $0x1800, s24;
	[sflag:s9] =	ssyncadd.s32 $0xFFFFF400  }
0x9a: {  	[hbm4b:s29+s3] =	stream.linear.scatter [tilespmem:s17], [sflag:$0x2], $0xC00, $0x38;
	[tilespmem:$0x1C060] =	vst v63  }
0x9b: {  	_ =	swait.ge [sflag:s9], $0xC00  }
0x9c: {  	[sflag:s9] =	ssyncset.done $0x0  }
0x9d: {  	s30 =	sadd.s32 $0x1A00, s24;
	[sflag:s9] =	ssyncadd.s32 $0xFFFFF400  }
0x9e: {  	[hbm4b:s30+s3] =	stream.linear.scatter [tilespmem:s18], [sflag:$0x2], $0xC00, $0x38;
	[tilespmem:$0x1C060] =	vst v63  }
0x9f: {  	_ =	swait.ge [sflag:s9], $0xC00  }
0xa0: {  	[sflag:s9] =	ssyncset.done $0x0  }
0xa1: {  	s31 =	sadd.s32 $0x1C00, s24;
	[sflag:s9] =	ssyncadd.s32 $0xFFFFF400  }
0xa2: {  	[hbm4b:s31+s3] =	stream.linear.scatter [tilespmem:s19], [sflag:$0x2], $0xC00, $0x38;
	[tilespmem:$0x1C060] =	vst v63  }
0xa3: {  	p0 =	sne.s32 s22, $0xE000;
	_ =	swait.ge [sflag:s9], $0xC00  }
.Ltmp0:
0xa4: {  	[sflag:s9] =	ssyncset.done $0x0;
	(pc) =	sbr.rel @p0 .LBB2_2-.Ltmp0, $4  }
0xa5: {  	s24 =	sadd.s32 $0x1E00, s24;
	[sflag:s9] =	ssyncadd.s32 $0xFFFFF400  }
0xa6: {  	[hbm4b:s24+s3] =	stream.linear.scatter [tilespmem:s20], [sflag:$0x2], $0xC00, $0x38;
	[tilespmem:$0x1C060] =	vst v63  }
0xa7: {  	_ =	swait.ge [sflag:s9], $0xC00  }
0xa8: {  	s22 =	sadd.s32 $0x2000, s22;
	[sflag:s9] =	ssyncset.done $0x0  }
0xa9: {  	s21 =	sadd.s32 $0x1, s21  }
0xaa: {  	p0 =	sne.s32 s21, s6  }
.Ltmp1:
0xab: {  	_ = 	snop;
	(pc) =	sbr.rel @p0 .LBB2_1-.Ltmp1, $2  }
0xac: {  	_ =	sdelay $0x2  }
0xad: {  	[sflag:s9] =	ssyncadd.s32 $0xFFFFF400  }
0xae: {  	_ =	sfence.sel $0x180000  }
0xaf: {  	[bflag:$0x0] =	sbarrier.arrive $0xFFFF  }
0xb0: {  	p0 =	sne.s32 s0, $0x0;
	_ =	strace $0x90000047  }
0xb1: {  	s0 =	sadd.s32 @!p0 $0x100000, s1;
	[bflag:$0x2] =	sbarrier.arrive $0xFFFF  }
0xb2: {  	[sflag:s0] =	ssyncadd.tile.s32 @!p0 $0x1;
	_ =	shalt  }
.Lfunc_end2:
_tile_overlayer_lowered:
.L_overlay_start_2:
0xb3: {  	(tag) =	ssettag $0x2  }
0xb4: {  	s0 =	rddreg [dreg:$0x0];
	s2 =	stileid.u32  }
0xb5: {  	s1 =	rddreg [dreg:$0x1];
	p0 =	sne.s32 s2, $0x0  }
0xb6: {  	s3 =	rddreg [dreg:$0x2];
	[bflag:$0x3] =	sbarrier.arrive $0xFFFF;
	s2 =	simm.s32 @!p0 $0x1C02  }
0xb7: {  	[timem:s3], [sflag:s2] =	dma.local @!p0 [hbm:s0], s1  }
0xb8: {  	s0 =	simm.s32 @!p0 $0x2  }
0xb9: {  	_ =	swait.ge @!p0 [sflag:s0], s1  }
0xba: {  	s1 =	ssub.s32 @!p0 $0x0, s1;
	[sflag:s0] =	ssyncset.done @!p0 $0x0  }
0xbb: {  	[sflag:s0] =	ssyncadd.s32 @!p0 s1  }
0xbc: {  	[bflag:$0x3] =	sbarrier.arrive $0xFFFF  }
0xbd: {  	_ =	shalt  }

// kernel: kernel.16.cloned.1.call-start
scs
__scs_entry_jumppad:
0x0: {  	(pc) =	sbr.rel $0x88, $3  }
0x1: {  	(tag) =	ssettag $0x0;
	lr =	simm.s32 $0x1  }
0x2: {  	[smem:$0x3F9B] =	sst lr;
	_ =	strace $0xD0000000  }
0x3: {  	_ = 	snop  }
0x4: {  	_ = 	snop  }
0x5: {  	_ = 	snop  }
0x6: {  	_ = 	snop  }
0x7: {  	_ = 	snop  }
__scs_overlays_trampoline_lowered:
0x8: {  	[smem:$0x3FAA] =	sst s0  }
0x9: {  	[smem:$0x3FAB] =	sst s1  }
0xa: {  	[smem:$0x3FAC] =	sst s2  }
0xb: {  	[smem:$0x3FAD] =	sst s3  }
0xc: {  	[smem:$0x3FAE] =	sst s4  }
0xd: {  	[smem:$0x3FAF] =	sst s5  }
0xe: {  	[smem:$0x3FB0] =	sst s6  }
0xf: {  	[smem:$0x3FB1] =	sst s7  }
0x10: {  	[smem:$0x3FB2] =	sst s8  }
0x11: {  	[smem:$0x3FB3] =	sst s9;
	s0 =	simm.s32 @!p0 $0x0  }
0x12: {  	s1 =	sld [smem:$0x3F99];
	s0 =	simm.s32 @p0 $0x1  }
0x13: {  	[smem:$0x3FB4] =	sst s0;
	s0 =	simm.s32 @!p1 $0x0  }
0x14: {  	s2 =	sld [smem:$0x3F98];
	s0 =	simm.s32 @p1 $0x1  }
0x15: {  	[smem:$0x3FB5] =	sst s0;
	s0 =	simm.s32 @!p2 $0x0  }
0x16: {  	s3 =	sld [smem:$0x3FDB];
	s0 =	simm.s32 @p2 $0x1  }
0x17: {  	s4 =	simm.s32 $0x1BF5;
	[smem:$0x3FB7] =	sst s0  }
0x18: {  	s0 =	sld [smem:$0x3F9A];
	_ =	swait.ge [sflag:s4], $0x0  }
0x19: {  	s7 =	sld [smem:$0x3F9B]  }
0x1a: {  	s8 =	sadd.s32 $0xFFFFE003, lr  }
0x1b: {  	s9 =	sadd.s32 $0xFFFFFEF7, lr;
	s5 =	simm.s32 $0xFFFFFFFF;
	p2 =	slt.u32 s8, $0xFFFFF086  }
0x1c: {  	p1 =	slt.u32 s9, $0xF7A;
	s5 =	simm.s32 @!p2 $0x0  }
0x1d: {  	s5 =	simm.s32 @p1 $0x1;
	p0 =	seq.s32 s7, s2  }
0x1e: {  	s7 =	smul.u32 @!p0 $0xF7A, s2;
	p2 =	seq.s32 @!p0 s5, $0x0  }
0x1f: {  	s9 =	smul.u32 $0xF7A, s1;
	s8 =	simm.s32 @!p0 $0x1BF5;
	p2 =	por !p2, p0  }
0x20: {  	[sflag:s8] =	ssyncset.s32 @!p0 $0xFFFFF086;
	s6 =	sadd.s32 @!p0 s3, s7;
	s7 =	simm.s32 @!p0 $0x108  }
0x21: {  	s3 =	sadd.s32 s3, s9;
	s6 =	sadd.s32 @!p0 $0x88, s6;
	s7 =	simm.s32 @p2 $0x1082  }
0x22: {  	[simem:s7], [sflag:s8] =	dma.local @!p0 [hbm:s6], $0xF7A  }
0x23: {  	s9 =	sor.u32 $0xD0000000, s2;
	s6 =	simm.s32 $0x108;
	_ =	swait.ge @!p0 [sflag:s8], $0x0  }
0x24: {  	s3 =	sadd.s32 $0x88, s3;
	s6 =	simm.s32 @!p1 $0x1082;
	[sflag:s4] =	ssyncset.s32 $0xFFFFF086  }
0x25: {  	[simem:s6], [sflag:s4] =	dma.local [hbm:s3], $0xF7A  }
0x26: {  	[smem:$0x3F9B] =	sst s1;
	(tag) =	ssettag s2;
	_ =	strace s9  }
0x27: {  	s1 =	sld [smem:$0x3FAB]  }
0x28: {  	s2 =	sld [smem:$0x3FAC]  }
0x29: {  	s4 =	sld [smem:$0x3FAE]  }
0x2a: {  	p0 =	seq.s32 s5, $0x0;
	s5 =	sld [smem:$0x3FAF]  }
0x2b: {  	s6 =	sld [smem:$0x3FB0]  }
0x2c: {  	s7 =	sld [smem:$0x3FB1]  }
0x2d: {  	s3 =	simm.s32 $0x108;
	s8 =	sld [smem:$0x3FB2]  }
0x2e: {  	s3 =	simm.s32 @!p0 $0x1082;
	s9 =	sld [smem:$0x3FB3]  }
0x2f: {  	lr =	sadd.s32 s0, s3;
	s0 =	sld [smem:$0x3FAA]  }
0x30: {  	s3 =	sld [smem:$0x3FAD]  }
0x31: {  	[smem:$0x3FB6] =	sst s10  }
0x32: {  	s10 =	sld [smem:$0x3FB4];
	_ =	sdelay $0x3  }
0x33: {  	p0 =	seq.s32 s10, $0x1;
	s10 =	sld [smem:$0x3FB6];
	_ =	sdelay $0x3  }
0x34: {  	[smem:$0x3FB6] =	sst s10  }
0x35: {  	s10 =	sld [smem:$0x3FB5];
	_ =	sdelay $0x3  }
0x36: {  	p1 =	seq.s32 s10, $0x1;
	s10 =	sld [smem:$0x3FB6];
	_ =	sdelay $0x3  }
0x37: {  	[smem:$0x3FB6] =	sst s10  }
0x38: {  	s10 =	sld [smem:$0x3FB7]  }
0x39: {  	_ = 	snop;
	(pc) =	sbr.ind lr, $3  }
0x3a: {  	_ = 	snop  }
0x3b: {  	_ = 	snop  }
0x3c: {  	p2 =	seq.s32 s10, $0x1;
	s10 =	sld [smem:$0x3FB6]  }
0x3d: {  	_ =	shalt  }
0x3e: {  	_ =	shalt  }
0x3f: {  	_ =	shalt  }
0x40: {  	_ =	shalt  }
0x41: {  	_ =	shalt  }
0x42: {  	_ =	shalt  }
0x43: {  	_ =	shalt  }
0x44: {  	_ =	shalt  }
0x45: {  	_ =	shalt  }
0x46: {  	_ =	shalt  }
0x47: {  	_ =	shalt  }
0x48: {  	_ =	shalt  }
0x49: {  	_ =	shalt  }
0x4a: {  	_ =	shalt  }
0x4b: {  	_ =	shalt  }
0x4c: {  	_ =	shalt  }
0x4d: {  	_ =	shalt  }
0x4e: {  	_ =	shalt  }
0x4f: {  	_ =	shalt  }
0x50: {  	_ =	shalt  }
0x51: {  	_ =	shalt  }
0x52: {  	_ =	shalt  }
0x53: {  	_ =	shalt  }
0x54: {  	_ =	shalt  }
0x55: {  	_ =	shalt  }
0x56: {  	_ =	shalt  }
0x57: {  	_ =	shalt  }
0x58: {  	_ =	shalt  }
0x59: {  	_ =	shalt  }
0x5a: {  	_ =	shalt  }
0x5b: {  	_ =	shalt  }
0x5c: {  	_ =	shalt  }
0x5d: {  	_ =	shalt  }
0x5e: {  	_ =	shalt  }
0x5f: {  	_ =	shalt  }
0x60: {  	_ =	shalt  }
0x61: {  	_ =	shalt  }
0x62: {  	_ =	shalt  }
0x63: {  	_ =	shalt  }
0x64: {  	_ =	shalt  }
0x65: {  	_ =	shalt  }
0x66: {  	_ =	shalt  }
0x67: {  	_ =	shalt  }
0x68: {  	_ =	shalt  }
0x69: {  	_ =	shalt  }
0x6a: {  	_ =	shalt  }
0x6b: {  	_ =	shalt  }
0x6c: {  	_ =	shalt  }
0x6d: {  	_ =	shalt  }
0x6e: {  	_ =	shalt  }
0x6f: {  	_ =	shalt  }
0x70: {  	_ =	shalt  }
0x71: {  	_ =	shalt  }
0x72: {  	_ =	shalt  }
0x73: {  	_ =	shalt  }
0x74: {  	_ =	shalt  }
0x75: {  	_ =	shalt  }
0x76: {  	_ =	shalt  }
0x77: {  	_ =	shalt  }
0x78: {  	_ =	shalt  }
0x79: {  	_ =	shalt  }
0x7a: {  	_ =	shalt  }
0x7b: {  	_ =	shalt  }
0x7c: {  	_ =	shalt  }
0x7d: {  	_ =	shalt  }
0x7e: {  	_ =	shalt  }
0x7f: {  	_ =	shalt  }
0x80: {  	_ =	shalt  }
0x81: {  	_ =	shalt  }
0x82: {  	_ =	shalt  }
0x83: {  	_ =	shalt  }
0x84: {  	_ =	shalt  }
0x85: {  	_ =	shalt  }
0x86: {  	_ =	shalt  }
0x87: {  	_ =	shalt  }
.Lfunc_end0:
.L_simem_size_0:
called_computation.7_lowered:
.L_overlay_start_0:
0x88: {  	s2 =	sld [smem:$0x3FD9]  }
0x89: {  	s3 =	sld [smem:$0x3FFE];
	_ =	sdelay $0x1  }
0x8a: {  	s1 =	srdreg.scid  }
0x8b: {  	s0 =	sand.u32 $0x1, s1  }
0x8c: {  	s15 =	sshll.u32 s0, $0xA;
	s2 =	sadd.s32 s3, s2  }
0x8d: {  	s2 =	sadd.s32 s2, s15  }
0x8e: {  	[smem:$0x3FC2] =	sst s2  }
0x8f: {  	_ = 	snop  }
0x90: {  	s2 =	sld [smem:$0x3FD0];
	_ =	sdelay $0x2  }
0x91: {  	s16 =	simm.s32 $0xE;
	s4 =	simm.s32 $0x10  }
0x92: {  	[smem:s4], [sflag:s16] =	dma.local [hbm:s2], $0x1  }
0x93: {  	_ =	swait.eq [sflag:s16], $0x1  }
0x94: {  	[sflag:s16] =	ssyncset.done $0x0  }
0x95: {  	[sflag:s16] =	ssyncadd.s32 $0xFFFFFFFF  }
0x96: {  	s17 =	sld [smem:$0x10];
	(tm) =	ssettm $0x1  }
0x97: {  	s18 =	sld [smem:$0x3FFB];
	_ =	sdelay $0x3  }
0x98: {  	_ =	strace s18  }
0x99: {  	s2 =	sld [smem:$0x3FFC];
	_ =	sdelay $0x3  }
0x9a: {  	_ =	strace s2  }
0x9b: {  	s2 =	sld [smem:$0x3FFD];
	_ =	sdelay $0x3  }
0x9c: {  	_ =	strace s2  }
0x9d: {  	_ =	strace $0x8FFFFFFF  }
0x9e: {  	s19 =	sld [smem:$0x3FDB];
	_ =	sdelay $0x1  }
0x9f: {  	s20 =	simm.s32 $_scs_section_size  }
0xa0: {  	s5 =	simm.s32 $_size__tile_overlayer_lowered;
	s6 =	simm.s32 $_tile_overlayer_lowered  }
0xa1: {  	s7 =	simm.s32 $0x1BFF;
	s21 =	sshll.u32 s6, $0x1;
	s4 =	sadd.s32 s20, s19  }
0xa2: {  	s22 =	simm.s32 $0x0;
	s5 =	sshll.u32 s5, $0x1;
	s6 =	sadd.s32 s21, s4  }
0xa3: {  	[timem:s22], [sflag:s7] =	dma.local [hbm:s6], s5  }
0xa4: {  	_ =	swait.ge [sflag:s7], s5  }
0xa5: {  	s5 =	ssub.s32 $0x0, s5;
	[sflag:s7] =	ssyncset.done $0x0  }
0xa6: {  	[sflag:s7] =	ssyncadd.s32 s5;
	_ =	sdelay $0x1  }
0xa7: {  	s23 =	simm.s32 $0x1B8B  }
0xa8: {  	_ =	swait.ge [sflag:s23], $0x1  }
0xa9: {  	[sflag:s23] =	ssyncset.done $0x0  }
0xaa: {  	[sflag:s23] =	ssyncadd.s32 $0xFFFFFFFF  }
0xab: {  	s5 =	sld [smem:$0x0]  }
0xac: {  	s6 =	sand.u32 $0xFFFFFFFE, s1  }
0xad: {  	p0 =	sne.s32 s1, s6  }
0xae: {  	s6 =	sshll.u32 @p0 s6, $0xE  }
0xaf: {  	s6 =	sadd.s32 @p0 $0x11B8D, s6;
	s7 =	sshll.u32 @p0 s5, $0x11  }
0xb0: {  	s6 =	sor.u32 @p0 s7, s6  }
0xb1: {  	[sflag:s6] =	ssyncadd.remote.s32 @p0 $0x1;
	_ =	sdelay $0x1  }
0xb2: {  	s6 =	simm.s32 @p0 $0x1B8D  }
0xb3: {  	_ =	swait.eq @p0 [sflag:s6], $0x1  }
0xb4: {  	[sflag:s6] =	ssyncadd.s32 @p0 $0xFFFFFFFF  }
0xb5: {  	s7 =	sshll.u32 @!p0 s1, $0xE  }
0xb6: {  	s7 =	sor.u32 @!p0 $0x4000, s7;
	s6 =	simm.s32 @!p0 $0x1B8D  }
0xb7: {  	s5 =	sshll.u32 @!p0 s5, $0x11;
	s7 =	sadd.s32 @!p0 $0x11B8D, s7;
	_ =	swait.eq @!p0 [sflag:s6], $0x1  }
0xb8: {  	s5 =	sor.u32 @!p0 s5, s7;
	[sflag:s6] =	ssyncadd.s32 @!p0 $0xFFFFFFFF  }
0xb9: {  	s25 =	simm.s32 $0x1B8E;
	s24 =	sld [smem:$0x3FFE];
	[sflag:s5] =	ssyncadd.remote.s32 @!p0 $0x1  }
0xba: {  	s26 =	simm.s32 $execute0_lowered;
	[smem:$0x3FD2] =	sst s25  }
0xbb: {  	s6 =	sshll.u32 s26, $0x1;
	_ =	strace $0x8000004C;
	[dreg:$0x1] =	wrdreg $0xFFFFFFFF  }
0xbc: {  	s28 =	simm.s32 $_size_execute0_lowered;
	s4 =	sadd.s32 s4, s6;
	[dreg:$0x0] =	wrdreg $0x0  }
0xbd: {  	s6 =	sshll.u32 s28, $0x1;
	[dreg:$0x2] =	wrdreg s4  }
0xbe: {  	[dreg:$0x3] =	wrdreg s6  }
0xbf: {  	[dreg:$0x4] =	wrdreg $0xC0  }
0xc0: {  	_ =	task [dreg:s22], $0x5FFFF  }
0xc1: {  	[dreg:$0x1] =	wrdreg $0xFFFFFFFF  }
0xc2: {  	[dreg:$0x0] =	wrdreg $0x60  }
0xc3: {  	[dreg:$0x2] =	wrdreg s24  }
0xc4: {  	[dreg:$0x3] =	wrdreg s17  }
0xc5: {  	[dreg:$0x4] =	wrdreg $0xD  }
0xc6: {  	_ =	task.clear_ibuf [dreg:s22], $0x5FFFF;
	_ =	strace $0x9000004C  }
0xc7: {  	s29 =	simm.s32 $0xD;
	_ =	strace $0x8000004E  }
0xc8: {  	_ =	swait.ge [sflag:s29], $0x1  }
0xc9: {  	[sflag:s29] =	ssyncadd.s32 $0xFFFFFFFF  }
0xca: {  	_ =	strace $0x9000004E  }
0xcb: {  	_ =	sfence  }
0xcc: {  	s30 =	sld [smem:$0x0];
	_ =	sdelay $0x2  }
0xcd: {  	s31 =	sshll.u32 s1, $0xD;
	s1 =	sshrl.u32 s1, $0x2  }
0xce: {  	s4 =	sand.u32 $0x4000, s31;
	s1 =	sadd.s32 s1, s30  }
0xcf: {  	s0 =	sor.u32 s4, s0;
	s1 =	sshll.u32 s1, $0x11  }
0xd0: {  	s0 =	sor.u32 s1, s0  }
0xd1: {  	s0 =	sadd.s32 $0x8F2B, s0  }
0xd2: {  	[sflag:s0] =	ssyncadd.remote.s32 $0x1  }
0xd3: {  	_ =	sfence.sel $0xFFFF  }
0xd4: {  	[dreg:$0x0] =	wrdreg $0xFFFFFFFF;
	(pc) =	sbr.abs _section_cstart, $3  }
0xd5: {  	[dreg:$0x1] =	wrdreg $0xFFFFFFFF  }
0xd6: {  	_ =	task.clear_ibuf [dreg:s22], $0x2FFFF;
	_ =	strace $0x9FFFFFFF  }
0xd7: {  	(tm) =	ssettm $0x7FFFFFFF  }
tec
execute0_lowered:
.L_overlay_start_1:
0x0: {  	(tag) =	ssettag $0x1  }
0x1: {  	s1 =	srdreg.scid;
	s5 =	rddreg [dreg:$0x0]  }
0x2: {  	s0 =	stileid.u32;
	s7 =	rddreg [dreg:$0x1]  }
0x3: {  	s2 =	simm.s32 $0x0;
	s26 =	simm.s32 $0x1860;
	s28 =	simm.s32 $0x3060  }
0x4: {  	s29 =	simm.s32 $0x4860;
	s30 =	simm.s32 $0x6060;
	s31 =	simm.s32 $0x7860  }
0x5: {  	s9 =	simm.s32 $0xA860;
	s10 =	simm.s32 $0xC060;
	s11 =	simm.s32 $0xD860  }
0x6: {  	s12 =	simm.s32 $0xF060;
	s3 =	sand.u32 $0x1, s1;
	s1 =	rddreg [dreg:$0x2]  }
0x7: {  	s13 =	simm.s32 $0x10860;
	s14 =	simm.s32 $0x12060;
	[smem:$0x7FF] =	sst s2  }
0x8: {  	s15 =	simm.s32 $0x13860;
	_ =	strace $0x8000004D;
	[dreg:$0x5] =	wrdreg s26  }
0x9: {  	s16 =	simm.s32 $0x15060;
	s4 =	smul.u32 $0x600, s0;
	[dreg:$0x6] =	wrdreg s28  }
0xa: {  	s17 =	simm.s32 $0x16860;
	s6 =	smul.u32 $0x300, s3;
	[dreg:$0x7] =	wrdreg s29  }
0xb: {  	s18 =	simm.s32 $0x0;
	s3 =	ssub.s32 $0x2, s3;
	[dreg:$0x8] =	wrdreg s30  }
0xc: {  	[dreg:$0x9] =	wrdreg s31;
	s8 =	sshrl.u32 s3, $0x1;
	s4 =	sadd.s32 s6, s4  }
0xd: {  	s3 =	ssub.s32 s3, s8;
	s6 =	sshrl.u32 s4, $0x3;
	s4 =	smulhi.u32 $0x2AAAAAAB, s4  }
0xe: {  	s8 =	simm.s32 $0x9060;
	s6 =	sadd.s32 s6, s5;
	s5 =	sadd.s32 $0x203E00, s5  }
0xf: {  	s3 =	smax.u32 s3, $0x1;
	s4 =	sshll.u32 s4, $0xA;
	[dreg:$0x3] =	wrdreg s5  }
0x10: {  	s5 =	simm.s32 $0x2;
	s4 =	sadd.s32 s4, s7;
	s7 =	simm.s32 $0x1  }
0x11: {  	[dreg:$0x4] =	wrdreg s4;
	s4 =	sadd.s32 $0x3200, s6;
	s6 =	simm.s32 $0x60  }
.LBB2_1:
0x12: {  	[tilespmem:s2], [sflag:$0x2] =	stream.linear.gather [hbm4b:s4+s2], $0x60, $0x38;
	[tilespmem:$0x18060] =	vst v63  }
0x13: {  	_ =	swait.ge [sflag:s5], $0x60  }
0x14: {  	[sflag:s5] =	ssyncset.done $0x0  }
0x15: {  	s19 =	rddreg [dreg:$0x3];
	[sflag:s5] =	ssyncadd.s32 $0xFFFFFFA0  }
0x16: {  	[tilespmem:s6], [sflag:$0x1] =	stream.indirect.gather [hbm4b:s19+s6], $0x400, s2, s6, $0xb8;
	[tilespmem:$0x18060] =	vst v63  }
0x17: {  	_ =	swait.ge [sflag:s7], $0x18000  }
0x18: {  	s22 =	rddreg [dreg:$0x4];
	[sflag:s7] =	ssyncset.done $0x0  }
0x19: {  	[sflag:s7] =	ssyncadd.s32 $0xFFFE8000;
	s19 =	sadd.s32 $0x0, s22  }
0x1a: {  	[hbm4b:s19+s2] =	stream.linear.scatter [tilespmem:s6], [sflag:$0x2], $0x1800, $0x38;
	[tilespmem:$0x18060] =	vst v63  }
0x1b: {  	_ =	swait.ge [sflag:s5], $0x1800  }
0x1c: {  	[sflag:s5] =	ssyncset.done $0x0  }
0x1d: {  	s21 =	sadd.s32 $0x400, s19;
	s20 =	rddreg [dreg:$0x5];
	[sflag:s5] =	ssyncadd.s32 $0xFFFFE800  }
0x1e: {  	[hbm4b:s21+s2] =	stream.linear.scatter [tilespmem:s20], [sflag:$0x2], $0x1800, $0x38;
	[tilespmem:$0x18060] =	vst v63  }
0x1f: {  	_ =	swait.ge [sflag:s5], $0x1800  }
0x20: {  	[sflag:s5] =	ssyncset.done $0x0  }
0x21: {  	s24 =	sadd.s32 $0x800, s19;
	s23 =	rddreg [dreg:$0x6];
	[sflag:s5] =	ssyncadd.s32 $0xFFFFE800  }
0x22: {  	[hbm4b:s24+s2] =	stream.linear.scatter [tilespmem:s23], [sflag:$0x2], $0x1800, $0x38;
	[tilespmem:$0x18060] =	vst v63  }
0x23: {  	_ =	swait.ge [sflag:s5], $0x1800  }
0x24: {  	[sflag:s5] =	ssyncset.done $0x0  }
0x25: {  	s26 =	sadd.s32 $0xC00, s19;
	s25 =	rddreg [dreg:$0x7];
	[sflag:s5] =	ssyncadd.s32 $0xFFFFE800  }
0x26: {  	[hbm4b:s26+s2] =	stream.linear.scatter [tilespmem:s25], [sflag:$0x2], $0x1800, $0x38;
	[tilespmem:$0x18060] =	vst v63  }
0x27: {  	_ =	swait.ge [sflag:s5], $0x1800  }
0x28: {  	[sflag:s5] =	ssyncset.done $0x0  }
0x29: {  	s29 =	sadd.s32 $0x1000, s19;
	s28 =	rddreg [dreg:$0x8];
	[sflag:s5] =	ssyncadd.s32 $0xFFFFE800  }
0x2a: {  	[hbm4b:s29+s2] =	stream.linear.scatter [tilespmem:s28], [sflag:$0x2], $0x1800, $0x38;
	[tilespmem:$0x18060] =	vst v63  }
0x2b: {  	_ =	swait.ge [sflag:s5], $0x1800  }
0x2c: {  	[sflag:s5] =	ssyncset.done $0x0  }
0x2d: {  	s31 =	sadd.s32 $0x1400, s19;
	s30 =	rddreg [dreg:$0x9];
	[sflag:s5] =	ssyncadd.s32 $0xFFFFE800  }
0x2e: {  	[hbm4b:s31+s2] =	stream.linear.scatter [tilespmem:s30], [sflag:$0x2], $0x1800, $0x38;
	[tilespmem:$0x18060] =	vst v63  }
0x2f: {  	_ =	swait.ge [sflag:s5], $0x1800  }
0x30: {  	[sflag:s5] =	ssyncset.done $0x0  }
0x31: {  	s22 =	sadd.s32 $0x1800, s19;
	[sflag:s5] =	ssyncadd.s32 $0xFFFFE800  }
0x32: {  	[hbm4b:s22+s2] =	stream.linear.scatter [tilespmem:s8], [sflag:$0x2], $0x1800, $0x38;
	[tilespmem:$0x18060] =	vst v63  }
0x33: {  	_ =	swait.ge [sflag:s5], $0x1800  }
0x34: {  	[sflag:s5] =	ssyncset.done $0x0  }
0x35: {  	s23 =	sadd.s32 $0x1C00, s19;
	[sflag:s5] =	ssyncadd.s32 $0xFFFFE800  }
0x36: {  	[hbm4b:s23+s2] =	stream.linear.scatter [tilespmem:s9], [sflag:$0x2], $0x1800, $0x38;
	[tilespmem:$0x18060] =	vst v63  }
0x37: {  	_ =	swait.ge [sflag:s5], $0x1800  }
0x38: {  	[sflag:s5] =	ssyncset.done $0x0  }
0x39: {  	s24 =	sadd.s32 $0x2000, s19;
	[sflag:s5] =	ssyncadd.s32 $0xFFFFE800  }
0x3a: {  	[hbm4b:s24+s2] =	stream.linear.scatter [tilespmem:s10], [sflag:$0x2], $0x1800, $0x38;
	[tilespmem:$0x18060] =	vst v63  }
0x3b: {  	_ =	swait.ge [sflag:s5], $0x1800  }
0x3c: {  	[sflag:s5] =	ssyncset.done $0x0  }
0x3d: {  	s25 =	sadd.s32 $0x2400, s19;
	[sflag:s5] =	ssyncadd.s32 $0xFFFFE800  }
0x3e: {  	[hbm4b:s25+s2] =	stream.linear.scatter [tilespmem:s11], [sflag:$0x2], $0x1800, $0x38;
	[tilespmem:$0x18060] =	vst v63  }
0x3f: {  	_ =	swait.ge [sflag:s5], $0x1800  }
0x40: {  	[sflag:s5] =	ssyncset.done $0x0  }
0x41: {  	s26 =	sadd.s32 $0x2800, s19;
	[sflag:s5] =	ssyncadd.s32 $0xFFFFE800  }
0x42: {  	[hbm4b:s26+s2] =	stream.linear.scatter [tilespmem:s12], [sflag:$0x2], $0x1800, $0x38;
	[tilespmem:$0x18060] =	vst v63  }
0x43: {  	_ =	swait.ge [sflag:s5], $0x1800  }
0x44: {  	[sflag:s5] =	ssyncset.done $0x0  }
0x45: {  	s28 =	sadd.s32 $0x2C00, s19;
	[sflag:s5] =	ssyncadd.s32 $0xFFFFE800  }
0x46: {  	[hbm4b:s28+s2] =	stream.linear.scatter [tilespmem:s13], [sflag:$0x2], $0x1800, $0x38;
	[tilespmem:$0x18060] =	vst v63  }
0x47: {  	_ =	swait.ge [sflag:s5], $0x1800  }
0x48: {  	[sflag:s5] =	ssyncset.done $0x0  }
0x49: {  	s29 =	sadd.s32 $0x3000, s19;
	[sflag:s5] =	ssyncadd.s32 $0xFFFFE800  }
0x4a: {  	[hbm4b:s29+s2] =	stream.linear.scatter [tilespmem:s14], [sflag:$0x2], $0x1800, $0x38;
	[tilespmem:$0x18060] =	vst v63  }
0x4b: {  	_ =	swait.ge [sflag:s5], $0x1800  }
0x4c: {  	[sflag:s5] =	ssyncset.done $0x0  }
0x4d: {  	s30 =	sadd.s32 $0x3400, s19;
	[sflag:s5] =	ssyncadd.s32 $0xFFFFE800  }
0x4e: {  	[hbm4b:s30+s2] =	stream.linear.scatter [tilespmem:s15], [sflag:$0x2], $0x1800, $0x38;
	[tilespmem:$0x18060] =	vst v63  }
0x4f: {  	_ =	swait.ge [sflag:s5], $0x1800  }
0x50: {  	[sflag:s5] =	ssyncset.done $0x0  }
0x51: {  	s31 =	sadd.s32 $0x3800, s19;
	[sflag:s5] =	ssyncadd.s32 $0xFFFFE800  }
0x52: {  	[hbm4b:s31+s2] =	stream.linear.scatter [tilespmem:s16], [sflag:$0x2], $0x1800, $0x38;
	[tilespmem:$0x18060] =	vst v63  }
0x53: {  	_ =	swait.ge [sflag:s5], $0x1800  }
0x54: {  	[sflag:s5] =	ssyncset.done $0x0  }
0x55: {  	s19 =	sadd.s32 $0x3C00, s19;
	[sflag:s5] =	ssyncadd.s32 $0xFFFFE800  }
0x56: {  	[hbm4b:s19+s2] =	stream.linear.scatter [tilespmem:s17], [sflag:$0x2], $0x1800, $0x38;
	[tilespmem:$0x18060] =	vst v63  }
0x57: {  	_ =	swait.ge [sflag:s5], $0x1800  }
0x58: {  	s20 =	smov.u32 s4;
	s19 =	simm.s32 $0x4000;
	[sflag:s5] =	ssyncset.done $0x0  }
.LBB2_2:
0x59: {  	[sflag:s5] =	ssyncadd.s32 $0xFFFFE800;
	s20 =	sadd.s32 $0xC, s20  }
0x5a: {  	[tilespmem:s2], [sflag:$0x2] =	stream.linear.gather [hbm4b:s20+s2], $0x60, $0x38;
	[tilespmem:$0x18060] =	vst v63  }
0x5b: {  	_ =	swait.ge [sflag:s5], $0x60  }
0x5c: {  	[sflag:s5] =	ssyncset.done $0x0  }
0x5d: {  	s22 =	rddreg [dreg:$0x3];
	[sflag:s5] =	ssyncadd.s32 $0xFFFFFFA0  }
0x5e: {  	[tilespmem:s6], [sflag:$0x1] =	stream.indirect.gather [hbm4b:s22+s6], $0x400, s2, s6, $0xb8;
	[tilespmem:$0x18060] =	vst v63  }
0x5f: {  	_ =	swait.ge [sflag:s7], $0x18000  }
0x60: {  	s21 =	smov.u32 s19;
	s28 =	rddreg [dreg:$0x4];
	[sflag:s7] =	ssyncset.done $0x0  }
0x61: {  	[sflag:s7] =	ssyncadd.s32 $0xFFFE8000;
	s21 =	sadd.s32 s21, s28  }
0x62: {  	[hbm4b:s21+s2] =	stream.linear.scatter [tilespmem:s6], [sflag:$0x2], $0x1800, $0x38;
	[tilespmem:$0x18060] =	vst v63  }
0x63: {  	_ =	swait.ge [sflag:s5], $0x1800  }
0x64: {  	[sflag:s5] =	ssyncset.done $0x0  }
0x65: {  	s23 =	sadd.s32 $0x400, s21;
	s29 =	rddreg [dreg:$0x5];
	[sflag:s5] =	ssyncadd.s32 $0xFFFFE800  }
0x66: {  	[hbm4b:s23+s2] =	stream.linear.scatter [tilespmem:s29], [sflag:$0x2], $0x1800, $0x38;
	[tilespmem:$0x18060] =	vst v63  }
0x67: {  	_ =	swait.ge [sflag:s5], $0x1800  }
0x68: {  	[sflag:s5] =	ssyncset.done $0x0  }
0x69: {  	s31 =	sadd.s32 $0x800, s21;
	s30 =	rddreg [dreg:$0x6];
	[sflag:s5] =	ssyncadd.s32 $0xFFFFE800  }
0x6a: {  	[hbm4b:s31+s2] =	stream.linear.scatter [tilespmem:s30], [sflag:$0x2], $0x1800, $0x38;
	[tilespmem:$0x18060] =	vst v63  }
0x6b: {  	_ =	swait.ge [sflag:s5], $0x1800  }
0x6c: {  	[sflag:s5] =	ssyncset.done $0x0  }
0x6d: {  	s25 =	sadd.s32 $0xC00, s21;
	s24 =	rddreg [dreg:$0x7];
	[sflag:s5] =	ssyncadd.s32 $0xFFFFE800  }
0x6e: {  	[hbm4b:s25+s2] =	stream.linear.scatter [tilespmem:s24], [sflag:$0x2], $0x1800, $0x38;
	[tilespmem:$0x18060] =	vst v63  }
0x6f: {  	_ =	swait.ge [sflag:s5], $0x1800  }
0x70: {  	[sflag:s5] =	ssyncset.done $0x0  }
0x71: {  	s28 =	sadd.s32 $0x1000, s21;
	s26 =	rddreg [dreg:$0x8];
	[sflag:s5] =	ssyncadd.s32 $0xFFFFE800  }
0x72: {  	[hbm4b:s28+s2] =	stream.linear.scatter [tilespmem:s26], [sflag:$0x2], $0x1800, $0x38;
	[tilespmem:$0x18060] =	vst v63  }
0x73: {  	_ =	swait.ge [sflag:s5], $0x1800  }
0x74: {  	[sflag:s5] =	ssyncset.done $0x0  }
0x75: {  	s30 =	sadd.s32 $0x1400, s21;
	s29 =	rddreg [dreg:$0x9];
	[sflag:s5] =	ssyncadd.s32 $0xFFFFE800  }
0x76: {  	[hbm4b:s30+s2] =	stream.linear.scatter [tilespmem:s29], [sflag:$0x2], $0x1800, $0x38;
	[tilespmem:$0x18060] =	vst v63  }
0x77: {  	_ =	swait.ge [sflag:s5], $0x1800  }
0x78: {  	[sflag:s5] =	ssyncset.done $0x0  }
0x79: {  	s31 =	sadd.s32 $0x1800, s21;
	[sflag:s5] =	ssyncadd.s32 $0xFFFFE800  }
0x7a: {  	[hbm4b:s31+s2] =	stream.linear.scatter [tilespmem:s8], [sflag:$0x2], $0x1800, $0x38;
	[tilespmem:$0x18060] =	vst v63  }
0x7b: {  	_ =	swait.ge [sflag:s5], $0x1800  }
0x7c: {  	[sflag:s5] =	ssyncset.done $0x0  }
0x7d: {  	s23 =	sadd.s32 $0x1C00, s21;
	[sflag:s5] =	ssyncadd.s32 $0xFFFFE800  }
0x7e: {  	[hbm4b:s23+s2] =	stream.linear.scatter [tilespmem:s9], [sflag:$0x2], $0x1800, $0x38;
	[tilespmem:$0x18060] =	vst v63  }
0x7f: {  	_ =	swait.ge [sflag:s5], $0x1800  }
0x80: {  	[sflag:s5] =	ssyncset.done $0x0  }
0x81: {  	s24 =	sadd.s32 $0x2000, s21;
	[sflag:s5] =	ssyncadd.s32 $0xFFFFE800  }
0x82: {  	[hbm4b:s24+s2] =	stream.linear.scatter [tilespmem:s10], [sflag:$0x2], $0x1800, $0x38;
	[tilespmem:$0x18060] =	vst v63  }
0x83: {  	_ =	swait.ge [sflag:s5], $0x1800  }
0x84: {  	[sflag:s5] =	ssyncset.done $0x0  }
0x85: {  	s25 =	sadd.s32 $0x2400, s21;
	[sflag:s5] =	ssyncadd.s32 $0xFFFFE800  }
0x86: {  	[hbm4b:s25+s2] =	stream.linear.scatter [tilespmem:s11], [sflag:$0x2], $0x1800, $0x38;
	[tilespmem:$0x18060] =	vst v63  }
0x87: {  	_ =	swait.ge [sflag:s5], $0x1800  }
0x88: {  	[sflag:s5] =	ssyncset.done $0x0  }
0x89: {  	s26 =	sadd.s32 $0x2800, s21;
	[sflag:s5] =	ssyncadd.s32 $0xFFFFE800  }
0x8a: {  	[hbm4b:s26+s2] =	stream.linear.scatter [tilespmem:s12], [sflag:$0x2], $0x1800, $0x38;
	[tilespmem:$0x18060] =	vst v63  }
0x8b: {  	_ =	swait.ge [sflag:s5], $0x1800  }
0x8c: {  	[sflag:s5] =	ssyncset.done $0x0  }
0x8d: {  	s28 =	sadd.s32 $0x2C00, s21;
	[sflag:s5] =	ssyncadd.s32 $0xFFFFE800  }
0x8e: {  	[hbm4b:s28+s2] =	stream.linear.scatter [tilespmem:s13], [sflag:$0x2], $0x1800, $0x38;
	[tilespmem:$0x18060] =	vst v63  }
0x8f: {  	_ =	swait.ge [sflag:s5], $0x1800  }
0x90: {  	[sflag:s5] =	ssyncset.done $0x0  }
0x91: {  	s29 =	sadd.s32 $0x3000, s21;
	[sflag:s5] =	ssyncadd.s32 $0xFFFFE800  }
0x92: {  	[hbm4b:s29+s2] =	stream.linear.scatter [tilespmem:s14], [sflag:$0x2], $0x1800, $0x38;
	[tilespmem:$0x18060] =	vst v63  }
0x93: {  	_ =	swait.ge [sflag:s5], $0x1800  }
0x94: {  	[sflag:s5] =	ssyncset.done $0x0  }
0x95: {  	s30 =	sadd.s32 $0x3400, s21;
	[sflag:s5] =	ssyncadd.s32 $0xFFFFE800  }
0x96: {  	[hbm4b:s30+s2] =	stream.linear.scatter [tilespmem:s15], [sflag:$0x2], $0x1800, $0x38;
	[tilespmem:$0x18060] =	vst v63  }
0x97: {  	_ =	swait.ge [sflag:s5], $0x1800  }
0x98: {  	[sflag:s5] =	ssyncset.done $0x0  }
0x99: {  	s31 =	sadd.s32 $0x3800, s21;
	[sflag:s5] =	ssyncadd.s32 $0xFFFFE800  }
0x9a: {  	[hbm4b:s31+s2] =	stream.linear.scatter [tilespmem:s16], [sflag:$0x2], $0x1800, $0x38;
	[tilespmem:$0x18060] =	vst v63  }
0x9b: {  	p0 =	sne.s32 s19, $0x1C000;
	_ =	swait.ge [sflag:s5], $0x1800  }
.Ltmp0:
0x9c: {  	[sflag:s5] =	ssyncset.done $0x0;
	(pc) =	sbr.rel @p0 .LBB2_2-.Ltmp0, $4  }
0x9d: {  	s21 =	sadd.s32 $0x3C00, s21;
	[sflag:s5] =	ssyncadd.s32 $0xFFFFE800  }
0x9e: {  	[hbm4b:s21+s2] =	stream.linear.scatter [tilespmem:s17], [sflag:$0x2], $0x1800, $0x38;
	[tilespmem:$0x18060] =	vst v63  }
0x9f: {  	_ =	swait.ge [sflag:s5], $0x1800  }
0xa0: {  	s19 =	sadd.s32 $0x4000, s19;
	[sflag:s5] =	ssyncset.done $0x0  }
0xa1: {  	s18 =	sadd.s32 $0x1, s18  }
0xa2: {  	p0 =	sne.s32 s18, s3  }
.Ltmp1:
0xa3: {  	_ = 	snop;
	(pc) =	sbr.rel @p0 .LBB2_1-.Ltmp1, $2  }
0xa4: {  	_ =	sdelay $0x2  }
0xa5: {  	[sflag:s5] =	ssyncadd.s32 $0xFFFFE800  }
0xa6: {  	_ =	sfence.sel $0x180000  }
0xa7: {  	[bflag:$0x0] =	sbarrier.arrive $0xFFFF  }
0xa8: {  	p0 =	sne.s32 s0, $0x0;
	_ =	strace $0x9000004D  }
0xa9: {  	s0 =	sadd.s32 @!p0 $0x100000, s1;
	[bflag:$0x2] =	sbarrier.arrive $0xFFFF  }
0xaa: {  	[sflag:s0] =	ssyncadd.tile.s32 @!p0 $0x1;
	_ =	shalt  }
.Lfunc_end2:
_tile_overlayer_lowered:
.L_overlay_start_2:
0xab: {  	(tag) =	ssettag $0x2  }
0xac: {  	s0 =	rddreg [dreg:$0x0];
	s2 =	stileid.u32  }
0xad: {  	s1 =	rddreg [dreg:$0x1];
	p0 =	sne.s32 s2, $0x0  }
0xae: {  	s3 =	rddreg [dreg:$0x2];
	[bflag:$0x3] =	sbarrier.arrive $0xFFFF;
	s2 =	simm.s32 @!p0 $0x1C02  }
0xaf: {  	[timem:s3], [sflag:s2] =	dma.local @!p0 [hbm:s0], s1  }
0xb0: {  	s0 =	simm.s32 @!p0 $0x2  }
0xb1: {  	_ =	swait.ge @!p0 [sflag:s0], s1  }
0xb2: {  	s1 =	ssub.s32 @!p0 $0x0, s1;
	[sflag:s0] =	ssyncset.done @!p0 $0x0  }
0xb3: {  	[sflag:s0] =	ssyncadd.s32 @!p0 s1  }
0xb4: {  	[bflag:$0x3] =	sbarrier.arrive $0xFFFF  }
0xb5: {  	_ =	shalt  }

// kernel: kernel.19.cloned.1.call-start
scs
__scs_entry_jumppad:
0x0: {  	(pc) =	sbr.rel $0x88, $3  }
0x1: {  	(tag) =	ssettag $0x0;
	lr =	simm.s32 $0x1  }
0x2: {  	[smem:$0x3F9B] =	sst lr;
	_ =	strace $0xD0000000  }
0x3: {  	_ = 	snop  }
0x4: {  	_ = 	snop  }
0x5: {  	_ = 	snop  }
0x6: {  	_ = 	snop  }
0x7: {  	_ = 	snop  }
__scs_overlays_trampoline_lowered:
0x8: {  	[smem:$0x3FAA] =	sst s0  }
0x9: {  	[smem:$0x3FAB] =	sst s1  }
0xa: {  	[smem:$0x3FAC] =	sst s2  }
0xb: {  	[smem:$0x3FAD] =	sst s3  }
0xc: {  	[smem:$0x3FAE] =	sst s4  }
0xd: {  	[smem:$0x3FAF] =	sst s5  }
0xe: {  	[smem:$0x3FB0] =	sst s6  }
0xf: {  	[smem:$0x3FB1] =	sst s7  }
0x10: {  	[smem:$0x3FB2] =	sst s8  }
0x11: {  	[smem:$0x3FB3] =	sst s9;
	s0 =	simm.s32 @!p0 $0x0  }
0x12: {  	s1 =	sld [smem:$0x3F99];
	s0 =	simm.s32 @p0 $0x1  }
0x13: {  	[smem:$0x3FB4] =	sst s0;
	s0 =	simm.s32 @!p1 $0x0  }
0x14: {  	s2 =	sld [smem:$0x3F98];
	s0 =	simm.s32 @p1 $0x1  }
0x15: {  	[smem:$0x3FB5] =	sst s0;
	s0 =	simm.s32 @!p2 $0x0  }
0x16: {  	s3 =	sld [smem:$0x3FDB];
	s0 =	simm.s32 @p2 $0x1  }
0x17: {  	s4 =	simm.s32 $0x1BF5;
	[smem:$0x3FB7] =	sst s0  }
0x18: {  	s0 =	sld [smem:$0x3F9A];
	_ =	swait.ge [sflag:s4], $0x0  }
0x19: {  	s7 =	sld [smem:$0x3F9B]  }
0x1a: {  	s8 =	sadd.s32 $0xFFFFE003, lr  }
0x1b: {  	s9 =	sadd.s32 $0xFFFFFEF7, lr;
	s5 =	simm.s32 $0xFFFFFFFF;
	p2 =	slt.u32 s8, $0xFFFFF086  }
0x1c: {  	p1 =	slt.u32 s9, $0xF7A;
	s5 =	simm.s32 @!p2 $0x0  }
0x1d: {  	s5 =	simm.s32 @p1 $0x1;
	p0 =	seq.s32 s7, s2  }
0x1e: {  	s7 =	smul.u32 @!p0 $0xF7A, s2;
	p2 =	seq.s32 @!p0 s5, $0x0  }
0x1f: {  	s9 =	smul.u32 $0xF7A, s1;
	s8 =	simm.s32 @!p0 $0x1BF5;
	p2 =	por !p2, p0  }
0x20: {  	[sflag:s8] =	ssyncset.s32 @!p0 $0xFFFFF086;
	s6 =	sadd.s32 @!p0 s3, s7;
	s7 =	simm.s32 @!p0 $0x108  }
0x21: {  	s3 =	sadd.s32 s3, s9;
	s6 =	sadd.s32 @!p0 $0x88, s6;
	s7 =	simm.s32 @p2 $0x1082  }
0x22: {  	[simem:s7], [sflag:s8] =	dma.local @!p0 [hbm:s6], $0xF7A  }
0x23: {  	s9 =	sor.u32 $0xD0000000, s2;
	s6 =	simm.s32 $0x108;
	_ =	swait.ge @!p0 [sflag:s8], $0x0  }
0x24: {  	s3 =	sadd.s32 $0x88, s3;
	s6 =	simm.s32 @!p1 $0x1082;
	[sflag:s4] =	ssyncset.s32 $0xFFFFF086  }
0x25: {  	[simem:s6], [sflag:s4] =	dma.local [hbm:s3], $0xF7A  }
0x26: {  	[smem:$0x3F9B] =	sst s1;
	(tag) =	ssettag s2;
	_ =	strace s9  }
0x27: {  	s1 =	sld [smem:$0x3FAB]  }
0x28: {  	s2 =	sld [smem:$0x3FAC]  }
0x29: {  	s4 =	sld [smem:$0x3FAE]  }
0x2a: {  	p0 =	seq.s32 s5, $0x0;
	s5 =	sld [smem:$0x3FAF]  }
0x2b: {  	s6 =	sld [smem:$0x3FB0]  }
0x2c: {  	s7 =	sld [smem:$0x3FB1]  }
0x2d: {  	s3 =	simm.s32 $0x108;
	s8 =	sld [smem:$0x3FB2]  }
0x2e: {  	s3 =	simm.s32 @!p0 $0x1082;
	s9 =	sld [smem:$0x3FB3]  }
0x2f: {  	lr =	sadd.s32 s0, s3;
	s0 =	sld [smem:$0x3FAA]  }
0x30: {  	s3 =	sld [smem:$0x3FAD]  }
0x31: {  	[smem:$0x3FB6] =	sst s10  }
0x32: {  	s10 =	sld [smem:$0x3FB4];
	_ =	sdelay $0x3  }
0x33: {  	p0 =	seq.s32 s10, $0x1;
	s10 =	sld [smem:$0x3FB6];
	_ =	sdelay $0x3  }
0x34: {  	[smem:$0x3FB6] =	sst s10  }
0x35: {  	s10 =	sld [smem:$0x3FB5];
	_ =	sdelay $0x3  }
0x36: {  	p1 =	seq.s32 s10, $0x1;
	s10 =	sld [smem:$0x3FB6];
	_ =	sdelay $0x3  }
0x37: {  	[smem:$0x3FB6] =	sst s10  }
0x38: {  	s10 =	sld [smem:$0x3FB7]  }
0x39: {  	_ = 	snop;
	(pc) =	sbr.ind lr, $3  }
0x3a: {  	_ = 	snop  }
0x3b: {  	_ = 	snop  }
0x3c: {  	p2 =	seq.s32 s10, $0x1;
	s10 =	sld [smem:$0x3FB6]  }
0x3d: {  	_ =	shalt  }
0x3e: {  	_ =	shalt  }
0x3f: {  	_ =	shalt  }
0x40: {  	_ =	shalt  }
0x41: {  	_ =	shalt  }
0x42: {  	_ =	shalt  }
0x43: {  	_ =	shalt  }
0x44: {  	_ =	shalt  }
0x45: {  	_ =	shalt  }
0x46: {  	_ =	shalt  }
0x47: {  	_ =	shalt  }
0x48: {  	_ =	shalt  }
0x49: {  	_ =	shalt  }
0x4a: {  	_ =	shalt  }
0x4b: {  	_ =	shalt  }
0x4c: {  	_ =	shalt  }
0x4d: {  	_ =	shalt  }
0x4e: {  	_ =	shalt  }
0x4f: {  	_ =	shalt  }
0x50: {  	_ =	shalt  }
0x51: {  	_ =	shalt  }
0x52: {  	_ =	shalt  }
0x53: {  	_ =	shalt  }
0x54: {  	_ =	shalt  }
0x55: {  	_ =	shalt  }
0x56: {  	_ =	shalt  }
0x57: {  	_ =	shalt  }
0x58: {  	_ =	shalt  }
0x59: {  	_ =	shalt  }
0x5a: {  	_ =	shalt  }
0x5b: {  	_ =	shalt  }
0x5c: {  	_ =	shalt  }
0x5d: {  	_ =	shalt  }
0x5e: {  	_ =	shalt  }
0x5f: {  	_ =	shalt  }
0x60: {  	_ =	shalt  }
0x61: {  	_ =	shalt  }
0x62: {  	_ =	shalt  }
0x63: {  	_ =	shalt  }
0x64: {  	_ =	shalt  }
0x65: {  	_ =	shalt  }
0x66: {  	_ =	shalt  }
0x67: {  	_ =	shalt  }
0x68: {  	_ =	shalt  }
0x69: {  	_ =	shalt  }
0x6a: {  	_ =	shalt  }
0x6b: {  	_ =	shalt  }
0x6c: {  	_ =	shalt  }
0x6d: {  	_ =	shalt  }
0x6e: {  	_ =	shalt  }
0x6f: {  	_ =	shalt  }
0x70: {  	_ =	shalt  }
0x71: {  	_ =	shalt  }
0x72: {  	_ =	shalt  }
0x73: {  	_ =	shalt  }
0x74: {  	_ =	shalt  }
0x75: {  	_ =	shalt  }
0x76: {  	_ =	shalt  }
0x77: {  	_ =	shalt  }
0x78: {  	_ =	shalt  }
0x79: {  	_ =	shalt  }
0x7a: {  	_ =	shalt  }
0x7b: {  	_ =	shalt  }
0x7c: {  	_ =	shalt  }
0x7d: {  	_ =	shalt  }
0x7e: {  	_ =	shalt  }
0x7f: {  	_ =	shalt  }
0x80: {  	_ =	shalt  }
0x81: {  	_ =	shalt  }
0x82: {  	_ =	shalt  }
0x83: {  	_ =	shalt  }
0x84: {  	_ =	shalt  }
0x85: {  	_ =	shalt  }
0x86: {  	_ =	shalt  }
0x87: {  	_ =	shalt  }
.Lfunc_end0:
.L_simem_size_0:
called_computation.8_lowered:
.L_overlay_start_0:
0x88: {  	s2 =	sld [smem:$0x3FD9]  }
0x89: {  	s3 =	sld [smem:$0x3FFE];
	_ =	sdelay $0x1  }
0x8a: {  	s1 =	srdreg.scid  }
0x8b: {  	s0 =	sand.u32 $0x1, s1  }
0x8c: {  	s15 =	sshll.u32 s0, $0xA;
	s2 =	sadd.s32 s3, s2  }
0x8d: {  	s2 =	sadd.s32 s2, s15  }
0x8e: {  	[smem:$0x3FC2] =	sst s2  }
0x8f: {  	_ = 	snop  }
0x90: {  	s2 =	sld [smem:$0x3FD0];
	_ =	sdelay $0x2  }
0x91: {  	s16 =	simm.s32 $0xE;
	s4 =	simm.s32 $0x10  }
0x92: {  	[smem:s4], [sflag:s16] =	dma.local [hbm:s2], $0x1  }
0x93: {  	_ =	swait.eq [sflag:s16], $0x1  }
0x94: {  	[sflag:s16] =	ssyncset.done $0x0  }
0x95: {  	[sflag:s16] =	ssyncadd.s32 $0xFFFFFFFF  }
0x96: {  	s17 =	sld [smem:$0x14];
	(tm) =	ssettm $0x1  }
0x97: {  	s18 =	sld [smem:$0x3FFB];
	_ =	sdelay $0x3  }
0x98: {  	_ =	strace s18  }
0x99: {  	s2 =	sld [smem:$0x3FFC];
	_ =	sdelay $0x3  }
0x9a: {  	_ =	strace s2  }
0x9b: {  	s2 =	sld [smem:$0x3FFD];
	_ =	sdelay $0x3  }
0x9c: {  	_ =	strace s2  }
0x9d: {  	_ =	strace $0x8FFFFFFF  }
0x9e: {  	s19 =	sld [smem:$0x3FDB];
	_ =	sdelay $0x1  }
0x9f: {  	s20 =	simm.s32 $_scs_section_size  }
0xa0: {  	s5 =	simm.s32 $_size__tile_overlayer_lowered;
	s6 =	simm.s32 $_tile_overlayer_lowered  }
0xa1: {  	s7 =	simm.s32 $0x1BFF;
	s21 =	sshll.u32 s6, $0x1;
	s4 =	sadd.s32 s20, s19  }
0xa2: {  	s22 =	simm.s32 $0x0;
	s5 =	sshll.u32 s5, $0x1;
	s6 =	sadd.s32 s21, s4  }
0xa3: {  	[timem:s22], [sflag:s7] =	dma.local [hbm:s6], s5  }
0xa4: {  	_ =	swait.ge [sflag:s7], s5  }
0xa5: {  	s5 =	ssub.s32 $0x0, s5;
	[sflag:s7] =	ssyncset.done $0x0  }
0xa6: {  	[sflag:s7] =	ssyncadd.s32 s5;
	_ =	sdelay $0x1  }
0xa7: {  	s23 =	simm.s32 $0x1B8B  }
0xa8: {  	_ =	swait.ge [sflag:s23], $0x1  }
0xa9: {  	[sflag:s23] =	ssyncset.done $0x0  }
0xaa: {  	[sflag:s23] =	ssyncadd.s32 $0xFFFFFFFF  }
0xab: {  	s5 =	sld [smem:$0x0]  }
0xac: {  	s6 =	sand.u32 $0xFFFFFFFE, s1  }
0xad: {  	p0 =	sne.s32 s1, s6  }
0xae: {  	s6 =	sshll.u32 @p0 s6, $0xE  }
0xaf: {  	s6 =	sadd.s32 @p0 $0x11B8D, s6;
	s7 =	sshll.u32 @p0 s5, $0x11  }
0xb0: {  	s6 =	sor.u32 @p0 s7, s6  }
0xb1: {  	[sflag:s6] =	ssyncadd.remote.s32 @p0 $0x1;
	_ =	sdelay $0x1  }
0xb2: {  	s6 =	simm.s32 @p0 $0x1B8D  }
0xb3: {  	_ =	swait.eq @p0 [sflag:s6], $0x1  }
0xb4: {  	[sflag:s6] =	ssyncadd.s32 @p0 $0xFFFFFFFF  }
0xb5: {  	s7 =	sshll.u32 @!p0 s1, $0xE  }
0xb6: {  	s7 =	sor.u32 @!p0 $0x4000, s7;
	s6 =	simm.s32 @!p0 $0x1B8D  }
0xb7: {  	s5 =	sshll.u32 @!p0 s5, $0x11;
	s7 =	sadd.s32 @!p0 $0x11B8D, s7;
	_ =	swait.eq @!p0 [sflag:s6], $0x1  }
0xb8: {  	s5 =	sor.u32 @!p0 s5, s7;
	[sflag:s6] =	ssyncadd.s32 @!p0 $0xFFFFFFFF  }
0xb9: {  	s25 =	simm.s32 $0x1B8E;
	s24 =	sld [smem:$0x3FFE];
	[sflag:s5] =	ssyncadd.remote.s32 @!p0 $0x1  }
0xba: {  	s26 =	simm.s32 $execute0_lowered;
	[smem:$0x3FD2] =	sst s25  }
0xbb: {  	s6 =	sshll.u32 s26, $0x1;
	_ =	strace $0x80000052;
	[dreg:$0x1] =	wrdreg $0xFFFFFFFF  }
0xbc: {  	s28 =	simm.s32 $_size_execute0_lowered;
	s4 =	sadd.s32 s4, s6;
	[dreg:$0x0] =	wrdreg $0x0  }
0xbd: {  	s6 =	sshll.u32 s28, $0x1;
	[dreg:$0x2] =	wrdreg s4  }
0xbe: {  	[dreg:$0x3] =	wrdreg s6  }
0xbf: {  	[dreg:$0x4] =	wrdreg $0xC0  }
0xc0: {  	_ =	task [dreg:s22], $0x5FFFF  }
0xc1: {  	[dreg:$0x1] =	wrdreg $0xFFFFFFFF  }
0xc2: {  	[dreg:$0x0] =	wrdreg $0x60  }
0xc3: {  	[dreg:$0x2] =	wrdreg s24  }
0xc4: {  	[dreg:$0x3] =	wrdreg s17  }
0xc5: {  	[dreg:$0x4] =	wrdreg $0x9  }
0xc6: {  	_ =	task.clear_ibuf [dreg:s22], $0x5FFFF;
	_ =	strace $0x90000052  }
0xc7: {  	s29 =	simm.s32 $0x9;
	_ =	strace $0x80000054  }
0xc8: {  	_ =	swait.ge [sflag:s29], $0x1  }
0xc9: {  	[sflag:s29] =	ssyncadd.s32 $0xFFFFFFFF  }
0xca: {  	_ =	strace $0x90000054  }
0xcb: {  	_ =	sfence  }
0xcc: {  	s30 =	sld [smem:$0x0];
	_ =	sdelay $0x2  }
0xcd: {  	s31 =	sshll.u32 s1, $0xD;
	s1 =	sshrl.u32 s1, $0x2  }
0xce: {  	s4 =	sand.u32 $0x4000, s31;
	s1 =	sadd.s32 s1, s30  }
0xcf: {  	s0 =	sor.u32 s4, s0;
	s1 =	sshll.u32 s1, $0x11  }
0xd0: {  	s0 =	sor.u32 s1, s0  }
0xd1: {  	s0 =	sadd.s32 $0x8F2B, s0  }
0xd2: {  	[sflag:s0] =	ssyncadd.remote.s32 $0x1  }
0xd3: {  	_ =	sfence.sel $0xFFFF  }
0xd4: {  	[dreg:$0x0] =	wrdreg $0xFFFFFFFF;
	(pc) =	sbr.abs _section_cstart, $3  }
0xd5: {  	[dreg:$0x1] =	wrdreg $0xFFFFFFFF  }
0xd6: {  	_ =	task.clear_ibuf [dreg:s22], $0x2FFFF;
	_ =	strace $0x9FFFFFFF  }
0xd7: {  	(tm) =	ssettm $0x7FFFFFFF  }
tec
execute0_lowered:
.L_overlay_start_1:
0x0: {  	(tag) =	ssettag $0x1  }
0x1: {  	s1 =	srdreg.scid;
	s0 =	stileid.u32  }
0x2: {  	s18 =	sand.u32 $0x1, s1;
	s30 =	sshll.u32 s0, $0x1  }
0x3: {  	s5 =	rddreg [dreg:$0x0];
	s8 =	sor.u32 s18, s30  }
0x4: {  	s12 =	rddreg [dreg:$0x1];
	s11 =	smul.u32 $0x300, s8  }
0x5: {  	s2 =	simm.s32 $0x0;
	s1 =	rddreg [dreg:$0x2]  }
0x6: {  	[smem:$0x7FF] =	sst s2;
	s13 =	sadd.s32 $0x3200, s5;
	s3 =	sshrl.u32 s11, $0x3  }
0x7: {  	_ =	strace $0x80000053;
	s4 =	sadd.s32 s13, s3;
	s3 =	simm.s32 $0x2  }
0x8: {  	[tilespmem:s2], [sflag:$0x2] =	stream.linear.gather [hbm4b:s4+s2], $0x80, $0x38;
	[tilespmem:$0xC80] =	vst v63  }
0x9: {  	_ =	swait.ge [sflag:s3], $0x80  }
0xa: {  	s6 =	simm.s32 $0x80;
	[sflag:s3] =	ssyncset.done $0x0  }
0xb: {  	s7 =	simm.s32 $0x1;
	s5 =	sadd.s32 $0xAC3E00, s5;
	[sflag:s3] =	ssyncadd.s32 $0xFFFFFF80  }
0xc: {  	[tilespmem:s6], [sflag:$0x1] =	stream.indirect.gather [hbm4b:s5+s6], $0x18, s2, s6, $0xb8;
	[tilespmem:$0xC80] =	vst v63  }
0xd: {  	s8 =	smul.u32 $0x900, s8;
	_ =	swait.ge [sflag:s7], $0xC00  }
0xe: {  	[sflag:s7] =	ssyncset.done $0x0  }
0xf: {  	s8 =	sadd.s32 s12, s8;
	[sflag:s7] =	ssyncadd.s32 $0xFFFFF400  }
0x10: {  	[hbm4b:s8+s2] =	stream.linear.scatter [tilespmem:s6], [sflag:$0x2], $0xC00, $0x38;
	[tilespmem:$0xC80] =	vst v63  }
0x11: {  	s10 =	sor.u32 $0x80, s11;
	_ =	swait.ge [sflag:s3], $0xC00  }
0x12: {  	s9 =	sshrl.u32 s10, $0x3;
	[sflag:s3] =	ssyncset.done $0x0  }
0x13: {  	s9 =	sadd.s32 s13, s9;
	[sflag:s3] =	ssyncadd.s32 $0xFFFFF400  }
0x14: {  	[tilespmem:s2], [sflag:$0x2] =	stream.linear.gather [hbm4b:s9+s2], $0x80, $0x38;
	[tilespmem:$0xC80] =	vst v63  }
0x15: {  	_ =	swait.ge [sflag:s3], $0x80  }
0x16: {  	[sflag:s3] =	ssyncset.done $0x0  }
0x17: {  	[sflag:s3] =	ssyncadd.s32 $0xFFFFFF80  }
0x18: {  	[tilespmem:s6], [sflag:$0x1] =	stream.indirect.gather [hbm4b:s5+s6], $0x18, s2, s6, $0xb8;
	[tilespmem:$0xC80] =	vst v63  }
0x19: {  	s10 =	smul.u32 $0x3, s10;
	_ =	swait.ge [sflag:s7], $0xC00  }
0x1a: {  	[sflag:s7] =	ssyncset.done $0x0  }
0x1b: {  	s10 =	sadd.s32 s12, s10;
	[sflag:s7] =	ssyncadd.s32 $0xFFFFF400  }
0x1c: {  	[hbm4b:s10+s2] =	stream.linear.scatter [tilespmem:s6], [sflag:$0x2], $0xC00, $0x38;
	[tilespmem:$0xC80] =	vst v63  }
0x1d: {  	s14 =	sadd.s32 $0x100, s11;
	_ =	swait.ge [sflag:s3], $0xC00  }
0x1e: {  	s11 =	sshrl.u32 s14, $0x3;
	[sflag:s3] =	ssyncset.done $0x0  }
0x1f: {  	s11 =	sadd.s32 s13, s11;
	[sflag:s3] =	ssyncadd.s32 $0xFFFFF400  }
0x20: {  	[tilespmem:s2], [sflag:$0x2] =	stream.linear.gather [hbm4b:s11+s2], $0x80, $0x38;
	[tilespmem:$0xC80] =	vst v63  }
0x21: {  	_ =	swait.ge [sflag:s3], $0x80  }
0x22: {  	[sflag:s3] =	ssyncset.done $0x0  }
0x23: {  	[sflag:s3] =	ssyncadd.s32 $0xFFFFFF80  }
0x24: {  	[tilespmem:s6], [sflag:$0x1] =	stream.indirect.gather [hbm4b:s5+s6], $0x18, s2, s6, $0xb8;
	[tilespmem:$0xC80] =	vst v63  }
0x25: {  	s31 =	smul.u32 $0x3, s14;
	_ =	swait.ge [sflag:s7], $0xC00  }
0x26: {  	[sflag:s7] =	ssyncset.done $0x0  }
0x27: {  	s12 =	sadd.s32 s12, s31;
	[sflag:s7] =	ssyncadd.s32 $0xFFFFF400  }
0x28: {  	[hbm4b:s12+s2] =	stream.linear.scatter [tilespmem:s6], [sflag:$0x2], $0xC00, $0x38;
	[tilespmem:$0xC80] =	vst v63  }
0x29: {  	_ =	swait.ge [sflag:s3], $0xC00  }
0x2a: {  	[sflag:s3] =	ssyncset.done $0x0  }
0x2b: {  	s13 =	sadd.s32 $0x30, s4;
	[sflag:s3] =	ssyncadd.s32 $0xFFFFF400  }
0x2c: {  	[tilespmem:s2], [sflag:$0x2] =	stream.linear.gather [hbm4b:s13+s2], $0x80, $0x38;
	[tilespmem:$0xC80] =	vst v63  }
0x2d: {  	_ =	swait.ge [sflag:s3], $0x80  }
0x2e: {  	[sflag:s3] =	ssyncset.done $0x0  }
0x2f: {  	[sflag:s3] =	ssyncadd.s32 $0xFFFFFF80  }
0x30: {  	[tilespmem:s6], [sflag:$0x1] =	stream.indirect.gather [hbm4b:s5+s6], $0x18, s2, s6, $0xb8;
	[tilespmem:$0xC80] =	vst v63  }
0x31: {  	_ =	swait.ge [sflag:s7], $0xC00  }
0x32: {  	[sflag:s7] =	ssyncset.done $0x0  }
0x33: {  	s14 =	sadd.s32 $0x480, s8;
	[sflag:s7] =	ssyncadd.s32 $0xFFFFF400  }
0x34: {  	[hbm4b:s14+s2] =	stream.linear.scatter [tilespmem:s6], [sflag:$0x2], $0xC00, $0x38;
	[tilespmem:$0xC80] =	vst v63  }
0x35: {  	_ =	swait.ge [sflag:s3], $0xC00  }
0x36: {  	[sflag:s3] =	ssyncset.done $0x0  }
0x37: {  	s15 =	sadd.s32 $0x40, s4;
	[sflag:s3] =	ssyncadd.s32 $0xFFFFF400  }
0x38: {  	[tilespmem:s2], [sflag:$0x2] =	stream.linear.gather [hbm4b:s15+s2], $0x80, $0x38;
	[tilespmem:$0xC80] =	vst v63  }
0x39: {  	_ =	swait.ge [sflag:s3], $0x80  }
0x3a: {  	[sflag:s3] =	ssyncset.done $0x0  }
0x3b: {  	[sflag:s3] =	ssyncadd.s32 $0xFFFFFF80  }
0x3c: {  	[tilespmem:s6], [sflag:$0x1] =	stream.indirect.gather [hbm4b:s5+s6], $0x18, s2, s6, $0xb8;
	[tilespmem:$0xC80] =	vst v63  }
0x3d: {  	_ =	swait.ge [sflag:s7], $0xC00  }
0x3e: {  	[sflag:s7] =	ssyncset.done $0x0  }
0x3f: {  	s16 =	sadd.s32 $0x600, s8;
	[sflag:s7] =	ssyncadd.s32 $0xFFFFF400  }
0x40: {  	[hbm4b:s16+s2] =	stream.linear.scatter [tilespmem:s6], [sflag:$0x2], $0xC00, $0x38;
	[tilespmem:$0xC80] =	vst v63  }
0x41: {  	_ =	swait.ge [sflag:s3], $0xC00  }
0x42: {  	[sflag:s3] =	ssyncset.done $0x0  }
0x43: {  	s18 =	ssub.s32 $0x2, s18;
	s17 =	sadd.s32 $0x50, s4;
	[sflag:s3] =	ssyncadd.s32 $0xFFFFF400  }
0x44: {  	[tilespmem:s2], [sflag:$0x2] =	stream.linear.gather [hbm4b:s17+s2], $0x80, $0x38;
	[tilespmem:$0xC80] =	vst v63  }
0x45: {  	s19 =	sshrl.u32 s18, $0x1;
	_ =	swait.ge [sflag:s3], $0x80  }
0x46: {  	s18 =	ssub.s32 s18, s19;
	[sflag:s3] =	ssyncset.done $0x0  }
0x47: {  	s19 =	smax.u32 s18, $0x1;
	[sflag:s3] =	ssyncadd.s32 $0xFFFFFF80  }
0x48: {  	[tilespmem:s6], [sflag:$0x1] =	stream.indirect.gather [hbm4b:s5+s6], $0x18, s2, s6, $0xb8;
	[tilespmem:$0xC80] =	vst v63  }
0x49: {  	p0 =	sne.s32 s19, $0x1;
	_ =	swait.ge [sflag:s7], $0xC00  }
.Ltmp0:
0x4a: {  	[sflag:s7] =	ssyncset.done $0x0;
	(pc) =	sbr.rel @!p0 .LBB2_2-.Ltmp0, $4  }
0x4b: {  	s18 =	sadd.s32 $0x780, s8;
	[sflag:s7] =	ssyncadd.s32 $0xFFFFF400  }
0x4c: {  	[hbm4b:s18+s2] =	stream.linear.scatter [tilespmem:s6], [sflag:$0x2], $0xC00, $0x38;
	[tilespmem:$0xC80] =	vst v63  }
0x4d: {  	_ =	swait.ge [sflag:s3], $0xC00  }
0x4e: {  	s19 =	sadd.s32 $0xFFFFFFFF, s19;
	[sflag:s3] =	ssyncset.done $0x0  }
.LBB2_1:
0x4f: {  	p0 =	sne.s32 s19, $0x1;
	s19 =	sadd.s32 $0xFFFFFFFF, s19;
	[sflag:s3] =	ssyncadd.s32 $0xFFFFF400  }
0x50: {  	[tilespmem:s2], [sflag:$0x2] =	stream.linear.gather [hbm4b:s4+s2], $0x80, $0x38;
	[tilespmem:$0xC80] =	vst v63  }
0x51: {  	_ =	swait.ge [sflag:s3], $0x80  }
0x52: {  	[sflag:s3] =	ssyncset.done $0x0  }
0x53: {  	[sflag:s3] =	ssyncadd.s32 $0xFFFFFF80  }
0x54: {  	[tilespmem:s6], [sflag:$0x1] =	stream.indirect.gather [hbm4b:s5+s6], $0x18, s2, s6, $0xb8;
	[tilespmem:$0xC80] =	vst v63  }
0x55: {  	_ =	swait.ge [sflag:s7], $0xC00  }
0x56: {  	[sflag:s7] =	ssyncset.done $0x0  }
0x57: {  	[sflag:s7] =	ssyncadd.s32 $0xFFFFF400  }
0x58: {  	[hbm4b:s8+s2] =	stream.linear.scatter [tilespmem:s6], [sflag:$0x2], $0xC00, $0x38;
	[tilespmem:$0xC80] =	vst v63  }
0x59: {  	_ =	swait.ge [sflag:s3], $0xC00  }
0x5a: {  	[sflag:s3] =	ssyncset.done $0x0  }
0x5b: {  	[sflag:s3] =	ssyncadd.s32 $0xFFFFF400  }
0x5c: {  	[tilespmem:s2], [sflag:$0x2] =	stream.linear.gather [hbm4b:s9+s2], $0x80, $0x38;
	[tilespmem:$0xC80] =	vst v63  }
0x5d: {  	_ =	swait.ge [sflag:s3], $0x80  }
0x5e: {  	[sflag:s3] =	ssyncset.done $0x0  }
0x5f: {  	[sflag:s3] =	ssyncadd.s32 $0xFFFFFF80  }
0x60: {  	[tilespmem:s6], [sflag:$0x1] =	stream.indirect.gather [hbm4b:s5+s6], $0x18, s2, s6, $0xb8;
	[tilespmem:$0xC80] =	vst v63  }
0x61: {  	_ =	swait.ge [sflag:s7], $0xC00  }
0x62: {  	[sflag:s7] =	ssyncset.done $0x0  }
0x63: {  	[sflag:s7] =	ssyncadd.s32 $0xFFFFF400  }
0x64: {  	[hbm4b:s10+s2] =	stream.linear.scatter [tilespmem:s6], [sflag:$0x2], $0xC00, $0x38;
	[tilespmem:$0xC80] =	vst v63  }
0x65: {  	_ =	swait.ge [sflag:s3], $0xC00  }
0x66: {  	[sflag:s3] =	ssyncset.done $0x0  }
0x67: {  	[sflag:s3] =	ssyncadd.s32 $0xFFFFF400  }
0x68: {  	[tilespmem:s2], [sflag:$0x2] =	stream.linear.gather [hbm4b:s11+s2], $0x80, $0x38;
	[tilespmem:$0xC80] =	vst v63  }
0x69: {  	_ =	swait.ge [sflag:s3], $0x80  }
0x6a: {  	[sflag:s3] =	ssyncset.done $0x0  }
0x6b: {  	[sflag:s3] =	ssyncadd.s32 $0xFFFFFF80  }
0x6c: {  	[tilespmem:s6], [sflag:$0x1] =	stream.indirect.gather [hbm4b:s5+s6], $0x18, s2, s6, $0xb8;
	[tilespmem:$0xC80] =	vst v63  }
0x6d: {  	_ =	swait.ge [sflag:s7], $0xC00  }
0x6e: {  	[sflag:s7] =	ssyncset.done $0x0  }
0x6f: {  	[sflag:s7] =	ssyncadd.s32 $0xFFFFF400  }
0x70: {  	[hbm4b:s12+s2] =	stream.linear.scatter [tilespmem:s6], [sflag:$0x2], $0xC00, $0x38;
	[tilespmem:$0xC80] =	vst v63  }
0x71: {  	_ =	swait.ge [sflag:s3], $0xC00  }
0x72: {  	[sflag:s3] =	ssyncset.done $0x0  }
0x73: {  	[sflag:s3] =	ssyncadd.s32 $0xFFFFF400  }
0x74: {  	[tilespmem:s2], [sflag:$0x2] =	stream.linear.gather [hbm4b:s13+s2], $0x80, $0x38;
	[tilespmem:$0xC80] =	vst v63  }
0x75: {  	_ =	swait.ge [sflag:s3], $0x80  }
0x76: {  	[sflag:s3] =	ssyncset.done $0x0  }
0x77: {  	[sflag:s3] =	ssyncadd.s32 $0xFFFFFF80  }
0x78: {  	[tilespmem:s6], [sflag:$0x1] =	stream.indirect.gather [hbm4b:s5+s6], $0x18, s2, s6, $0xb8;
	[tilespmem:$0xC80] =	vst v63  }
0x79: {  	_ =	swait.ge [sflag:s7], $0xC00  }
0x7a: {  	[sflag:s7] =	ssyncset.done $0x0  }
0x7b: {  	[sflag:s7] =	ssyncadd.s32 $0xFFFFF400  }
0x7c: {  	[hbm4b:s14+s2] =	stream.linear.scatter [tilespmem:s6], [sflag:$0x2], $0xC00, $0x38;
	[tilespmem:$0xC80] =	vst v63  }
0x7d: {  	_ =	swait.ge [sflag:s3], $0xC00  }
0x7e: {  	[sflag:s3] =	ssyncset.done $0x0  }
0x7f: {  	[sflag:s3] =	ssyncadd.s32 $0xFFFFF400  }
0x80: {  	[tilespmem:s2], [sflag:$0x2] =	stream.linear.gather [hbm4b:s15+s2], $0x80, $0x38;
	[tilespmem:$0xC80] =	vst v63  }
0x81: {  	_ =	swait.ge [sflag:s3], $0x80  }
0x82: {  	[sflag:s3] =	ssyncset.done $0x0  }
0x83: {  	[sflag:s3] =	ssyncadd.s32 $0xFFFFFF80  }
0x84: {  	[tilespmem:s6], [sflag:$0x1] =	stream.indirect.gather [hbm4b:s5+s6], $0x18, s2, s6, $0xb8;
	[tilespmem:$0xC80] =	vst v63  }
0x85: {  	_ =	swait.ge [sflag:s7], $0xC00  }
0x86: {  	[sflag:s7] =	ssyncset.done $0x0  }
0x87: {  	[sflag:s7] =	ssyncadd.s32 $0xFFFFF400  }
0x88: {  	[hbm4b:s16+s2] =	stream.linear.scatter [tilespmem:s6], [sflag:$0x2], $0xC00, $0x38;
	[tilespmem:$0xC80] =	vst v63  }
0x89: {  	_ =	swait.ge [sflag:s3], $0xC00  }
0x8a: {  	[sflag:s3] =	ssyncset.done $0x0  }
0x8b: {  	[sflag:s3] =	ssyncadd.s32 $0xFFFFF400  }
0x8c: {  	[tilespmem:s2], [sflag:$0x2] =	stream.linear.gather [hbm4b:s17+s2], $0x80, $0x38;
	[tilespmem:$0xC80] =	vst v63  }
0x8d: {  	_ =	swait.ge [sflag:s3], $0x80  }
0x8e: {  	[sflag:s3] =	ssyncset.done $0x0  }
0x8f: {  	[sflag:s3] =	ssyncadd.s32 $0xFFFFFF80  }
0x90: {  	[tilespmem:s6], [sflag:$0x1] =	stream.indirect.gather [hbm4b:s5+s6], $0x18, s2, s6, $0xb8;
	[tilespmem:$0xC80] =	vst v63  }
0x91: {  	_ =	swait.ge [sflag:s7], $0xC00  }
.Ltmp1:
0x92: {  	[sflag:s7] =	ssyncset.done $0x0;
	(pc) =	sbr.rel @p0 .LBB2_1-.Ltmp1, $4  }
0x93: {  	[sflag:s7] =	ssyncadd.s32 $0xFFFFF400  }
0x94: {  	[hbm4b:s18+s2] =	stream.linear.scatter [tilespmem:s6], [sflag:$0x2], $0xC00, $0x38;
	[tilespmem:$0xC80] =	vst v63  }
0x95: {  	_ =	swait.ge [sflag:s3], $0xC00  }
0x96: {  	[sflag:s3] =	ssyncset.done $0x0  }
.LBB2_2:
0x97: {  	[sflag:s3] =	ssyncadd.s32 $0xFFFFF400  }
0x98: {  	_ =	sfence.sel $0x180000  }
0x99: {  	[bflag:$0x0] =	sbarrier.arrive $0xFFFF  }
0x9a: {  	p0 =	sne.s32 s0, $0x0;
	_ =	strace $0x90000053  }
0x9b: {  	s0 =	sadd.s32 @!p0 $0x100000, s1;
	[bflag:$0x2] =	sbarrier.arrive $0xFFFF  }
0x9c: {  	[sflag:s0] =	ssyncadd.tile.s32 @!p0 $0x1;
	_ =	shalt  }
.Lfunc_end2:
_tile_overlayer_lowered:
.L_overlay_start_2:
0x9d: {  	(tag) =	ssettag $0x2  }
0x9e: {  	s0 =	rddreg [dreg:$0x0];
	s2 =	stileid.u32  }
0x9f: {  	s1 =	rddreg [dreg:$0x1];
	p0 =	sne.s32 s2, $0x0  }
0xa0: {  	s3 =	rddreg [dreg:$0x2];
	[bflag:$0x3] =	sbarrier.arrive $0xFFFF;
	s2 =	simm.s32 @!p0 $0x1C02  }
0xa1: {  	[timem:s3], [sflag:s2] =	dma.local @!p0 [hbm:s0], s1  }
0xa2: {  	s0 =	simm.s32 @!p0 $0x2  }
0xa3: {  	_ =	swait.ge @!p0 [sflag:s0], s1  }
0xa4: {  	s1 =	ssub.s32 @!p0 $0x0, s1;
	[sflag:s0] =	ssyncset.done @!p0 $0x0  }
0xa5: {  	[sflag:s0] =	ssyncadd.s32 @!p0 s1  }
0xa6: {  	[bflag:$0x3] =	sbarrier.arrive $0xFFFF  }
0xa7: {  	_ =	shalt  }

// kernel: kernel.7.cloned.1.call-start
scs
__scs_entry_jumppad:
0x0: {  	(pc) =	sbr.rel $0x88, $3  }
0x1: {  	(tag) =	ssettag $0x0;
	lr =	simm.s32 $0x1  }
0x2: {  	[smem:$0x3F9B] =	sst lr;
	_ =	strace $0xD0000000  }
0x3: {  	_ = 	snop  }
0x4: {  	_ = 	snop  }
0x5: {  	_ = 	snop  }
0x6: {  	_ = 	snop  }
0x7: {  	_ = 	snop  }
__scs_overlays_trampoline_lowered:
0x8: {  	[smem:$0x3FAA] =	sst s0  }
0x9: {  	[smem:$0x3FAB] =	sst s1  }
0xa: {  	[smem:$0x3FAC] =	sst s2  }
0xb: {  	[smem:$0x3FAD] =	sst s3  }
0xc: {  	[smem:$0x3FAE] =	sst s4  }
0xd: {  	[smem:$0x3FAF] =	sst s5  }
0xe: {  	[smem:$0x3FB0] =	sst s6  }
0xf: {  	[smem:$0x3FB1] =	sst s7  }
0x10: {  	[smem:$0x3FB2] =	sst s8  }
0x11: {  	[smem:$0x3FB3] =	sst s9;
	s0 =	simm.s32 @!p0 $0x0  }
0x12: {  	s1 =	sld [smem:$0x3F99];
	s0 =	simm.s32 @p0 $0x1  }
0x13: {  	[smem:$0x3FB4] =	sst s0;
	s0 =	simm.s32 @!p1 $0x0  }
0x14: {  	s2 =	sld [smem:$0x3F98];
	s0 =	simm.s32 @p1 $0x1  }
0x15: {  	[smem:$0x3FB5] =	sst s0;
	s0 =	simm.s32 @!p2 $0x0  }
0x16: {  	s3 =	sld [smem:$0x3FDB];
	s0 =	simm.s32 @p2 $0x1  }
0x17: {  	s4 =	simm.s32 $0x1BF5;
	[smem:$0x3FB7] =	sst s0  }
0x18: {  	s0 =	sld [smem:$0x3F9A];
	_ =	swait.ge [sflag:s4], $0x0  }
0x19: {  	s7 =	sld [smem:$0x3F9B]  }
0x1a: {  	s8 =	sadd.s32 $0xFFFFE003, lr  }
0x1b: {  	s9 =	sadd.s32 $0xFFFFFEF7, lr;
	s5 =	simm.s32 $0xFFFFFFFF;
	p2 =	slt.u32 s8, $0xFFFFF086  }
0x1c: {  	p1 =	slt.u32 s9, $0xF7A;
	s5 =	simm.s32 @!p2 $0x0  }
0x1d: {  	s5 =	simm.s32 @p1 $0x1;
	p0 =	seq.s32 s7, s2  }
0x1e: {  	s7 =	smul.u32 @!p0 $0xF7A, s2;
	p2 =	seq.s32 @!p0 s5, $0x0  }
0x1f: {  	s9 =	smul.u32 $0xF7A, s1;
	s8 =	simm.s32 @!p0 $0x1BF5;
	p2 =	por !p2, p0  }
0x20: {  	[sflag:s8] =	ssyncset.s32 @!p0 $0xFFFFF086;
	s6 =	sadd.s32 @!p0 s3, s7;
	s7 =	simm.s32 @!p0 $0x108  }
0x21: {  	s3 =	sadd.s32 s3, s9;
	s6 =	sadd.s32 @!p0 $0x88, s6;
	s7 =	simm.s32 @p2 $0x1082  }
0x22: {  	[simem:s7], [sflag:s8] =	dma.local @!p0 [hbm:s6], $0xF7A  }
0x23: {  	s9 =	sor.u32 $0xD0000000, s2;
	s6 =	simm.s32 $0x108;
	_ =	swait.ge @!p0 [sflag:s8], $0x0  }
0x24: {  	s3 =	sadd.s32 $0x88, s3;
	s6 =	simm.s32 @!p1 $0x1082;
	[sflag:s4] =	ssyncset.s32 $0xFFFFF086  }
0x25: {  	[simem:s6], [sflag:s4] =	dma.local [hbm:s3], $0xF7A  }
0x26: {  	[smem:$0x3F9B] =	sst s1;
	(tag) =	ssettag s2;
	_ =	strace s9  }
0x27: {  	s1 =	sld [smem:$0x3FAB]  }
0x28: {  	s2 =	sld [smem:$0x3FAC]  }
0x29: {  	s4 =	sld [smem:$0x3FAE]  }
0x2a: {  	p0 =	seq.s32 s5, $0x0;
	s5 =	sld [smem:$0x3FAF]  }
0x2b: {  	s6 =	sld [smem:$0x3FB0]  }
0x2c: {  	s7 =	sld [smem:$0x3FB1]  }
0x2d: {  	s3 =	simm.s32 $0x108;
	s8 =	sld [smem:$0x3FB2]  }
0x2e: {  	s3 =	simm.s32 @!p0 $0x1082;
	s9 =	sld [smem:$0x3FB3]  }
0x2f: {  	lr =	sadd.s32 s0, s3;
	s0 =	sld [smem:$0x3FAA]  }
0x30: {  	s3 =	sld [smem:$0x3FAD]  }
0x31: {  	[smem:$0x3FB6] =	sst s10  }
0x32: {  	s10 =	sld [smem:$0x3FB4];
	_ =	sdelay $0x3  }
0x33: {  	p0 =	seq.s32 s10, $0x1;
	s10 =	sld [smem:$0x3FB6];
	_ =	sdelay $0x3  }
0x34: {  	[smem:$0x3FB6] =	sst s10  }
0x35: {  	s10 =	sld [smem:$0x3FB5];
	_ =	sdelay $0x3  }
0x36: {  	p1 =	seq.s32 s10, $0x1;
	s10 =	sld [smem:$0x3FB6];
	_ =	sdelay $0x3  }
0x37: {  	[smem:$0x3FB6] =	sst s10  }
0x38: {  	s10 =	sld [smem:$0x3FB7]  }
0x39: {  	_ = 	snop;
	(pc) =	sbr.ind lr, $3  }
0x3a: {  	_ = 	snop  }
0x3b: {  	_ = 	snop  }
0x3c: {  	p2 =	seq.s32 s10, $0x1;
	s10 =	sld [smem:$0x3FB6]  }
0x3d: {  	_ =	shalt  }
0x3e: {  	_ =	shalt  }
0x3f: {  	_ =	shalt  }
0x40: {  	_ =	shalt  }
0x41: {  	_ =	shalt  }
0x42: {  	_ =	shalt  }
0x43: {  	_ =	shalt  }
0x44: {  	_ =	shalt  }
0x45: {  	_ =	shalt  }
0x46: {  	_ =	shalt  }
0x47: {  	_ =	shalt  }
0x48: {  	_ =	shalt  }
0x49: {  	_ =	shalt  }
0x4a: {  	_ =	shalt  }
0x4b: {  	_ =	shalt  }
0x4c: {  	_ =	shalt  }
0x4d: {  	_ =	shalt  }
0x4e: {  	_ =	shalt  }
0x4f: {  	_ =	shalt  }
0x50: {  	_ =	shalt  }
0x51: {  	_ =	shalt  }
0x52: {  	_ =	shalt  }
0x53: {  	_ =	shalt  }
0x54: {  	_ =	shalt  }
0x55: {  	_ =	shalt  }
0x56: {  	_ =	shalt  }
0x57: {  	_ =	shalt  }
0x58: {  	_ =	shalt  }
0x59: {  	_ =	shalt  }
0x5a: {  	_ =	shalt  }
0x5b: {  	_ =	shalt  }
0x5c: {  	_ =	shalt  }
0x5d: {  	_ =	shalt  }
0x5e: {  	_ =	shalt  }
0x5f: {  	_ =	shalt  }
0x60: {  	_ =	shalt  }
0x61: {  	_ =	shalt  }
0x62: {  	_ =	shalt  }
0x63: {  	_ =	shalt  }
0x64: {  	_ =	shalt  }
0x65: {  	_ =	shalt  }
0x66: {  	_ =	shalt  }
0x67: {  	_ =	shalt  }
0x68: {  	_ =	shalt  }
0x69: {  	_ =	shalt  }
0x6a: {  	_ =	shalt  }
0x6b: {  	_ =	shalt  }
0x6c: {  	_ =	shalt  }
0x6d: {  	_ =	shalt  }
0x6e: {  	_ =	shalt  }
0x6f: {  	_ =	shalt  }
0x70: {  	_ =	shalt  }
0x71: {  	_ =	shalt  }
0x72: {  	_ =	shalt  }
0x73: {  	_ =	shalt  }
0x74: {  	_ =	shalt  }
0x75: {  	_ =	shalt  }
0x76: {  	_ =	shalt  }
0x77: {  	_ =	shalt  }
0x78: {  	_ =	shalt  }
0x79: {  	_ =	shalt  }
0x7a: {  	_ =	shalt  }
0x7b: {  	_ =	shalt  }
0x7c: {  	_ =	shalt  }
0x7d: {  	_ =	shalt  }
0x7e: {  	_ =	shalt  }
0x7f: {  	_ =	shalt  }
0x80: {  	_ =	shalt  }
0x81: {  	_ =	shalt  }
0x82: {  	_ =	shalt  }
0x83: {  	_ =	shalt  }
0x84: {  	_ =	shalt  }
0x85: {  	_ =	shalt  }
0x86: {  	_ =	shalt  }
0x87: {  	_ =	shalt  }
.Lfunc_end0:
.L_simem_size_0:
called_computation.4_lowered:
.L_overlay_start_0:
0x88: {  	s2 =	sld [smem:$0x3FD9]  }
0x89: {  	s3 =	sld [smem:$0x3FFE];
	_ =	sdelay $0x1  }
0x8a: {  	s1 =	srdreg.scid  }
0x8b: {  	s0 =	sand.u32 $0x1, s1  }
0x8c: {  	s17 =	sshll.u32 s0, $0xA;
	s2 =	sadd.s32 s3, s2  }
0x8d: {  	s2 =	sadd.s32 s2, s17  }
0x8e: {  	[smem:$0x3FC2] =	sst s2  }
0x8f: {  	_ = 	snop  }
0x90: {  	(tm) =	ssettm $0x1  }
0x91: {  	s18 =	sld [smem:$0x3FFB];
	_ =	sdelay $0x3  }
0x92: {  	_ =	strace s18  }
0x93: {  	s2 =	sld [smem:$0x3FFC];
	_ =	sdelay $0x3  }
0x94: {  	_ =	strace s2  }
0x95: {  	s2 =	sld [smem:$0x3FFD];
	_ =	sdelay $0x3  }
0x96: {  	_ =	strace s2  }
0x97: {  	_ =	strace $0x8FFFFFFF  }
0x98: {  	s19 =	sld [smem:$0x3FDB];
	_ =	sdelay $0x1  }
0x99: {  	s20 =	simm.s32 $_scs_section_size  }
0x9a: {  	s4 =	simm.s32 $_size__tile_overlayer_lowered;
	s5 =	simm.s32 $_tile_overlayer_lowered  }
0x9b: {  	s6 =	simm.s32 $0x1BFF;
	s21 =	sshll.u32 s5, $0x1;
	s3 =	sadd.s32 s20, s19  }
0x9c: {  	s22 =	simm.s32 $0x0;
	s4 =	sshll.u32 s4, $0x1;
	s5 =	sadd.s32 s21, s3  }
0x9d: {  	[timem:s22], [sflag:s6] =	dma.local [hbm:s5], s4  }
0x9e: {  	_ =	swait.ge [sflag:s6], s4  }
0x9f: {  	s4 =	ssub.s32 $0x0, s4;
	[sflag:s6] =	ssyncset.done $0x0  }
0xa0: {  	[sflag:s6] =	ssyncadd.s32 s4;
	_ =	sdelay $0x1  }
0xa1: {  	s23 =	simm.s32 $0x1B8B  }
0xa2: {  	_ =	swait.ge [sflag:s23], $0x1  }
0xa3: {  	[sflag:s23] =	ssyncset.done $0x0  }
0xa4: {  	[sflag:s23] =	ssyncadd.s32 $0xFFFFFFFF  }
0xa5: {  	s4 =	sld [smem:$0x0]  }
0xa6: {  	s5 =	sand.u32 $0xFFFFFFFE, s1  }
0xa7: {  	p0 =	sne.s32 s1, s5  }
0xa8: {  	s5 =	sshll.u32 @p0 s5, $0xE  }
0xa9: {  	s5 =	sadd.s32 @p0 $0x11B8D, s5;
	s6 =	sshll.u32 @p0 s4, $0x11  }
0xaa: {  	s5 =	sor.u32 @p0 s6, s5  }
0xab: {  	[sflag:s5] =	ssyncadd.remote.s32 @p0 $0x1;
	_ =	sdelay $0x1  }
0xac: {  	s5 =	simm.s32 @p0 $0x1B8D  }
0xad: {  	_ =	swait.eq @p0 [sflag:s5], $0x1  }
0xae: {  	[sflag:s5] =	ssyncadd.s32 @p0 $0xFFFFFFFF  }
0xaf: {  	s6 =	sshll.u32 @!p0 s1, $0xE  }
0xb0: {  	s6 =	sor.u32 @!p0 $0x4000, s6;
	s5 =	simm.s32 @!p0 $0x1B8D  }
0xb1: {  	s4 =	sshll.u32 @!p0 s4, $0x11;
	s6 =	sadd.s32 @!p0 $0x11B8D, s6;
	_ =	swait.eq @!p0 [sflag:s5], $0x1  }
0xb2: {  	s4 =	sor.u32 @!p0 s4, s6;
	[sflag:s5] =	ssyncadd.s32 @!p0 $0xFFFFFFFF  }
0xb3: {  	s25 =	simm.s32 $0x1B8E;
	s24 =	sld [smem:$0x3FFE];
	[sflag:s4] =	ssyncadd.remote.s32 @!p0 $0x1  }
0xb4: {  	s26 =	simm.s32 $execute0_lowered;
	[smem:$0x3FD2] =	sst s25  }
0xb5: {  	s5 =	sshll.u32 s26, $0x1;
	_ =	strace $0x8000004F;
	[dreg:$0x1] =	wrdreg $0xFFFFFFFF  }
0xb6: {  	s28 =	simm.s32 $_size_execute0_lowered;
	s3 =	sadd.s32 s3, s5;
	[dreg:$0x0] =	wrdreg $0x0  }
0xb7: {  	s5 =	sshll.u32 s28, $0x1;
	[dreg:$0x2] =	wrdreg s3  }
0xb8: {  	[dreg:$0x3] =	wrdreg s5  }
0xb9: {  	[dreg:$0x4] =	wrdreg $0xC0  }
0xba: {  	_ =	task [dreg:s22], $0x5FFFF  }
0xbb: {  	[dreg:$0x1] =	wrdreg $0xFFFFFFFF  }
0xbc: {  	[dreg:$0x0] =	wrdreg $0x60  }
0xbd: {  	[dreg:$0x2] =	wrdreg s24  }
0xbe: {  	[dreg:$0x3] =	wrdreg $0xB  }
0xbf: {  	_ =	task.clear_ibuf [dreg:s22], $0x4FFFF;
	_ =	strace $0x9000004F  }
0xc0: {  	s29 =	simm.s32 $0xB;
	_ =	strace $0x80000051  }
0xc1: {  	_ =	swait.ge [sflag:s29], $0x1  }
0xc2: {  	[sflag:s29] =	ssyncadd.s32 $0xFFFFFFFF  }
0xc3: {  	_ =	strace $0x90000051  }
0xc4: {  	_ =	sfence  }
0xc5: {  	s30 =	sld [smem:$0x0];
	_ =	sdelay $0x2  }
0xc6: {  	s31 =	sshll.u32 s1, $0xD;
	s1 =	sshrl.u32 s1, $0x2  }
0xc7: {  	s4 =	sand.u32 $0x4000, s31;
	s1 =	sadd.s32 s1, s30  }
0xc8: {  	s0 =	sor.u32 s4, s0;
	s1 =	sshll.u32 s1, $0x11  }
0xc9: {  	s0 =	sor.u32 s1, s0  }
0xca: {  	s0 =	sadd.s32 $0x8F2B, s0  }
0xcb: {  	[sflag:s0] =	ssyncadd.remote.s32 $0x1  }
0xcc: {  	_ =	sfence.sel $0xFFFF  }
0xcd: {  	[dreg:$0x0] =	wrdreg $0xFFFFFFFF;
	(pc) =	sbr.abs _section_cstart, $3  }
0xce: {  	[dreg:$0x1] =	wrdreg $0xFFFFFFFF  }
0xcf: {  	_ =	task.clear_ibuf [dreg:s22], $0x2FFFF;
	_ =	strace $0x9FFFFFFF  }
0xd0: {  	(tm) =	ssettm $0x7FFFFFFF  }
0xd1: {  	_ =	shalt  }
tec
execute0_lowered:
.L_overlay_start_1:
0x0: {  	(tag) =	ssettag $0x1  }
0x1: {  	s1 =	srdreg.scid  }
0x2: {  	s0 =	stileid.u32;
	s6 =	rddreg [dreg:$0x0];
	s2 =	simm.s32 $0x0  }
0x3: {  	s9 =	simm.s32 $0x1;
	s10 =	simm.s32 $0x3030;
	s11 =	simm.s32 $0x6030  }
0x4: {  	s12 =	simm.s32 $0x9030;
	s3 =	sand.u32 $0x1, s1;
	s4 =	smul.u32 $0x600, s0  }
0x5: {  	s13 =	simm.s32 $0xC030;
	s14 =	simm.s32 $0xF030;
	s5 =	smul.u32 $0x300, s3  }
0x6: {  	s15 =	simm.s32 $0x12030;
	s16 =	simm.s32 $0x15030;
	s17 =	simm.s32 $0x0  }
0x7: {  	s1 =	rddreg [dreg:$0x1];
	s3 =	ssub.s32 $0x2, s3;
	s4 =	sadd.s32 s5, s4  }
0x8: {  	[smem:$0x7FF] =	sst s2;
	s7 =	sshrl.u32 s3, $0x1;
	s5 =	smulhi.u32 $0x2AAAAAAB, s4  }
0x9: {  	_ =	strace $0x80000050;
	s31 =	ssub.s32 s3, s7;
	s3 =	sadd.s32 $0x243E00, s6  }
0xa: {  	s7 =	simm.s32 $0x2;
	s4 =	sshrl.u32 s4, $0x3;
	s5 =	sshll.u32 s5, $0xB  }
0xb: {  	s8 =	sadd.s32 s4, s6;
	s4 =	smax.u32 s31, $0x1;
	s5 =	sadd.s32 s5, s6  }
0xc: {  	s6 =	sadd.s32 $0x3200, s8;
	s8 =	simm.s32 $0x30;
	s5 =	sadd.s32 $0x2C3E00, s5  }
.LBB2_1:
0xd: {  	[tilespmem:s2], [sflag:$0x2] =	stream.linear.gather [hbm4b:s6+s2], $0x30, $0x38;
	[tilespmem:$0x18030] =	vst v63  }
0xe: {  	_ =	swait.ge [sflag:s7], $0x30  }
0xf: {  	[sflag:s7] =	ssyncset.done $0x0  }
0x10: {  	[sflag:s7] =	ssyncadd.s32 $0xFFFFFFD0  }
0x11: {  	[tilespmem:s8], [sflag:$0x1] =	stream.indirect.gather [hbm4b:s3+s8], $0x800, s2, s8, $0xb8;
	[tilespmem:$0x18030] =	vst v63  }
0x12: {  	_ =	swait.ge [sflag:s9], $0x18000  }
0x13: {  	[sflag:s9] =	ssyncset.done $0x0  }
0x14: {  	s18 =	sadd.s32 $0x0, s5;
	[sflag:s9] =	ssyncadd.s32 $0xFFFE8000  }
0x15: {  	[hbm4b:s18+s2] =	stream.linear.scatter [tilespmem:s8], [sflag:$0x2], $0x3000, $0x38;
	[tilespmem:$0x18030] =	vst v63  }
0x16: {  	_ =	swait.ge [sflag:s7], $0x3000  }
0x17: {  	[sflag:s7] =	ssyncset.done $0x0  }
0x18: {  	s19 =	sadd.s32 $0x800, s18;
	[sflag:s7] =	ssyncadd.s32 $0xFFFFD000  }
0x19: {  	[hbm4b:s19+s2] =	stream.linear.scatter [tilespmem:s10], [sflag:$0x2], $0x3000, $0x38;
	[tilespmem:$0x18030] =	vst v63  }
0x1a: {  	_ =	swait.ge [sflag:s7], $0x3000  }
0x1b: {  	[sflag:s7] =	ssyncset.done $0x0  }
0x1c: {  	s26 =	sadd.s32 $0x1000, s18;
	[sflag:s7] =	ssyncadd.s32 $0xFFFFD000  }
0x1d: {  	[hbm4b:s26+s2] =	stream.linear.scatter [tilespmem:s11], [sflag:$0x2], $0x3000, $0x38;
	[tilespmem:$0x18030] =	vst v63  }
0x1e: {  	_ =	swait.ge [sflag:s7], $0x3000  }
0x1f: {  	[sflag:s7] =	ssyncset.done $0x0  }
0x20: {  	s28 =	sadd.s32 $0x1800, s18;
	[sflag:s7] =	ssyncadd.s32 $0xFFFFD000  }
0x21: {  	[hbm4b:s28+s2] =	stream.linear.scatter [tilespmem:s12], [sflag:$0x2], $0x3000, $0x38;
	[tilespmem:$0x18030] =	vst v63  }
0x22: {  	_ =	swait.ge [sflag:s7], $0x3000  }
0x23: {  	[sflag:s7] =	ssyncset.done $0x0  }
0x24: {  	s29 =	sadd.s32 $0x2000, s18;
	[sflag:s7] =	ssyncadd.s32 $0xFFFFD000  }
0x25: {  	[hbm4b:s29+s2] =	stream.linear.scatter [tilespmem:s13], [sflag:$0x2], $0x3000, $0x38;
	[tilespmem:$0x18030] =	vst v63  }
0x26: {  	_ =	swait.ge [sflag:s7], $0x3000  }
0x27: {  	[sflag:s7] =	ssyncset.done $0x0  }
0x28: {  	s30 =	sadd.s32 $0x2800, s18;
	[sflag:s7] =	ssyncadd.s32 $0xFFFFD000  }
0x29: {  	[hbm4b:s30+s2] =	stream.linear.scatter [tilespmem:s14], [sflag:$0x2], $0x3000, $0x38;
	[tilespmem:$0x18030] =	vst v63  }
0x2a: {  	_ =	swait.ge [sflag:s7], $0x3000  }
0x2b: {  	[sflag:s7] =	ssyncset.done $0x0  }
0x2c: {  	s31 =	sadd.s32 $0x3000, s18;
	[sflag:s7] =	ssyncadd.s32 $0xFFFFD000  }
0x2d: {  	[hbm4b:s31+s2] =	stream.linear.scatter [tilespmem:s15], [sflag:$0x2], $0x3000, $0x38;
	[tilespmem:$0x18030] =	vst v63  }
0x2e: {  	_ =	swait.ge [sflag:s7], $0x3000  }
0x2f: {  	[sflag:s7] =	ssyncset.done $0x0  }
0x30: {  	s18 =	sadd.s32 $0x3800, s18;
	[sflag:s7] =	ssyncadd.s32 $0xFFFFD000  }
0x31: {  	[hbm4b:s18+s2] =	stream.linear.scatter [tilespmem:s16], [sflag:$0x2], $0x3000, $0x38;
	[tilespmem:$0x18030] =	vst v63  }
0x32: {  	_ =	swait.ge [sflag:s7], $0x3000  }
0x33: {  	s19 =	smov.u32 s6;
	s18 =	simm.s32 $0x4000;
	[sflag:s7] =	ssyncset.done $0x0  }
.LBB2_2:
0x34: {  	p0 =	sne.s32 s18, $0x3C000;
	[sflag:s7] =	ssyncadd.s32 $0xFFFFD000;
	s19 =	sadd.s32 $0x6, s19  }
0x35: {  	[tilespmem:s2], [sflag:$0x2] =	stream.linear.gather [hbm4b:s19+s2], $0x30, $0x38;
	[tilespmem:$0x18030] =	vst v63  }
0x36: {  	s20 =	smov.u32 s18;
	s18 =	sadd.s32 $0x4000, s18;
	_ =	swait.ge [sflag:s7], $0x30  }
0x37: {  	[sflag:s7] =	ssyncset.done $0x0  }
0x38: {  	[sflag:s7] =	ssyncadd.s32 $0xFFFFFFD0  }
0x39: {  	[tilespmem:s8], [sflag:$0x1] =	stream.indirect.gather [hbm4b:s3+s8], $0x800, s2, s8, $0xb8;
	[tilespmem:$0x18030] =	vst v63  }
0x3a: {  	_ =	swait.ge [sflag:s9], $0x18000  }
0x3b: {  	[sflag:s9] =	ssyncset.done $0x0  }
0x3c: {  	s20 =	sadd.s32 s20, s5;
	[sflag:s9] =	ssyncadd.s32 $0xFFFE8000  }
0x3d: {  	[hbm4b:s20+s2] =	stream.linear.scatter [tilespmem:s8], [sflag:$0x2], $0x3000, $0x38;
	[tilespmem:$0x18030] =	vst v63  }
0x3e: {  	_ =	swait.ge [sflag:s7], $0x3000  }
0x3f: {  	[sflag:s7] =	ssyncset.done $0x0  }
0x40: {  	s21 =	sadd.s32 $0x800, s20;
	[sflag:s7] =	ssyncadd.s32 $0xFFFFD000  }
0x41: {  	[hbm4b:s21+s2] =	stream.linear.scatter [tilespmem:s10], [sflag:$0x2], $0x3000, $0x38;
	[tilespmem:$0x18030] =	vst v63  }
0x42: {  	_ =	swait.ge [sflag:s7], $0x3000  }
0x43: {  	[sflag:s7] =	ssyncset.done $0x0  }
0x44: {  	s21 =	sadd.s32 $0x1000, s20;
	[sflag:s7] =	ssyncadd.s32 $0xFFFFD000  }
0x45: {  	[hbm4b:s21+s2] =	stream.linear.scatter [tilespmem:s11], [sflag:$0x2], $0x3000, $0x38;
	[tilespmem:$0x18030] =	vst v63  }
0x46: {  	_ =	swait.ge [sflag:s7], $0x3000  }
0x47: {  	[sflag:s7] =	ssyncset.done $0x0  }
0x48: {  	s21 =	sadd.s32 $0x1800, s20;
	[sflag:s7] =	ssyncadd.s32 $0xFFFFD000  }
0x49: {  	[hbm4b:s21+s2] =	stream.linear.scatter [tilespmem:s12], [sflag:$0x2], $0x3000, $0x38;
	[tilespmem:$0x18030] =	vst v63  }
0x4a: {  	_ =	swait.ge [sflag:s7], $0x3000  }
0x4b: {  	[sflag:s7] =	ssyncset.done $0x0  }
0x4c: {  	s21 =	sadd.s32 $0x2000, s20;
	[sflag:s7] =	ssyncadd.s32 $0xFFFFD000  }
0x4d: {  	[hbm4b:s21+s2] =	stream.linear.scatter [tilespmem:s13], [sflag:$0x2], $0x3000, $0x38;
	[tilespmem:$0x18030] =	vst v63  }
0x4e: {  	_ =	swait.ge [sflag:s7], $0x3000  }
0x4f: {  	[sflag:s7] =	ssyncset.done $0x0  }
0x50: {  	s21 =	sadd.s32 $0x2800, s20;
	[sflag:s7] =	ssyncadd.s32 $0xFFFFD000  }
0x51: {  	[hbm4b:s21+s2] =	stream.linear.scatter [tilespmem:s14], [sflag:$0x2], $0x3000, $0x38;
	[tilespmem:$0x18030] =	vst v63  }
0x52: {  	_ =	swait.ge [sflag:s7], $0x3000  }
0x53: {  	[sflag:s7] =	ssyncset.done $0x0  }
0x54: {  	s21 =	sadd.s32 $0x3000, s20;
	[sflag:s7] =	ssyncadd.s32 $0xFFFFD000  }
0x55: {  	[hbm4b:s21+s2] =	stream.linear.scatter [tilespmem:s15], [sflag:$0x2], $0x3000, $0x38;
	[tilespmem:$0x18030] =	vst v63  }
0x56: {  	_ =	swait.ge [sflag:s7], $0x3000  }
.Ltmp0:
0x57: {  	[sflag:s7] =	ssyncset.done $0x0;
	(pc) =	sbr.rel @p0 .LBB2_2-.Ltmp0, $4  }
0x58: {  	s20 =	sadd.s32 $0x3800, s20;
	[sflag:s7] =	ssyncadd.s32 $0xFFFFD000  }
0x59: {  	[hbm4b:s20+s2] =	stream.linear.scatter [tilespmem:s16], [sflag:$0x2], $0x3000, $0x38;
	[tilespmem:$0x18030] =	vst v63  }
0x5a: {  	_ =	swait.ge [sflag:s7], $0x3000  }
0x5b: {  	[sflag:s7] =	ssyncset.done $0x0  }
0x5c: {  	s17 =	sadd.s32 $0x1, s17  }
0x5d: {  	p0 =	sne.s32 s17, s4  }
.Ltmp1:
0x5e: {  	_ = 	snop;
	(pc) =	sbr.rel @p0 .LBB2_1-.Ltmp1, $2  }
0x5f: {  	_ =	sdelay $0x2  }
0x60: {  	[sflag:s7] =	ssyncadd.s32 $0xFFFFD000  }
0x61: {  	_ =	sfence.sel $0x180000  }
0x62: {  	[bflag:$0x0] =	sbarrier.arrive $0xFFFF  }
0x63: {  	p0 =	sne.s32 s0, $0x0;
	_ =	strace $0x90000050  }
0x64: {  	s0 =	sadd.s32 @!p0 $0x100000, s1;
	[bflag:$0x2] =	sbarrier.arrive $0xFFFF  }
0x65: {  	[sflag:s0] =	ssyncadd.tile.s32 @!p0 $0x1;
	_ =	shalt  }
.Lfunc_end2:
_tile_overlayer_lowered:
.L_overlay_start_2:
0x66: {  	(tag) =	ssettag $0x2  }
0x67: {  	s0 =	rddreg [dreg:$0x0];
	s2 =	stileid.u32  }
0x68: {  	s1 =	rddreg [dreg:$0x1];
	p0 =	sne.s32 s2, $0x0  }
0x69: {  	s3 =	rddreg [dreg:$0x2];
	[bflag:$0x3] =	sbarrier.arrive $0xFFFF;
	s2 =	simm.s32 @!p0 $0x1C02  }
0x6a: {  	[timem:s3], [sflag:s2] =	dma.local @!p0 [hbm:s0], s1  }
0x6b: {  	s0 =	simm.s32 @!p0 $0x2  }
0x6c: {  	_ =	swait.ge @!p0 [sflag:s0], s1  }
0x6d: {  	s1 =	ssub.s32 @!p0 $0x0, s1;
	[sflag:s0] =	ssyncset.done @!p0 $0x0  }
0x6e: {  	[sflag:s0] =	ssyncadd.s32 @!p0 s1  }
0x6f: {  	[bflag:$0x3] =	sbarrier.arrive $0xFFFF  }
0x70: {  	_ =	shalt  }

// kernel: sparse-core-data-format-call.1.cloned.1.call-start
scs
called_computation.1_lowered:
.L_overlay_start_0:
0x0: {  	s2 =	sld [smem:$0x3FD9]  }
0x1: {  	s3 =	sld [smem:$0x3FFE];
	_ =	sdelay $0x1  }
0x2: {  	s1 =	srdreg.scid  }
0x3: {  	s0 =	sand.u32 $0x1, s1  }
0x4: {  	s16 =	sshll.u32 s0, $0xA;
	s2 =	sadd.s32 s3, s2  }
0x5: {  	s2 =	sadd.s32 s2, s16  }
0x6: {  	[smem:$0x3FC2] =	sst s2  }
0x7: {  	_ = 	snop  }
0x8: {  	s2 =	sld [smem:$0x3FD0];
	_ =	sdelay $0x2  }
0x9: {  	s17 =	simm.s32 $0xE;
	s4 =	simm.s32 $0x10  }
0xa: {  	[smem:s4], [sflag:s17] =	dma.local [hbm:s2], $0x1  }
0xb: {  	_ =	swait.eq [sflag:s17], $0x1  }
0xc: {  	[sflag:s17] =	ssyncset.done $0x0  }
0xd: {  	[sflag:s17] =	ssyncadd.s32 $0xFFFFFFFF  }
0xe: {  	s18 =	sld [smem:$0x12];
	(tm) =	ssettm $0x1  }
0xf: {  	s19 =	sld [smem:$0x3FFB];
	_ =	sdelay $0x3  }
0x10: {  	_ =	strace s19  }
0x11: {  	s2 =	sld [smem:$0x3FFC];
	_ =	sdelay $0x3  }
0x12: {  	_ =	strace s2  }
0x13: {  	s2 =	sld [smem:$0x3FFD];
	_ =	sdelay $0x3  }
0x14: {  	_ =	strace s2  }
0x15: {  	_ =	strace $0x8FFFFFFF  }
0x16: {  	s20 =	sld [smem:$0x3FDB];
	_ =	sdelay $0x1  }
0x17: {  	s21 =	simm.s32 $_scs_section_size  }
0x18: {  	s5 =	simm.s32 $_size__tile_overlayer_lowered;
	s6 =	simm.s32 $_tile_overlayer_lowered  }
0x19: {  	s7 =	simm.s32 $0x1BFF;
	s22 =	sshll.u32 s6, $0x1;
	s4 =	sadd.s32 s21, s20  }
0x1a: {  	s23 =	simm.s32 $0x0;
	s5 =	sshll.u32 s5, $0x1;
	s6 =	sadd.s32 s22, s4  }
0x1b: {  	[timem:s23], [sflag:s7] =	dma.local [hbm:s6], s5  }
0x1c: {  	_ =	swait.ge [sflag:s7], s5  }
0x1d: {  	s5 =	ssub.s32 $0x0, s5;
	[sflag:s7] =	ssyncset.done $0x0  }
0x1e: {  	[sflag:s7] =	ssyncadd.s32 s5;
	_ =	sdelay $0x1  }
0x1f: {  	s24 =	simm.s32 $0x1B8B  }
0x20: {  	_ =	swait.ge [sflag:s24], $0x1  }
0x21: {  	[sflag:s24] =	ssyncset.done $0x0  }
0x22: {  	[sflag:s24] =	ssyncadd.s32 $0xFFFFFFFF  }
0x23: {  	s5 =	sld [smem:$0x0]  }
0x24: {  	s6 =	sand.u32 $0xFFFFFFFE, s1  }
0x25: {  	p0 =	sne.s32 s1, s6  }
0x26: {  	s6 =	sshll.u32 @p0 s6, $0xE  }
0x27: {  	s6 =	sadd.s32 @p0 $0x11B8D, s6;
	s7 =	sshll.u32 @p0 s5, $0x11  }
0x28: {  	s6 =	sor.u32 @p0 s7, s6  }
0x29: {  	[sflag:s6] =	ssyncadd.remote.s32 @p0 $0x1;
	_ =	sdelay $0x1  }
0x2a: {  	s6 =	simm.s32 @p0 $0x1B8D  }
0x2b: {  	_ =	swait.eq @p0 [sflag:s6], $0x1  }
0x2c: {  	[sflag:s6] =	ssyncadd.s32 @p0 $0xFFFFFFFF  }
0x2d: {  	s7 =	sshll.u32 @!p0 s1, $0xE  }
0x2e: {  	s7 =	sor.u32 @!p0 $0x4000, s7;
	s6 =	simm.s32 @!p0 $0x1B8D  }
0x2f: {  	s5 =	sshll.u32 @!p0 s5, $0x11;
	s7 =	sadd.s32 @!p0 $0x11B8D, s7;
	_ =	swait.eq @!p0 [sflag:s6], $0x1  }
0x30: {  	s5 =	sor.u32 @!p0 s5, s7;
	[sflag:s6] =	ssyncadd.s32 @!p0 $0xFFFFFFFF  }
0x31: {  	s26 =	simm.s32 $0x1B8E;
	s25 =	sld [smem:$0x3FFE];
	[sflag:s5] =	ssyncadd.remote.s32 @!p0 $0x1  }
0x32: {  	s27 =	simm.s32 $execute0_lowered;
	[smem:$0x3FD2] =	sst s26  }
0x33: {  	s6 =	sshll.u32 s27, $0x1;
	_ =	strace $0x80000055;
	[dreg:$0x1] =	wrdreg $0xFFFFFFFF  }
0x34: {  	s28 =	simm.s32 $_size_execute0_lowered;
	s4 =	sadd.s32 s4, s6;
	[dreg:$0x0] =	wrdreg $0x0  }
0x35: {  	s6 =	sshll.u32 s28, $0x1;
	[dreg:$0x2] =	wrdreg s4  }
0x36: {  	[dreg:$0x3] =	wrdreg s6  }
0x37: {  	[dreg:$0x4] =	wrdreg $0xC0  }
0x38: {  	_ =	task [dreg:s23], $0x5FFFF  }
0x39: {  	[dreg:$0x1] =	wrdreg $0xFFFFFFFF  }
0x3a: {  	[dreg:$0x0] =	wrdreg $0x60  }
0x3b: {  	[dreg:$0x2] =	wrdreg s25  }
0x3c: {  	[dreg:$0x3] =	wrdreg s18  }
0x3d: {  	[dreg:$0x4] =	wrdreg $0xA  }
0x3e: {  	_ =	task.clear_ibuf [dreg:s23], $0x5FFFF;
	_ =	strace $0x90000055  }
0x3f: {  	s29 =	simm.s32 $0xA;
	_ =	strace $0x80000057  }
0x40: {  	_ =	swait.ge [sflag:s29], $0x1  }
0x41: {  	[sflag:s29] =	ssyncadd.s32 $0xFFFFFFFF  }
0x42: {  	_ =	strace $0x90000057  }
0x43: {  	_ =	sfence  }
0x44: {  	s30 =	sld [smem:$0x0];
	_ =	sdelay $0x2  }
0x45: {  	s31 =	sshll.u32 s1, $0xD;
	s1 =	sshrl.u32 s1, $0x2  }
0x46: {  	s4 =	sand.u32 $0x4000, s31;
	s1 =	sadd.s32 s1, s30  }
0x47: {  	s0 =	sor.u32 s4, s0;
	s1 =	sshll.u32 s1, $0x11  }
0x48: {  	s0 =	sor.u32 s1, s0  }
0x49: {  	s0 =	sadd.s32 $0x8F2B, s0  }
0x4a: {  	[sflag:s0] =	ssyncadd.remote.s32 $0x1  }
0x4b: {  	_ =	sfence.sel $0xFFFF  }
0x4c: {  	[dreg:$0x0] =	wrdreg $0xFFFFFFFF;
	(pc) =	sbr.abs _section_cstart, $3  }
0x4d: {  	[dreg:$0x1] =	wrdreg $0xFFFFFFFF  }
0x4e: {  	_ =	task.clear_ibuf [dreg:s23], $0x2FFFF;
	_ =	strace $0x9FFFFFFF  }
0x4f: {  	(tm) =	ssettm $0x7FFFFFFF  }
tec
execute0_lowered:
.L_overlay_start_1:
0x0: {  	(tag) =	ssettag $0x1  }
0x1: {  	s0 =	srdreg.scid  }
0x2: {  	s1 =	sshll.u32 s0, $0x4  }
0x3: {  	s6 =	rddreg [dreg:$0x0];
	s0 =	stileid.u32;
	s1 =	sand.u32 $0x10, s1  }
0x4: {  	s3 =	rddreg [dreg:$0x1];
	s1 =	sor.u32 s0, s1  }
0x5: {  	s5 =	simm.s32 $0x1;
	s31 =	simm.s32 $0x2;
	s2 =	sshll.u32 s1, $0x7  }
0x6: {  	s14 =	simm.s32 $0x0;
	s8 =	simm.s32 $0x1000;
	s4 =	ssub.s32 $0x1000, s2  }
0x7: {  	s9 =	simm.s32 $0x0;
	s15 =	simm.s32 $0x0;
	s30 =	sand.u32 $0xF80, s4  }
0x8: {  	s16 =	simm.s32 $0x0;
	s10 =	simm.s32 $0x0;
	p0 =	sne.s32 s30, $0x0  }
.Ltmp0:
0x9: {  	s7 =	sshrl.u32 s4, $0xC;
	s5 =	simm.s32 @!p0 $0x0;
	(pc) =	sbr.rel .LBB1_1-.Ltmp0, $4  }
0xa: {  	s11 =	simm.s32 $0x0;
	s1 =	rddreg [dreg:$0x2];
	s5 =	sadd.s32 s5, s7  }
0xb: {  	_ =	strace $0x80000056;
	s4 =	simm.s32 $0x1;
	s5 =	smul.u32 $0x18, s5  }
0xc: {  	s13 =	simm.s32 $0x0;
	s6 =	sadd.s32 $0xAC5600, s6;
	[sflag:s4] =	ssyncpa.u1 $0x0  }
0xd: {  	s12 =	smov.u32 s2;
	[sflag:s31] =	ssyncpa.u1 $0x0;
	s7 =	sor.u32 $0x1, s5  }
.LBB1_4:
0xe: {  	_ =	sdelay $0x3  }
0xf: {  	[tilespmem:v0+s19+$0xFFFFFFD0 ss:$0x1] =	vst.idx.msk $0xffff, v6  }
0x10: {  	v56 =	vld.idx.msk [tilespmem:v1+s18+$0x0 ss:$0x1], $0xffff;
	[tilespmem:v0+s19+$0xFFFFFFE0 ss:$0x1] =	vst.idx.msk $0xffff, v4  }
0x11: {  	v57 =	vld.idx.msk [tilespmem:v1+s18+$0xFFFFFF90 ss:$0x1], $0xffff;
	[tilespmem:v0+s19+$0xFFFFFFF0 ss:$0x1] =	vst.idx.msk $0xffff, v2  }
0x12: {  	v58 =	vld.idx.msk [tilespmem:v1+s18+$0xFFFFFFA0 ss:$0x1], $0xffff;
	[tilespmem:v0+s19+$0x0 ss:$0x1] =	vst.idx.msk $0xffff, v3  }
0x13: {  	v59 =	vld.idx.msk [tilespmem:v1+s18+$0xFFFFFFB0 ss:$0x1], $0xffff;
	[tilespmem:v0+s19+$0x10 ss:$0x1] =	vst.idx.msk $0xffff, v5  }
0x14: {  	v60 =	vld.idx.msk [tilespmem:v1+s18+$0xFFFFFFC0 ss:$0x1], $0xffff;
	[tilespmem:v0+s19+$0x20 ss:$0x1] =	vst.idx.msk $0xffff, v7  }
0x15: {  	v61 =	vld.idx.msk [tilespmem:v1+s18+$0xFFFFFFD0 ss:$0x1], $0xffff;
	s27 =	sshll.u32 s16, $0x9;
	[tilespmem:v0+s18+$0x30 ss:$0x1] =	vst.idx.msk $0xffff, v56  }
0x16: {  	s20 =	sshll.u32 s14, $0x3;
	v62 =	vld.idx.msk [tilespmem:v1+s18+$0xFFFFFFE0 ss:$0x1], $0xffff;
	s28 =	sshll.u32 s16, $0x7;
	s30 =	sand.u32 $0x78, s14;
	[tilespmem:v0+s18+$0xFFFFFFC0 ss:$0x1] =	vst.idx.msk $0xffff, v57  }
0x17: {  	v63 =	vld.idx.msk [tilespmem:v1+s18+$0xFFFFFFF0 ss:$0x1], $0xffff;
	s15 =	sshll.u32 s15, $0x12;
	s19 =	sand.u32 $0x1FF000, s27;
	s20 =	sand.u32 $0x1FFC00, s20;
	[tilespmem:v0+s18+$0xFFFFFFD0 ss:$0x1] =	vst.idx.msk $0xffff, v58  }
0x18: {  	s29 =	sand.u32 $0x200, s28;
	s16 =	sand.u32 $0x180, s28;
	s19 =	sadd.s32 s19, s20;
	[tilespmem:v0+s18+$0xFFFFFFE0 ss:$0x1] =	vst.idx.msk $0xffff, v59  }
0x19: {  	s31 =	sand.u32 $0x7, s14;
	s16 =	sor.u32 s16, s30;
	s19 =	sor.u32 s29, s19;
	[tilespmem:v0+s18+$0xFFFFFFF0 ss:$0x1] =	vst.idx.msk $0xffff, v60  }
0x1a: {  	s15 =	sadd.s32 s3, s15;
	s16 =	sshrl.u32 s16, $0x3;
	s19 =	sshrl.u32 s19, $0x3;
	[tilespmem:v0+s18+$0x0 ss:$0x1] =	vst.idx.msk $0xffff, v61  }
0x1b: {  	s14 =	sshll.u32 s31, $0x12;
	s15 =	sadd.s32 s16, s15;
	[tilespmem:v0+s18+$0x10 ss:$0x1] =	vst.idx.msk $0xffff, v62;
	s19 =	sand.u32 $0x3FFC0, s19  }
0x1c: {  	s14 =	sor.u32 $0x400, s14;
	[tilespmem:v0+s18+$0x20 ss:$0x1] =	vst.idx.msk $0xffff, v63;
	s15 =	sadd.s32 s19, s15  }
0x1d: {  	[hbm4b:s15+s14] =	stream.strided.scatter [tilespmem:s17], [sflag:$0x2], $0x4000, s8, s14, $0x38;
	[tilespmem:$0x10000] =	vst v63  }
.LBB1_5:
0x1e: {  	s17 =	sadd.s32 $0x80, s10  }
0x1f: {  	s14 =	simm.s32 $0x1;
	p1 =	sgt.s32 s17, $0x1FE  }
0x20: {  	s14 =	simm.s32 @!p1 $0x0  }
0x21: {  	s18 =	sadd.s32 s14, s11  }
0x22: {  	s20 =	smov.u32 s12;
	s14 =	sadd.s32 $0x1000, s12;
	p2 =	sgt.s32 s18, $0x5  }
0x23: {  	s20 =	smov.u32 @p2 s14  }
0x24: {  	p0 =	slt.u32 s13, $0x2;
	s17 =	simm.s32 @p1 $0x0;
	p1 =	sgt.s32 s20, $0xFFF  }
0x25: {  	s19 =	simm.s32 @!p0 $0x2;
	s20 =	smov.u32 @p1 s2;
	p1 =	sne.s32 s13, s7  }
.Ltmp1:
0x26: {  	_ =	swait.ge @!p0 [sflag:s19], $0x4000;
	(pc) =	sbr.rel @!p1 .LBB1_6-.Ltmp1, $4  }
0x27: {  	s15 =	smov.u32 s11;
	[sflag:s19] =	ssyncset.done @!p0 $0x0  }
0x28: {  	s16 =	smov.u32 s12;
	s9 =	sadd.s32 $0x4000, s9;
	[sflag:s19] =	ssyncadd.s32 @!p0 $0xFFFFC000  }
0x29: {  	s18 =	simm.s32 @p2 $0x0;
	s14 =	smov.u32 s10;
	s10 =	smov.u32 s17  }
0x2a: {  	s11 =	smov.u32 s18;
	s13 =	sadd.s32 $0x1, s13;
	s12 =	smov.u32 s20  }
.LBB1_1:
0x2b: {  	p0 =	sge.u32 s13, s5;
	s31 =	sadd.s32 $0xFFFFFFFF, s13  }
0x2c: {  	s17 =	sxor.u32 @!p0 $0xFFFFFFFF, s13;
	s18 =	sshll.u32 @!p0 s11, $0x7;
	s19 =	sand.u32 @!p0 $0x78, s10  }
0x2d: {  	s20 =	sshll.u32 @!p0 s10, $0x3;
	s17 =	sshll.u32 @!p0 s17, $0xE;
	s18 =	sand.u32 @!p0 $0x380, s18  }
0x2e: {  	s20 =	sand.u32 @!p0 $0xC00, s20;
	s17 =	sand.u32 @!p0 $0x4000, s17;
	s18 =	sor.u32 @!p0 s19, s18  }
0x2f: {  	s19 =	sshll.u32 @!p0 s12, $0x9;
	s18 =	sor.u32 @!p0 s20, s18;
	s20 =	sand.u32 @!p0 $0x7, s10  }
0x30: {  	s19 =	sadd.s32 @!p0 s6, s19;
	s18 =	sshrl.u32 @!p0 s18, $0x3;
	s20 =	sshll.u32 @!p0 s20, $0x12  }
0x31: {  	s18 =	sadd.s32 @!p0 s18, s19;
	s19 =	sor.u32 @!p0 $0x80, s20;
	s20 =	simm.s32 @!p0 $0x1000  }
0x32: {  	[tilespmem:s17], [sflag:$0x1] =	stream.strided.gather @!p0 [hbm4b:s18+s19], $0x4000, s20, s19, $0x38;
	[tilespmem:$0x10000] =	vst v63  }
0x33: {  	p0 =	sge.u32 s31, s5  }
.Ltmp2:
0x34: {  	_ = 	snop;
	(pc) =	sbr.rel @p0 .LBB1_5-.Ltmp2, $1  }
0x35: {  	_ =	sdelay $0x3  }
0x36: {  	s17 =	sand.u32 $0x4000, s9  }
0x37: {  	s18 =	sor.u32 $0x70, s17  }
0x38: {  	v1 =	vmov s18;
	_ =	sdelay $0x1  }
0x39: {  	_ =	swait.ge [sflag:s4], $0x4000  }
0x3a: {  	[sflag:s4] =	ssyncset.done $0x0  }
0x3b: {  	s19 =	simm.s32 $0x0;
	[sflag:s4] =	ssyncadd.s32 $0xFFFFC000  }
0x3c: {  	s17 =	sor.u32 $0x8040, s17;
	v7 =	vld.idx.msk [tilespmem:v1+s19+$0x0 ss:$0x1], $0xffff  }
0x3d: {  	v0 =	vmov s17;
	v8 =	vld.idx.msk [tilespmem:v1+s19+$0xFFFFFF90 ss:$0x1], $0xffff  }
0x3e: {  	v6 =	vld.idx.msk [tilespmem:v1+s19+$0xFFFFFFA0 ss:$0x1], $0xffff  }
0x3f: {  	v4 =	vld.idx.msk [tilespmem:v1+s19+$0xFFFFFFB0 ss:$0x1], $0xffff  }
0x40: {  	v2 =	vld.idx.msk [tilespmem:v1+s19+$0xFFFFFFC0 ss:$0x1], $0xffff  }
0x41: {  	s31 =	sshll.u32 s13, $0xE;
	v3 =	vld.idx.msk [tilespmem:v1+s19+$0xFFFFFFD0 ss:$0x1], $0xffff  }
0x42: {  	s17 =	sand.u32 $0x4000, s31;
	v5 =	vld.idx.msk [tilespmem:v1+s19+$0xFFFFFFE0 ss:$0x1], $0xffff;
	[tilespmem:v0+s19+$0x30 ss:$0x1] =	vst.idx.msk $0xffff, v7  }
0x43: {  	s20 =	simm.s32 $0x400;
	s18 =	simm.s32 $0x80;
	s17 =	sor.u32 $0x8000, s17;
	[tilespmem:v0+s19+$0xFFFFFFC0 ss:$0x1] =	vst.idx.msk $0xffff, v8;
	v7 =	vld.idx.msk [tilespmem:v1+s19+$0xFFFFFFF0 ss:$0x1], $0xffff  }
.LBB1_3:
0x44: {  	p0 =	sne.s32 s20, $0xFE00;
	v8 =	vld.idx.msk [tilespmem:v1+s18+$0x0 ss:$0x1], $0xffff;
	[tilespmem:v0+s19+$0xFFFFFFD0 ss:$0x1] =	vst.idx.msk $0xffff, v6  }
0x45: {  	v9 =	vld.idx.msk [tilespmem:v1+s18+$0xFFFFFF90 ss:$0x1], $0xffff;
	[tilespmem:v0+s19+$0xFFFFFFE0 ss:$0x1] =	vst.idx.msk $0xffff, v4  }
0x46: {  	v6 =	vld.idx.msk [tilespmem:v1+s18+$0xFFFFFFA0 ss:$0x1], $0xffff;
	[tilespmem:v0+s19+$0xFFFFFFF0 ss:$0x1] =	vst.idx.msk $0xffff, v2  }
.Ltmp3:
0x47: {  	v4 =	vld.idx.msk [tilespmem:v1+s18+$0xFFFFFFB0 ss:$0x1], $0xffff;
	[tilespmem:v0+s19+$0x0 ss:$0x1] =	vst.idx.msk $0xffff, v3;
	(pc) =	sbr.rel @p0 .LBB1_3-.Ltmp3, $4  }
0x48: {  	v2 =	vld.idx.msk [tilespmem:v1+s18+$0xFFFFFFC0 ss:$0x1], $0xffff;
	[tilespmem:v0+s19+$0x10 ss:$0x1] =	vst.idx.msk $0xffff, v5  }
0x49: {  	v3 =	vld.idx.msk [tilespmem:v1+s18+$0xFFFFFFD0 ss:$0x1], $0xffff;
	[tilespmem:v0+s19+$0x20 ss:$0x1] =	vst.idx.msk $0xffff, v7;
	s19 =	smov.u32 s18  }
0x4a: {  	v5 =	vld.idx.msk [tilespmem:v1+s19+$0xFFFFFFE0 ss:$0x1], $0xffff;
	[tilespmem:v0+s19+$0x30 ss:$0x1] =	vst.idx.msk $0xffff, v8  }
0x4b: {  	s18 =	sshra.s32 s20, $0x2;
	s20 =	sadd.s32 $0x200, s20;
	[tilespmem:v0+s19+$0xFFFFFFC0 ss:$0x1] =	vst.idx.msk $0xffff, v9;
	v7 =	vld.idx.msk [tilespmem:v1+s19+$0xFFFFFFF0 ss:$0x1], $0xffff  }
.Ltmp4:
0x4c: {  	_ = 	snop;
	(pc) =	sbr.rel .LBB1_4-.Ltmp4, $1  }
0x4d: {  	_ =	sdelay $0x3  }
.LBB1_6:
0x4e: {  	_ =	sfence.sel $0x180000  }
0x4f: {  	s2 =	simm.s32 $0x1;
	[bflag:$0x0] =	sbarrier.arrive $0xFFFF  }
0x50: {  	s31 =	simm.s32 $0x2;
	[sflag:s2] =	ssyncpa.u1 $0x1  }
0x51: {  	[sflag:s31] =	ssyncpa.u1 $0x1  }
0x52: {  	p0 =	sne.s32 s0, $0x0;
	_ =	strace $0x90000056  }
0x53: {  	s0 =	sadd.s32 @!p0 $0x100000, s1;
	[bflag:$0x2] =	sbarrier.arrive $0xFFFF  }
0x54: {  	[sflag:s0] =	ssyncadd.tile.s32 @!p0 $0x1;
	_ =	shalt  }
.Lfunc_end1:
_tile_overlayer_lowered:
.L_overlay_start_2:
0x55: {  	(tag) =	ssettag $0x2  }
0x56: {  	s0 =	rddreg [dreg:$0x0];
	s2 =	stileid.u32  }
0x57: {  	s1 =	rddreg [dreg:$0x1];
	p0 =	sne.s32 s2, $0x0  }
0x58: {  	s3 =	rddreg [dreg:$0x2];
	[bflag:$0x3] =	sbarrier.arrive $0xFFFF;
	s2 =	simm.s32 @!p0 $0x1C01  }
0x59: {  	[timem:s3], [sflag:s2] =	dma.local @!p0 [hbm:s0], s1  }
0x5a: {  	s0 =	simm.s32 @!p0 $0x1  }
0x5b: {  	_ =	swait.ge @!p0 [sflag:s0], s1  }
0x5c: {  	s1 =	ssub.s32 @!p0 $0x0, s1;
	[sflag:s0] =	ssyncset.done @!p0 $0x0  }
0x5d: {  	[sflag:s0] =	ssyncadd.s32 @!p0 s1  }
0x5e: {  	[bflag:$0x3] =	sbarrier.arrive $0xFFFF  }
0x5f: {  	_ =	shalt  }

// kernel: sparse-core-data-format-call.2.cloned.1.call-start
scs
called_computation.2_lowered:
.L_overlay_start_0:
0x0: {  	s2 =	sld [smem:$0x3FD9]  }
0x1: {  	s3 =	sld [smem:$0x3FFE];
	_ =	sdelay $0x1  }
0x2: {  	s1 =	srdreg.scid  }
0x3: {  	s0 =	sand.u32 $0x1, s1  }
0x4: {  	s16 =	sshll.u32 s0, $0xA;
	s2 =	sadd.s32 s3, s2  }
0x5: {  	s2 =	sadd.s32 s2, s16  }
0x6: {  	[smem:$0x3FC2] =	sst s2  }
0x7: {  	_ = 	snop  }
0x8: {  	s2 =	sld [smem:$0x3FD0];
	_ =	sdelay $0x2  }
0x9: {  	s17 =	simm.s32 $0xE;
	s4 =	simm.s32 $0x10  }
0xa: {  	[smem:s4], [sflag:s17] =	dma.local [hbm:s2], $0x1  }
0xb: {  	_ =	swait.eq [sflag:s17], $0x1  }
0xc: {  	[sflag:s17] =	ssyncset.done $0x0  }
0xd: {  	[sflag:s17] =	ssyncadd.s32 $0xFFFFFFFF  }
0xe: {  	s18 =	sld [smem:$0x11];
	(tm) =	ssettm $0x1  }
0xf: {  	s19 =	sld [smem:$0x3FFB];
	_ =	sdelay $0x3  }
0x10: {  	_ =	strace s19  }
0x11: {  	s2 =	sld [smem:$0x3FFC];
	_ =	sdelay $0x3  }
0x12: {  	_ =	strace s2  }
0x13: {  	s2 =	sld [smem:$0x3FFD];
	_ =	sdelay $0x3  }
0x14: {  	_ =	strace s2  }
0x15: {  	_ =	strace $0x8FFFFFFF  }
0x16: {  	s20 =	sld [smem:$0x3FDB];
	_ =	sdelay $0x1  }
0x17: {  	s21 =	simm.s32 $_scs_section_size  }
0x18: {  	s5 =	simm.s32 $_size__tile_overlayer_lowered;
	s6 =	simm.s32 $_tile_overlayer_lowered  }
0x19: {  	s7 =	simm.s32 $0x1BFF;
	s22 =	sshll.u32 s6, $0x1;
	s4 =	sadd.s32 s21, s20  }
0x1a: {  	s23 =	simm.s32 $0x0;
	s5 =	sshll.u32 s5, $0x1;
	s6 =	sadd.s32 s22, s4  }
0x1b: {  	[timem:s23], [sflag:s7] =	dma.local [hbm:s6], s5  }
0x1c: {  	_ =	swait.ge [sflag:s7], s5  }
0x1d: {  	s5 =	ssub.s32 $0x0, s5;
	[sflag:s7] =	ssyncset.done $0x0  }
0x1e: {  	[sflag:s7] =	ssyncadd.s32 s5;
	_ =	sdelay $0x1  }
0x1f: {  	s24 =	simm.s32 $0x1B8B  }
0x20: {  	_ =	swait.ge [sflag:s24], $0x1  }
0x21: {  	[sflag:s24] =	ssyncset.done $0x0  }
0x22: {  	[sflag:s24] =	ssyncadd.s32 $0xFFFFFFFF  }
0x23: {  	s5 =	sld [smem:$0x0]  }
0x24: {  	s6 =	sand.u32 $0xFFFFFFFE, s1  }
0x25: {  	p0 =	sne.s32 s1, s6  }
0x26: {  	s6 =	sshll.u32 @p0 s6, $0xE  }
0x27: {  	s6 =	sadd.s32 @p0 $0x11B8D, s6;
	s7 =	sshll.u32 @p0 s5, $0x11  }
0x28: {  	s6 =	sor.u32 @p0 s7, s6  }
0x29: {  	[sflag:s6] =	ssyncadd.remote.s32 @p0 $0x1;
	_ =	sdelay $0x1  }
0x2a: {  	s6 =	simm.s32 @p0 $0x1B8D  }
0x2b: {  	_ =	swait.eq @p0 [sflag:s6], $0x1  }
0x2c: {  	[sflag:s6] =	ssyncadd.s32 @p0 $0xFFFFFFFF  }
0x2d: {  	s7 =	sshll.u32 @!p0 s1, $0xE  }
0x2e: {  	s7 =	sor.u32 @!p0 $0x4000, s7;
	s6 =	simm.s32 @!p0 $0x1B8D  }
0x2f: {  	s5 =	sshll.u32 @!p0 s5, $0x11;
	s7 =	sadd.s32 @!p0 $0x11B8D, s7;
	_ =	swait.eq @!p0 [sflag:s6], $0x1  }
0x30: {  	s5 =	sor.u32 @!p0 s5, s7;
	[sflag:s6] =	ssyncadd.s32 @!p0 $0xFFFFFFFF  }
0x31: {  	s26 =	simm.s32 $0x1B8E;
	s25 =	sld [smem:$0x3FFE];
	[sflag:s5] =	ssyncadd.remote.s32 @!p0 $0x1  }
0x32: {  	s27 =	simm.s32 $execute0_lowered;
	[smem:$0x3FD2] =	sst s26  }
0x33: {  	s6 =	sshll.u32 s27, $0x1;
	_ =	strace $0x80000058;
	[dreg:$0x1] =	wrdreg $0xFFFFFFFF  }
0x34: {  	s28 =	simm.s32 $_size_execute0_lowered;
	s4 =	sadd.s32 s4, s6;
	[dreg:$0x0] =	wrdreg $0x0  }
0x35: {  	s6 =	sshll.u32 s28, $0x1;
	[dreg:$0x2] =	wrdreg s4  }
0x36: {  	[dreg:$0x3] =	wrdreg s6  }
0x37: {  	[dreg:$0x4] =	wrdreg $0xC0  }
0x38: {  	_ =	task [dreg:s23], $0x5FFFF  }
0x39: {  	[dreg:$0x1] =	wrdreg $0xFFFFFFFF  }
0x3a: {  	[dreg:$0x0] =	wrdreg $0x60  }
0x3b: {  	[dreg:$0x2] =	wrdreg s25  }
0x3c: {  	[dreg:$0x3] =	wrdreg s18  }
0x3d: {  	[dreg:$0x4] =	wrdreg $0xC  }
0x3e: {  	_ =	task.clear_ibuf [dreg:s23], $0x5FFFF;
	_ =	strace $0x90000058  }
0x3f: {  	s29 =	simm.s32 $0xC;
	_ =	strace $0x8000005A  }
0x40: {  	_ =	swait.ge [sflag:s29], $0x1  }
0x41: {  	[sflag:s29] =	ssyncadd.s32 $0xFFFFFFFF  }
0x42: {  	_ =	strace $0x9000005A  }
0x43: {  	_ =	sfence  }
0x44: {  	s30 =	sld [smem:$0x0];
	_ =	sdelay $0x2  }
0x45: {  	s31 =	sshll.u32 s1, $0xD;
	s1 =	sshrl.u32 s1, $0x2  }
0x46: {  	s4 =	sand.u32 $0x4000, s31;
	s1 =	sadd.s32 s1, s30  }
0x47: {  	s0 =	sor.u32 s4, s0;
	s1 =	sshll.u32 s1, $0x11  }
0x48: {  	s0 =	sor.u32 s1, s0  }
0x49: {  	s0 =	sadd.s32 $0x8F2B, s0  }
0x4a: {  	[sflag:s0] =	ssyncadd.remote.s32 $0x1  }
0x4b: {  	_ =	sfence.sel $0xFFFF  }
0x4c: {  	[dreg:$0x0] =	wrdreg $0xFFFFFFFF;
	(pc) =	sbr.abs _section_cstart, $3  }
0x4d: {  	[dreg:$0x1] =	wrdreg $0xFFFFFFFF  }
0x4e: {  	_ =	task.clear_ibuf [dreg:s23], $0x2FFFF;
	_ =	strace $0x9FFFFFFF  }
0x4f: {  	(tm) =	ssettm $0x7FFFFFFF  }
tec
execute0_lowered:
.L_overlay_start_1:
0x0: {  	(tag) =	ssettag $0x1  }
0x1: {  	s0 =	srdreg.scid  }
0x2: {  	s1 =	sshll.u32 s0, $0x4  }
0x3: {  	s6 =	rddreg [dreg:$0x0];
	s0 =	stileid.u32;
	s1 =	sand.u32 $0x10, s1  }
0x4: {  	s3 =	rddreg [dreg:$0x1];
	s1 =	sor.u32 s0, s1  }
0x5: {  	s5 =	simm.s32 $0x1;
	s31 =	simm.s32 $0x2;
	s2 =	sshll.u32 s1, $0x7  }
0x6: {  	s14 =	simm.s32 $0x0;
	s8 =	simm.s32 $0x1000;
	s4 =	ssub.s32 $0x1000, s2  }
0x7: {  	s9 =	simm.s32 $0x0;
	s15 =	simm.s32 $0x0;
	s30 =	sand.u32 $0xF80, s4  }
0x8: {  	s16 =	simm.s32 $0x0;
	s10 =	simm.s32 $0x0;
	p0 =	sne.s32 s30, $0x0  }
.Ltmp0:
0x9: {  	s7 =	sshrl.u32 s4, $0xC;
	s5 =	simm.s32 @!p0 $0x0;
	(pc) =	sbr.rel .LBB1_1-.Ltmp0, $4  }
0xa: {  	s11 =	simm.s32 $0x0;
	s1 =	rddreg [dreg:$0x2];
	s5 =	sadd.s32 s5, s7  }
0xb: {  	_ =	strace $0x80000059;
	s4 =	simm.s32 $0x1;
	s5 =	smul.u32 $0x18, s5  }
0xc: {  	s13 =	simm.s32 $0x0;
	s6 =	sadd.s32 $0x3E00, s6;
	[sflag:s4] =	ssyncpa.u1 $0x0  }
0xd: {  	s12 =	smov.u32 s2;
	[sflag:s31] =	ssyncpa.u1 $0x0;
	s7 =	sor.u32 $0x1, s5  }
.LBB1_4:
0xe: {  	_ =	sdelay $0x3  }
0xf: {  	[tilespmem:v0+s19+$0xFFFFFFD0 ss:$0x1] =	vst.idx.msk $0xffff, v6  }
0x10: {  	v56 =	vld.idx.msk [tilespmem:v1+s18+$0x0 ss:$0x1], $0xffff;
	[tilespmem:v0+s19+$0xFFFFFFE0 ss:$0x1] =	vst.idx.msk $0xffff, v4  }
0x11: {  	v57 =	vld.idx.msk [tilespmem:v1+s18+$0xFFFFFF90 ss:$0x1], $0xffff;
	[tilespmem:v0+s19+$0xFFFFFFF0 ss:$0x1] =	vst.idx.msk $0xffff, v2  }
0x12: {  	v58 =	vld.idx.msk [tilespmem:v1+s18+$0xFFFFFFA0 ss:$0x1], $0xffff;
	[tilespmem:v0+s19+$0x0 ss:$0x1] =	vst.idx.msk $0xffff, v3  }
0x13: {  	v59 =	vld.idx.msk [tilespmem:v1+s18+$0xFFFFFFB0 ss:$0x1], $0xffff;
	[tilespmem:v0+s19+$0x10 ss:$0x1] =	vst.idx.msk $0xffff, v5  }
0x14: {  	v60 =	vld.idx.msk [tilespmem:v1+s18+$0xFFFFFFC0 ss:$0x1], $0xffff;
	[tilespmem:v0+s19+$0x20 ss:$0x1] =	vst.idx.msk $0xffff, v7  }
0x15: {  	v61 =	vld.idx.msk [tilespmem:v1+s18+$0xFFFFFFD0 ss:$0x1], $0xffff;
	s27 =	sshll.u32 s16, $0x9;
	[tilespmem:v0+s18+$0x30 ss:$0x1] =	vst.idx.msk $0xffff, v56  }
0x16: {  	s20 =	sshll.u32 s14, $0x3;
	v62 =	vld.idx.msk [tilespmem:v1+s18+$0xFFFFFFE0 ss:$0x1], $0xffff;
	s28 =	sshll.u32 s16, $0x7;
	s30 =	sand.u32 $0x78, s14;
	[tilespmem:v0+s18+$0xFFFFFFC0 ss:$0x1] =	vst.idx.msk $0xffff, v57  }
0x17: {  	v63 =	vld.idx.msk [tilespmem:v1+s18+$0xFFFFFFF0 ss:$0x1], $0xffff;
	s15 =	sshll.u32 s15, $0x12;
	s19 =	sand.u32 $0x1FF000, s27;
	s20 =	sand.u32 $0x1FFC00, s20;
	[tilespmem:v0+s18+$0xFFFFFFD0 ss:$0x1] =	vst.idx.msk $0xffff, v58  }
0x18: {  	s29 =	sand.u32 $0x200, s28;
	s16 =	sand.u32 $0x180, s28;
	s19 =	sadd.s32 s19, s20;
	[tilespmem:v0+s18+$0xFFFFFFE0 ss:$0x1] =	vst.idx.msk $0xffff, v59  }
0x19: {  	s31 =	sand.u32 $0x7, s14;
	s16 =	sor.u32 s16, s30;
	s19 =	sor.u32 s29, s19;
	[tilespmem:v0+s18+$0xFFFFFFF0 ss:$0x1] =	vst.idx.msk $0xffff, v60  }
0x1a: {  	s15 =	sadd.s32 s3, s15;
	s16 =	sshrl.u32 s16, $0x3;
	s19 =	sshrl.u32 s19, $0x3;
	[tilespmem:v0+s18+$0x0 ss:$0x1] =	vst.idx.msk $0xffff, v61  }
0x1b: {  	s14 =	sshll.u32 s31, $0x12;
	s15 =	sadd.s32 s16, s15;
	[tilespmem:v0+s18+$0x10 ss:$0x1] =	vst.idx.msk $0xffff, v62;
	s19 =	sand.u32 $0x3FFC0, s19  }
0x1c: {  	s14 =	sor.u32 $0x400, s14;
	[tilespmem:v0+s18+$0x20 ss:$0x1] =	vst.idx.msk $0xffff, v63;
	s15 =	sadd.s32 s19, s15  }
0x1d: {  	[hbm4b:s15+s14] =	stream.strided.scatter [tilespmem:s17], [sflag:$0x2], $0x4000, s8, s14, $0x38;
	[tilespmem:$0x10000] =	vst v63  }
.LBB1_5:
0x1e: {  	s17 =	sadd.s32 $0x80, s10  }
0x1f: {  	s14 =	simm.s32 $0x1;
	p1 =	sgt.s32 s17, $0x1FE  }
0x20: {  	s14 =	simm.s32 @!p1 $0x0  }
0x21: {  	s18 =	sadd.s32 s14, s11  }
0x22: {  	s20 =	smov.u32 s12;
	s14 =	sadd.s32 $0x1000, s12;
	p2 =	sgt.s32 s18, $0x5  }
0x23: {  	s20 =	smov.u32 @p2 s14  }
0x24: {  	p0 =	slt.u32 s13, $0x2;
	s17 =	simm.s32 @p1 $0x0;
	p1 =	sgt.s32 s20, $0xFFF  }
0x25: {  	s19 =	simm.s32 @!p0 $0x2;
	s20 =	smov.u32 @p1 s2;
	p1 =	sne.s32 s13, s7  }
.Ltmp1:
0x26: {  	_ =	swait.ge @!p0 [sflag:s19], $0x4000;
	(pc) =	sbr.rel @!p1 .LBB1_6-.Ltmp1, $4  }
0x27: {  	s15 =	smov.u32 s11;
	[sflag:s19] =	ssyncset.done @!p0 $0x0  }
0x28: {  	s16 =	smov.u32 s12;
	s9 =	sadd.s32 $0x4000, s9;
	[sflag:s19] =	ssyncadd.s32 @!p0 $0xFFFFC000  }
0x29: {  	s18 =	simm.s32 @p2 $0x0;
	s14 =	smov.u32 s10;
	s10 =	smov.u32 s17  }
0x2a: {  	s11 =	smov.u32 s18;
	s13 =	sadd.s32 $0x1, s13;
	s12 =	smov.u32 s20  }
.LBB1_1:
0x2b: {  	p0 =	sge.u32 s13, s5;
	s31 =	sadd.s32 $0xFFFFFFFF, s13  }
0x2c: {  	s17 =	sxor.u32 @!p0 $0xFFFFFFFF, s13;
	s18 =	sshll.u32 @!p0 s11, $0x7;
	s19 =	sand.u32 @!p0 $0x78, s10  }
0x2d: {  	s20 =	sshll.u32 @!p0 s10, $0x3;
	s17 =	sshll.u32 @!p0 s17, $0xE;
	s18 =	sand.u32 @!p0 $0x380, s18  }
0x2e: {  	s20 =	sand.u32 @!p0 $0xC00, s20;
	s17 =	sand.u32 @!p0 $0x4000, s17;
	s18 =	sor.u32 @!p0 s19, s18  }
0x2f: {  	s19 =	sshll.u32 @!p0 s12, $0x9;
	s18 =	sor.u32 @!p0 s20, s18;
	s20 =	sand.u32 @!p0 $0x7, s10  }
0x30: {  	s19 =	sadd.s32 @!p0 s6, s19;
	s18 =	sshrl.u32 @!p0 s18, $0x3;
	s20 =	sshll.u32 @!p0 s20, $0x12  }
0x31: {  	s18 =	sadd.s32 @!p0 s18, s19;
	s19 =	sor.u32 @!p0 $0x80, s20;
	s20 =	simm.s32 @!p0 $0x1000  }
0x32: {  	[tilespmem:s17], [sflag:$0x1] =	stream.strided.gather @!p0 [hbm4b:s18+s19], $0x4000, s20, s19, $0x38;
	[tilespmem:$0x10000] =	vst v63  }
0x33: {  	p0 =	sge.u32 s31, s5  }
.Ltmp2:
0x34: {  	_ = 	snop;
	(pc) =	sbr.rel @p0 .LBB1_5-.Ltmp2, $1  }
0x35: {  	_ =	sdelay $0x3  }
0x36: {  	s17 =	sand.u32 $0x4000, s9  }
0x37: {  	s18 =	sor.u32 $0x70, s17  }
0x38: {  	v1 =	vmov s18;
	_ =	sdelay $0x1  }
0x39: {  	_ =	swait.ge [sflag:s4], $0x4000  }
0x3a: {  	[sflag:s4] =	ssyncset.done $0x0  }
0x3b: {  	s19 =	simm.s32 $0x0;
	[sflag:s4] =	ssyncadd.s32 $0xFFFFC000  }
0x3c: {  	s17 =	sor.u32 $0x8040, s17;
	v7 =	vld.idx.msk [tilespmem:v1+s19+$0x0 ss:$0x1], $0xffff  }
0x3d: {  	v0 =	vmov s17;
	v8 =	vld.idx.msk [tilespmem:v1+s19+$0xFFFFFF90 ss:$0x1], $0xffff  }
0x3e: {  	v6 =	vld.idx.msk [tilespmem:v1+s19+$0xFFFFFFA0 ss:$0x1], $0xffff  }
0x3f: {  	v4 =	vld.idx.msk [tilespmem:v1+s19+$0xFFFFFFB0 ss:$0x1], $0xffff  }
0x40: {  	v2 =	vld.idx.msk [tilespmem:v1+s19+$0xFFFFFFC0 ss:$0x1], $0xffff  }
0x41: {  	s31 =	sshll.u32 s13, $0xE;
	v3 =	vld.idx.msk [tilespmem:v1+s19+$0xFFFFFFD0 ss:$0x1], $0xffff  }
0x42: {  	s17 =	sand.u32 $0x4000, s31;
	v5 =	vld.idx.msk [tilespmem:v1+s19+$0xFFFFFFE0 ss:$0x1], $0xffff;
	[tilespmem:v0+s19+$0x30 ss:$0x1] =	vst.idx.msk $0xffff, v7  }
0x43: {  	s20 =	simm.s32 $0x400;
	s18 =	simm.s32 $0x80;
	s17 =	sor.u32 $0x8000, s17;
	[tilespmem:v0+s19+$0xFFFFFFC0 ss:$0x1] =	vst.idx.msk $0xffff, v8;
	v7 =	vld.idx.msk [tilespmem:v1+s19+$0xFFFFFFF0 ss:$0x1], $0xffff  }
.LBB1_3:
0x44: {  	p0 =	sne.s32 s20, $0xFE00;
	v8 =	vld.idx.msk [tilespmem:v1+s18+$0x0 ss:$0x1], $0xffff;
	[tilespmem:v0+s19+$0xFFFFFFD0 ss:$0x1] =	vst.idx.msk $0xffff, v6  }
0x45: {  	v9 =	vld.idx.msk [tilespmem:v1+s18+$0xFFFFFF90 ss:$0x1], $0xffff;
	[tilespmem:v0+s19+$0xFFFFFFE0 ss:$0x1] =	vst.idx.msk $0xffff, v4  }
0x46: {  	v6 =	vld.idx.msk [tilespmem:v1+s18+$0xFFFFFFA0 ss:$0x1], $0xffff;
	[tilespmem:v0+s19+$0xFFFFFFF0 ss:$0x1] =	vst.idx.msk $0xffff, v2  }
.Ltmp3:
0x47: {  	v4 =	vld.idx.msk [tilespmem:v1+s18+$0xFFFFFFB0 ss:$0x1], $0xffff;
	[tilespmem:v0+s19+$0x0 ss:$0x1] =	vst.idx.msk $0xffff, v3;
	(pc) =	sbr.rel @p0 .LBB1_3-.Ltmp3, $4  }
0x48: {  	v2 =	vld.idx.msk [tilespmem:v1+s18+$0xFFFFFFC0 ss:$0x1], $0xffff;
	[tilespmem:v0+s19+$0x10 ss:$0x1] =	vst.idx.msk $0xffff, v5  }
0x49: {  	v3 =	vld.idx.msk [tilespmem:v1+s18+$0xFFFFFFD0 ss:$0x1], $0xffff;
	[tilespmem:v0+s19+$0x20 ss:$0x1] =	vst.idx.msk $0xffff, v7;
	s19 =	smov.u32 s18  }
0x4a: {  	v5 =	vld.idx.msk [tilespmem:v1+s19+$0xFFFFFFE0 ss:$0x1], $0xffff;
	[tilespmem:v0+s19+$0x30 ss:$0x1] =	vst.idx.msk $0xffff, v8  }
0x4b: {  	s18 =	sshra.s32 s20, $0x2;
	s20 =	sadd.s32 $0x200, s20;
	[tilespmem:v0+s19+$0xFFFFFFC0 ss:$0x1] =	vst.idx.msk $0xffff, v9;
	v7 =	vld.idx.msk [tilespmem:v1+s19+$0xFFFFFFF0 ss:$0x1], $0xffff  }
.Ltmp4:
0x4c: {  	_ = 	snop;
	(pc) =	sbr.rel .LBB1_4-.Ltmp4, $1  }
0x4d: {  	_ =	sdelay $0x3  }
.LBB1_6:
0x4e: {  	_ =	sfence.sel $0x180000  }
0x4f: {  	s2 =	simm.s32 $0x1;
	[bflag:$0x0] =	sbarrier.arrive $0xFFFF  }
0x50: {  	s31 =	simm.s32 $0x2;
	[sflag:s2] =	ssyncpa.u1 $0x1  }
0x51: {  	[sflag:s31] =	ssyncpa.u1 $0x1  }
0x52: {  	p0 =	sne.s32 s0, $0x0;
	_ =	strace $0x90000059  }
0x53: {  	s0 =	sadd.s32 @!p0 $0x100000, s1;
	[bflag:$0x2] =	sbarrier.arrive $0xFFFF  }
0x54: {  	[sflag:s0] =	ssyncadd.tile.s32 @!p0 $0x1;
	_ =	shalt  }
.Lfunc_end1:
_tile_overlayer_lowered:
.L_overlay_start_2:
0x55: {  	(tag) =	ssettag $0x2  }
0x56: {  	s0 =	rddreg [dreg:$0x0];
	s2 =	stileid.u32  }
0x57: {  	s1 =	rddreg [dreg:$0x1];
	p0 =	sne.s32 s2, $0x0  }
0x58: {  	s3 =	rddreg [dreg:$0x2];
	[bflag:$0x3] =	sbarrier.arrive $0xFFFF;
	s2 =	simm.s32 @!p0 $0x1C01  }
0x59: {  	[timem:s3], [sflag:s2] =	dma.local @!p0 [hbm:s0], s1  }
0x5a: {  	s0 =	simm.s32 @!p0 $0x1  }
0x5b: {  	_ =	swait.ge @!p0 [sflag:s0], s1  }
0x5c: {  	s1 =	ssub.s32 @!p0 $0x0, s1;
	[sflag:s0] =	ssyncset.done @!p0 $0x0  }
0x5d: {  	[sflag:s0] =	ssyncadd.s32 @!p0 s1  }
0x5e: {  	[bflag:$0x3] =	sbarrier.arrive $0xFFFF  }
0x5f: {  	_ =	shalt  }

// kernel: sparse-core-data-format-call.3.cloned.1.call-start
scs
called_computation.3_lowered:
.L_overlay_start_0:
0x0: {  	s2 =	sld [smem:$0x3FD9]  }
0x1: {  	s3 =	sld [smem:$0x3FFE];
	_ =	sdelay $0x1  }
0x2: {  	s1 =	srdreg.scid  }
0x3: {  	s0 =	sand.u32 $0x1, s1  }
0x4: {  	s16 =	sshll.u32 s0, $0xA;
	s2 =	sadd.s32 s3, s2  }
0x5: {  	s2 =	sadd.s32 s2, s16  }
0x6: {  	[smem:$0x3FC2] =	sst s2  }
0x7: {  	_ = 	snop  }
0x8: {  	s2 =	sld [smem:$0x3FD0];
	_ =	sdelay $0x2  }
0x9: {  	s17 =	simm.s32 $0xE;
	s4 =	simm.s32 $0x10  }
0xa: {  	[smem:s4], [sflag:s17] =	dma.local [hbm:s2], $0x1  }
0xb: {  	_ =	swait.eq [sflag:s17], $0x1  }
0xc: {  	[sflag:s17] =	ssyncset.done $0x0  }
0xd: {  	[sflag:s17] =	ssyncadd.s32 $0xFFFFFFFF  }
0xe: {  	s18 =	sld [smem:$0x10];
	(tm) =	ssettm $0x1  }
0xf: {  	s19 =	sld [smem:$0x3FFB];
	_ =	sdelay $0x3  }
0x10: {  	_ =	strace s19  }
0x11: {  	s2 =	sld [smem:$0x3FFC];
	_ =	sdelay $0x3  }
0x12: {  	_ =	strace s2  }
0x13: {  	s2 =	sld [smem:$0x3FFD];
	_ =	sdelay $0x3  }
0x14: {  	_ =	strace s2  }
0x15: {  	_ =	strace $0x8FFFFFFF  }
0x16: {  	s20 =	sld [smem:$0x3FDB];
	_ =	sdelay $0x1  }
0x17: {  	s21 =	simm.s32 $_scs_section_size  }
0x18: {  	s5 =	simm.s32 $_size__tile_overlayer_lowered;
	s6 =	simm.s32 $_tile_overlayer_lowered  }
0x19: {  	s7 =	simm.s32 $0x1BFF;
	s22 =	sshll.u32 s6, $0x1;
	s4 =	sadd.s32 s21, s20  }
0x1a: {  	s23 =	simm.s32 $0x0;
	s5 =	sshll.u32 s5, $0x1;
	s6 =	sadd.s32 s22, s4  }
0x1b: {  	[timem:s23], [sflag:s7] =	dma.local [hbm:s6], s5  }
0x1c: {  	_ =	swait.ge [sflag:s7], s5  }
0x1d: {  	s5 =	ssub.s32 $0x0, s5;
	[sflag:s7] =	ssyncset.done $0x0  }
0x1e: {  	[sflag:s7] =	ssyncadd.s32 s5;
	_ =	sdelay $0x1  }
0x1f: {  	s24 =	simm.s32 $0x1B8B  }
0x20: {  	_ =	swait.ge [sflag:s24], $0x1  }
0x21: {  	[sflag:s24] =	ssyncset.done $0x0  }
0x22: {  	[sflag:s24] =	ssyncadd.s32 $0xFFFFFFFF  }
0x23: {  	s5 =	sld [smem:$0x0]  }
0x24: {  	s6 =	sand.u32 $0xFFFFFFFE, s1  }
0x25: {  	p0 =	sne.s32 s1, s6  }
0x26: {  	s6 =	sshll.u32 @p0 s6, $0xE  }
0x27: {  	s6 =	sadd.s32 @p0 $0x11B8D, s6;
	s7 =	sshll.u32 @p0 s5, $0x11  }
0x28: {  	s6 =	sor.u32 @p0 s7, s6  }
0x29: {  	[sflag:s6] =	ssyncadd.remote.s32 @p0 $0x1;
	_ =	sdelay $0x1  }
0x2a: {  	s6 =	simm.s32 @p0 $0x1B8D  }
0x2b: {  	_ =	swait.eq @p0 [sflag:s6], $0x1  }
0x2c: {  	[sflag:s6] =	ssyncadd.s32 @p0 $0xFFFFFFFF  }
0x2d: {  	s7 =	sshll.u32 @!p0 s1, $0xE  }
0x2e: {  	s7 =	sor.u32 @!p0 $0x4000, s7;
	s6 =	simm.s32 @!p0 $0x1B8D  }
0x2f: {  	s5 =	sshll.u32 @!p0 s5, $0x11;
	s7 =	sadd.s32 @!p0 $0x11B8D, s7;
	_ =	swait.eq @!p0 [sflag:s6], $0x1  }
0x30: {  	s5 =	sor.u32 @!p0 s5, s7;
	[sflag:s6] =	ssyncadd.s32 @!p0 $0xFFFFFFFF  }
0x31: {  	s26 =	simm.s32 $0x1B8E;
	s25 =	sld [smem:$0x3FFE];
	[sflag:s5] =	ssyncadd.remote.s32 @!p0 $0x1  }
0x32: {  	s27 =	simm.s32 $execute0_lowered;
	[smem:$0x3FD2] =	sst s26  }
0x33: {  	s6 =	sshll.u32 s27, $0x1;
	_ =	strace $0x8000005E;
	[dreg:$0x1] =	wrdreg $0xFFFFFFFF  }
0x34: {  	s28 =	simm.s32 $_size_execute0_lowered;
	s4 =	sadd.s32 s4, s6;
	[dreg:$0x0] =	wrdreg $0x0  }
0x35: {  	s6 =	sshll.u32 s28, $0x1;
	[dreg:$0x2] =	wrdreg s4  }
0x36: {  	[dreg:$0x3] =	wrdreg s6  }
0x37: {  	[dreg:$0x4] =	wrdreg $0xC0  }
0x38: {  	_ =	task [dreg:s23], $0x5FFFF  }
0x39: {  	[dreg:$0x1] =	wrdreg $0xFFFFFFFF  }
0x3a: {  	[dreg:$0x0] =	wrdreg $0x60  }
0x3b: {  	[dreg:$0x2] =	wrdreg s25  }
0x3c: {  	[dreg:$0x3] =	wrdreg s18  }
0x3d: {  	[dreg:$0x4] =	wrdreg $0xB  }
0x3e: {  	_ =	task.clear_ibuf [dreg:s23], $0x5FFFF;
	_ =	strace $0x9000005E  }
0x3f: {  	s29 =	simm.s32 $0xB;
	_ =	strace $0x80000060  }
0x40: {  	_ =	swait.ge [sflag:s29], $0x1  }
0x41: {  	[sflag:s29] =	ssyncadd.s32 $0xFFFFFFFF  }
0x42: {  	_ =	strace $0x90000060  }
0x43: {  	_ =	sfence  }
0x44: {  	s30 =	sld [smem:$0x0];
	_ =	sdelay $0x2  }
0x45: {  	s31 =	sshll.u32 s1, $0xD;
	s1 =	sshrl.u32 s1, $0x2  }
0x46: {  	s4 =	sand.u32 $0x4000, s31;
	s1 =	sadd.s32 s1, s30  }
0x47: {  	s0 =	sor.u32 s4, s0;
	s1 =	sshll.u32 s1, $0x11  }
0x48: {  	s0 =	sor.u32 s1, s0  }
0x49: {  	s0 =	sadd.s32 $0x8F2B, s0  }
0x4a: {  	[sflag:s0] =	ssyncadd.remote.s32 $0x1  }
0x4b: {  	_ =	sfence.sel $0xFFFF  }
0x4c: {  	[dreg:$0x0] =	wrdreg $0xFFFFFFFF;
	(pc) =	sbr.abs _section_cstart, $3  }
0x4d: {  	[dreg:$0x1] =	wrdreg $0xFFFFFFFF  }
0x4e: {  	_ =	task.clear_ibuf [dreg:s23], $0x2FFFF;
	_ =	strace $0x9FFFFFFF  }
0x4f: {  	(tm) =	ssettm $0x7FFFFFFF  }
tec
execute0_lowered:
.L_overlay_start_1:
0x0: {  	(tag) =	ssettag $0x1  }
0x1: {  	s0 =	srdreg.scid  }
0x2: {  	s1 =	sshll.u32 s0, $0x4  }
0x3: {  	s6 =	rddreg [dreg:$0x0];
	s0 =	stileid.u32;
	s1 =	sand.u32 $0x10, s1  }
0x4: {  	s3 =	rddreg [dreg:$0x1];
	s1 =	sor.u32 s0, s1  }
0x5: {  	s5 =	simm.s32 $0x1;
	s31 =	simm.s32 $0x2;
	s2 =	sshll.u32 s1, $0x7  }
0x6: {  	s14 =	simm.s32 $0x0;
	s8 =	simm.s32 $0x4000;
	s4 =	ssub.s32 $0x1000, s2  }
0x7: {  	s9 =	simm.s32 $0x0;
	s15 =	simm.s32 $0x0;
	s30 =	sand.u32 $0xF80, s4  }
0x8: {  	s16 =	simm.s32 $0x0;
	s10 =	simm.s32 $0x0;
	p0 =	sne.s32 s30, $0x0  }
.Ltmp0:
0x9: {  	s7 =	sshrl.u32 s4, $0xC;
	s5 =	simm.s32 @!p0 $0x0;
	(pc) =	sbr.rel .LBB1_1-.Ltmp0, $4  }
0xa: {  	s11 =	simm.s32 $0x0;
	s1 =	rddreg [dreg:$0x2];
	s5 =	sadd.s32 s5, s7  }
0xb: {  	_ =	strace $0x8000005F;
	s4 =	simm.s32 $0x1;
	s5 =	smul.u32 $0x60, s5  }
0xc: {  	s13 =	simm.s32 $0x0;
	s6 =	sadd.s32 $0x10C5600, s6;
	[sflag:s4] =	ssyncpa.u1 $0x0  }
0xd: {  	s12 =	smov.u32 s2;
	[sflag:s31] =	ssyncpa.u1 $0x0;
	s7 =	sor.u32 $0x1, s5  }
.LBB1_4:
0xe: {  	_ =	sdelay $0x3  }
0xf: {  	[tilespmem:v0+s19+$0xFFFFFFD0 ss:$0x1] =	vst.idx.msk $0xffff, v6  }
0x10: {  	v56 =	vld.idx.msk [tilespmem:v1+s18+$0x0 ss:$0x1], $0xffff;
	[tilespmem:v0+s19+$0xFFFFFFE0 ss:$0x1] =	vst.idx.msk $0xffff, v4  }
0x11: {  	v57 =	vld.idx.msk [tilespmem:v1+s18+$0xFFFFFF90 ss:$0x1], $0xffff;
	[tilespmem:v0+s19+$0xFFFFFFF0 ss:$0x1] =	vst.idx.msk $0xffff, v2  }
0x12: {  	v58 =	vld.idx.msk [tilespmem:v1+s18+$0xFFFFFFA0 ss:$0x1], $0xffff;
	[tilespmem:v0+s19+$0x0 ss:$0x1] =	vst.idx.msk $0xffff, v3  }
0x13: {  	v59 =	vld.idx.msk [tilespmem:v1+s18+$0xFFFFFFB0 ss:$0x1], $0xffff;
	[tilespmem:v0+s19+$0x10 ss:$0x1] =	vst.idx.msk $0xffff, v5  }
0x14: {  	v60 =	vld.idx.msk [tilespmem:v1+s18+$0xFFFFFFC0 ss:$0x1], $0xffff;
	[tilespmem:v0+s19+$0x20 ss:$0x1] =	vst.idx.msk $0xffff, v7  }
0x15: {  	v61 =	vld.idx.msk [tilespmem:v1+s18+$0xFFFFFFD0 ss:$0x1], $0xffff;
	[tilespmem:v0+s18+$0x30 ss:$0x1] =	vst.idx.msk $0xffff, v56  }
0x16: {  	v62 =	vld.idx.msk [tilespmem:v1+s18+$0xFFFFFFE0 ss:$0x1], $0xffff;
	s27 =	sand.u32 $0x78, s14;
	s20 =	sshll.u32 s16, $0xB;
	s28 =	sshll.u32 s16, $0x7;
	[tilespmem:v0+s18+$0xFFFFFFC0 ss:$0x1] =	vst.idx.msk $0xffff, v57  }
0x17: {  	v63 =	vld.idx.msk [tilespmem:v1+s18+$0xFFFFFFF0 ss:$0x1], $0xffff;
	s21 =	sshll.u32 s14, $0x3;
	s15 =	sshll.u32 s15, $0x14;
	s20 =	sand.u32 $0x7FC000, s20;
	[tilespmem:v0+s18+$0xFFFFFFD0 ss:$0x1] =	vst.idx.msk $0xffff, v58  }
0x18: {  	s31 =	sand.u32 $0x7, s14;
	s16 =	sand.u32 $0x380, s28;
	s29 =	sadd.s32 s20, s21;
	[tilespmem:v0+s18+$0xFFFFFFE0 ss:$0x1] =	vst.idx.msk $0xffff, v59  }
0x19: {  	s30 =	sand.u32 $0x400, s21;
	s16 =	sor.u32 s16, s27;
	s19 =	sshrl.u32 s29, $0x3;
	[tilespmem:v0+s18+$0xFFFFFFF0 ss:$0x1] =	vst.idx.msk $0xffff, v60  }
0x1a: {  	s15 =	sadd.s32 s3, s15;
	s16 =	sor.u32 s30, s16;
	s19 =	sand.u32 $0xFFF00, s19;
	[tilespmem:v0+s18+$0x0 ss:$0x1] =	vst.idx.msk $0xffff, v61  }
0x1b: {  	s14 =	sshll.u32 s31, $0x12;
	s16 =	sshrl.u32 s16, $0x3;
	[tilespmem:v0+s18+$0x10 ss:$0x1] =	vst.idx.msk $0xffff, v62;
	s15 =	sadd.s32 s19, s15  }
0x1c: {  	s14 =	sor.u32 $0x400, s14;
	[tilespmem:v0+s18+$0x20 ss:$0x1] =	vst.idx.msk $0xffff, v63;
	s15 =	sadd.s32 s16, s15  }
0x1d: {  	[hbm4b:s15+s14] =	stream.strided.scatter [tilespmem:s17], [sflag:$0x2], $0x4000, s8, s14, $0x38;
	[tilespmem:$0x10000] =	vst v63  }
.LBB1_5:
0x1e: {  	s17 =	sadd.s32 $0x80, s10  }
0x1f: {  	s14 =	simm.s32 $0x1;
	p1 =	sgt.s32 s17, $0x7FE  }
0x20: {  	s14 =	simm.s32 @!p1 $0x0  }
0x21: {  	s18 =	sadd.s32 s14, s11  }
0x22: {  	s20 =	smov.u32 s12;
	s14 =	sadd.s32 $0x1000, s12;
	p2 =	sgt.s32 s18, $0x5  }
0x23: {  	s20 =	smov.u32 @p2 s14  }
0x24: {  	p0 =	slt.u32 s13, $0x2;
	s17 =	simm.s32 @p1 $0x0;
	p1 =	sgt.s32 s20, $0xFFF  }
0x25: {  	s19 =	simm.s32 @!p0 $0x2;
	s20 =	smov.u32 @p1 s2;
	p1 =	sne.s32 s13, s7  }
.Ltmp1:
0x26: {  	_ =	swait.ge @!p0 [sflag:s19], $0x4000;
	(pc) =	sbr.rel @!p1 .LBB1_6-.Ltmp1, $4  }
0x27: {  	s15 =	smov.u32 s11;
	[sflag:s19] =	ssyncset.done @!p0 $0x0  }
0x28: {  	s16 =	smov.u32 s12;
	s9 =	sadd.s32 $0x4000, s9;
	[sflag:s19] =	ssyncadd.s32 @!p0 $0xFFFFC000  }
0x29: {  	s18 =	simm.s32 @p2 $0x0;
	s14 =	smov.u32 s10;
	s10 =	smov.u32 s17  }
0x2a: {  	s11 =	smov.u32 s18;
	s13 =	sadd.s32 $0x1, s13;
	s12 =	smov.u32 s20  }
.LBB1_1:
0x2b: {  	p0 =	sge.u32 s13, s5  }
0x2c: {  	s31 =	sadd.s32 $0xFFFFFFFF, s13;
	s17 =	sxor.u32 @!p0 $0xFFFFFFFF, s13;
	s18 =	sshll.u32 @!p0 s11, $0x7  }
0x2d: {  	s19 =	sand.u32 @!p0 $0x78, s10;
	s20 =	sshll.u32 @!p0 s10, $0x3;
	s18 =	sand.u32 @!p0 $0x380, s18  }
0x2e: {  	s20 =	sand.u32 @!p0 $0x400, s20;
	s18 =	sor.u32 @!p0 s18, s19;
	s19 =	sshll.u32 @!p0 s12, $0xB  }
0x2f: {  	s18 =	sor.u32 @!p0 s20, s18;
	s20 =	sand.u32 @!p0 $0x700, s10;
	s19 =	sadd.s32 @!p0 s6, s19  }
0x30: {  	s17 =	sshll.u32 @!p0 s17, $0xE;
	s19 =	sadd.s32 @!p0 s20, s19;
	s20 =	sand.u32 @!p0 $0x7, s10  }
0x31: {  	s17 =	sand.u32 @!p0 $0x4000, s17;
	s18 =	sshrl.u32 @!p0 s18, $0x3;
	s20 =	sshll.u32 @!p0 s20, $0x12  }
0x32: {  	s18 =	sadd.s32 @!p0 s18, s19;
	s19 =	sor.u32 @!p0 $0x80, s20;
	s20 =	simm.s32 @!p0 $0x4000  }
0x33: {  	[tilespmem:s17], [sflag:$0x1] =	stream.strided.gather @!p0 [hbm4b:s18+s19], $0x4000, s20, s19, $0x38;
	[tilespmem:$0x10000] =	vst v63  }
0x34: {  	p0 =	sge.u32 s31, s5  }
.Ltmp2:
0x35: {  	_ = 	snop;
	(pc) =	sbr.rel @p0 .LBB1_5-.Ltmp2, $1  }
0x36: {  	_ =	sdelay $0x3  }
0x37: {  	s17 =	sand.u32 $0x4000, s9  }
0x38: {  	s18 =	sor.u32 $0x70, s17  }
0x39: {  	v1 =	vmov s18;
	_ =	sdelay $0x1  }
0x3a: {  	_ =	swait.ge [sflag:s4], $0x4000  }
0x3b: {  	[sflag:s4] =	ssyncset.done $0x0  }
0x3c: {  	s19 =	simm.s32 $0x0;
	[sflag:s4] =	ssyncadd.s32 $0xFFFFC000  }
0x3d: {  	s17 =	sor.u32 $0x8040, s17;
	v7 =	vld.idx.msk [tilespmem:v1+s19+$0x0 ss:$0x1], $0xffff  }
0x3e: {  	v0 =	vmov s17;
	v8 =	vld.idx.msk [tilespmem:v1+s19+$0xFFFFFF90 ss:$0x1], $0xffff  }
0x3f: {  	v6 =	vld.idx.msk [tilespmem:v1+s19+$0xFFFFFFA0 ss:$0x1], $0xffff  }
0x40: {  	v4 =	vld.idx.msk [tilespmem:v1+s19+$0xFFFFFFB0 ss:$0x1], $0xffff  }
0x41: {  	v2 =	vld.idx.msk [tilespmem:v1+s19+$0xFFFFFFC0 ss:$0x1], $0xffff  }
0x42: {  	s31 =	sshll.u32 s13, $0xE;
	v3 =	vld.idx.msk [tilespmem:v1+s19+$0xFFFFFFD0 ss:$0x1], $0xffff  }
0x43: {  	s17 =	sand.u32 $0x4000, s31;
	v5 =	vld.idx.msk [tilespmem:v1+s19+$0xFFFFFFE0 ss:$0x1], $0xffff;
	[tilespmem:v0+s19+$0x30 ss:$0x1] =	vst.idx.msk $0xffff, v7  }
0x44: {  	s20 =	simm.s32 $0x400;
	s18 =	simm.s32 $0x80;
	s17 =	sor.u32 $0x8000, s17;
	[tilespmem:v0+s19+$0xFFFFFFC0 ss:$0x1] =	vst.idx.msk $0xffff, v8;
	v7 =	vld.idx.msk [tilespmem:v1+s19+$0xFFFFFFF0 ss:$0x1], $0xffff  }
.LBB1_3:
0x45: {  	p0 =	sne.s32 s20, $0xFE00;
	v8 =	vld.idx.msk [tilespmem:v1+s18+$0x0 ss:$0x1], $0xffff;
	[tilespmem:v0+s19+$0xFFFFFFD0 ss:$0x1] =	vst.idx.msk $0xffff, v6  }
0x46: {  	v9 =	vld.idx.msk [tilespmem:v1+s18+$0xFFFFFF90 ss:$0x1], $0xffff;
	[tilespmem:v0+s19+$0xFFFFFFE0 ss:$0x1] =	vst.idx.msk $0xffff, v4  }
0x47: {  	v6 =	vld.idx.msk [tilespmem:v1+s18+$0xFFFFFFA0 ss:$0x1], $0xffff;
	[tilespmem:v0+s19+$0xFFFFFFF0 ss:$0x1] =	vst.idx.msk $0xffff, v2  }
.Ltmp3:
0x48: {  	v4 =	vld.idx.msk [tilespmem:v1+s18+$0xFFFFFFB0 ss:$0x1], $0xffff;
	[tilespmem:v0+s19+$0x0 ss:$0x1] =	vst.idx.msk $0xffff, v3;
	(pc) =	sbr.rel @p0 .LBB1_3-.Ltmp3, $4  }
0x49: {  	v2 =	vld.idx.msk [tilespmem:v1+s18+$0xFFFFFFC0 ss:$0x1], $0xffff;
	[tilespmem:v0+s19+$0x10 ss:$0x1] =	vst.idx.msk $0xffff, v5  }
0x4a: {  	v3 =	vld.idx.msk [tilespmem:v1+s18+$0xFFFFFFD0 ss:$0x1], $0xffff;
	[tilespmem:v0+s19+$0x20 ss:$0x1] =	vst.idx.msk $0xffff, v7;
	s19 =	smov.u32 s18  }
0x4b: {  	v5 =	vld.idx.msk [tilespmem:v1+s19+$0xFFFFFFE0 ss:$0x1], $0xffff;
	[tilespmem:v0+s19+$0x30 ss:$0x1] =	vst.idx.msk $0xffff, v8  }
0x4c: {  	s18 =	sshra.s32 s20, $0x2;
	s20 =	sadd.s32 $0x200, s20;
	[tilespmem:v0+s19+$0xFFFFFFC0 ss:$0x1] =	vst.idx.msk $0xffff, v9;
	v7 =	vld.idx.msk [tilespmem:v1+s19+$0xFFFFFFF0 ss:$0x1], $0xffff  }
.Ltmp4:
0x4d: {  	_ = 	snop;
	(pc) =	sbr.rel .LBB1_4-.Ltmp4, $1  }
0x4e: {  	_ =	sdelay $0x3  }
.LBB1_6:
0x4f: {  	_ =	sfence.sel $0x180000  }
0x50: {  	s2 =	simm.s32 $0x1;
	[bflag:$0x0] =	sbarrier.arrive $0xFFFF  }
0x51: {  	s31 =	simm.s32 $0x2;
	[sflag:s2] =	ssyncpa.u1 $0x1  }
0x52: {  	[sflag:s31] =	ssyncpa.u1 $0x1  }
0x53: {  	p0 =	sne.s32 s0, $0x0;
	_ =	strace $0x9000005F  }
0x54: {  	s0 =	sadd.s32 @!p0 $0x100000, s1;
	[bflag:$0x2] =	sbarrier.arrive $0xFFFF  }
0x55: {  	[sflag:s0] =	ssyncadd.tile.s32 @!p0 $0x1;
	_ =	shalt  }
.Lfunc_end1:
_tile_overlayer_lowered:
.L_overlay_start_2:
0x56: {  	(tag) =	ssettag $0x2  }
0x57: {  	s0 =	rddreg [dreg:$0x0];
	s2 =	stileid.u32  }
0x58: {  	s1 =	rddreg [dreg:$0x1];
	p0 =	sne.s32 s2, $0x0  }
0x59: {  	s3 =	rddreg [dreg:$0x2];
	[bflag:$0x3] =	sbarrier.arrive $0xFFFF;
	s2 =	simm.s32 @!p0 $0x1C01  }
0x5a: {  	[timem:s3], [sflag:s2] =	dma.local @!p0 [hbm:s0], s1  }
0x5b: {  	s0 =	simm.s32 @!p0 $0x1  }
0x5c: {  	_ =	swait.ge @!p0 [sflag:s0], s1  }
0x5d: {  	s1 =	ssub.s32 @!p0 $0x0, s1;
	[sflag:s0] =	ssyncset.done @!p0 $0x0  }
0x5e: {  	[sflag:s0] =	ssyncadd.s32 @!p0 s1  }
0x5f: {  	[bflag:$0x3] =	sbarrier.arrive $0xFFFF  }
0x60: {  	_ =	shalt  }

// kernel: sparse-core-data-format-call.cloned.1.call-start
scs
called_computation_lowered:
.L_overlay_start_0:
0x0: {  	s2 =	sld [smem:$0x3FD9]  }
0x1: {  	s3 =	sld [smem:$0x3FFE];
	_ =	sdelay $0x1  }
0x2: {  	s1 =	srdreg.scid  }
0x3: {  	s0 =	sand.u32 $0x1, s1  }
0x4: {  	s16 =	sshll.u32 s0, $0xA;
	s2 =	sadd.s32 s3, s2  }
0x5: {  	s2 =	sadd.s32 s2, s16  }
0x6: {  	[smem:$0x3FC2] =	sst s2  }
0x7: {  	_ = 	snop  }
0x8: {  	s2 =	sld [smem:$0x3FD0];
	_ =	sdelay $0x2  }
0x9: {  	s17 =	simm.s32 $0xE;
	s4 =	simm.s32 $0x10  }
0xa: {  	[smem:s4], [sflag:s17] =	dma.local [hbm:s2], $0x1  }
0xb: {  	_ =	swait.eq [sflag:s17], $0x1  }
0xc: {  	[sflag:s17] =	ssyncset.done $0x0  }
0xd: {  	[sflag:s17] =	ssyncadd.s32 $0xFFFFFFFF  }
0xe: {  	s18 =	sld [smem:$0x13];
	(tm) =	ssettm $0x1  }
0xf: {  	s19 =	sld [smem:$0x3FFB];
	_ =	sdelay $0x3  }
0x10: {  	_ =	strace s19  }
0x11: {  	s2 =	sld [smem:$0x3FFC];
	_ =	sdelay $0x3  }
0x12: {  	_ =	strace s2  }
0x13: {  	s2 =	sld [smem:$0x3FFD];
	_ =	sdelay $0x3  }
0x14: {  	_ =	strace s2  }
0x15: {  	_ =	strace $0x8FFFFFFF  }
0x16: {  	s20 =	sld [smem:$0x3FDB];
	_ =	sdelay $0x1  }
0x17: {  	s21 =	simm.s32 $_scs_section_size  }
0x18: {  	s5 =	simm.s32 $_size__tile_overlayer_lowered;
	s6 =	simm.s32 $_tile_overlayer_lowered  }
0x19: {  	s7 =	simm.s32 $0x1BFF;
	s22 =	sshll.u32 s6, $0x1;
	s4 =	sadd.s32 s21, s20  }
0x1a: {  	s23 =	simm.s32 $0x0;
	s5 =	sshll.u32 s5, $0x1;
	s6 =	sadd.s32 s22, s4  }
0x1b: {  	[timem:s23], [sflag:s7] =	dma.local [hbm:s6], s5  }
0x1c: {  	_ =	swait.ge [sflag:s7], s5  }
0x1d: {  	s5 =	ssub.s32 $0x0, s5;
	[sflag:s7] =	ssyncset.done $0x0  }
0x1e: {  	[sflag:s7] =	ssyncadd.s32 s5;
	_ =	sdelay $0x1  }
0x1f: {  	s24 =	simm.s32 $0x1B8B  }
0x20: {  	_ =	swait.ge [sflag:s24], $0x1  }
0x21: {  	[sflag:s24] =	ssyncset.done $0x0  }
0x22: {  	[sflag:s24] =	ssyncadd.s32 $0xFFFFFFFF  }
0x23: {  	s5 =	sld [smem:$0x0]  }
0x24: {  	s6 =	sand.u32 $0xFFFFFFFE, s1  }
0x25: {  	p0 =	sne.s32 s1, s6  }
0x26: {  	s6 =	sshll.u32 @p0 s6, $0xE  }
0x27: {  	s6 =	sadd.s32 @p0 $0x11B8D, s6;
	s7 =	sshll.u32 @p0 s5, $0x11  }
0x28: {  	s6 =	sor.u32 @p0 s7, s6  }
0x29: {  	[sflag:s6] =	ssyncadd.remote.s32 @p0 $0x1;
	_ =	sdelay $0x1  }
0x2a: {  	s6 =	simm.s32 @p0 $0x1B8D  }
0x2b: {  	_ =	swait.eq @p0 [sflag:s6], $0x1  }
0x2c: {  	[sflag:s6] =	ssyncadd.s32 @p0 $0xFFFFFFFF  }
0x2d: {  	s7 =	sshll.u32 @!p0 s1, $0xE  }
0x2e: {  	s7 =	sor.u32 @!p0 $0x4000, s7;
	s6 =	simm.s32 @!p0 $0x1B8D  }
0x2f: {  	s5 =	sshll.u32 @!p0 s5, $0x11;
	s7 =	sadd.s32 @!p0 $0x11B8D, s7;
	_ =	swait.eq @!p0 [sflag:s6], $0x1  }
0x30: {  	s5 =	sor.u32 @!p0 s5, s7;
	[sflag:s6] =	ssyncadd.s32 @!p0 $0xFFFFFFFF  }
0x31: {  	s26 =	simm.s32 $0x1B8E;
	s25 =	sld [smem:$0x3FFE];
	[sflag:s5] =	ssyncadd.remote.s32 @!p0 $0x1  }
0x32: {  	s27 =	simm.s32 $execute0_lowered;
	[smem:$0x3FD2] =	sst s26  }
0x33: {  	s6 =	sshll.u32 s27, $0x1;
	_ =	strace $0x8000005B;
	[dreg:$0x1] =	wrdreg $0xFFFFFFFF  }
0x34: {  	s28 =	simm.s32 $_size_execute0_lowered;
	s4 =	sadd.s32 s4, s6;
	[dreg:$0x0] =	wrdreg $0x0  }
0x35: {  	s6 =	sshll.u32 s28, $0x1;
	[dreg:$0x2] =	wrdreg s4  }
0x36: {  	[dreg:$0x3] =	wrdreg s6  }
0x37: {  	[dreg:$0x4] =	wrdreg $0xC0  }
0x38: {  	_ =	task [dreg:s23], $0x5FFFF  }
0x39: {  	[dreg:$0x1] =	wrdreg $0xFFFFFFFF  }
0x3a: {  	[dreg:$0x0] =	wrdreg $0x60  }
0x3b: {  	[dreg:$0x2] =	wrdreg s25  }
0x3c: {  	[dreg:$0x3] =	wrdreg s18  }
0x3d: {  	[dreg:$0x4] =	wrdreg $0xD  }
0x3e: {  	_ =	task.clear_ibuf [dreg:s23], $0x5FFFF;
	_ =	strace $0x9000005B  }
0x3f: {  	s29 =	simm.s32 $0xD;
	_ =	strace $0x8000005D  }
0x40: {  	_ =	swait.ge [sflag:s29], $0x1  }
0x41: {  	[sflag:s29] =	ssyncadd.s32 $0xFFFFFFFF  }
0x42: {  	_ =	strace $0x9000005D  }
0x43: {  	_ =	sfence  }
0x44: {  	s30 =	sld [smem:$0x0];
	_ =	sdelay $0x2  }
0x45: {  	s31 =	sshll.u32 s1, $0xD;
	s1 =	sshrl.u32 s1, $0x2  }
0x46: {  	s4 =	sand.u32 $0x4000, s31;
	s1 =	sadd.s32 s1, s30  }
0x47: {  	s0 =	sor.u32 s4, s0;
	s1 =	sshll.u32 s1, $0x11  }
0x48: {  	s0 =	sor.u32 s1, s0  }
0x49: {  	s0 =	sadd.s32 $0x8F2B, s0  }
0x4a: {  	[sflag:s0] =	ssyncadd.remote.s32 $0x1  }
0x4b: {  	_ =	sfence.sel $0xFFFF  }
0x4c: {  	[dreg:$0x0] =	wrdreg $0xFFFFFFFF;
	(pc) =	sbr.abs _section_cstart, $3  }
0x4d: {  	[dreg:$0x1] =	wrdreg $0xFFFFFFFF  }
0x4e: {  	_ =	task.clear_ibuf [dreg:s23], $0x2FFFF;
	_ =	strace $0x9FFFFFFF  }
0x4f: {  	(tm) =	ssettm $0x7FFFFFFF  }
tec
execute0_lowered:
.L_overlay_start_1:
0x0: {  	(tag) =	ssettag $0x1  }
0x1: {  	s0 =	srdreg.scid  }
0x2: {  	s1 =	sshll.u32 s0, $0x4  }
0x3: {  	s6 =	rddreg [dreg:$0x0];
	s0 =	stileid.u32;
	s1 =	sand.u32 $0x10, s1  }
0x4: {  	s3 =	rddreg [dreg:$0x1];
	s1 =	sor.u32 s0, s1  }
0x5: {  	s5 =	simm.s32 $0x1;
	s31 =	simm.s32 $0x2;
	s2 =	sshll.u32 s1, $0x7  }
0x6: {  	s14 =	simm.s32 $0x0;
	s8 =	simm.s32 $0x2000;
	s4 =	ssub.s32 $0x1000, s2  }
0x7: {  	s9 =	simm.s32 $0x0;
	s15 =	simm.s32 $0x0;
	s30 =	sand.u32 $0xF80, s4  }
0x8: {  	s16 =	simm.s32 $0x0;
	s10 =	simm.s32 $0x0;
	p0 =	sne.s32 s30, $0x0  }
.Ltmp0:
0x9: {  	s7 =	sshrl.u32 s4, $0xC;
	s5 =	simm.s32 @!p0 $0x0;
	(pc) =	sbr.rel .LBB1_1-.Ltmp0, $4  }
0xa: {  	s11 =	simm.s32 $0x0;
	s1 =	rddreg [dreg:$0x2];
	s5 =	sadd.s32 s5, s7  }
0xb: {  	_ =	strace $0x8000005C;
	s4 =	simm.s32 $0x1;
	s5 =	smul.u32 $0x30, s5  }
0xc: {  	s13 =	simm.s32 $0x0;
	s6 =	sadd.s32 $0xCC5600, s6;
	[sflag:s4] =	ssyncpa.u1 $0x0  }
0xd: {  	s12 =	smov.u32 s2;
	[sflag:s31] =	ssyncpa.u1 $0x0;
	s7 =	sor.u32 $0x1, s5  }
.LBB1_4:
0xe: {  	_ =	sdelay $0x3  }
0xf: {  	[tilespmem:v0+s19+$0xFFFFFFD0 ss:$0x1] =	vst.idx.msk $0xffff, v6  }
0x10: {  	v56 =	vld.idx.msk [tilespmem:v1+s18+$0x0 ss:$0x1], $0xffff;
	[tilespmem:v0+s19+$0xFFFFFFE0 ss:$0x1] =	vst.idx.msk $0xffff, v4  }
0x11: {  	v57 =	vld.idx.msk [tilespmem:v1+s18+$0xFFFFFF90 ss:$0x1], $0xffff;
	[tilespmem:v0+s19+$0xFFFFFFF0 ss:$0x1] =	vst.idx.msk $0xffff, v2  }
0x12: {  	v58 =	vld.idx.msk [tilespmem:v1+s18+$0xFFFFFFA0 ss:$0x1], $0xffff;
	[tilespmem:v0+s19+$0x0 ss:$0x1] =	vst.idx.msk $0xffff, v3  }
0x13: {  	v59 =	vld.idx.msk [tilespmem:v1+s18+$0xFFFFFFB0 ss:$0x1], $0xffff;
	[tilespmem:v0+s19+$0x10 ss:$0x1] =	vst.idx.msk $0xffff, v5  }
0x14: {  	v60 =	vld.idx.msk [tilespmem:v1+s18+$0xFFFFFFC0 ss:$0x1], $0xffff;
	[tilespmem:v0+s19+$0x20 ss:$0x1] =	vst.idx.msk $0xffff, v7  }
0x15: {  	v61 =	vld.idx.msk [tilespmem:v1+s18+$0xFFFFFFD0 ss:$0x1], $0xffff;
	[tilespmem:v0+s18+$0x30 ss:$0x1] =	vst.idx.msk $0xffff, v56  }
0x16: {  	v62 =	vld.idx.msk [tilespmem:v1+s18+$0xFFFFFFE0 ss:$0x1], $0xffff;
	[tilespmem:v0+s18+$0xFFFFFFC0 ss:$0x1] =	vst.idx.msk $0xffff, v57  }
0x17: {  	v63 =	vld.idx.msk [tilespmem:v1+s18+$0xFFFFFFF0 ss:$0x1], $0xffff;
	s16 =	sshll.u32 s16, $0x7;
	[tilespmem:v0+s18+$0xFFFFFFD0 ss:$0x1] =	vst.idx.msk $0xffff, v58  }
0x18: {  	s30 =	sand.u32 $0x78, s14;
	s15 =	sshll.u32 s15, $0x13;
	s20 =	sand.u32 $0x380, s16;
	[tilespmem:v0+s18+$0xFFFFFFE0 ss:$0x1] =	vst.idx.msk $0xffff, v59  }
0x19: {  	s31 =	sand.u32 $0x7, s14;
	s16 =	sand.u32 $0x7FC00, s16;
	s19 =	sor.u32 s20, s30;
	[tilespmem:v0+s18+$0xFFFFFFF0 ss:$0x1] =	vst.idx.msk $0xffff, v60  }
0x1a: {  	s15 =	sadd.s32 s3, s15;
	s16 =	sadd.s32 s14, s16;
	s19 =	sshrl.u32 s19, $0x3;
	[tilespmem:v0+s18+$0x0 ss:$0x1] =	vst.idx.msk $0xffff, v61  }
0x1b: {  	s14 =	sshll.u32 s31, $0x12;
	s16 =	sand.u32 $0x7FF80, s16;
	s15 =	sadd.s32 s19, s15;
	[tilespmem:v0+s18+$0x10 ss:$0x1] =	vst.idx.msk $0xffff, v62  }
0x1c: {  	s14 =	sor.u32 $0x400, s14;
	[tilespmem:v0+s18+$0x20 ss:$0x1] =	vst.idx.msk $0xffff, v63;
	s15 =	sadd.s32 s16, s15  }
0x1d: {  	[hbm4b:s15+s14] =	stream.strided.scatter [tilespmem:s17], [sflag:$0x2], $0x4000, s8, s14, $0x38;
	[tilespmem:$0x10000] =	vst v63  }
.LBB1_5:
0x1e: {  	s17 =	sadd.s32 $0x80, s10  }
0x1f: {  	s14 =	simm.s32 $0x1;
	p1 =	sgt.s32 s17, $0x3FE  }
0x20: {  	s14 =	simm.s32 @!p1 $0x0  }
0x21: {  	s18 =	sadd.s32 s14, s11  }
0x22: {  	s20 =	smov.u32 s12;
	s14 =	sadd.s32 $0x1000, s12;
	p2 =	sgt.s32 s18, $0x5  }
0x23: {  	s20 =	smov.u32 @p2 s14  }
0x24: {  	p0 =	slt.u32 s13, $0x2;
	s17 =	simm.s32 @p1 $0x0;
	p1 =	sgt.s32 s20, $0xFFF  }
0x25: {  	s19 =	simm.s32 @!p0 $0x2;
	s20 =	smov.u32 @p1 s2;
	p1 =	sne.s32 s13, s7  }
.Ltmp1:
0x26: {  	_ =	swait.ge @!p0 [sflag:s19], $0x4000;
	(pc) =	sbr.rel @!p1 .LBB1_6-.Ltmp1, $4  }
0x27: {  	s15 =	smov.u32 s11;
	[sflag:s19] =	ssyncset.done @!p0 $0x0  }
0x28: {  	s16 =	smov.u32 s12;
	s9 =	sadd.s32 $0x4000, s9;
	[sflag:s19] =	ssyncadd.s32 @!p0 $0xFFFFC000  }
0x29: {  	s18 =	simm.s32 @p2 $0x0;
	s14 =	smov.u32 s10;
	s10 =	smov.u32 s17  }
0x2a: {  	s11 =	smov.u32 s18;
	s13 =	sadd.s32 $0x1, s13;
	s12 =	smov.u32 s20  }
.LBB1_1:
0x2b: {  	p0 =	sge.u32 s13, s5  }
0x2c: {  	s31 =	sadd.s32 $0xFFFFFFFF, s13;
	s17 =	sxor.u32 @!p0 $0xFFFFFFFF, s13;
	s18 =	sshll.u32 @!p0 s11, $0x7  }
0x2d: {  	s19 =	sand.u32 @!p0 $0x78, s10;
	s20 =	sshll.u32 @!p0 s12, $0xA;
	s18 =	sand.u32 @!p0 $0x380, s18  }
0x2e: {  	s20 =	sadd.s32 @!p0 s6, s20;
	s18 =	sor.u32 @!p0 s19, s18;
	s19 =	sand.u32 @!p0 $0x380, s10  }
0x2f: {  	s17 =	sshll.u32 @!p0 s17, $0xE;
	s19 =	sadd.s32 @!p0 s19, s20;
	s20 =	sand.u32 @!p0 $0x7, s10  }
0x30: {  	s17 =	sand.u32 @!p0 $0x4000, s17;
	s18 =	sshrl.u32 @!p0 s18, $0x3;
	s20 =	sshll.u32 @!p0 s20, $0x12  }
0x31: {  	s18 =	sadd.s32 @!p0 s18, s19;
	s19 =	sor.u32 @!p0 $0x80, s20;
	s20 =	simm.s32 @!p0 $0x2000  }
0x32: {  	[tilespmem:s17], [sflag:$0x1] =	stream.strided.gather @!p0 [hbm4b:s18+s19], $0x4000, s20, s19, $0x38;
	[tilespmem:$0x10000] =	vst v63  }
0x33: {  	p0 =	sge.u32 s31, s5  }
.Ltmp2:
0x34: {  	_ = 	snop;
	(pc) =	sbr.rel @p0 .LBB1_5-.Ltmp2, $1  }
0x35: {  	_ =	sdelay $0x3  }
0x36: {  	s17 =	sand.u32 $0x4000, s9  }
0x37: {  	s18 =	sor.u32 $0x70, s17  }
0x38: {  	v1 =	vmov s18;
	_ =	sdelay $0x1  }
0x39: {  	_ =	swait.ge [sflag:s4], $0x4000  }
0x3a: {  	[sflag:s4] =	ssyncset.done $0x0  }
0x3b: {  	s19 =	simm.s32 $0x0;
	[sflag:s4] =	ssyncadd.s32 $0xFFFFC000  }
0x3c: {  	s17 =	sor.u32 $0x8040, s17;
	v7 =	vld.idx.msk [tilespmem:v1+s19+$0x0 ss:$0x1], $0xffff  }
0x3d: {  	v0 =	vmov s17;
	v8 =	vld.idx.msk [tilespmem:v1+s19+$0xFFFFFF90 ss:$0x1], $0xffff  }
0x3e: {  	v6 =	vld.idx.msk [tilespmem:v1+s19+$0xFFFFFFA0 ss:$0x1], $0xffff  }
0x3f: {  	v4 =	vld.idx.msk [tilespmem:v1+s19+$0xFFFFFFB0 ss:$0x1], $0xffff  }
0x40: {  	v2 =	vld.idx.msk [tilespmem:v1+s19+$0xFFFFFFC0 ss:$0x1], $0xffff  }
0x41: {  	s31 =	sshll.u32 s13, $0xE;
	v3 =	vld.idx.msk [tilespmem:v1+s19+$0xFFFFFFD0 ss:$0x1], $0xffff  }
0x42: {  	s17 =	sand.u32 $0x4000, s31;
	v5 =	vld.idx.msk [tilespmem:v1+s19+$0xFFFFFFE0 ss:$0x1], $0xffff;
	[tilespmem:v0+s19+$0x30 ss:$0x1] =	vst.idx.msk $0xffff, v7  }
0x43: {  	s20 =	simm.s32 $0x400;
	s18 =	simm.s32 $0x80;
	s17 =	sor.u32 $0x8000, s17;
	[tilespmem:v0+s19+$0xFFFFFFC0 ss:$0x1] =	vst.idx.msk $0xffff, v8;
	v7 =	vld.idx.msk [tilespmem:v1+s19+$0xFFFFFFF0 ss:$0x1], $0xffff  }
.LBB1_3:
0x44: {  	p0 =	sne.s32 s20, $0xFE00;
	v8 =	vld.idx.msk [tilespmem:v1+s18+$0x0 ss:$0x1], $0xffff;
	[tilespmem:v0+s19+$0xFFFFFFD0 ss:$0x1] =	vst.idx.msk $0xffff, v6  }
0x45: {  	v9 =	vld.idx.msk [tilespmem:v1+s18+$0xFFFFFF90 ss:$0x1], $0xffff;
	[tilespmem:v0+s19+$0xFFFFFFE0 ss:$0x1] =	vst.idx.msk $0xffff, v4  }
0x46: {  	v6 =	vld.idx.msk [tilespmem:v1+s18+$0xFFFFFFA0 ss:$0x1], $0xffff;
	[tilespmem:v0+s19+$0xFFFFFFF0 ss:$0x1] =	vst.idx.msk $0xffff, v2  }
.Ltmp3:
0x47: {  	v4 =	vld.idx.msk [tilespmem:v1+s18+$0xFFFFFFB0 ss:$0x1], $0xffff;
	[tilespmem:v0+s19+$0x0 ss:$0x1] =	vst.idx.msk $0xffff, v3;
	(pc) =	sbr.rel @p0 .LBB1_3-.Ltmp3, $4  }
0x48: {  	v2 =	vld.idx.msk [tilespmem:v1+s18+$0xFFFFFFC0 ss:$0x1], $0xffff;
	[tilespmem:v0+s19+$0x10 ss:$0x1] =	vst.idx.msk $0xffff, v5  }
0x49: {  	v3 =	vld.idx.msk [tilespmem:v1+s18+$0xFFFFFFD0 ss:$0x1], $0xffff;
	[tilespmem:v0+s19+$0x20 ss:$0x1] =	vst.idx.msk $0xffff, v7;
	s19 =	smov.u32 s18  }
0x4a: {  	v5 =	vld.idx.msk [tilespmem:v1+s19+$0xFFFFFFE0 ss:$0x1], $0xffff;
	[tilespmem:v0+s19+$0x30 ss:$0x1] =	vst.idx.msk $0xffff, v8  }
0x4b: {  	s18 =	sshra.s32 s20, $0x2;
	s20 =	sadd.s32 $0x200, s20;
	[tilespmem:v0+s19+$0xFFFFFFC0 ss:$0x1] =	vst.idx.msk $0xffff, v9;
	v7 =	vld.idx.msk [tilespmem:v1+s19+$0xFFFFFFF0 ss:$0x1], $0xffff  }
.Ltmp4:
0x4c: {  	_ = 	snop;
	(pc) =	sbr.rel .LBB1_4-.Ltmp4, $1  }
0x4d: {  	_ =	sdelay $0x3  }
.LBB1_6:
0x4e: {  	_ =	sfence.sel $0x180000  }
0x4f: {  	s2 =	simm.s32 $0x1;
	[bflag:$0x0] =	sbarrier.arrive $0xFFFF  }
0x50: {  	s31 =	simm.s32 $0x2;
	[sflag:s2] =	ssyncpa.u1 $0x1  }
0x51: {  	[sflag:s31] =	ssyncpa.u1 $0x1  }
0x52: {  	p0 =	sne.s32 s0, $0x0;
	_ =	strace $0x9000005C  }
0x53: {  	s0 =	sadd.s32 @!p0 $0x100000, s1;
	[bflag:$0x2] =	sbarrier.arrive $0xFFFF  }
0x54: {  	[sflag:s0] =	ssyncadd.tile.s32 @!p0 $0x1;
	_ =	shalt  }
.Lfunc_end1:
_tile_overlayer_lowered:
.L_overlay_start_2:
0x55: {  	(tag) =	ssettag $0x2  }
0x56: {  	s0 =	rddreg [dreg:$0x0];
	s2 =	stileid.u32  }
0x57: {  	s1 =	rddreg [dreg:$0x1];
	p0 =	sne.s32 s2, $0x0  }
0x58: {  	s3 =	rddreg [dreg:$0x2];
	[bflag:$0x3] =	sbarrier.arrive $0xFFFF;
	s2 =	simm.s32 @!p0 $0x1C01  }
0x59: {  	[timem:s3], [sflag:s2] =	dma.local @!p0 [hbm:s0], s1  }
0x5a: {  	s0 =	simm.s32 @!p0 $0x1  }
0x5b: {  	_ =	swait.ge @!p0 [sflag:s0], s1  }
0x5c: {  	s1 =	ssub.s32 @!p0 $0x0, s1;
	[sflag:s0] =	ssyncset.done @!p0 $0x0  }
0x5d: {  	[sflag:s0] =	ssyncadd.s32 @!p0 s1  }
0x5e: {  	[bflag:$0x3] =	sbarrier.arrive $0xFFFF  }
0x5f: {  	_ =	shalt  }

</sc_bundles>
